<compile_context>
chip_gen: v7x
topology: tpu7x:2x2x1
jax: 0.10.2.dev20260603
libtpu: 0.0.44.dev20260713+nightly
codegen_flags: <defaults>
</compile_context>

<pallas_src>
import functools

import jax
import jax.numpy as jnp
from jax import lax
from jax.experimental import pallas as pl
from jax.experimental.pallas import tpu as pltpu
from jax.experimental.pallas import tpu_sc as plsc

_B = 1024
_R = 50
_D = 10
_DP = 16
_NPAD = 1024
_LANES = 16


def _tc_body(x_ref, w_ref, b_ref, cpm_ref, huff_ref, tct_ref,
             y_ref, enc_ref, tc2_ref):
    n_nodes = w_ref.shape[0]
    depth, ncls = cpm_ref.shape
    z = lax.dot_general(x_ref[...], w_ref[...], (((1,), (1,)), ((), ())),
                        preferred_element_type=jnp.float32)
    zb = z + b_ref[...]
    y_ref[:, :n_nodes] = 0.5 * jnp.tanh(0.5 * zb) + 0.5
    enc_ref[:depth, :ncls] = cpm_ref[...] + _NPAD * huff_ref[...]
    tc2_ref[...] = lax.transpose(tct_ref[...], (1, 0))


def _tc_stage(x, w2, b_row, cpm_t, huff_t, tc_t):
    return pl.pallas_call(
        _tc_body,
        out_shape=(
            jax.ShapeDtypeStruct((_B, _NPAD), jnp.float32),
            jax.ShapeDtypeStruct((_DP, _NPAD), jnp.int32),
            jax.ShapeDtypeStruct((_B, _R), jnp.int32),
        ),
    )(x, w2, b_row, cpm_t, huff_t, tc_t)


def _make_sc_gather(n_cores, n_subcores):
    n_workers = n_cores * n_subcores
    rows_per_w = _B // n_workers
    half = rows_per_w // 2
    mesh = plsc.VectorSubcoreMesh(core_axis_name="c", subcore_axis_name="s")

    @functools.partial(
        pl.kernel,
        mesh=mesh,
        out_type=jax.ShapeDtypeStruct((_B, _R), jnp.float32),
        compiler_params=pltpu.CompilerParams(needs_layout_passes=False),
        scratch_types=[
            pltpu.VMEM((rows_per_w, _NPAD), jnp.float32),
            pltpu.VMEM((_DP, _NPAD), jnp.int32),
            pltpu.VMEM((rows_per_w, _R), jnp.int32),
            pltpu.VMEM((rows_per_w, _R), jnp.float32),
            pltpu.SemaphoreType.DMA,
            pltpu.SemaphoreType.DMA,
            pltpu.SemaphoreType.DMA,
        ],
    )
    def sc_gather(y_hbm, enc_hbm, tc_hbm, out_hbm,
                  y_v, enc_v, tc_v, out_v, s_tab, s_y0, s_y1):
        wid = lax.axis_index("s") * n_cores + lax.axis_index("c")
        row0 = wid * rows_per_w
        c_y0 = pltpu.async_copy(y_hbm.at[pl.ds(row0, half)],
                                y_v.at[pl.ds(0, half)], s_y0)
        c_y1 = pltpu.async_copy(y_hbm.at[pl.ds(row0 + half, half)],
                                y_v.at[pl.ds(half, half)], s_y1)
        c_enc = pltpu.async_copy(enc_hbm, enc_v, s_tab)
        c_tc = pltpu.async_copy(tc_hbm.at[pl.ds(row0, rows_per_w)], tc_v,
                                s_tab)

        offs = tuple(range(0, _R - _LANES, _LANES)) + (_R - _LANES,)
        lane_iota = lax.iota(jnp.int32, _LANES)

        def row_work(row):
            rowv = jnp.broadcast_to(row, (_LANES,))
            for off in offs:
                col = lane_iota + off
                tc16 = plsc.load_gather(tc_v, [rowv, col])
                prod = None
                for t in range(_D):
                    tsplat = jnp.full((_LANES,), t, jnp.int32)
                    e = plsc.load_gather(enc_v, [tsplat, tc16])
                    node = jnp.bitwise_and(e, _NPAD - 1)
                    c = jnp.right_shift(e, 10).astype(jnp.float32)
                    yv = plsc.load_gather(y_v, [rowv, node])
                    f = c + yv - 2.0 * c * yv
                    prod = f if prod is None else prod * f
                plsc.store_scatter(out_v, [rowv, col], prod)

        c_enc.wait()
        c_tc.wait()
        c_y0.wait()

        @plsc.parallel_loop(0, half, 1, unroll=4)
        def row_body0(row):
            row_work(row)

        c_y1.wait()

        @plsc.parallel_loop(half, rows_per_w, 1, unroll=4)
        def row_body1(row):
            row_work(row)

        pltpu.sync_copy(out_v, out_hbm.at[pl.ds(row0, rows_per_w)])

    return sc_gather


def kernel(input_vector, target_classes, W, b, class_path_map, huffman_codes):
    n_nodes = W.shape[0]
    w2 = W[:, :, 0]
    b_row = b.reshape(1, n_nodes)

    y_all, enc_t, tc2 = _tc_stage(input_vector, w2, b_row,
                                  class_path_map.astype(jnp.int32).T,
                                  huffman_codes.astype(jnp.int32).T,
                                  target_classes.astype(jnp.int32).T)

    info = plsc.get_sparse_core_info()
    out = _make_sc_gather(info.num_cores, info.num_subcores)(
        y_all, enc_t, tc2)
    return out

# --- scband reference (transcript-rebuilt; emitter-appended) ---
"""Pipeline reference for scband-huffmax-83906481094778 (READ-ONLY COPY).

The authoritative reference and input builder live on the scoring server;
editing this copy changes nothing except your own understanding.
"""

import jax, jax.numpy as jnp
import numpy as np


def _build_huffman(nb_classes):
    class Node(object):
        pass
    leaves = []
    for i in range(nb_classes):
        n = Node(); n.code = [i]; n.frequency = 1
        leaves.append(n)
    un = leaves[:]
    freqs = [n.frequency for n in un]
    nodes = []
    while len(un) > 1:
        i = int(np.argmin(freqs)); left = un.pop(i); freqs.pop(i)
        i = int(np.argmin(freqs)); right = un.pop(i); freqs.pop(i)
        p = Node(); p.left = left; p.right = right
        p.code = left.code + right.code
        p.frequency = left.frequency + right.frequency
        nodes.append(p); un.append(p); freqs.append(p.frequency)
    root = un[0]
    node_index = {id(nodes[i]): i for i in range(len(nodes))}
    paths = []; codes = []
    for li in range(nb_classes):
        leaf = leaves[li]
        cur = root; path = []; code = []
        while cur is not leaf:
            path.append(cur)
            if li in cur.left.code:
                code.append(0); cur = cur.left
            else:
                code.append(1); cur = cur.right
        paths.append(path); codes.append(code)
    D = max(len(c) for c in codes)
    class_path_map = np.array([[node_index[id(n)] for n in p] + [node_index[id(root)]] * (D - len(p)) for p in paths], dtype=np.int32)
    huff = np.array([c + [0] * (D - len(c)) for c in codes], dtype=np.int32)
    return class_path_map, huff, len(nodes)


def setup_inputs(seed: int = 0) -> dict:
    key = jax.random.key(seed)
    nb_classes = 1000; d = 128; B = 1024; R = 50
    cpm, huff, n_nodes = _build_huffman(nb_classes)
    k1, k2, k3 = jax.random.split(key, 3)
    input_vector = jax.random.normal(k1, (B, d), dtype=jnp.float32)
    target_classes = jax.random.randint(k2, (B, R), 0, nb_classes, dtype=jnp.int32)
    limit = np.sqrt(6.0 / (d + 1.0))
    W = jax.random.uniform(k3, (n_nodes, d, 1), dtype=jnp.float32, minval=-limit, maxval=limit)
    b = jnp.zeros((n_nodes, 1), dtype=jnp.float32)
    return {
        'input_vector': input_vector,
        'target_classes': target_classes,
        'W': W,
        'b': b,
        'class_path_map': jnp.asarray(cpm),
        'huffman_codes': jnp.asarray(huff),
    }


def reference(input_vector, target_classes, W, b, class_path_map, huffman_codes):
    tc = target_classes.astype(jnp.int32)
    # gather path node indices for each requested class: (B, R, depth)
    req_nodes = jnp.take(class_path_map, tc, axis=0)
    # gather per-node weight vectors: (B, R, depth, d)
    req_W = jnp.take(W, req_nodes, axis=0)[..., 0]
    # batch_dot(input_vector, req_W, axes=(1, 3)) -> (B, R, depth)
    y = jnp.einsum('bd,brtd->brt', input_vector, req_W)
    req_b = jnp.take(b, req_nodes, axis=0)[..., 0]
    y = jax.nn.sigmoid(y + req_b)
    c = jnp.take(huffman_codes, tc, axis=0).astype(jnp.float32)
    # prob at each branch: y if code==0 else (1 - y); product along path
    return jnp.prod(c + y - 2.0 * c * y, axis=-1)

if __name__ == "__main__":
    import jax
    _d = setup_inputs()
    print(jax.jit(kernel)(*tuple(_d.values())))

</pallas_src>

<mosaic_0001>
#map = affine_map<(d0, d1) -> (0, 0)>
module attributes {stable_mosaic.version = 14 : i64} {
  func.func @sc_gather(%arg0: i32, %arg1: i32, %arg2: memref<1024x1024xf32, #tpu.memory_space<hbm>>, %arg3: memref<16x1024xi32, #tpu.memory_space<hbm>>, %arg4: memref<1024x50xi32, #tpu.memory_space<hbm>>, %arg5: memref<1024x50xf32, #tpu.memory_space<hbm>>, %arg6: memref<32x1024xf32, #tpu.memory_space<vmem>>, %arg7: memref<16x1024xi32, #tpu.memory_space<vmem>>, %arg8: memref<32x50xi32, #tpu.memory_space<vmem>>, %arg9: memref<32x50xf32, #tpu.memory_space<vmem>>, %arg10: memref<!tpu.dma_semaphore, #tpu.memory_space<semaphore_mem>>, %arg11: memref<!tpu.dma_semaphore, #tpu.memory_space<semaphore_mem>>, %arg12: memref<!tpu.dma_semaphore, #tpu.memory_space<semaphore_mem>>) attributes {dimension_semantics = [#tpu.dimension_semantics<core_parallel>, #tpu.dimension_semantics<subcore_parallel>], iteration_bounds = array<i64: 2, 16>, scalar_prefetch = 0 : i64, scratch_operands = 7 : i64, tpu.core_type = #tpu.core_type<sc_vector_subcore>, window_params = [{transform_indices = #map}, {transform_indices = #map}, {transform_indices = #map}, {transform_indices = #map}]} {
    %mul3A = arith.constant 2 : i32
    %mul3A_0 = arith.muli %arg1, %mul3A : i32
    %add3A = arith.addi %mul3A_0, %arg0 : i32
    %mul3A_1 = arith.constant 32 : i32
    %mul3A_2 = arith.muli %add3A, %mul3A_1 : i32
    %dma_start3A = arith.constant 0 : i32
    %dma_start3A_3 = arith.constant 0 : i32
    %dma_start3A_4 = tpu.memref_slice %arg6[%dma_start3A, %dma_start3A_3] : memref<32x1024xf32, #tpu.memory_space<vmem>> -> memref<16x1024xf32, #tpu.memory_space<vmem>>
    %dma_start3A_5 = arith.constant 0 : i32
    %dma_start3A_6 = tpu.memref_slice %arg2[%mul3A_2, %dma_start3A_5] : memref<1024x1024xf32, #tpu.memory_space<hbm>> -> memref<16x1024xf32, #tpu.memory_space<hbm>>
    %dma_start3A_7 = arith.constant 0 : i32
    %dma_start3A_8 = arith.constant 0 : i32
    %dma_start3A_9 = tpu.memref_slice %arg6[%dma_start3A_7, %dma_start3A_8] : memref<32x1024xf32, #tpu.memory_space<vmem>> -> memref<16x1024xf32, #tpu.memory_space<vmem>>
    %dma_start3A_10 = arith.constant 0 : i32
    %dma_start3A_11 = tpu.memref_slice %arg2[%mul3A_2, %dma_start3A_10] : memref<1024x1024xf32, #tpu.memory_space<hbm>> -> memref<16x1024xf32, #tpu.memory_space<hbm>>
    tpu.enqueue_dma source(%dma_start3A_11 : memref<16x1024xf32, #tpu.memory_space<hbm>>) target(%dma_start3A_9 : memref<16x1024xf32, #tpu.memory_space<vmem>>) target_semaphore(%arg11 : memref<!tpu.dma_semaphore, #tpu.memory_space<semaphore_mem>>)
    %add3A_12 = arith.constant 16 : i32
    %add3A_13 = arith.addi %mul3A_2, %add3A_12 : i32
    %dma_start3A_14 = arith.constant 16 : i32
    %dma_start3A_15 = arith.constant 0 : i32
    %dma_start3A_16 = tpu.memref_slice %arg6[%dma_start3A_14, %dma_start3A_15] : memref<32x1024xf32, #tpu.memory_space<vmem>> -> memref<16x1024xf32, #tpu.memory_space<vmem>>
    %dma_start3A_17 = arith.constant 0 : i32
    %dma_start3A_18 = tpu.memref_slice %arg2[%add3A_13, %dma_start3A_17] : memref<1024x1024xf32, #tpu.memory_space<hbm>> -> memref<16x1024xf32, #tpu.memory_space<hbm>>
    %dma_start3A_19 = arith.constant 16 : i32
    %dma_start3A_20 = arith.constant 0 : i32
    %dma_start3A_21 = tpu.memref_slice %arg6[%dma_start3A_19, %dma_start3A_20] : memref<32x1024xf32, #tpu.memory_space<vmem>> -> memref<16x1024xf32, #tpu.memory_space<vmem>>
    %dma_start3A_22 = arith.constant 0 : i32
    %dma_start3A_23 = tpu.memref_slice %arg2[%add3A_13, %dma_start3A_22] : memref<1024x1024xf32, #tpu.memory_space<hbm>> -> memref<16x1024xf32, #tpu.memory_space<hbm>>
    tpu.enqueue_dma source(%dma_start3A_23 : memref<16x1024xf32, #tpu.memory_space<hbm>>) target(%dma_start3A_21 : memref<16x1024xf32, #tpu.memory_space<vmem>>) target_semaphore(%arg12 : memref<!tpu.dma_semaphore, #tpu.memory_space<semaphore_mem>>)
    tpu.enqueue_dma source(%arg3 : memref<16x1024xi32, #tpu.memory_space<hbm>>) target(%arg7 : memref<16x1024xi32, #tpu.memory_space<vmem>>) target_semaphore(%arg10 : memref<!tpu.dma_semaphore, #tpu.memory_space<semaphore_mem>>)
    %dma_start3A_24 = arith.constant 0 : i32
    %dma_start3A_25 = tpu.memref_slice %arg4[%mul3A_2, %dma_start3A_24] : memref<1024x50xi32, #tpu.memory_space<hbm>> -> memref<32x50xi32, #tpu.memory_space<hbm>>
    %dma_start3A_26 = arith.constant 0 : i32
    %dma_start3A_27 = tpu.memref_slice %arg4[%mul3A_2, %dma_start3A_26] : memref<1024x50xi32, #tpu.memory_space<hbm>> -> memref<32x50xi32, #tpu.memory_space<hbm>>
    tpu.enqueue_dma source(%dma_start3A_27 : memref<32x50xi32, #tpu.memory_space<hbm>>) target(%arg8 : memref<32x50xi32, #tpu.memory_space<vmem>>) target_semaphore(%arg10 : memref<!tpu.dma_semaphore, #tpu.memory_space<semaphore_mem>>)
    %iota3A = tpu.iota {dimensions = array<i32: 0>} : vector<16xi32>
    tpu.wait_dma2 semaphore(%arg10 : memref<!tpu.dma_semaphore, #tpu.memory_space<semaphore_mem>>) src(%arg3 : memref<16x1024xi32, #tpu.memory_space<hbm>>) dst(%arg7 : memref<16x1024xi32, #tpu.memory_space<vmem>>)
    %dma_wait3A = arith.constant 0 : i32
    %dma_wait3A_28 = tpu.memref_slice %arg4[%mul3A_2, %dma_wait3A] : memref<1024x50xi32, #tpu.memory_space<hbm>> -> memref<32x50xi32, #tpu.memory_space<hbm>>
    %dma_wait3A_29 = arith.constant 0 : i32
    %dma_wait3A_30 = tpu.memref_slice %arg4[%mul3A_2, %dma_wait3A_29] : memref<1024x50xi32, #tpu.memory_space<hbm>> -> memref<32x50xi32, #tpu.memory_space<hbm>>
    tpu.wait_dma2 semaphore(%arg10 : memref<!tpu.dma_semaphore, #tpu.memory_space<semaphore_mem>>) src(%dma_wait3A_30 : memref<32x50xi32, #tpu.memory_space<hbm>>) dst(%arg8 : memref<32x50xi32, #tpu.memory_space<vmem>>)
    %dma_wait3A_31 = arith.constant 0 : i32
    %dma_wait3A_32 = arith.constant 0 : i32
    %dma_wait3A_33 = tpu.memref_slice %arg6[%dma_wait3A_31, %dma_wait3A_32] : memref<32x1024xf32, #tpu.memory_space<vmem>> -> memref<16x1024xf32, #tpu.memory_space<vmem>>
    %dma_wait3A_34 = arith.constant 0 : i32
    %dma_wait3A_35 = tpu.memref_slice %arg2[%mul3A_2, %dma_wait3A_34] : memref<1024x1024xf32, #tpu.memory_space<hbm>> -> memref<16x1024xf32, #tpu.memory_space<hbm>>
    %dma_wait3A_36 = arith.constant 0 : i32
    %dma_wait3A_37 = arith.constant 0 : i32
    %dma_wait3A_38 = tpu.memref_slice %arg6[%dma_wait3A_36, %dma_wait3A_37] : memref<32x1024xf32, #tpu.memory_space<vmem>> -> memref<16x1024xf32, #tpu.memory_space<vmem>>
    %dma_wait3A_39 = arith.constant 0 : i32
    %dma_wait3A_40 = tpu.memref_slice %arg2[%mul3A_2, %dma_wait3A_39] : memref<1024x1024xf32, #tpu.memory_space<hbm>> -> memref<16x1024xf32, #tpu.memory_space<hbm>>
    tpu.wait_dma2 semaphore(%arg11 : memref<!tpu.dma_semaphore, #tpu.memory_space<semaphore_mem>>) src(%dma_wait3A_40 : memref<16x1024xf32, #tpu.memory_space<hbm>>) dst(%dma_wait3A_38 : memref<16x1024xf32, #tpu.memory_space<vmem>>)
    %parallel_loop3A = arith.constant 0 : i32
    %parallel_loop3A_41 = arith.constant 16 : i32
    %parallel_loop3A_42 = arith.constant 1 : i32
    scf.for %parallel_loop3A_56 = %parallel_loop3A to %parallel_loop3A_41 step %parallel_loop3A_42  : i32 {
      %parallel_loop3A_57 = vector.broadcast %parallel_loop3A_56 : i32 to vector<16xi32>
      %parallel_loop3A_58 = arith.constant 0 : i32
      %parallel_loop3A_59 = vector.broadcast %parallel_loop3A_58 : i32 to vector<16xi32>
      %parallel_loop3A_60 = arith.addi %iota3A, %parallel_loop3A_59 : vector<16xi32>
      %parallel_loop3A_61 = tpu.vector_load_idx %arg8[%parallel_loop3A_57, %parallel_loop3A_60] : memref<32x50xi32, #tpu.memory_space<vmem>>[vector<16xi32>, vector<16xi32>], vector<16xi32>,
      %parallel_loop3A_62 = arith.constant 0 : i32
      %parallel_loop3A_63 = vector.broadcast %parallel_loop3A_62 : i32 to vector<16xi32>
      %parallel_loop3A_64 = tpu.vector_load_idx %arg7[%parallel_loop3A_63, %parallel_loop3A_61] : memref<16x1024xi32, #tpu.memory_space<vmem>>[vector<16xi32>, vector<16xi32>], vector<16xi32>,
      %parallel_loop3A_65 = arith.constant 1023 : i32
      %parallel_loop3A_66 = vector.broadcast %parallel_loop3A_65 : i32 to vector<16xi32>
      %parallel_loop3A_67 = arith.andi %parallel_loop3A_64, %parallel_loop3A_66 : vector<16xi32>
      %parallel_loop3A_68 = arith.constant 10 : i32
      %parallel_loop3A_69 = vector.broadcast %parallel_loop3A_68 : i32 to vector<16xi32>
      %parallel_loop3A_70 = arith.shrsi %parallel_loop3A_64, %parallel_loop3A_69 : vector<16xi32>
      %parallel_loop3A_71 = arith.sitofp %parallel_loop3A_70 : vector<16xi32> to vector<16xf32>
      %parallel_loop3A_72 = tpu.vector_load_idx %arg6[%parallel_loop3A_57, %parallel_loop3A_67] : memref<32x1024xf32, #tpu.memory_space<vmem>>[vector<16xi32>, vector<16xi32>], vector<16xf32>,
      %parallel_loop3A_73 = arith.addf %parallel_loop3A_71, %parallel_loop3A_72 : vector<16xf32>
      %parallel_loop3A_74 = arith.constant 2.000000e+00 : f32
      %parallel_loop3A_75 = vector.broadcast %parallel_loop3A_74 : f32 to vector<16xf32>
      %parallel_loop3A_76 = arith.mulf %parallel_loop3A_75, %parallel_loop3A_71 : vector<16xf32>
      %parallel_loop3A_77 = arith.mulf %parallel_loop3A_76, %parallel_loop3A_72 : vector<16xf32>
      %parallel_loop3A_78 = arith.subf %parallel_loop3A_73, %parallel_loop3A_77 : vector<16xf32>
      %parallel_loop3A_79 = arith.constant 1 : i32
      %parallel_loop3A_80 = vector.broadcast %parallel_loop3A_79 : i32 to vector<16xi32>
      %parallel_loop3A_81 = tpu.vector_load_idx %arg7[%parallel_loop3A_80, %parallel_loop3A_61] : memref<16x1024xi32, #tpu.memory_space<vmem>>[vector<16xi32>, vector<16xi32>], vector<16xi32>,
      %parallel_loop3A_82 = arith.constant 1023 : i32
      %parallel_loop3A_83 = vector.broadcast %parallel_loop3A_82 : i32 to vector<16xi32>
      %parallel_loop3A_84 = arith.andi %parallel_loop3A_81, %parallel_loop3A_83 : vector<16xi32>
      %parallel_loop3A_85 = arith.constant 10 : i32
      %parallel_loop3A_86 = vector.broadcast %parallel_loop3A_85 : i32 to vector<16xi32>
      %parallel_loop3A_87 = arith.shrsi %parallel_loop3A_81, %parallel_loop3A_86 : vector<16xi32>
      %parallel_loop3A_88 = arith.sitofp %parallel_loop3A_87 : vector<16xi32> to vector<16xf32>
      %parallel_loop3A_89 = tpu.vector_load_idx %arg6[%parallel_loop3A_57, %parallel_loop3A_84] : memref<32x1024xf32, #tpu.memory_space<vmem>>[vector<16xi32>, vector<16xi32>], vector<16xf32>,
      %parallel_loop3A_90 = arith.addf %parallel_loop3A_88, %parallel_loop3A_89 : vector<16xf32>
      %parallel_loop3A_91 = arith.constant 2.000000e+00 : f32
      %parallel_loop3A_92 = vector.broadcast %parallel_loop3A_91 : f32 to vector<16xf32>
      %parallel_loop3A_93 = arith.mulf %parallel_loop3A_92, %parallel_loop3A_88 : vector<16xf32>
      %parallel_loop3A_94 = arith.mulf %parallel_loop3A_93, %parallel_loop3A_89 : vector<16xf32>
      %parallel_loop3A_95 = arith.subf %parallel_loop3A_90, %parallel_loop3A_94 : vector<16xf32>
      %parallel_loop3A_96 = arith.mulf %parallel_loop3A_78, %parallel_loop3A_95 : vector<16xf32>
      %parallel_loop3A_97 = arith.constant 2 : i32
      %parallel_loop3A_98 = vector.broadcast %parallel_loop3A_97 : i32 to vector<16xi32>
      %parallel_loop3A_99 = tpu.vector_load_idx %arg7[%parallel_loop3A_98, %parallel_loop3A_61] : memref<16x1024xi32, #tpu.memory_space<vmem>>[vector<16xi32>, vector<16xi32>], vector<16xi32>,
      %parallel_loop3A_100 = arith.constant 1023 : i32
      %parallel_loop3A_101 = vector.broadcast %parallel_loop3A_100 : i32 to vector<16xi32>
      %parallel_loop3A_102 = arith.andi %parallel_loop3A_99, %parallel_loop3A_101 : vector<16xi32>
      %parallel_loop3A_103 = arith.constant 10 : i32
      %parallel_loop3A_104 = vector.broadcast %parallel_loop3A_103 : i32 to vector<16xi32>
      %parallel_loop3A_105 = arith.shrsi %parallel_loop3A_99, %parallel_loop3A_104 : vector<16xi32>
      %parallel_loop3A_106 = arith.sitofp %parallel_loop3A_105 : vector<16xi32> to vector<16xf32>
      %parallel_loop3A_107 = tpu.vector_load_idx %arg6[%parallel_loop3A_57, %parallel_loop3A_102] : memref<32x1024xf32, #tpu.memory_space<vmem>>[vector<16xi32>, vector<16xi32>], vector<16xf32>,
      %parallel_loop3A_108 = arith.addf %parallel_loop3A_106, %parallel_loop3A_107 : vector<16xf32>
      %parallel_loop3A_109 = arith.constant 2.000000e+00 : f32
      %parallel_loop3A_110 = vector.broadcast %parallel_loop3A_109 : f32 to vector<16xf32>
      %parallel_loop3A_111 = arith.mulf %parallel_loop3A_110, %parallel_loop3A_106 : vector<16xf32>
      %parallel_loop3A_112 = arith.mulf %parallel_loop3A_111, %parallel_loop3A_107 : vector<16xf32>
      %parallel_loop3A_113 = arith.subf %parallel_loop3A_108, %parallel_loop3A_112 : vector<16xf32>
      %parallel_loop3A_114 = arith.mulf %parallel_loop3A_96, %parallel_loop3A_113 : vector<16xf32>
      %parallel_loop3A_115 = arith.constant 3 : i32
      %parallel_loop3A_116 = vector.broadcast %parallel_loop3A_115 : i32 to vector<16xi32>
      %parallel_loop3A_117 = tpu.vector_load_idx %arg7[%parallel_loop3A_116, %parallel_loop3A_61] : memref<16x1024xi32, #tpu.memory_space<vmem>>[vector<16xi32>, vector<16xi32>], vector<16xi32>,
      %parallel_loop3A_118 = arith.constant 1023 : i32
      %parallel_loop3A_119 = vector.broadcast %parallel_loop3A_118 : i32 to vector<16xi32>
      %parallel_loop3A_120 = arith.andi %parallel_loop3A_117, %parallel_loop3A_119 : vector<16xi32>
      %parallel_loop3A_121 = arith.constant 10 : i32
      %parallel_loop3A_122 = vector.broadcast %parallel_loop3A_121 : i32 to vector<16xi32>
      %parallel_loop3A_123 = arith.shrsi %parallel_loop3A_117, %parallel_loop3A_122 : vector<16xi32>
      %parallel_loop3A_124 = arith.sitofp %parallel_loop3A_123 : vector<16xi32> to vector<16xf32>
      %parallel_loop3A_125 = tpu.vector_load_idx %arg6[%parallel_loop3A_57, %parallel_loop3A_120] : memref<32x1024xf32, #tpu.memory_space<vmem>>[vector<16xi32>, vector<16xi32>], vector<16xf32>,
      %parallel_loop3A_126 = arith.addf %parallel_loop3A_124, %parallel_loop3A_125 : vector<16xf32>
      %parallel_loop3A_127 = arith.constant 2.000000e+00 : f32
      %parallel_loop3A_128 = vector.broadcast %parallel_loop3A_127 : f32 to vector<16xf32>
      %parallel_loop3A_129 = arith.mulf %parallel_loop3A_128, %parallel_loop3A_124 : vector<16xf32>
      %parallel_loop3A_130 = arith.mulf %parallel_loop3A_129, %parallel_loop3A_125 : vector<16xf32>
      %parallel_loop3A_131 = arith.subf %parallel_loop3A_126, %parallel_loop3A_130 : vector<16xf32>
      %parallel_loop3A_132 = arith.mulf %parallel_loop3A_114, %parallel_loop3A_131 : vector<16xf32>
      %parallel_loop3A_133 = arith.constant 4 : i32
      %parallel_loop3A_134 = vector.broadcast %parallel_loop3A_133 : i32 to vector<16xi32>
      %parallel_loop3A_135 = tpu.vector_load_idx %arg7[%parallel_loop3A_134, %parallel_loop3A_61] : memref<16x1024xi32, #tpu.memory_space<vmem>>[vector<16xi32>, vector<16xi32>], vector<16xi32>,
      %parallel_loop3A_136 = arith.constant 1023 : i32
      %parallel_loop3A_137 = vector.broadcast %parallel_loop3A_136 : i32 to vector<16xi32>
      %parallel_loop3A_138 = arith.andi %parallel_loop3A_135, %parallel_loop3A_137 : vector<16xi32>
      %parallel_loop3A_139 = arith.constant 10 : i32
      %parallel_loop3A_140 = vector.broadcast %parallel_loop3A_139 : i32 to vector<16xi32>
      %parallel_loop3A_141 = arith.shrsi %parallel_loop3A_135, %parallel_loop3A_140 : vector<16xi32>
      %parallel_loop3A_142 = arith.sitofp %parallel_loop3A_141 : vector<16xi32> to vector<16xf32>
      %parallel_loop3A_143 = tpu.vector_load_idx %arg6[%parallel_loop3A_57, %parallel_loop3A_138] : memref<32x1024xf32, #tpu.memory_space<vmem>>[vector<16xi32>, vector<16xi32>], vector<16xf32>,
      %parallel_loop3A_144 = arith.addf %parallel_loop3A_142, %parallel_loop3A_143 : vector<16xf32>
      %parallel_loop3A_145 = arith.constant 2.000000e+00 : f32
      %parallel_loop3A_146 = vector.broadcast %parallel_loop3A_145 : f32 to vector<16xf32>
      %parallel_loop3A_147 = arith.mulf %parallel_loop3A_146, %parallel_loop3A_142 : vector<16xf32>
      %parallel_loop3A_148 = arith.mulf %parallel_loop3A_147, %parallel_loop3A_143 : vector<16xf32>
      %parallel_loop3A_149 = arith.subf %parallel_loop3A_144, %parallel_loop3A_148 : vector<16xf32>
      %parallel_loop3A_150 = arith.mulf %parallel_loop3A_132, %parallel_loop3A_149 : vector<16xf32>
      %parallel_loop3A_151 = arith.constant 5 : i32
      %parallel_loop3A_152 = vector.broadcast %parallel_loop3A_151 : i32 to vector<16xi32>
      %parallel_loop3A_153 = tpu.vector_load_idx %arg7[%parallel_loop3A_152, %parallel_loop3A_61] : memref<16x1024xi32, #tpu.memory_space<vmem>>[vector<16xi32>, vector<16xi32>], vector<16xi32>,
      %parallel_loop3A_154 = arith.constant 1023 : i32
      %parallel_loop3A_155 = vector.broadcast %parallel_loop3A_154 : i32 to vector<16xi32>
      %parallel_loop3A_156 = arith.andi %parallel_loop3A_153, %parallel_loop3A_155 : vector<16xi32>
      %parallel_loop3A_157 = arith.constant 10 : i32
      %parallel_loop3A_158 = vector.broadcast %parallel_loop3A_157 : i32 to vector<16xi32>
      %parallel_loop3A_159 = arith.shrsi %parallel_loop3A_153, %parallel_loop3A_158 : vector<16xi32>
      %parallel_loop3A_160 = arith.sitofp %parallel_loop3A_159 : vector<16xi32> to vector<16xf32>
      %parallel_loop3A_161 = tpu.vector_load_idx %arg6[%parallel_loop3A_57, %parallel_loop3A_156] : memref<32x1024xf32, #tpu.memory_space<vmem>>[vector<16xi32>, vector<16xi32>], vector<16xf32>,
      %parallel_loop3A_162 = arith.addf %parallel_loop3A_160, %parallel_loop3A_161 : vector<16xf32>
      %parallel_loop3A_163 = arith.constant 2.000000e+00 : f32
      %parallel_loop3A_164 = vector.broadcast %parallel_loop3A_163 : f32 to vector<16xf32>
      %parallel_loop3A_165 = arith.mulf %parallel_loop3A_164, %parallel_loop3A_160 : vector<16xf32>
      %parallel_loop3A_166 = arith.mulf %parallel_loop3A_165, %parallel_loop3A_161 : vector<16xf32>
      %parallel_loop3A_167 = arith.subf %parallel_loop3A_162, %parallel_loop3A_166 : vector<16xf32>
      %parallel_loop3A_168 = arith.mulf %parallel_loop3A_150, %parallel_loop3A_167 : vector<16xf32>
      %parallel_loop3A_169 = arith.constant 6 : i32
      %parallel_loop3A_170 = vector.broadcast %parallel_loop3A_169 : i32 to vector<16xi32>
      %parallel_loop3A_171 = tpu.vector_load_idx %arg7[%parallel_loop3A_170, %parallel_loop3A_61] : memref<16x1024xi32, #tpu.memory_space<vmem>>[vector<16xi32>, vector<16xi32>], vector<16xi32>,
      %parallel_loop3A_172 = arith.constant 1023 : i32
      %parallel_loop3A_173 = vector.broadcast %parallel_loop3A_172 : i32 to vector<16xi32>
      %parallel_loop3A_174 = arith.andi %parallel_loop3A_171, %parallel_loop3A_173 : vector<16xi32>
      %parallel_loop3A_175 = arith.constant 10 : i32
      %parallel_loop3A_176 = vector.broadcast %parallel_loop3A_175 : i32 to vector<16xi32>
      %parallel_loop3A_177 = arith.shrsi %parallel_loop3A_171, %parallel_loop3A_176 : vector<16xi32>
      %parallel_loop3A_178 = arith.sitofp %parallel_loop3A_177 : vector<16xi32> to vector<16xf32>
      %parallel_loop3A_179 = tpu.vector_load_idx %arg6[%parallel_loop3A_57, %parallel_loop3A_174] : memref<32x1024xf32, #tpu.memory_space<vmem>>[vector<16xi32>, vector<16xi32>], vector<16xf32>,
      %parallel_loop3A_180 = arith.addf %parallel_loop3A_178, %parallel_loop3A_179 : vector<16xf32>
      %parallel_loop3A_181 = arith.constant 2.000000e+00 : f32
      %parallel_loop3A_182 = vector.broadcast %parallel_loop3A_181 : f32 to vector<16xf32>
      %parallel_loop3A_183 = arith.mulf %parallel_loop3A_182, %parallel_loop3A_178 : vector<16xf32>
      %parallel_loop3A_184 = arith.mulf %parallel_loop3A_183, %parallel_loop3A_179 : vector<16xf32>
      %parallel_loop3A_185 = arith.subf %parallel_loop3A_180, %parallel_loop3A_184 : vector<16xf32>
      %parallel_loop3A_186 = arith.mulf %parallel_loop3A_168, %parallel_loop3A_185 : vector<16xf32>
      %parallel_loop3A_187 = arith.constant 7 : i32
      %parallel_loop3A_188 = vector.broadcast %parallel_loop3A_187 : i32 to vector<16xi32>
      %parallel_loop3A_189 = tpu.vector_load_idx %arg7[%parallel_loop3A_188, %parallel_loop3A_61] : memref<16x1024xi32, #tpu.memory_space<vmem>>[vector<16xi32>, vector<16xi32>], vector<16xi32>,
      %parallel_loop3A_190 = arith.constant 1023 : i32
      %parallel_loop3A_191 = vector.broadcast %parallel_loop3A_190 : i32 to vector<16xi32>
      %parallel_loop3A_192 = arith.andi %parallel_loop3A_189, %parallel_loop3A_191 : vector<16xi32>
      %parallel_loop3A_193 = arith.constant 10 : i32
      %parallel_loop3A_194 = vector.broadcast %parallel_loop3A_193 : i32 to vector<16xi32>
      %parallel_loop3A_195 = arith.shrsi %parallel_loop3A_189, %parallel_loop3A_194 : vector<16xi32>
      %parallel_loop3A_196 = arith.sitofp %parallel_loop3A_195 : vector<16xi32> to vector<16xf32>
      %parallel_loop3A_197 = tpu.vector_load_idx %arg6[%parallel_loop3A_57, %parallel_loop3A_192] : memref<32x1024xf32, #tpu.memory_space<vmem>>[vector<16xi32>, vector<16xi32>], vector<16xf32>,
      %parallel_loop3A_198 = arith.addf %parallel_loop3A_196, %parallel_loop3A_197 : vector<16xf32>
      %parallel_loop3A_199 = arith.constant 2.000000e+00 : f32
      %parallel_loop3A_200 = vector.broadcast %parallel_loop3A_199 : f32 to vector<16xf32>
      %parallel_loop3A_201 = arith.mulf %parallel_loop3A_200, %parallel_loop3A_196 : vector<16xf32>
      %parallel_loop3A_202 = arith.mulf %parallel_loop3A_201, %parallel_loop3A_197 : vector<16xf32>
      %parallel_loop3A_203 = arith.subf %parallel_loop3A_198, %parallel_loop3A_202 : vector<16xf32>
      %parallel_loop3A_204 = arith.mulf %parallel_loop3A_186, %parallel_loop3A_203 : vector<16xf32>
      %parallel_loop3A_205 = arith.constant 8 : i32
      %parallel_loop3A_206 = vector.broadcast %parallel_loop3A_205 : i32 to vector<16xi32>
      %parallel_loop3A_207 = tpu.vector_load_idx %arg7[%parallel_loop3A_206, %parallel_loop3A_61] : memref<16x1024xi32, #tpu.memory_space<vmem>>[vector<16xi32>, vector<16xi32>], vector<16xi32>,
      %parallel_loop3A_208 = arith.constant 1023 : i32
      %parallel_loop3A_209 = vector.broadcast %parallel_loop3A_208 : i32 to vector<16xi32>
      %parallel_loop3A_210 = arith.andi %parallel_loop3A_207, %parallel_loop3A_209 : vector<16xi32>
      %parallel_loop3A_211 = arith.constant 10 : i32
      %parallel_loop3A_212 = vector.broadcast %parallel_loop3A_211 : i32 to vector<16xi32>
      %parallel_loop3A_213 = arith.shrsi %parallel_loop3A_207, %parallel_loop3A_212 : vector<16xi32>
      %parallel_loop3A_214 = arith.sitofp %parallel_loop3A_213 : vector<16xi32> to vector<16xf32>
      %parallel_loop3A_215 = tpu.vector_load_idx %arg6[%parallel_loop3A_57, %parallel_loop3A_210] : memref<32x1024xf32, #tpu.memory_space<vmem>>[vector<16xi32>, vector<16xi32>], vector<16xf32>,
      %parallel_loop3A_216 = arith.addf %parallel_loop3A_214, %parallel_loop3A_215 : vector<16xf32>
      %parallel_loop3A_217 = arith.constant 2.000000e+00 : f32
      %parallel_loop3A_218 = vector.broadcast %parallel_loop3A_217 : f32 to vector<16xf32>
      %parallel_loop3A_219 = arith.mulf %parallel_loop3A_218, %parallel_loop3A_214 : vector<16xf32>
      %parallel_loop3A_220 = arith.mulf %parallel_loop3A_219, %parallel_loop3A_215 : vector<16xf32>
      %parallel_loop3A_221 = arith.subf %parallel_loop3A_216, %parallel_loop3A_220 : vector<16xf32>
      %parallel_loop3A_222 = arith.mulf %parallel_loop3A_204, %parallel_loop3A_221 : vector<16xf32>
      %parallel_loop3A_223 = arith.constant 9 : i32
      %parallel_loop3A_224 = vector.broadcast %parallel_loop3A_223 : i32 to vector<16xi32>
      %parallel_loop3A_225 = tpu.vector_load_idx %arg7[%parallel_loop3A_224, %parallel_loop3A_61] : memref<16x1024xi32, #tpu.memory_space<vmem>>[vector<16xi32>, vector<16xi32>], vector<16xi32>,
      %parallel_loop3A_226 = arith.constant 1023 : i32
      %parallel_loop3A_227 = vector.broadcast %parallel_loop3A_226 : i32 to vector<16xi32>
      %parallel_loop3A_228 = arith.andi %parallel_loop3A_225, %parallel_loop3A_227 : vector<16xi32>
      %parallel_loop3A_229 = arith.constant 10 : i32
      %parallel_loop3A_230 = vector.broadcast %parallel_loop3A_229 : i32 to vector<16xi32>
      %parallel_loop3A_231 = arith.shrsi %parallel_loop3A_225, %parallel_loop3A_230 : vector<16xi32>
      %parallel_loop3A_232 = arith.sitofp %parallel_loop3A_231 : vector<16xi32> to vector<16xf32>
      %parallel_loop3A_233 = tpu.vector_load_idx %arg6[%parallel_loop3A_57, %parallel_loop3A_228] : memref<32x1024xf32, #tpu.memory_space<vmem>>[vector<16xi32>, vector<16xi32>], vector<16xf32>,
      %parallel_loop3A_234 = arith.addf %parallel_loop3A_232, %parallel_loop3A_233 : vector<16xf32>
      %parallel_loop3A_235 = arith.constant 2.000000e+00 : f32
      %parallel_loop3A_236 = vector.broadcast %parallel_loop3A_235 : f32 to vector<16xf32>
      %parallel_loop3A_237 = arith.mulf %parallel_loop3A_236, %parallel_loop3A_232 : vector<16xf32>
      %parallel_loop3A_238 = arith.mulf %parallel_loop3A_237, %parallel_loop3A_233 : vector<16xf32>
      %parallel_loop3A_239 = arith.subf %parallel_loop3A_234, %parallel_loop3A_238 : vector<16xf32>
      %parallel_loop3A_240 = arith.mulf %parallel_loop3A_222, %parallel_loop3A_239 : vector<16xf32>
      tpu.vector_store_idx %arg9[%parallel_loop3A_57, %parallel_loop3A_60], %parallel_loop3A_240 : memref<32x50xf32, #tpu.memory_space<vmem>>[vector<16xi32>, vector<16xi32>], vector<16xf32>,
      %parallel_loop3A_241 = arith.constant 16 : i32
      %parallel_loop3A_242 = vector.broadcast %parallel_loop3A_241 : i32 to vector<16xi32>
      %parallel_loop3A_243 = arith.addi %iota3A, %parallel_loop3A_242 : vector<16xi32>
      %parallel_loop3A_244 = tpu.vector_load_idx %arg8[%parallel_loop3A_57, %parallel_loop3A_243] : memref<32x50xi32, #tpu.memory_space<vmem>>[vector<16xi32>, vector<16xi32>], vector<16xi32>,
      %parallel_loop3A_245 = arith.constant 0 : i32
      %parallel_loop3A_246 = vector.broadcast %parallel_loop3A_245 : i32 to vector<16xi32>
      %parallel_loop3A_247 = tpu.vector_load_idx %arg7[%parallel_loop3A_246, %parallel_loop3A_244] : memref<16x1024xi32, #tpu.memory_space<vmem>>[vector<16xi32>, vector<16xi32>], vector<16xi32>,
      %parallel_loop3A_248 = arith.constant 1023 : i32
      %parallel_loop3A_249 = vector.broadcast %parallel_loop3A_248 : i32 to vector<16xi32>
      %parallel_loop3A_250 = arith.andi %parallel_loop3A_247, %parallel_loop3A_249 : vector<16xi32>
      %parallel_loop3A_251 = arith.constant 10 : i32
      %parallel_loop3A_252 = vector.broadcast %parallel_loop3A_251 : i32 to vector<16xi32>
      %parallel_loop3A_253 = arith.shrsi %parallel_loop3A_247, %parallel_loop3A_252 : vector<16xi32>
      %parallel_loop3A_254 = arith.sitofp %parallel_loop3A_253 : vector<16xi32> to vector<16xf32>
      %parallel_loop3A_255 = tpu.vector_load_idx %arg6[%parallel_loop3A_57, %parallel_loop3A_250] : memref<32x1024xf32, #tpu.memory_space<vmem>>[vector<16xi32>, vector<16xi32>], vector<16xf32>,
      %parallel_loop3A_256 = arith.addf %parallel_loop3A_254, %parallel_loop3A_255 : vector<16xf32>
      %parallel_loop3A_257 = arith.constant 2.000000e+00 : f32
      %parallel_loop3A_258 = vector.broadcast %parallel_loop3A_257 : f32 to vector<16xf32>
      %parallel_loop3A_259 = arith.mulf %parallel_loop3A_258, %parallel_loop3A_254 : vector<16xf32>
      %parallel_loop3A_260 = arith.mulf %parallel_loop3A_259, %parallel_loop3A_255 : vector<16xf32>
      %parallel_loop3A_261 = arith.subf %parallel_loop3A_256, %parallel_loop3A_260 : vector<16xf32>
      %parallel_loop3A_262 = arith.constant 1 : i32
      %parallel_loop3A_263 = vector.broadcast %parallel_loop3A_262 : i32 to vector<16xi32>
      %parallel_loop3A_264 = tpu.vector_load_idx %arg7[%parallel_loop3A_263, %parallel_loop3A_244] : memref<16x1024xi32, #tpu.memory_space<vmem>>[vector<16xi32>, vector<16xi32>], vector<16xi32>,
      %parallel_loop3A_265 = arith.constant 1023 : i32
      %parallel_loop3A_266 = vector.broadcast %parallel_loop3A_265 : i32 to vector<16xi32>
      %parallel_loop3A_267 = arith.andi %parallel_loop3A_264, %parallel_loop3A_266 : vector<16xi32>
      %parallel_loop3A_268 = arith.constant 10 : i32
      %parallel_loop3A_269 = vector.broadcast %parallel_loop3A_268 : i32 to vector<16xi32>
      %parallel_loop3A_270 = arith.shrsi %parallel_loop3A_264, %parallel_loop3A_269 : vector<16xi32>
      %parallel_loop3A_271 = arith.sitofp %parallel_loop3A_270 : vector<16xi32> to vector<16xf32>
      %parallel_loop3A_272 = tpu.vector_load_idx %arg6[%parallel_loop3A_57, %parallel_loop3A_267] : memref<32x1024xf32, #tpu.memory_space<vmem>>[vector<16xi32>, vector<16xi32>], vector<16xf32>,
      %parallel_loop3A_273 = arith.addf %parallel_loop3A_271, %parallel_loop3A_272 : vector<16xf32>
      %parallel_loop3A_274 = arith.constant 2.000000e+00 : f32
      %parallel_loop3A_275 = vector.broadcast %parallel_loop3A_274 : f32 to vector<16xf32>
      %parallel_loop3A_276 = arith.mulf %parallel_loop3A_275, %parallel_loop3A_271 : vector<16xf32>
      %parallel_loop3A_277 = arith.mulf %parallel_loop3A_276, %parallel_loop3A_272 : vector<16xf32>
      %parallel_loop3A_278 = arith.subf %parallel_loop3A_273, %parallel_loop3A_277 : vector<16xf32>
      %parallel_loop3A_279 = arith.mulf %parallel_loop3A_261, %parallel_loop3A_278 : vector<16xf32>
      %parallel_loop3A_280 = arith.constant 2 : i32
      %parallel_loop3A_281 = vector.broadcast %parallel_loop3A_280 : i32 to vector<16xi32>
      %parallel_loop3A_282 = tpu.vector_load_idx %arg7[%parallel_loop3A_281, %parallel_loop3A_244] : memref<16x1024xi32, #tpu.memory_space<vmem>>[vector<16xi32>, vector<16xi32>], vector<16xi32>,
      %parallel_loop3A_283 = arith.constant 1023 : i32
      %parallel_loop3A_284 = vector.broadcast %parallel_loop3A_283 : i32 to vector<16xi32>
      %parallel_loop3A_285 = arith.andi %parallel_loop3A_282, %parallel_loop3A_284 : vector<16xi32>
      %parallel_loop3A_286 = arith.constant 10 : i32
      %parallel_loop3A_287 = vector.broadcast %parallel_loop3A_286 : i32 to vector<16xi32>
      %parallel_loop3A_288 = arith.shrsi %parallel_loop3A_282, %parallel_loop3A_287 : vector<16xi32>
      %parallel_loop3A_289 = arith.sitofp %parallel_loop3A_288 : vector<16xi32> to vector<16xf32>
      %parallel_loop3A_290 = tpu.vector_load_idx %arg6[%parallel_loop3A_57, %parallel_loop3A_285] : memref<32x1024xf32, #tpu.memory_space<vmem>>[vector<16xi32>, vector<16xi32>], vector<16xf32>,
      %parallel_loop3A_291 = arith.addf %parallel_loop3A_289, %parallel_loop3A_290 : vector<16xf32>
      %parallel_loop3A_292 = arith.constant 2.000000e+00 : f32
      %parallel_loop3A_293 = vector.broadcast %parallel_loop3A_292 : f32 to vector<16xf32>
      %parallel_loop3A_294 = arith.mulf %parallel_loop3A_293, %parallel_loop3A_289 : vector<16xf32>
      %parallel_loop3A_295 = arith.mulf %parallel_loop3A_294, %parallel_loop3A_290 : vector<16xf32>
      %parallel_loop3A_296 = arith.subf %parallel_loop3A_291, %parallel_loop3A_295 : vector<16xf32>
      %parallel_loop3A_297 = arith.mulf %parallel_loop3A_279, %parallel_loop3A_296 : vector<16xf32>
      %parallel_loop3A_298 = arith.constant 3 : i32
      %parallel_loop3A_299 = vector.broadcast %parallel_loop3A_298 : i32 to vector<16xi32>
      %parallel_loop3A_300 = tpu.vector_load_idx %arg7[%parallel_loop3A_299, %parallel_loop3A_244] : memref<16x1024xi32, #tpu.memory_space<vmem>>[vector<16xi32>, vector<16xi32>], vector<16xi32>,
      %parallel_loop3A_301 = arith.constant 1023 : i32
      %parallel_loop3A_302 = vector.broadcast %parallel_loop3A_301 : i32 to vector<16xi32>
      %parallel_loop3A_303 = arith.andi %parallel_loop3A_300, %parallel_loop3A_302 : vector<16xi32>
      %parallel_loop3A_304 = arith.constant 10 : i32
      %parallel_loop3A_305 = vector.broadcast %parallel_loop3A_304 : i32 to vector<16xi32>
      %parallel_loop3A_306 = arith.shrsi %parallel_loop3A_300, %parallel_loop3A_305 : vector<16xi32>
      %parallel_loop3A_307 = arith.sitofp %parallel_loop3A_306 : vector<16xi32> to vector<16xf32>
      %parallel_loop3A_308 = tpu.vector_load_idx %arg6[%parallel_loop3A_57, %parallel_loop3A_303] : memref<32x1024xf32, #tpu.memory_space<vmem>>[vector<16xi32>, vector<16xi32>], vector<16xf32>,
      %parallel_loop3A_309 = arith.addf %parallel_loop3A_307, %parallel_loop3A_308 : vector<16xf32>
      %parallel_loop3A_310 = arith.constant 2.000000e+00 : f32
      %parallel_loop3A_311 = vector.broadcast %parallel_loop3A_310 : f32 to vector<16xf32>
      %parallel_loop3A_312 = arith.mulf %parallel_loop3A_311, %parallel_loop3A_307 : vector<16xf32>
      %parallel_loop3A_313 = arith.mulf %parallel_loop3A_312, %parallel_loop3A_308 : vector<16xf32>
      %parallel_loop3A_314 = arith.subf %parallel_loop3A_309, %parallel_loop3A_313 : vector<16xf32>
      %parallel_loop3A_315 = arith.mulf %parallel_loop3A_297, %parallel_loop3A_314 : vector<16xf32>
      %parallel_loop3A_316 = arith.constant 4 : i32
      %parallel_loop3A_317 = vector.broadcast %parallel_loop3A_316 : i32 to vector<16xi32>
      %parallel_loop3A_318 = tpu.vector_load_idx %arg7[%parallel_loop3A_317, %parallel_loop3A_244] : memref<16x1024xi32, #tpu.memory_space<vmem>>[vector<16xi32>, vector<16xi32>], vector<16xi32>,
      %parallel_loop3A_319 = arith.constant 1023 : i32
      %parallel_loop3A_320 = vector.broadcast %parallel_loop3A_319 : i32 to vector<16xi32>
      %parallel_loop3A_321 = arith.andi %parallel_loop3A_318, %parallel_loop3A_320 : vector<16xi32>
      %parallel_loop3A_322 = arith.constant 10 : i32
      %parallel_loop3A_323 = vector.broadcast %parallel_loop3A_322 : i32 to vector<16xi32>
      %parallel_loop3A_324 = arith.shrsi %parallel_loop3A_318, %parallel_loop3A_323 : vector<16xi32>
      %parallel_loop3A_325 = arith.sitofp %parallel_loop3A_324 : vector<16xi32> to vector<16xf32>
      %parallel_loop3A_326 = tpu.vector_load_idx %arg6[%parallel_loop3A_57, %parallel_loop3A_321] : memref<32x1024xf32, #tpu.memory_space<vmem>>[vector<16xi32>, vector<16xi32>], vector<16xf32>,
      %parallel_loop3A_327 = arith.addf %parallel_loop3A_325, %parallel_loop3A_326 : vector<16xf32>
      %parallel_loop3A_328 = arith.constant 2.000000e+00 : f32
      %parallel_loop3A_329 = vector.broadcast %parallel_loop3A_328 : f32 to vector<16xf32>
      %parallel_loop3A_330 = arith.mulf %parallel_loop3A_329, %parallel_loop3A_325 : vector<16xf32>
      %parallel_loop3A_331 = arith.mulf %parallel_loop3A_330, %parallel_loop3A_326 : vector<16xf32>
      %parallel_loop3A_332 = arith.subf %parallel_loop3A_327, %parallel_loop3A_331 : vector<16xf32>
      %parallel_loop3A_333 = arith.mulf %parallel_loop3A_315, %parallel_loop3A_332 : vector<16xf32>
      %parallel_loop3A_334 = arith.constant 5 : i32
      %parallel_loop3A_335 = vector.broadcast %parallel_loop3A_334 : i32 to vector<16xi32>
      %parallel_loop3A_336 = tpu.vector_load_idx %arg7[%parallel_loop3A_335, %parallel_loop3A_244] : memref<16x1024xi32, #tpu.memory_space<vmem>>[vector<16xi32>, vector<16xi32>], vector<16xi32>,
      %parallel_loop3A_337 = arith.constant 1023 : i32
      %parallel_loop3A_338 = vector.broadcast %parallel_loop3A_337 : i32 to vector<16xi32>
      %parallel_loop3A_339 = arith.andi %parallel_loop3A_336, %parallel_loop3A_338 : vector<16xi32>
      %parallel_loop3A_340 = arith.constant 10 : i32
      %parallel_loop3A_341 = vector.broadcast %parallel_loop3A_340 : i32 to vector<16xi32>
      %parallel_loop3A_342 = arith.shrsi %parallel_loop3A_336, %parallel_loop3A_341 : vector<16xi32>
      %parallel_loop3A_343 = arith.sitofp %parallel_loop3A_342 : vector<16xi32> to vector<16xf32>
      %parallel_loop3A_344 = tpu.vector_load_idx %arg6[%parallel_loop3A_57, %parallel_loop3A_339] : memref<32x1024xf32, #tpu.memory_space<vmem>>[vector<16xi32>, vector<16xi32>], vector<16xf32>,
      %parallel_loop3A_345 = arith.addf %parallel_loop3A_343, %parallel_loop3A_344 : vector<16xf32>
      %parallel_loop3A_346 = arith.constant 2.000000e+00 : f32
      %parallel_loop3A_347 = vector.broadcast %parallel_loop3A_346 : f32 to vector<16xf32>
      %parallel_loop3A_348 = arith.mulf %parallel_loop3A_347, %parallel_loop3A_343 : vector<16xf32>
      %parallel_loop3A_349 = arith.mulf %parallel_loop3A_348, %parallel_loop3A_344 : vector<16xf32>
      %parallel_loop3A_350 = arith.subf %parallel_loop3A_345, %parallel_loop3A_349 : vector<16xf32>
      %parallel_loop3A_351 = arith.mulf %parallel_loop3A_333, %parallel_loop3A_350 : vector<16xf32>
      %parallel_loop3A_352 = arith.constant 6 : i32
      %parallel_loop3A_353 = vector.broadcast %parallel_loop3A_352 : i32 to vector<16xi32>
      %parallel_loop3A_354 = tpu.vector_load_idx %arg7[%parallel_loop3A_353, %parallel_loop3A_244] : memref<16x1024xi32, #tpu.memory_space<vmem>>[vector<16xi32>, vector<16xi32>], vector<16xi32>,
      %parallel_loop3A_355 = arith.constant 1023 : i32
      %parallel_loop3A_356 = vector.broadcast %parallel_loop3A_355 : i32 to vector<16xi32>
      %parallel_loop3A_357 = arith.andi %parallel_loop3A_354, %parallel_loop3A_356 : vector<16xi32>
      %parallel_loop3A_358 = arith.constant 10 : i32
      %parallel_loop3A_359 = vector.broadcast %parallel_loop3A_358 : i32 to vector<16xi32>
      %parallel_loop3A_360 = arith.shrsi %parallel_loop3A_354, %parallel_loop3A_359 : vector<16xi32>
      %parallel_loop3A_361 = arith.sitofp %parallel_loop3A_360 : vector<16xi32> to vector<16xf32>
      %parallel_loop3A_362 = tpu.vector_load_idx %arg6[%parallel_loop3A_57, %parallel_loop3A_357] : memref<32x1024xf32, #tpu.memory_space<vmem>>[vector<16xi32>, vector<16xi32>], vector<16xf32>,
      %parallel_loop3A_363 = arith.addf %parallel_loop3A_361, %parallel_loop3A_362 : vector<16xf32>
      %parallel_loop3A_364 = arith.constant 2.000000e+00 : f32
      %parallel_loop3A_365 = vector.broadcast %parallel_loop3A_364 : f32 to vector<16xf32>
      %parallel_loop3A_366 = arith.mulf %parallel_loop3A_365, %parallel_loop3A_361 : vector<16xf32>
      %parallel_loop3A_367 = arith.mulf %parallel_loop3A_366, %parallel_loop3A_362 : vector<16xf32>
      %parallel_loop3A_368 = arith.subf %parallel_loop3A_363, %parallel_loop3A_367 : vector<16xf32>
      %parallel_loop3A_369 = arith.mulf %parallel_loop3A_351, %parallel_loop3A_368 : vector<16xf32>
      %parallel_loop3A_370 = arith.constant 7 : i32
      %parallel_loop3A_371 = vector.broadcast %parallel_loop3A_370 : i32 to vector<16xi32>
      %parallel_loop3A_372 = tpu.vector_load_idx %arg7[%parallel_loop3A_371, %parallel_loop3A_244] : memref<16x1024xi32, #tpu.memory_space<vmem>>[vector<16xi32>, vector<16xi32>], vector<16xi32>,
      %parallel_loop3A_373 = arith.constant 1023 : i32
      %parallel_loop3A_374 = vector.broadcast %parallel_loop3A_373 : i32 to vector<16xi32>
      %parallel_loop3A_375 = arith.andi %parallel_loop3A_372, %parallel_loop3A_374 : vector<16xi32>
      %parallel_loop3A_376 = arith.constant 10 : i32
      %parallel_loop3A_377 = vector.broadcast %parallel_loop3A_376 : i32 to vector<16xi32>
      %parallel_loop3A_378 = arith.shrsi %parallel_loop3A_372, %parallel_loop3A_377 : vector<16xi32>
      %parallel_loop3A_379 = arith.sitofp %parallel_loop3A_378 : vector<16xi32> to vector<16xf32>
      %parallel_loop3A_380 = tpu.vector_load_idx %arg6[%parallel_loop3A_57, %parallel_loop3A_375] : memref<32x1024xf32, #tpu.memory_space<vmem>>[vector<16xi32>, vector<16xi32>], vector<16xf32>,
      %parallel_loop3A_381 = arith.addf %parallel_loop3A_379, %parallel_loop3A_380 : vector<16xf32>
      %parallel_loop3A_382 = arith.constant 2.000000e+00 : f32
      %parallel_loop3A_383 = vector.broadcast %parallel_loop3A_382 : f32 to vector<16xf32>
      %parallel_loop3A_384 = arith.mulf %parallel_loop3A_383, %parallel_loop3A_379 : vector<16xf32>
      %parallel_loop3A_385 = arith.mulf %parallel_loop3A_384, %parallel_loop3A_380 : vector<16xf32>
      %parallel_loop3A_386 = arith.subf %parallel_loop3A_381, %parallel_loop3A_385 : vector<16xf32>
      %parallel_loop3A_387 = arith.mulf %parallel_loop3A_369, %parallel_loop3A_386 : vector<16xf32>
      %parallel_loop3A_388 = arith.constant 8 : i32
      %parallel_loop3A_389 = vector.broadcast %parallel_loop3A_388 : i32 to vector<16xi32>
      %parallel_loop3A_390 = tpu.vector_load_idx %arg7[%parallel_loop3A_389, %parallel_loop3A_244] : memref<16x1024xi32, #tpu.memory_space<vmem>>[vector<16xi32>, vector<16xi32>], vector<16xi32>,
      %parallel_loop3A_391 = arith.constant 1023 : i32
      %parallel_loop3A_392 = vector.broadcast %parallel_loop3A_391 : i32 to vector<16xi32>
      %parallel_loop3A_393 = arith.andi %parallel_loop3A_390, %parallel_loop3A_392 : vector<16xi32>
      %parallel_loop3A_394 = arith.constant 10 : i32
      %parallel_loop3A_395 = vector.broadcast %parallel_loop3A_394 : i32 to vector<16xi32>
      %parallel_loop3A_396 = arith.shrsi %parallel_loop3A_390, %parallel_loop3A_395 : vector<16xi32>
      %parallel_loop3A_397 = arith.sitofp %parallel_loop3A_396 : vector<16xi32> to vector<16xf32>
      %parallel_loop3A_398 = tpu.vector_load_idx %arg6[%parallel_loop3A_57, %parallel_loop3A_393] : memref<32x1024xf32, #tpu.memory_space<vmem>>[vector<16xi32>, vector<16xi32>], vector<16xf32>,
      %parallel_loop3A_399 = arith.addf %parallel_loop3A_397, %parallel_loop3A_398 : vector<16xf32>
      %parallel_loop3A_400 = arith.constant 2.000000e+00 : f32
      %parallel_loop3A_401 = vector.broadcast %parallel_loop3A_400 : f32 to vector<16xf32>
      %parallel_loop3A_402 = arith.mulf %parallel_loop3A_401, %parallel_loop3A_397 : vector<16xf32>
      %parallel_loop3A_403 = arith.mulf %parallel_loop3A_402, %parallel_loop3A_398 : vector<16xf32>
      %parallel_loop3A_404 = arith.subf %parallel_loop3A_399, %parallel_loop3A_403 : vector<16xf32>
      %parallel_loop3A_405 = arith.mulf %parallel_loop3A_387, %parallel_loop3A_404 : vector<16xf32>
      %parallel_loop3A_406 = arith.constant 9 : i32
      %parallel_loop3A_407 = vector.broadcast %parallel_loop3A_406 : i32 to vector<16xi32>
      %parallel_loop3A_408 = tpu.vector_load_idx %arg7[%parallel_loop3A_407, %parallel_loop3A_244] : memref<16x1024xi32, #tpu.memory_space<vmem>>[vector<16xi32>, vector<16xi32>], vector<16xi32>,
      %parallel_loop3A_409 = arith.constant 1023 : i32
      %parallel_loop3A_410 = vector.broadcast %parallel_loop3A_409 : i32 to vector<16xi32>
      %parallel_loop3A_411 = arith.andi %parallel_loop3A_408, %parallel_loop3A_410 : vector<16xi32>
      %parallel_loop3A_412 = arith.constant 10 : i32
      %parallel_loop3A_413 = vector.broadcast %parallel_loop3A_412 : i32 to vector<16xi32>
      %parallel_loop3A_414 = arith.shrsi %parallel_loop3A_408, %parallel_loop3A_413 : vector<16xi32>
      %parallel_loop3A_415 = arith.sitofp %parallel_loop3A_414 : vector<16xi32> to vector<16xf32>
      %parallel_loop3A_416 = tpu.vector_load_idx %arg6[%parallel_loop3A_57, %parallel_loop3A_411] : memref<32x1024xf32, #tpu.memory_space<vmem>>[vector<16xi32>, vector<16xi32>], vector<16xf32>,
      %parallel_loop3A_417 = arith.addf %parallel_loop3A_415, %parallel_loop3A_416 : vector<16xf32>
      %parallel_loop3A_418 = arith.constant 2.000000e+00 : f32
      %parallel_loop3A_419 = vector.broadcast %parallel_loop3A_418 : f32 to vector<16xf32>
      %parallel_loop3A_420 = arith.mulf %parallel_loop3A_419, %parallel_loop3A_415 : vector<16xf32>
      %parallel_loop3A_421 = arith.mulf %parallel_loop3A_420, %parallel_loop3A_416 : vector<16xf32>
      %parallel_loop3A_422 = arith.subf %parallel_loop3A_417, %parallel_loop3A_421 : vector<16xf32>
      %parallel_loop3A_423 = arith.mulf %parallel_loop3A_405, %parallel_loop3A_422 : vector<16xf32>
      tpu.vector_store_idx %arg9[%parallel_loop3A_57, %parallel_loop3A_243], %parallel_loop3A_423 : memref<32x50xf32, #tpu.memory_space<vmem>>[vector<16xi32>, vector<16xi32>], vector<16xf32>,
      %parallel_loop3A_424 = arith.constant 32 : i32
      %parallel_loop3A_425 = vector.broadcast %parallel_loop3A_424 : i32 to vector<16xi32>
      %parallel_loop3A_426 = arith.addi %iota3A, %parallel_loop3A_425 : vector<16xi32>
      %parallel_loop3A_427 = tpu.vector_load_idx %arg8[%parallel_loop3A_57, %parallel_loop3A_426] : memref<32x50xi32, #tpu.memory_space<vmem>>[vector<16xi32>, vector<16xi32>], vector<16xi32>,
      %parallel_loop3A_428 = arith.constant 0 : i32
      %parallel_loop3A_429 = vector.broadcast %parallel_loop3A_428 : i32 to vector<16xi32>
      %parallel_loop3A_430 = tpu.vector_load_idx %arg7[%parallel_loop3A_429, %parallel_loop3A_427] : memref<16x1024xi32, #tpu.memory_space<vmem>>[vector<16xi32>, vector<16xi32>], vector<16xi32>,
      %parallel_loop3A_431 = arith.constant 1023 : i32
      %parallel_loop3A_432 = vector.broadcast %parallel_loop3A_431 : i32 to vector<16xi32>
      %parallel_loop3A_433 = arith.andi %parallel_loop3A_430, %parallel_loop3A_432 : vector<16xi32>
      %parallel_loop3A_434 = arith.constant 10 : i32
      %parallel_loop3A_435 = vector.broadcast %parallel_loop3A_434 : i32 to vector<16xi32>
      %parallel_loop3A_436 = arith.shrsi %parallel_loop3A_430, %parallel_loop3A_435 : vector<16xi32>
      %parallel_loop3A_437 = arith.sitofp %parallel_loop3A_436 : vector<16xi32> to vector<16xf32>
      %parallel_loop3A_438 = tpu.vector_load_idx %arg6[%parallel_loop3A_57, %parallel_loop3A_433] : memref<32x1024xf32, #tpu.memory_space<vmem>>[vector<16xi32>, vector<16xi32>], vector<16xf32>,
      %parallel_loop3A_439 = arith.addf %parallel_loop3A_437, %parallel_loop3A_438 : vector<16xf32>
      %parallel_loop3A_440 = arith.constant 2.000000e+00 : f32
      %parallel_loop3A_441 = vector.broadcast %parallel_loop3A_440 : f32 to vector<16xf32>
      %parallel_loop3A_442 = arith.mulf %parallel_loop3A_441, %parallel_loop3A_437 : vector<16xf32>
      %parallel_loop3A_443 = arith.mulf %parallel_loop3A_442, %parallel_loop3A_438 : vector<16xf32>
      %parallel_loop3A_444 = arith.subf %parallel_loop3A_439, %parallel_loop3A_443 : vector<16xf32>
      %parallel_loop3A_445 = arith.constant 1 : i32
      %parallel_loop3A_446 = vector.broadcast %parallel_loop3A_445 : i32 to vector<16xi32>
      %parallel_loop3A_447 = tpu.vector_load_idx %arg7[%parallel_loop3A_446, %parallel_loop3A_427] : memref<16x1024xi32, #tpu.memory_space<vmem>>[vector<16xi32>, vector<16xi32>], vector<16xi32>,
      %parallel_loop3A_448 = arith.constant 1023 : i32
      %parallel_loop3A_449 = vector.broadcast %parallel_loop3A_448 : i32 to vector<16xi32>
      %parallel_loop3A_450 = arith.andi %parallel_loop3A_447, %parallel_loop3A_449 : vector<16xi32>
      %parallel_loop3A_451 = arith.constant 10 : i32
      %parallel_loop3A_452 = vector.broadcast %parallel_loop3A_451 : i32 to vector<16xi32>
      %parallel_loop3A_453 = arith.shrsi %parallel_loop3A_447, %parallel_loop3A_452 : vector<16xi32>
      %parallel_loop3A_454 = arith.sitofp %parallel_loop3A_453 : vector<16xi32> to vector<16xf32>
      %parallel_loop3A_455 = tpu.vector_load_idx %arg6[%parallel_loop3A_57, %parallel_loop3A_450] : memref<32x1024xf32, #tpu.memory_space<vmem>>[vector<16xi32>, vector<16xi32>], vector<16xf32>,
      %parallel_loop3A_456 = arith.addf %parallel_loop3A_454, %parallel_loop3A_455 : vector<16xf32>
      %parallel_loop3A_457 = arith.constant 2.000000e+00 : f32
      %parallel_loop3A_458 = vector.broadcast %parallel_loop3A_457 : f32 to vector<16xf32>
      %parallel_loop3A_459 = arith.mulf %parallel_loop3A_458, %parallel_loop3A_454 : vector<16xf32>
      %parallel_loop3A_460 = arith.mulf %parallel_loop3A_459, %parallel_loop3A_455 : vector<16xf32>
      %parallel_loop3A_461 = arith.subf %parallel_loop3A_456, %parallel_loop3A_460 : vector<16xf32>
      %parallel_loop3A_462 = arith.mulf %parallel_loop3A_444, %parallel_loop3A_461 : vector<16xf32>
      %parallel_loop3A_463 = arith.constant 2 : i32
      %parallel_loop3A_464 = vector.broadcast %parallel_loop3A_463 : i32 to vector<16xi32>
      %parallel_loop3A_465 = tpu.vector_load_idx %arg7[%parallel_loop3A_464, %parallel_loop3A_427] : memref<16x1024xi32, #tpu.memory_space<vmem>>[vector<16xi32>, vector<16xi32>], vector<16xi32>,
      %parallel_loop3A_466 = arith.constant 1023 : i32
      %parallel_loop3A_467 = vector.broadcast %parallel_loop3A_466 : i32 to vector<16xi32>
      %parallel_loop3A_468 = arith.andi %parallel_loop3A_465, %parallel_loop3A_467 : vector<16xi32>
      %parallel_loop3A_469 = arith.constant 10 : i32
      %parallel_loop3A_470 = vector.broadcast %parallel_loop3A_469 : i32 to vector<16xi32>
      %parallel_loop3A_471 = arith.shrsi %parallel_loop3A_465, %parallel_loop3A_470 : vector<16xi32>
      %parallel_loop3A_472 = arith.sitofp %parallel_loop3A_471 : vector<16xi32> to vector<16xf32>
      %parallel_loop3A_473 = tpu.vector_load_idx %arg6[%parallel_loop3A_57, %parallel_loop3A_468] : memref<32x1024xf32, #tpu.memory_space<vmem>>[vector<16xi32>, vector<16xi32>], vector<16xf32>,
      %parallel_loop3A_474 = arith.addf %parallel_loop3A_472, %parallel_loop3A_473 : vector<16xf32>
      %parallel_loop3A_475 = arith.constant 2.000000e+00 : f32
      %parallel_loop3A_476 = vector.broadcast %parallel_loop3A_475 : f32 to vector<16xf32>
      %parallel_loop3A_477 = arith.mulf %parallel_loop3A_476, %parallel_loop3A_472 : vector<16xf32>
      %parallel_loop3A_478 = arith.mulf %parallel_loop3A_477, %parallel_loop3A_473 : vector<16xf32>
      %parallel_loop3A_479 = arith.subf %parallel_loop3A_474, %parallel_loop3A_478 : vector<16xf32>
      %parallel_loop3A_480 = arith.mulf %parallel_loop3A_462, %parallel_loop3A_479 : vector<16xf32>
      %parallel_loop3A_481 = arith.constant 3 : i32
      %parallel_loop3A_482 = vector.broadcast %parallel_loop3A_481 : i32 to vector<16xi32>
      %parallel_loop3A_483 = tpu.vector_load_idx %arg7[%parallel_loop3A_482, %parallel_loop3A_427] : memref<16x1024xi32, #tpu.memory_space<vmem>>[vector<16xi32>, vector<16xi32>], vector<16xi32>,
      %parallel_loop3A_484 = arith.constant 1023 : i32
      %parallel_loop3A_485 = vector.broadcast %parallel_loop3A_484 : i32 to vector<16xi32>
      %parallel_loop3A_486 = arith.andi %parallel_loop3A_483, %parallel_loop3A_485 : vector<16xi32>
      %parallel_loop3A_487 = arith.constant 10 : i32
      %parallel_loop3A_488 = vector.broadcast %parallel_loop3A_487 : i32 to vector<16xi32>
      %parallel_loop3A_489 = arith.shrsi %parallel_loop3A_483, %parallel_loop3A_488 : vector<16xi32>
      %parallel_loop3A_490 = arith.sitofp %parallel_loop3A_489 : vector<16xi32> to vector<16xf32>
      %parallel_loop3A_491 = tpu.vector_load_idx %arg6[%parallel_loop3A_57, %parallel_loop3A_486] : memref<32x1024xf32, #tpu.memory_space<vmem>>[vector<16xi32>, vector<16xi32>], vector<16xf32>,
      %parallel_loop3A_492 = arith.addf %parallel_loop3A_490, %parallel_loop3A_491 : vector<16xf32>
      %parallel_loop3A_493 = arith.constant 2.000000e+00 : f32
      %parallel_loop3A_494 = vector.broadcast %parallel_loop3A_493 : f32 to vector<16xf32>
      %parallel_loop3A_495 = arith.mulf %parallel_loop3A_494, %parallel_loop3A_490 : vector<16xf32>
      %parallel_loop3A_496 = arith.mulf %parallel_loop3A_495, %parallel_loop3A_491 : vector<16xf32>
      %parallel_loop3A_497 = arith.subf %parallel_loop3A_492, %parallel_loop3A_496 : vector<16xf32>
      %parallel_loop3A_498 = arith.mulf %parallel_loop3A_480, %parallel_loop3A_497 : vector<16xf32>
      %parallel_loop3A_499 = arith.constant 4 : i32
      %parallel_loop3A_500 = vector.broadcast %parallel_loop3A_499 : i32 to vector<16xi32>
      %parallel_loop3A_501 = tpu.vector_load_idx %arg7[%parallel_loop3A_500, %parallel_loop3A_427] : memref<16x1024xi32, #tpu.memory_space<vmem>>[vector<16xi32>, vector<16xi32>], vector<16xi32>,
      %parallel_loop3A_502 = arith.constant 1023 : i32
      %parallel_loop3A_503 = vector.broadcast %parallel_loop3A_502 : i32 to vector<16xi32>
      %parallel_loop3A_504 = arith.andi %parallel_loop3A_501, %parallel_loop3A_503 : vector<16xi32>
      %parallel_loop3A_505 = arith.constant 10 : i32
      %parallel_loop3A_506 = vector.broadcast %parallel_loop3A_505 : i32 to vector<16xi32>
      %parallel_loop3A_507 = arith.shrsi %parallel_loop3A_501, %parallel_loop3A_506 : vector<16xi32>
      %parallel_loop3A_508 = arith.sitofp %parallel_loop3A_507 : vector<16xi32> to vector<16xf32>
      %parallel_loop3A_509 = tpu.vector_load_idx %arg6[%parallel_loop3A_57, %parallel_loop3A_504] : memref<32x1024xf32, #tpu.memory_space<vmem>>[vector<16xi32>, vector<16xi32>], vector<16xf32>,
      %parallel_loop3A_510 = arith.addf %parallel_loop3A_508, %parallel_loop3A_509 : vector<16xf32>
      %parallel_loop3A_511 = arith.constant 2.000000e+00 : f32
      %parallel_loop3A_512 = vector.broadcast %parallel_loop3A_511 : f32 to vector<16xf32>
      %parallel_loop3A_513 = arith.mulf %parallel_loop3A_512, %parallel_loop3A_508 : vector<16xf32>
      %parallel_loop3A_514 = arith.mulf %parallel_loop3A_513, %parallel_loop3A_509 : vector<16xf32>
      %parallel_loop3A_515 = arith.subf %parallel_loop3A_510, %parallel_loop3A_514 : vector<16xf32>
      %parallel_loop3A_516 = arith.mulf %parallel_loop3A_498, %parallel_loop3A_515 : vector<16xf32>
      %parallel_loop3A_517 = arith.constant 5 : i32
      %parallel_loop3A_518 = vector.broadcast %parallel_loop3A_517 : i32 to vector<16xi32>
      %parallel_loop3A_519 = tpu.vector_load_idx %arg7[%parallel_loop3A_518, %parallel_loop3A_427] : memref<16x1024xi32, #tpu.memory_space<vmem>>[vector<16xi32>, vector<16xi32>], vector<16xi32>,
      %parallel_loop3A_520 = arith.constant 1023 : i32
      %parallel_loop3A_521 = vector.broadcast %parallel_loop3A_520 : i32 to vector<16xi32>
      %parallel_loop3A_522 = arith.andi %parallel_loop3A_519, %parallel_loop3A_521 : vector<16xi32>
      %parallel_loop3A_523 = arith.constant 10 : i32
      %parallel_loop3A_524 = vector.broadcast %parallel_loop3A_523 : i32 to vector<16xi32>
      %parallel_loop3A_525 = arith.shrsi %parallel_loop3A_519, %parallel_loop3A_524 : vector<16xi32>
      %parallel_loop3A_526 = arith.sitofp %parallel_loop3A_525 : vector<16xi32> to vector<16xf32>
      %parallel_loop3A_527 = tpu.vector_load_idx %arg6[%parallel_loop3A_57, %parallel_loop3A_522] : memref<32x1024xf32, #tpu.memory_space<vmem>>[vector<16xi32>, vector<16xi32>], vector<16xf32>,
      %parallel_loop3A_528 = arith.addf %parallel_loop3A_526, %parallel_loop3A_527 : vector<16xf32>
      %parallel_loop3A_529 = arith.constant 2.000000e+00 : f32
      %parallel_loop3A_530 = vector.broadcast %parallel_loop3A_529 : f32 to vector<16xf32>
      %parallel_loop3A_531 = arith.mulf %parallel_loop3A_530, %parallel_loop3A_526 : vector<16xf32>
      %parallel_loop3A_532 = arith.mulf %parallel_loop3A_531, %parallel_loop3A_527 : vector<16xf32>
      %parallel_loop3A_533 = arith.subf %parallel_loop3A_528, %parallel_loop3A_532 : vector<16xf32>
      %parallel_loop3A_534 = arith.mulf %parallel_loop3A_516, %parallel_loop3A_533 : vector<16xf32>
      %parallel_loop3A_535 = arith.constant 6 : i32
      %parallel_loop3A_536 = vector.broadcast %parallel_loop3A_535 : i32 to vector<16xi32>
      %parallel_loop3A_537 = tpu.vector_load_idx %arg7[%parallel_loop3A_536, %parallel_loop3A_427] : memref<16x1024xi32, #tpu.memory_space<vmem>>[vector<16xi32>, vector<16xi32>], vector<16xi32>,
      %parallel_loop3A_538 = arith.constant 1023 : i32
      %parallel_loop3A_539 = vector.broadcast %parallel_loop3A_538 : i32 to vector<16xi32>
      %parallel_loop3A_540 = arith.andi %parallel_loop3A_537, %parallel_loop3A_539 : vector<16xi32>
      %parallel_loop3A_541 = arith.constant 10 : i32
      %parallel_loop3A_542 = vector.broadcast %parallel_loop3A_541 : i32 to vector<16xi32>
      %parallel_loop3A_543 = arith.shrsi %parallel_loop3A_537, %parallel_loop3A_542 : vector<16xi32>
      %parallel_loop3A_544 = arith.sitofp %parallel_loop3A_543 : vector<16xi32> to vector<16xf32>
      %parallel_loop3A_545 = tpu.vector_load_idx %arg6[%parallel_loop3A_57, %parallel_loop3A_540] : memref<32x1024xf32, #tpu.memory_space<vmem>>[vector<16xi32>, vector<16xi32>], vector<16xf32>,
      %parallel_loop3A_546 = arith.addf %parallel_loop3A_544, %parallel_loop3A_545 : vector<16xf32>
      %parallel_loop3A_547 = arith.constant 2.000000e+00 : f32
      %parallel_loop3A_548 = vector.broadcast %parallel_loop3A_547 : f32 to vector<16xf32>
      %parallel_loop3A_549 = arith.mulf %parallel_loop3A_548, %parallel_loop3A_544 : vector<16xf32>
      %parallel_loop3A_550 = arith.mulf %parallel_loop3A_549, %parallel_loop3A_545 : vector<16xf32>
      %parallel_loop3A_551 = arith.subf %parallel_loop3A_546, %parallel_loop3A_550 : vector<16xf32>
      %parallel_loop3A_552 = arith.mulf %parallel_loop3A_534, %parallel_loop3A_551 : vector<16xf32>
      %parallel_loop3A_553 = arith.constant 7 : i32
      %parallel_loop3A_554 = vector.broadcast %parallel_loop3A_553 : i32 to vector<16xi32>
      %parallel_loop3A_555 = tpu.vector_load_idx %arg7[%parallel_loop3A_554, %parallel_loop3A_427] : memref<16x1024xi32, #tpu.memory_space<vmem>>[vector<16xi32>, vector<16xi32>], vector<16xi32>,
      %parallel_loop3A_556 = arith.constant 1023 : i32
      %parallel_loop3A_557 = vector.broadcast %parallel_loop3A_556 : i32 to vector<16xi32>
      %parallel_loop3A_558 = arith.andi %parallel_loop3A_555, %parallel_loop3A_557 : vector<16xi32>
      %parallel_loop3A_559 = arith.constant 10 : i32
      %parallel_loop3A_560 = vector.broadcast %parallel_loop3A_559 : i32 to vector<16xi32>
      %parallel_loop3A_561 = arith.shrsi %parallel_loop3A_555, %parallel_loop3A_560 : vector<16xi32>
      %parallel_loop3A_562 = arith.sitofp %parallel_loop3A_561 : vector<16xi32> to vector<16xf32>
      %parallel_loop3A_563 = tpu.vector_load_idx %arg6[%parallel_loop3A_57, %parallel_loop3A_558] : memref<32x1024xf32, #tpu.memory_space<vmem>>[vector<16xi32>, vector<16xi32>], vector<16xf32>,
      %parallel_loop3A_564 = arith.addf %parallel_loop3A_562, %parallel_loop3A_563 : vector<16xf32>
      %parallel_loop3A_565 = arith.constant 2.000000e+00 : f32
      %parallel_loop3A_566 = vector.broadcast %parallel_loop3A_565 : f32 to vector<16xf32>
      %parallel_loop3A_567 = arith.mulf %parallel_loop3A_566, %parallel_loop3A_562 : vector<16xf32>
      %parallel_loop3A_568 = arith.mulf %parallel_loop3A_567, %parallel_loop3A_563 : vector<16xf32>
      %parallel_loop3A_569 = arith.subf %parallel_loop3A_564, %parallel_loop3A_568 : vector<16xf32>
      %parallel_loop3A_570 = arith.mulf %parallel_loop3A_552, %parallel_loop3A_569 : vector<16xf32>
      %parallel_loop3A_571 = arith.constant 8 : i32
      %parallel_loop3A_572 = vector.broadcast %parallel_loop3A_571 : i32 to vector<16xi32>
      %parallel_loop3A_573 = tpu.vector_load_idx %arg7[%parallel_loop3A_572, %parallel_loop3A_427] : memref<16x1024xi32, #tpu.memory_space<vmem>>[vector<16xi32>, vector<16xi32>], vector<16xi32>,
      %parallel_loop3A_574 = arith.constant 1023 : i32
      %parallel_loop3A_575 = vector.broadcast %parallel_loop3A_574 : i32 to vector<16xi32>
      %parallel_loop3A_576 = arith.andi %parallel_loop3A_573, %parallel_loop3A_575 : vector<16xi32>
      %parallel_loop3A_577 = arith.constant 10 : i32
      %parallel_loop3A_578 = vector.broadcast %parallel_loop3A_577 : i32 to vector<16xi32>
      %parallel_loop3A_579 = arith.shrsi %parallel_loop3A_573, %parallel_loop3A_578 : vector<16xi32>
      %parallel_loop3A_580 = arith.sitofp %parallel_loop3A_579 : vector<16xi32> to vector<16xf32>
      %parallel_loop3A_581 = tpu.vector_load_idx %arg6[%parallel_loop3A_57, %parallel_loop3A_576] : memref<32x1024xf32, #tpu.memory_space<vmem>>[vector<16xi32>, vector<16xi32>], vector<16xf32>,
      %parallel_loop3A_582 = arith.addf %parallel_loop3A_580, %parallel_loop3A_581 : vector<16xf32>
      %parallel_loop3A_583 = arith.constant 2.000000e+00 : f32
      %parallel_loop3A_584 = vector.broadcast %parallel_loop3A_583 : f32 to vector<16xf32>
      %parallel_loop3A_585 = arith.mulf %parallel_loop3A_584, %parallel_loop3A_580 : vector<16xf32>
      %parallel_loop3A_586 = arith.mulf %parallel_loop3A_585, %parallel_loop3A_581 : vector<16xf32>
      %parallel_loop3A_587 = arith.subf %parallel_loop3A_582, %parallel_loop3A_586 : vector<16xf32>
      %parallel_loop3A_588 = arith.mulf %parallel_loop3A_570, %parallel_loop3A_587 : vector<16xf32>
      %parallel_loop3A_589 = arith.constant 9 : i32
      %parallel_loop3A_590 = vector.broadcast %parallel_loop3A_589 : i32 to vector<16xi32>
      %parallel_loop3A_591 = tpu.vector_load_idx %arg7[%parallel_loop3A_590, %parallel_loop3A_427] : memref<16x1024xi32, #tpu.memory_space<vmem>>[vector<16xi32>, vector<16xi32>], vector<16xi32>,
      %parallel_loop3A_592 = arith.constant 1023 : i32
      %parallel_loop3A_593 = vector.broadcast %parallel_loop3A_592 : i32 to vector<16xi32>
      %parallel_loop3A_594 = arith.andi %parallel_loop3A_591, %parallel_loop3A_593 : vector<16xi32>
      %parallel_loop3A_595 = arith.constant 10 : i32
      %parallel_loop3A_596 = vector.broadcast %parallel_loop3A_595 : i32 to vector<16xi32>
      %parallel_loop3A_597 = arith.shrsi %parallel_loop3A_591, %parallel_loop3A_596 : vector<16xi32>
      %parallel_loop3A_598 = arith.sitofp %parallel_loop3A_597 : vector<16xi32> to vector<16xf32>
      %parallel_loop3A_599 = tpu.vector_load_idx %arg6[%parallel_loop3A_57, %parallel_loop3A_594] : memref<32x1024xf32, #tpu.memory_space<vmem>>[vector<16xi32>, vector<16xi32>], vector<16xf32>,
      %parallel_loop3A_600 = arith.addf %parallel_loop3A_598, %parallel_loop3A_599 : vector<16xf32>
      %parallel_loop3A_601 = arith.constant 2.000000e+00 : f32
      %parallel_loop3A_602 = vector.broadcast %parallel_loop3A_601 : f32 to vector<16xf32>
      %parallel_loop3A_603 = arith.mulf %parallel_loop3A_602, %parallel_loop3A_598 : vector<16xf32>
      %parallel_loop3A_604 = arith.mulf %parallel_loop3A_603, %parallel_loop3A_599 : vector<16xf32>
      %parallel_loop3A_605 = arith.subf %parallel_loop3A_600, %parallel_loop3A_604 : vector<16xf32>
      %parallel_loop3A_606 = arith.mulf %parallel_loop3A_588, %parallel_loop3A_605 : vector<16xf32>
      tpu.vector_store_idx %arg9[%parallel_loop3A_57, %parallel_loop3A_426], %parallel_loop3A_606 : memref<32x50xf32, #tpu.memory_space<vmem>>[vector<16xi32>, vector<16xi32>], vector<16xf32>,
      %parallel_loop3A_607 = arith.constant 34 : i32
      %parallel_loop3A_608 = vector.broadcast %parallel_loop3A_607 : i32 to vector<16xi32>
      %parallel_loop3A_609 = arith.addi %iota3A, %parallel_loop3A_608 : vector<16xi32>
      %parallel_loop3A_610 = tpu.vector_load_idx %arg8[%parallel_loop3A_57, %parallel_loop3A_609] : memref<32x50xi32, #tpu.memory_space<vmem>>[vector<16xi32>, vector<16xi32>], vector<16xi32>,
      %parallel_loop3A_611 = arith.constant 0 : i32
      %parallel_loop3A_612 = vector.broadcast %parallel_loop3A_611 : i32 to vector<16xi32>
      %parallel_loop3A_613 = tpu.vector_load_idx %arg7[%parallel_loop3A_612, %parallel_loop3A_610] : memref<16x1024xi32, #tpu.memory_space<vmem>>[vector<16xi32>, vector<16xi32>], vector<16xi32>,
      %parallel_loop3A_614 = arith.constant 1023 : i32
      %parallel_loop3A_615 = vector.broadcast %parallel_loop3A_614 : i32 to vector<16xi32>
      %parallel_loop3A_616 = arith.andi %parallel_loop3A_613, %parallel_loop3A_615 : vector<16xi32>
      %parallel_loop3A_617 = arith.constant 10 : i32
      %parallel_loop3A_618 = vector.broadcast %parallel_loop3A_617 : i32 to vector<16xi32>
      %parallel_loop3A_619 = arith.shrsi %parallel_loop3A_613, %parallel_loop3A_618 : vector<16xi32>
      %parallel_loop3A_620 = arith.sitofp %parallel_loop3A_619 : vector<16xi32> to vector<16xf32>
      %parallel_loop3A_621 = tpu.vector_load_idx %arg6[%parallel_loop3A_57, %parallel_loop3A_616] : memref<32x1024xf32, #tpu.memory_space<vmem>>[vector<16xi32>, vector<16xi32>], vector<16xf32>,
      %parallel_loop3A_622 = arith.addf %parallel_loop3A_620, %parallel_loop3A_621 : vector<16xf32>
      %parallel_loop3A_623 = arith.constant 2.000000e+00 : f32
      %parallel_loop3A_624 = vector.broadcast %parallel_loop3A_623 : f32 to vector<16xf32>
      %parallel_loop3A_625 = arith.mulf %parallel_loop3A_624, %parallel_loop3A_620 : vector<16xf32>
      %parallel_loop3A_626 = arith.mulf %parallel_loop3A_625, %parallel_loop3A_621 : vector<16xf32>
      %parallel_loop3A_627 = arith.subf %parallel_loop3A_622, %parallel_loop3A_626 : vector<16xf32>
      %parallel_loop3A_628 = arith.constant 1 : i32
      %parallel_loop3A_629 = vector.broadcast %parallel_loop3A_628 : i32 to vector<16xi32>
      %parallel_loop3A_630 = tpu.vector_load_idx %arg7[%parallel_loop3A_629, %parallel_loop3A_610] : memref<16x1024xi32, #tpu.memory_space<vmem>>[vector<16xi32>, vector<16xi32>], vector<16xi32>,
      %parallel_loop3A_631 = arith.constant 1023 : i32
      %parallel_loop3A_632 = vector.broadcast %parallel_loop3A_631 : i32 to vector<16xi32>
      %parallel_loop3A_633 = arith.andi %parallel_loop3A_630, %parallel_loop3A_632 : vector<16xi32>
      %parallel_loop3A_634 = arith.constant 10 : i32
      %parallel_loop3A_635 = vector.broadcast %parallel_loop3A_634 : i32 to vector<16xi32>
      %parallel_loop3A_636 = arith.shrsi %parallel_loop3A_630, %parallel_loop3A_635 : vector<16xi32>
      %parallel_loop3A_637 = arith.sitofp %parallel_loop3A_636 : vector<16xi32> to vector<16xf32>
      %parallel_loop3A_638 = tpu.vector_load_idx %arg6[%parallel_loop3A_57, %parallel_loop3A_633] : memref<32x1024xf32, #tpu.memory_space<vmem>>[vector<16xi32>, vector<16xi32>], vector<16xf32>,
      %parallel_loop3A_639 = arith.addf %parallel_loop3A_637, %parallel_loop3A_638 : vector<16xf32>
      %parallel_loop3A_640 = arith.constant 2.000000e+00 : f32
      %parallel_loop3A_641 = vector.broadcast %parallel_loop3A_640 : f32 to vector<16xf32>
      %parallel_loop3A_642 = arith.mulf %parallel_loop3A_641, %parallel_loop3A_637 : vector<16xf32>
      %parallel_loop3A_643 = arith.mulf %parallel_loop3A_642, %parallel_loop3A_638 : vector<16xf32>
      %parallel_loop3A_644 = arith.subf %parallel_loop3A_639, %parallel_loop3A_643 : vector<16xf32>
      %parallel_loop3A_645 = arith.mulf %parallel_loop3A_627, %parallel_loop3A_644 : vector<16xf32>
      %parallel_loop3A_646 = arith.constant 2 : i32
      %parallel_loop3A_647 = vector.broadcast %parallel_loop3A_646 : i32 to vector<16xi32>
      %parallel_loop3A_648 = tpu.vector_load_idx %arg7[%parallel_loop3A_647, %parallel_loop3A_610] : memref<16x1024xi32, #tpu.memory_space<vmem>>[vector<16xi32>, vector<16xi32>], vector<16xi32>,
      %parallel_loop3A_649 = arith.constant 1023 : i32
      %parallel_loop3A_650 = vector.broadcast %parallel_loop3A_649 : i32 to vector<16xi32>
      %parallel_loop3A_651 = arith.andi %parallel_loop3A_648, %parallel_loop3A_650 : vector<16xi32>
      %parallel_loop3A_652 = arith.constant 10 : i32
      %parallel_loop3A_653 = vector.broadcast %parallel_loop3A_652 : i32 to vector<16xi32>
      %parallel_loop3A_654 = arith.shrsi %parallel_loop3A_648, %parallel_loop3A_653 : vector<16xi32>
      %parallel_loop3A_655 = arith.sitofp %parallel_loop3A_654 : vector<16xi32> to vector<16xf32>
      %parallel_loop3A_656 = tpu.vector_load_idx %arg6[%parallel_loop3A_57, %parallel_loop3A_651] : memref<32x1024xf32, #tpu.memory_space<vmem>>[vector<16xi32>, vector<16xi32>], vector<16xf32>,
      %parallel_loop3A_657 = arith.addf %parallel_loop3A_655, %parallel_loop3A_656 : vector<16xf32>
      %parallel_loop3A_658 = arith.constant 2.000000e+00 : f32
      %parallel_loop3A_659 = vector.broadcast %parallel_loop3A_658 : f32 to vector<16xf32>
      %parallel_loop3A_660 = arith.mulf %parallel_loop3A_659, %parallel_loop3A_655 : vector<16xf32>
      %parallel_loop3A_661 = arith.mulf %parallel_loop3A_660, %parallel_loop3A_656 : vector<16xf32>
      %parallel_loop3A_662 = arith.subf %parallel_loop3A_657, %parallel_loop3A_661 : vector<16xf32>
      %parallel_loop3A_663 = arith.mulf %parallel_loop3A_645, %parallel_loop3A_662 : vector<16xf32>
      %parallel_loop3A_664 = arith.constant 3 : i32
      %parallel_loop3A_665 = vector.broadcast %parallel_loop3A_664 : i32 to vector<16xi32>
      %parallel_loop3A_666 = tpu.vector_load_idx %arg7[%parallel_loop3A_665, %parallel_loop3A_610] : memref<16x1024xi32, #tpu.memory_space<vmem>>[vector<16xi32>, vector<16xi32>], vector<16xi32>,
      %parallel_loop3A_667 = arith.constant 1023 : i32
      %parallel_loop3A_668 = vector.broadcast %parallel_loop3A_667 : i32 to vector<16xi32>
      %parallel_loop3A_669 = arith.andi %parallel_loop3A_666, %parallel_loop3A_668 : vector<16xi32>
      %parallel_loop3A_670 = arith.constant 10 : i32
      %parallel_loop3A_671 = vector.broadcast %parallel_loop3A_670 : i32 to vector<16xi32>
      %parallel_loop3A_672 = arith.shrsi %parallel_loop3A_666, %parallel_loop3A_671 : vector<16xi32>
      %parallel_loop3A_673 = arith.sitofp %parallel_loop3A_672 : vector<16xi32> to vector<16xf32>
      %parallel_loop3A_674 = tpu.vector_load_idx %arg6[%parallel_loop3A_57, %parallel_loop3A_669] : memref<32x1024xf32, #tpu.memory_space<vmem>>[vector<16xi32>, vector<16xi32>], vector<16xf32>,
      %parallel_loop3A_675 = arith.addf %parallel_loop3A_673, %parallel_loop3A_674 : vector<16xf32>
      %parallel_loop3A_676 = arith.constant 2.000000e+00 : f32
      %parallel_loop3A_677 = vector.broadcast %parallel_loop3A_676 : f32 to vector<16xf32>
      %parallel_loop3A_678 = arith.mulf %parallel_loop3A_677, %parallel_loop3A_673 : vector<16xf32>
      %parallel_loop3A_679 = arith.mulf %parallel_loop3A_678, %parallel_loop3A_674 : vector<16xf32>
      %parallel_loop3A_680 = arith.subf %parallel_loop3A_675, %parallel_loop3A_679 : vector<16xf32>
      %parallel_loop3A_681 = arith.mulf %parallel_loop3A_663, %parallel_loop3A_680 : vector<16xf32>
      %parallel_loop3A_682 = arith.constant 4 : i32
      %parallel_loop3A_683 = vector.broadcast %parallel_loop3A_682 : i32 to vector<16xi32>
      %parallel_loop3A_684 = tpu.vector_load_idx %arg7[%parallel_loop3A_683, %parallel_loop3A_610] : memref<16x1024xi32, #tpu.memory_space<vmem>>[vector<16xi32>, vector<16xi32>], vector<16xi32>,
      %parallel_loop3A_685 = arith.constant 1023 : i32
      %parallel_loop3A_686 = vector.broadcast %parallel_loop3A_685 : i32 to vector<16xi32>
      %parallel_loop3A_687 = arith.andi %parallel_loop3A_684, %parallel_loop3A_686 : vector<16xi32>
      %parallel_loop3A_688 = arith.constant 10 : i32
      %parallel_loop3A_689 = vector.broadcast %parallel_loop3A_688 : i32 to vector<16xi32>
      %parallel_loop3A_690 = arith.shrsi %parallel_loop3A_684, %parallel_loop3A_689 : vector<16xi32>
      %parallel_loop3A_691 = arith.sitofp %parallel_loop3A_690 : vector<16xi32> to vector<16xf32>
      %parallel_loop3A_692 = tpu.vector_load_idx %arg6[%parallel_loop3A_57, %parallel_loop3A_687] : memref<32x1024xf32, #tpu.memory_space<vmem>>[vector<16xi32>, vector<16xi32>], vector<16xf32>,
      %parallel_loop3A_693 = arith.addf %parallel_loop3A_691, %parallel_loop3A_692 : vector<16xf32>
      %parallel_loop3A_694 = arith.constant 2.000000e+00 : f32
      %parallel_loop3A_695 = vector.broadcast %parallel_loop3A_694 : f32 to vector<16xf32>
      %parallel_loop3A_696 = arith.mulf %parallel_loop3A_695, %parallel_loop3A_691 : vector<16xf32>
      %parallel_loop3A_697 = arith.mulf %parallel_loop3A_696, %parallel_loop3A_692 : vector<16xf32>
      %parallel_loop3A_698 = arith.subf %parallel_loop3A_693, %parallel_loop3A_697 : vector<16xf32>
      %parallel_loop3A_699 = arith.mulf %parallel_loop3A_681, %parallel_loop3A_698 : vector<16xf32>
      %parallel_loop3A_700 = arith.constant 5 : i32
      %parallel_loop3A_701 = vector.broadcast %parallel_loop3A_700 : i32 to vector<16xi32>
      %parallel_loop3A_702 = tpu.vector_load_idx %arg7[%parallel_loop3A_701, %parallel_loop3A_610] : memref<16x1024xi32, #tpu.memory_space<vmem>>[vector<16xi32>, vector<16xi32>], vector<16xi32>,
      %parallel_loop3A_703 = arith.constant 1023 : i32
      %parallel_loop3A_704 = vector.broadcast %parallel_loop3A_703 : i32 to vector<16xi32>
      %parallel_loop3A_705 = arith.andi %parallel_loop3A_702, %parallel_loop3A_704 : vector<16xi32>
      %parallel_loop3A_706 = arith.constant 10 : i32
      %parallel_loop3A_707 = vector.broadcast %parallel_loop3A_706 : i32 to vector<16xi32>
      %parallel_loop3A_708 = arith.shrsi %parallel_loop3A_702, %parallel_loop3A_707 : vector<16xi32>
      %parallel_loop3A_709 = arith.sitofp %parallel_loop3A_708 : vector<16xi32> to vector<16xf32>
      %parallel_loop3A_710 = tpu.vector_load_idx %arg6[%parallel_loop3A_57, %parallel_loop3A_705] : memref<32x1024xf32, #tpu.memory_space<vmem>>[vector<16xi32>, vector<16xi32>], vector<16xf32>,
      %parallel_loop3A_711 = arith.addf %parallel_loop3A_709, %parallel_loop3A_710 : vector<16xf32>
      %parallel_loop3A_712 = arith.constant 2.000000e+00 : f32
      %parallel_loop3A_713 = vector.broadcast %parallel_loop3A_712 : f32 to vector<16xf32>
      %parallel_loop3A_714 = arith.mulf %parallel_loop3A_713, %parallel_loop3A_709 : vector<16xf32>
      %parallel_loop3A_715 = arith.mulf %parallel_loop3A_714, %parallel_loop3A_710 : vector<16xf32>
      %parallel_loop3A_716 = arith.subf %parallel_loop3A_711, %parallel_loop3A_715 : vector<16xf32>
      %parallel_loop3A_717 = arith.mulf %parallel_loop3A_699, %parallel_loop3A_716 : vector<16xf32>
      %parallel_loop3A_718 = arith.constant 6 : i32
      %parallel_loop3A_719 = vector.broadcast %parallel_loop3A_718 : i32 to vector<16xi32>
      %parallel_loop3A_720 = tpu.vector_load_idx %arg7[%parallel_loop3A_719, %parallel_loop3A_610] : memref<16x1024xi32, #tpu.memory_space<vmem>>[vector<16xi32>, vector<16xi32>], vector<16xi32>,
      %parallel_loop3A_721 = arith.constant 1023 : i32
      %parallel_loop3A_722 = vector.broadcast %parallel_loop3A_721 : i32 to vector<16xi32>
      %parallel_loop3A_723 = arith.andi %parallel_loop3A_720, %parallel_loop3A_722 : vector<16xi32>
      %parallel_loop3A_724 = arith.constant 10 : i32
      %parallel_loop3A_725 = vector.broadcast %parallel_loop3A_724 : i32 to vector<16xi32>
      %parallel_loop3A_726 = arith.shrsi %parallel_loop3A_720, %parallel_loop3A_725 : vector<16xi32>
      %parallel_loop3A_727 = arith.sitofp %parallel_loop3A_726 : vector<16xi32> to vector<16xf32>
      %parallel_loop3A_728 = tpu.vector_load_idx %arg6[%parallel_loop3A_57, %parallel_loop3A_723] : memref<32x1024xf32, #tpu.memory_space<vmem>>[vector<16xi32>, vector<16xi32>], vector<16xf32>,
      %parallel_loop3A_729 = arith.addf %parallel_loop3A_727, %parallel_loop3A_728 : vector<16xf32>
      %parallel_loop3A_730 = arith.constant 2.000000e+00 : f32
      %parallel_loop3A_731 = vector.broadcast %parallel_loop3A_730 : f32 to vector<16xf32>
      %parallel_loop3A_732 = arith.mulf %parallel_loop3A_731, %parallel_loop3A_727 : vector<16xf32>
      %parallel_loop3A_733 = arith.mulf %parallel_loop3A_732, %parallel_loop3A_728 : vector<16xf32>
      %parallel_loop3A_734 = arith.subf %parallel_loop3A_729, %parallel_loop3A_733 : vector<16xf32>
      %parallel_loop3A_735 = arith.mulf %parallel_loop3A_717, %parallel_loop3A_734 : vector<16xf32>
      %parallel_loop3A_736 = arith.constant 7 : i32
      %parallel_loop3A_737 = vector.broadcast %parallel_loop3A_736 : i32 to vector<16xi32>
      %parallel_loop3A_738 = tpu.vector_load_idx %arg7[%parallel_loop3A_737, %parallel_loop3A_610] : memref<16x1024xi32, #tpu.memory_space<vmem>>[vector<16xi32>, vector<16xi32>], vector<16xi32>,
      %parallel_loop3A_739 = arith.constant 1023 : i32
      %parallel_loop3A_740 = vector.broadcast %parallel_loop3A_739 : i32 to vector<16xi32>
      %parallel_loop3A_741 = arith.andi %parallel_loop3A_738, %parallel_loop3A_740 : vector<16xi32>
      %parallel_loop3A_742 = arith.constant 10 : i32
      %parallel_loop3A_743 = vector.broadcast %parallel_loop3A_742 : i32 to vector<16xi32>
      %parallel_loop3A_744 = arith.shrsi %parallel_loop3A_738, %parallel_loop3A_743 : vector<16xi32>
      %parallel_loop3A_745 = arith.sitofp %parallel_loop3A_744 : vector<16xi32> to vector<16xf32>
      %parallel_loop3A_746 = tpu.vector_load_idx %arg6[%parallel_loop3A_57, %parallel_loop3A_741] : memref<32x1024xf32, #tpu.memory_space<vmem>>[vector<16xi32>, vector<16xi32>], vector<16xf32>,
      %parallel_loop3A_747 = arith.addf %parallel_loop3A_745, %parallel_loop3A_746 : vector<16xf32>
      %parallel_loop3A_748 = arith.constant 2.000000e+00 : f32
      %parallel_loop3A_749 = vector.broadcast %parallel_loop3A_748 : f32 to vector<16xf32>
      %parallel_loop3A_750 = arith.mulf %parallel_loop3A_749, %parallel_loop3A_745 : vector<16xf32>
      %parallel_loop3A_751 = arith.mulf %parallel_loop3A_750, %parallel_loop3A_746 : vector<16xf32>
      %parallel_loop3A_752 = arith.subf %parallel_loop3A_747, %parallel_loop3A_751 : vector<16xf32>
      %parallel_loop3A_753 = arith.mulf %parallel_loop3A_735, %parallel_loop3A_752 : vector<16xf32>
      %parallel_loop3A_754 = arith.constant 8 : i32
      %parallel_loop3A_755 = vector.broadcast %parallel_loop3A_754 : i32 to vector<16xi32>
      %parallel_loop3A_756 = tpu.vector_load_idx %arg7[%parallel_loop3A_755, %parallel_loop3A_610] : memref<16x1024xi32, #tpu.memory_space<vmem>>[vector<16xi32>, vector<16xi32>], vector<16xi32>,
      %parallel_loop3A_757 = arith.constant 1023 : i32
      %parallel_loop3A_758 = vector.broadcast %parallel_loop3A_757 : i32 to vector<16xi32>
      %parallel_loop3A_759 = arith.andi %parallel_loop3A_756, %parallel_loop3A_758 : vector<16xi32>
      %parallel_loop3A_760 = arith.constant 10 : i32
      %parallel_loop3A_761 = vector.broadcast %parallel_loop3A_760 : i32 to vector<16xi32>
      %parallel_loop3A_762 = arith.shrsi %parallel_loop3A_756, %parallel_loop3A_761 : vector<16xi32>
      %parallel_loop3A_763 = arith.sitofp %parallel_loop3A_762 : vector<16xi32> to vector<16xf32>
      %parallel_loop3A_764 = tpu.vector_load_idx %arg6[%parallel_loop3A_57, %parallel_loop3A_759] : memref<32x1024xf32, #tpu.memory_space<vmem>>[vector<16xi32>, vector<16xi32>], vector<16xf32>,
      %parallel_loop3A_765 = arith.addf %parallel_loop3A_763, %parallel_loop3A_764 : vector<16xf32>
      %parallel_loop3A_766 = arith.constant 2.000000e+00 : f32
      %parallel_loop3A_767 = vector.broadcast %parallel_loop3A_766 : f32 to vector<16xf32>
      %parallel_loop3A_768 = arith.mulf %parallel_loop3A_767, %parallel_loop3A_763 : vector<16xf32>
      %parallel_loop3A_769 = arith.mulf %parallel_loop3A_768, %parallel_loop3A_764 : vector<16xf32>
      %parallel_loop3A_770 = arith.subf %parallel_loop3A_765, %parallel_loop3A_769 : vector<16xf32>
      %parallel_loop3A_771 = arith.mulf %parallel_loop3A_753, %parallel_loop3A_770 : vector<16xf32>
      %parallel_loop3A_772 = arith.constant 9 : i32
      %parallel_loop3A_773 = vector.broadcast %parallel_loop3A_772 : i32 to vector<16xi32>
      %parallel_loop3A_774 = tpu.vector_load_idx %arg7[%parallel_loop3A_773, %parallel_loop3A_610] : memref<16x1024xi32, #tpu.memory_space<vmem>>[vector<16xi32>, vector<16xi32>], vector<16xi32>,
      %parallel_loop3A_775 = arith.constant 1023 : i32
      %parallel_loop3A_776 = vector.broadcast %parallel_loop3A_775 : i32 to vector<16xi32>
      %parallel_loop3A_777 = arith.andi %parallel_loop3A_774, %parallel_loop3A_776 : vector<16xi32>
      %parallel_loop3A_778 = arith.constant 10 : i32
      %parallel_loop3A_779 = vector.broadcast %parallel_loop3A_778 : i32 to vector<16xi32>
      %parallel_loop3A_780 = arith.shrsi %parallel_loop3A_774, %parallel_loop3A_779 : vector<16xi32>
      %parallel_loop3A_781 = arith.sitofp %parallel_loop3A_780 : vector<16xi32> to vector<16xf32>
      %parallel_loop3A_782 = tpu.vector_load_idx %arg6[%parallel_loop3A_57, %parallel_loop3A_777] : memref<32x1024xf32, #tpu.memory_space<vmem>>[vector<16xi32>, vector<16xi32>], vector<16xf32>,
      %parallel_loop3A_783 = arith.addf %parallel_loop3A_781, %parallel_loop3A_782 : vector<16xf32>
      %parallel_loop3A_784 = arith.constant 2.000000e+00 : f32
      %parallel_loop3A_785 = vector.broadcast %parallel_loop3A_784 : f32 to vector<16xf32>
      %parallel_loop3A_786 = arith.mulf %parallel_loop3A_785, %parallel_loop3A_781 : vector<16xf32>
      %parallel_loop3A_787 = arith.mulf %parallel_loop3A_786, %parallel_loop3A_782 : vector<16xf32>
      %parallel_loop3A_788 = arith.subf %parallel_loop3A_783, %parallel_loop3A_787 : vector<16xf32>
      %parallel_loop3A_789 = arith.mulf %parallel_loop3A_771, %parallel_loop3A_788 : vector<16xf32>
      tpu.vector_store_idx %arg9[%parallel_loop3A_57, %parallel_loop3A_609], %parallel_loop3A_789 : memref<32x50xf32, #tpu.memory_space<vmem>>[vector<16xi32>, vector<16xi32>], vector<16xf32>,
    } {sc.loop_unroll_factor = 4 : i64, sc.parallel_access}
    %dma_wait3A_43 = arith.constant 16 : i32
    %dma_wait3A_44 = arith.constant 0 : i32
    %dma_wait3A_45 = tpu.memref_slice %arg6[%dma_wait3A_43, %dma_wait3A_44] : memref<32x1024xf32, #tpu.memory_space<vmem>> -> memref<16x1024xf32, #tpu.memory_space<vmem>>
    %dma_wait3A_46 = arith.constant 0 : i32
    %dma_wait3A_47 = tpu.memref_slice %arg2[%add3A_13, %dma_wait3A_46] : memref<1024x1024xf32, #tpu.memory_space<hbm>> -> memref<16x1024xf32, #tpu.memory_space<hbm>>
    %dma_wait3A_48 = arith.constant 16 : i32
    %dma_wait3A_49 = arith.constant 0 : i32
    %dma_wait3A_50 = tpu.memref_slice %arg6[%dma_wait3A_48, %dma_wait3A_49] : memref<32x1024xf32, #tpu.memory_space<vmem>> -> memref<16x1024xf32, #tpu.memory_space<vmem>>
    %dma_wait3A_51 = arith.constant 0 : i32
    %dma_wait3A_52 = tpu.memref_slice %arg2[%add3A_13, %dma_wait3A_51] : memref<1024x1024xf32, #tpu.memory_space<hbm>> -> memref<16x1024xf32, #tpu.memory_space<hbm>>
    tpu.wait_dma2 semaphore(%arg12 : memref<!tpu.dma_semaphore, #tpu.memory_space<semaphore_mem>>) src(%dma_wait3A_52 : memref<16x1024xf32, #tpu.memory_space<hbm>>) dst(%dma_wait3A_50 : memref<16x1024xf32, #tpu.memory_space<vmem>>)
    %parallel_loop3A_53 = arith.constant 16 : i32
    %parallel_loop3A_54 = arith.constant 32 : i32
    %parallel_loop3A_55 = arith.constant 1 : i32
    scf.for %parallel_loop3A_56 = %parallel_loop3A_53 to %parallel_loop3A_54 step %parallel_loop3A_55  : i32 {
      %parallel_loop3A_57 = vector.broadcast %parallel_loop3A_56 : i32 to vector<16xi32>
      %parallel_loop3A_58 = arith.constant 0 : i32
      %parallel_loop3A_59 = vector.broadcast %parallel_loop3A_58 : i32 to vector<16xi32>
      %parallel_loop3A_60 = arith.addi %iota3A, %parallel_loop3A_59 : vector<16xi32>
      %parallel_loop3A_61 = tpu.vector_load_idx %arg8[%parallel_loop3A_57, %parallel_loop3A_60] : memref<32x50xi32, #tpu.memory_space<vmem>>[vector<16xi32>, vector<16xi32>], vector<16xi32>,
      %parallel_loop3A_62 = arith.constant 0 : i32
      %parallel_loop3A_63 = vector.broadcast %parallel_loop3A_62 : i32 to vector<16xi32>
      %parallel_loop3A_64 = tpu.vector_load_idx %arg7[%parallel_loop3A_63, %parallel_loop3A_61] : memref<16x1024xi32, #tpu.memory_space<vmem>>[vector<16xi32>, vector<16xi32>], vector<16xi32>,
      %parallel_loop3A_65 = arith.constant 1023 : i32
      %parallel_loop3A_66 = vector.broadcast %parallel_loop3A_65 : i32 to vector<16xi32>
      %parallel_loop3A_67 = arith.andi %parallel_loop3A_64, %parallel_loop3A_66 : vector<16xi32>
      %parallel_loop3A_68 = arith.constant 10 : i32
      %parallel_loop3A_69 = vector.broadcast %parallel_loop3A_68 : i32 to vector<16xi32>
      %parallel_loop3A_70 = arith.shrsi %parallel_loop3A_64, %parallel_loop3A_69 : vector<16xi32>
      %parallel_loop3A_71 = arith.sitofp %parallel_loop3A_70 : vector<16xi32> to vector<16xf32>
      %parallel_loop3A_72 = tpu.vector_load_idx %arg6[%parallel_loop3A_57, %parallel_loop3A_67] : memref<32x1024xf32, #tpu.memory_space<vmem>>[vector<16xi32>, vector<16xi32>], vector<16xf32>,
      %parallel_loop3A_73 = arith.addf %parallel_loop3A_71, %parallel_loop3A_72 : vector<16xf32>
      %parallel_loop3A_74 = arith.constant 2.000000e+00 : f32
      %parallel_loop3A_75 = vector.broadcast %parallel_loop3A_74 : f32 to vector<16xf32>
      %parallel_loop3A_76 = arith.mulf %parallel_loop3A_75, %parallel_loop3A_71 : vector<16xf32>
      %parallel_loop3A_77 = arith.mulf %parallel_loop3A_76, %parallel_loop3A_72 : vector<16xf32>
      %parallel_loop3A_78 = arith.subf %parallel_loop3A_73, %parallel_loop3A_77 : vector<16xf32>
      %parallel_loop3A_79 = arith.constant 1 : i32
      %parallel_loop3A_80 = vector.broadcast %parallel_loop3A_79 : i32 to vector<16xi32>
      %parallel_loop3A_81 = tpu.vector_load_idx %arg7[%parallel_loop3A_80, %parallel_loop3A_61] : memref<16x1024xi32, #tpu.memory_space<vmem>>[vector<16xi32>, vector<16xi32>], vector<16xi32>,
      %parallel_loop3A_82 = arith.constant 1023 : i32
      %parallel_loop3A_83 = vector.broadcast %parallel_loop3A_82 : i32 to vector<16xi32>
      %parallel_loop3A_84 = arith.andi %parallel_loop3A_81, %parallel_loop3A_83 : vector<16xi32>
      %parallel_loop3A_85 = arith.constant 10 : i32
      %parallel_loop3A_86 = vector.broadcast %parallel_loop3A_85 : i32 to vector<16xi32>
      %parallel_loop3A_87 = arith.shrsi %parallel_loop3A_81, %parallel_loop3A_86 : vector<16xi32>
      %parallel_loop3A_88 = arith.sitofp %parallel_loop3A_87 : vector<16xi32> to vector<16xf32>
      %parallel_loop3A_89 = tpu.vector_load_idx %arg6[%parallel_loop3A_57, %parallel_loop3A_84] : memref<32x1024xf32, #tpu.memory_space<vmem>>[vector<16xi32>, vector<16xi32>], vector<16xf32>,
      %parallel_loop3A_90 = arith.addf %parallel_loop3A_88, %parallel_loop3A_89 : vector<16xf32>
      %parallel_loop3A_91 = arith.constant 2.000000e+00 : f32
      %parallel_loop3A_92 = vector.broadcast %parallel_loop3A_91 : f32 to vector<16xf32>
      %parallel_loop3A_93 = arith.mulf %parallel_loop3A_92, %parallel_loop3A_88 : vector<16xf32>
      %parallel_loop3A_94 = arith.mulf %parallel_loop3A_93, %parallel_loop3A_89 : vector<16xf32>
      %parallel_loop3A_95 = arith.subf %parallel_loop3A_90, %parallel_loop3A_94 : vector<16xf32>
      %parallel_loop3A_96 = arith.mulf %parallel_loop3A_78, %parallel_loop3A_95 : vector<16xf32>
      %parallel_loop3A_97 = arith.constant 2 : i32
      %parallel_loop3A_98 = vector.broadcast %parallel_loop3A_97 : i32 to vector<16xi32>
      %parallel_loop3A_99 = tpu.vector_load_idx %arg7[%parallel_loop3A_98, %parallel_loop3A_61] : memref<16x1024xi32, #tpu.memory_space<vmem>>[vector<16xi32>, vector<16xi32>], vector<16xi32>,
      %parallel_loop3A_100 = arith.constant 1023 : i32
      %parallel_loop3A_101 = vector.broadcast %parallel_loop3A_100 : i32 to vector<16xi32>
      %parallel_loop3A_102 = arith.andi %parallel_loop3A_99, %parallel_loop3A_101 : vector<16xi32>
      %parallel_loop3A_103 = arith.constant 10 : i32
      %parallel_loop3A_104 = vector.broadcast %parallel_loop3A_103 : i32 to vector<16xi32>
      %parallel_loop3A_105 = arith.shrsi %parallel_loop3A_99, %parallel_loop3A_104 : vector<16xi32>
      %parallel_loop3A_106 = arith.sitofp %parallel_loop3A_105 : vector<16xi32> to vector<16xf32>
      %parallel_loop3A_107 = tpu.vector_load_idx %arg6[%parallel_loop3A_57, %parallel_loop3A_102] : memref<32x1024xf32, #tpu.memory_space<vmem>>[vector<16xi32>, vector<16xi32>], vector<16xf32>,
      %parallel_loop3A_108 = arith.addf %parallel_loop3A_106, %parallel_loop3A_107 : vector<16xf32>
      %parallel_loop3A_109 = arith.constant 2.000000e+00 : f32
      %parallel_loop3A_110 = vector.broadcast %parallel_loop3A_109 : f32 to vector<16xf32>
      %parallel_loop3A_111 = arith.mulf %parallel_loop3A_110, %parallel_loop3A_106 : vector<16xf32>
      %parallel_loop3A_112 = arith.mulf %parallel_loop3A_111, %parallel_loop3A_107 : vector<16xf32>
      %parallel_loop3A_113 = arith.subf %parallel_loop3A_108, %parallel_loop3A_112 : vector<16xf32>
      %parallel_loop3A_114 = arith.mulf %parallel_loop3A_96, %parallel_loop3A_113 : vector<16xf32>
      %parallel_loop3A_115 = arith.constant 3 : i32
      %parallel_loop3A_116 = vector.broadcast %parallel_loop3A_115 : i32 to vector<16xi32>
      %parallel_loop3A_117 = tpu.vector_load_idx %arg7[%parallel_loop3A_116, %parallel_loop3A_61] : memref<16x1024xi32, #tpu.memory_space<vmem>>[vector<16xi32>, vector<16xi32>], vector<16xi32>,
      %parallel_loop3A_118 = arith.constant 1023 : i32
      %parallel_loop3A_119 = vector.broadcast %parallel_loop3A_118 : i32 to vector<16xi32>
      %parallel_loop3A_120 = arith.andi %parallel_loop3A_117, %parallel_loop3A_119 : vector<16xi32>
      %parallel_loop3A_121 = arith.constant 10 : i32
      %parallel_loop3A_122 = vector.broadcast %parallel_loop3A_121 : i32 to vector<16xi32>
      %parallel_loop3A_123 = arith.shrsi %parallel_loop3A_117, %parallel_loop3A_122 : vector<16xi32>
      %parallel_loop3A_124 = arith.sitofp %parallel_loop3A_123 : vector<16xi32> to vector<16xf32>
      %parallel_loop3A_125 = tpu.vector_load_idx %arg6[%parallel_loop3A_57, %parallel_loop3A_120] : memref<32x1024xf32, #tpu.memory_space<vmem>>[vector<16xi32>, vector<16xi32>], vector<16xf32>,
      %parallel_loop3A_126 = arith.addf %parallel_loop3A_124, %parallel_loop3A_125 : vector<16xf32>
      %parallel_loop3A_127 = arith.constant 2.000000e+00 : f32
      %parallel_loop3A_128 = vector.broadcast %parallel_loop3A_127 : f32 to vector<16xf32>
      %parallel_loop3A_129 = arith.mulf %parallel_loop3A_128, %parallel_loop3A_124 : vector<16xf32>
      %parallel_loop3A_130 = arith.mulf %parallel_loop3A_129, %parallel_loop3A_125 : vector<16xf32>
      %parallel_loop3A_131 = arith.subf %parallel_loop3A_126, %parallel_loop3A_130 : vector<16xf32>
      %parallel_loop3A_132 = arith.mulf %parallel_loop3A_114, %parallel_loop3A_131 : vector<16xf32>
      %parallel_loop3A_133 = arith.constant 4 : i32
      %parallel_loop3A_134 = vector.broadcast %parallel_loop3A_133 : i32 to vector<16xi32>
      %parallel_loop3A_135 = tpu.vector_load_idx %arg7[%parallel_loop3A_134, %parallel_loop3A_61] : memref<16x1024xi32, #tpu.memory_space<vmem>>[vector<16xi32>, vector<16xi32>], vector<16xi32>,
      %parallel_loop3A_136 = arith.constant 1023 : i32
      %parallel_loop3A_137 = vector.broadcast %parallel_loop3A_136 : i32 to vector<16xi32>
      %parallel_loop3A_138 = arith.andi %parallel_loop3A_135, %parallel_loop3A_137 : vector<16xi32>
      %parallel_loop3A_139 = arith.constant 10 : i32
      %parallel_loop3A_140 = vector.broadcast %parallel_loop3A_139 : i32 to vector<16xi32>
      %parallel_loop3A_141 = arith.shrsi %parallel_loop3A_135, %parallel_loop3A_140 : vector<16xi32>
      %parallel_loop3A_142 = arith.sitofp %parallel_loop3A_141 : vector<16xi32> to vector<16xf32>
      %parallel_loop3A_143 = tpu.vector_load_idx %arg6[%parallel_loop3A_57, %parallel_loop3A_138] : memref<32x1024xf32, #tpu.memory_space<vmem>>[vector<16xi32>, vector<16xi32>], vector<16xf32>,
      %parallel_loop3A_144 = arith.addf %parallel_loop3A_142, %parallel_loop3A_143 : vector<16xf32>
      %parallel_loop3A_145 = arith.constant 2.000000e+00 : f32
      %parallel_loop3A_146 = vector.broadcast %parallel_loop3A_145 : f32 to vector<16xf32>
      %parallel_loop3A_147 = arith.mulf %parallel_loop3A_146, %parallel_loop3A_142 : vector<16xf32>
      %parallel_loop3A_148 = arith.mulf %parallel_loop3A_147, %parallel_loop3A_143 : vector<16xf32>
      %parallel_loop3A_149 = arith.subf %parallel_loop3A_144, %parallel_loop3A_148 : vector<16xf32>
      %parallel_loop3A_150 = arith.mulf %parallel_loop3A_132, %parallel_loop3A_149 : vector<16xf32>
      %parallel_loop3A_151 = arith.constant 5 : i32
      %parallel_loop3A_152 = vector.broadcast %parallel_loop3A_151 : i32 to vector<16xi32>
      %parallel_loop3A_153 = tpu.vector_load_idx %arg7[%parallel_loop3A_152, %parallel_loop3A_61] : memref<16x1024xi32, #tpu.memory_space<vmem>>[vector<16xi32>, vector<16xi32>], vector<16xi32>,
      %parallel_loop3A_154 = arith.constant 1023 : i32
      %parallel_loop3A_155 = vector.broadcast %parallel_loop3A_154 : i32 to vector<16xi32>
      %parallel_loop3A_156 = arith.andi %parallel_loop3A_153, %parallel_loop3A_155 : vector<16xi32>
      %parallel_loop3A_157 = arith.constant 10 : i32
      %parallel_loop3A_158 = vector.broadcast %parallel_loop3A_157 : i32 to vector<16xi32>
      %parallel_loop3A_159 = arith.shrsi %parallel_loop3A_153, %parallel_loop3A_158 : vector<16xi32>
      %parallel_loop3A_160 = arith.sitofp %parallel_loop3A_159 : vector<16xi32> to vector<16xf32>
      %parallel_loop3A_161 = tpu.vector_load_idx %arg6[%parallel_loop3A_57, %parallel_loop3A_156] : memref<32x1024xf32, #tpu.memory_space<vmem>>[vector<16xi32>, vector<16xi32>], vector<16xf32>,
      %parallel_loop3A_162 = arith.addf %parallel_loop3A_160, %parallel_loop3A_161 : vector<16xf32>
      %parallel_loop3A_163 = arith.constant 2.000000e+00 : f32
      %parallel_loop3A_164 = vector.broadcast %parallel_loop3A_163 : f32 to vector<16xf32>
      %parallel_loop3A_165 = arith.mulf %parallel_loop3A_164, %parallel_loop3A_160 : vector<16xf32>
      %parallel_loop3A_166 = arith.mulf %parallel_loop3A_165, %parallel_loop3A_161 : vector<16xf32>
      %parallel_loop3A_167 = arith.subf %parallel_loop3A_162, %parallel_loop3A_166 : vector<16xf32>
      %parallel_loop3A_168 = arith.mulf %parallel_loop3A_150, %parallel_loop3A_167 : vector<16xf32>
      %parallel_loop3A_169 = arith.constant 6 : i32
      %parallel_loop3A_170 = vector.broadcast %parallel_loop3A_169 : i32 to vector<16xi32>
      %parallel_loop3A_171 = tpu.vector_load_idx %arg7[%parallel_loop3A_170, %parallel_loop3A_61] : memref<16x1024xi32, #tpu.memory_space<vmem>>[vector<16xi32>, vector<16xi32>], vector<16xi32>,
      %parallel_loop3A_172 = arith.constant 1023 : i32
      %parallel_loop3A_173 = vector.broadcast %parallel_loop3A_172 : i32 to vector<16xi32>
      %parallel_loop3A_174 = arith.andi %parallel_loop3A_171, %parallel_loop3A_173 : vector<16xi32>
      %parallel_loop3A_175 = arith.constant 10 : i32
      %parallel_loop3A_176 = vector.broadcast %parallel_loop3A_175 : i32 to vector<16xi32>
      %parallel_loop3A_177 = arith.shrsi %parallel_loop3A_171, %parallel_loop3A_176 : vector<16xi32>
      %parallel_loop3A_178 = arith.sitofp %parallel_loop3A_177 : vector<16xi32> to vector<16xf32>
      %parallel_loop3A_179 = tpu.vector_load_idx %arg6[%parallel_loop3A_57, %parallel_loop3A_174] : memref<32x1024xf32, #tpu.memory_space<vmem>>[vector<16xi32>, vector<16xi32>], vector<16xf32>,
      %parallel_loop3A_180 = arith.addf %parallel_loop3A_178, %parallel_loop3A_179 : vector<16xf32>
      %parallel_loop3A_181 = arith.constant 2.000000e+00 : f32
      %parallel_loop3A_182 = vector.broadcast %parallel_loop3A_181 : f32 to vector<16xf32>
      %parallel_loop3A_183 = arith.mulf %parallel_loop3A_182, %parallel_loop3A_178 : vector<16xf32>
      %parallel_loop3A_184 = arith.mulf %parallel_loop3A_183, %parallel_loop3A_179 : vector<16xf32>
      %parallel_loop3A_185 = arith.subf %parallel_loop3A_180, %parallel_loop3A_184 : vector<16xf32>
      %parallel_loop3A_186 = arith.mulf %parallel_loop3A_168, %parallel_loop3A_185 : vector<16xf32>
      %parallel_loop3A_187 = arith.constant 7 : i32
      %parallel_loop3A_188 = vector.broadcast %parallel_loop3A_187 : i32 to vector<16xi32>
      %parallel_loop3A_189 = tpu.vector_load_idx %arg7[%parallel_loop3A_188, %parallel_loop3A_61] : memref<16x1024xi32, #tpu.memory_space<vmem>>[vector<16xi32>, vector<16xi32>], vector<16xi32>,
      %parallel_loop3A_190 = arith.constant 1023 : i32
      %parallel_loop3A_191 = vector.broadcast %parallel_loop3A_190 : i32 to vector<16xi32>
      %parallel_loop3A_192 = arith.andi %parallel_loop3A_189, %parallel_loop3A_191 : vector<16xi32>
      %parallel_loop3A_193 = arith.constant 10 : i32
      %parallel_loop3A_194 = vector.broadcast %parallel_loop3A_193 : i32 to vector<16xi32>
      %parallel_loop3A_195 = arith.shrsi %parallel_loop3A_189, %parallel_loop3A_194 : vector<16xi32>
      %parallel_loop3A_196 = arith.sitofp %parallel_loop3A_195 : vector<16xi32> to vector<16xf32>
      %parallel_loop3A_197 = tpu.vector_load_idx %arg6[%parallel_loop3A_57, %parallel_loop3A_192] : memref<32x1024xf32, #tpu.memory_space<vmem>>[vector<16xi32>, vector<16xi32>], vector<16xf32>,
      %parallel_loop3A_198 = arith.addf %parallel_loop3A_196, %parallel_loop3A_197 : vector<16xf32>
      %parallel_loop3A_199 = arith.constant 2.000000e+00 : f32
      %parallel_loop3A_200 = vector.broadcast %parallel_loop3A_199 : f32 to vector<16xf32>
      %parallel_loop3A_201 = arith.mulf %parallel_loop3A_200, %parallel_loop3A_196 : vector<16xf32>
      %parallel_loop3A_202 = arith.mulf %parallel_loop3A_201, %parallel_loop3A_197 : vector<16xf32>
      %parallel_loop3A_203 = arith.subf %parallel_loop3A_198, %parallel_loop3A_202 : vector<16xf32>
      %parallel_loop3A_204 = arith.mulf %parallel_loop3A_186, %parallel_loop3A_203 : vector<16xf32>
      %parallel_loop3A_205 = arith.constant 8 : i32
      %parallel_loop3A_206 = vector.broadcast %parallel_loop3A_205 : i32 to vector<16xi32>
      %parallel_loop3A_207 = tpu.vector_load_idx %arg7[%parallel_loop3A_206, %parallel_loop3A_61] : memref<16x1024xi32, #tpu.memory_space<vmem>>[vector<16xi32>, vector<16xi32>], vector<16xi32>,
      %parallel_loop3A_208 = arith.constant 1023 : i32
      %parallel_loop3A_209 = vector.broadcast %parallel_loop3A_208 : i32 to vector<16xi32>
      %parallel_loop3A_210 = arith.andi %parallel_loop3A_207, %parallel_loop3A_209 : vector<16xi32>
      %parallel_loop3A_211 = arith.constant 10 : i32
      %parallel_loop3A_212 = vector.broadcast %parallel_loop3A_211 : i32 to vector<16xi32>
      %parallel_loop3A_213 = arith.shrsi %parallel_loop3A_207, %parallel_loop3A_212 : vector<16xi32>
      %parallel_loop3A_214 = arith.sitofp %parallel_loop3A_213 : vector<16xi32> to vector<16xf32>
      %parallel_loop3A_215 = tpu.vector_load_idx %arg6[%parallel_loop3A_57, %parallel_loop3A_210] : memref<32x1024xf32, #tpu.memory_space<vmem>>[vector<16xi32>, vector<16xi32>], vector<16xf32>,
      %parallel_loop3A_216 = arith.addf %parallel_loop3A_214, %parallel_loop3A_215 : vector<16xf32>
      %parallel_loop3A_217 = arith.constant 2.000000e+00 : f32
      %parallel_loop3A_218 = vector.broadcast %parallel_loop3A_217 : f32 to vector<16xf32>
      %parallel_loop3A_219 = arith.mulf %parallel_loop3A_218, %parallel_loop3A_214 : vector<16xf32>
      %parallel_loop3A_220 = arith.mulf %parallel_loop3A_219, %parallel_loop3A_215 : vector<16xf32>
      %parallel_loop3A_221 = arith.subf %parallel_loop3A_216, %parallel_loop3A_220 : vector<16xf32>
      %parallel_loop3A_222 = arith.mulf %parallel_loop3A_204, %parallel_loop3A_221 : vector<16xf32>
      %parallel_loop3A_223 = arith.constant 9 : i32
      %parallel_loop3A_224 = vector.broadcast %parallel_loop3A_223 : i32 to vector<16xi32>
      %parallel_loop3A_225 = tpu.vector_load_idx %arg7[%parallel_loop3A_224, %parallel_loop3A_61] : memref<16x1024xi32, #tpu.memory_space<vmem>>[vector<16xi32>, vector<16xi32>], vector<16xi32>,
      %parallel_loop3A_226 = arith.constant 1023 : i32
      %parallel_loop3A_227 = vector.broadcast %parallel_loop3A_226 : i32 to vector<16xi32>
      %parallel_loop3A_228 = arith.andi %parallel_loop3A_225, %parallel_loop3A_227 : vector<16xi32>
      %parallel_loop3A_229 = arith.constant 10 : i32
      %parallel_loop3A_230 = vector.broadcast %parallel_loop3A_229 : i32 to vector<16xi32>
      %parallel_loop3A_231 = arith.shrsi %parallel_loop3A_225, %parallel_loop3A_230 : vector<16xi32>
      %parallel_loop3A_232 = arith.sitofp %parallel_loop3A_231 : vector<16xi32> to vector<16xf32>
      %parallel_loop3A_233 = tpu.vector_load_idx %arg6[%parallel_loop3A_57, %parallel_loop3A_228] : memref<32x1024xf32, #tpu.memory_space<vmem>>[vector<16xi32>, vector<16xi32>], vector<16xf32>,
      %parallel_loop3A_234 = arith.addf %parallel_loop3A_232, %parallel_loop3A_233 : vector<16xf32>
      %parallel_loop3A_235 = arith.constant 2.000000e+00 : f32
      %parallel_loop3A_236 = vector.broadcast %parallel_loop3A_235 : f32 to vector<16xf32>
      %parallel_loop3A_237 = arith.mulf %parallel_loop3A_236, %parallel_loop3A_232 : vector<16xf32>
      %parallel_loop3A_238 = arith.mulf %parallel_loop3A_237, %parallel_loop3A_233 : vector<16xf32>
      %parallel_loop3A_239 = arith.subf %parallel_loop3A_234, %parallel_loop3A_238 : vector<16xf32>
      %parallel_loop3A_240 = arith.mulf %parallel_loop3A_222, %parallel_loop3A_239 : vector<16xf32>
      tpu.vector_store_idx %arg9[%parallel_loop3A_57, %parallel_loop3A_60], %parallel_loop3A_240 : memref<32x50xf32, #tpu.memory_space<vmem>>[vector<16xi32>, vector<16xi32>], vector<16xf32>,
      %parallel_loop3A_241 = arith.constant 16 : i32
      %parallel_loop3A_242 = vector.broadcast %parallel_loop3A_241 : i32 to vector<16xi32>
      %parallel_loop3A_243 = arith.addi %iota3A, %parallel_loop3A_242 : vector<16xi32>
      %parallel_loop3A_244 = tpu.vector_load_idx %arg8[%parallel_loop3A_57, %parallel_loop3A_243] : memref<32x50xi32, #tpu.memory_space<vmem>>[vector<16xi32>, vector<16xi32>], vector<16xi32>,
      %parallel_loop3A_245 = arith.constant 0 : i32
      %parallel_loop3A_246 = vector.broadcast %parallel_loop3A_245 : i32 to vector<16xi32>
      %parallel_loop3A_247 = tpu.vector_load_idx %arg7[%parallel_loop3A_246, %parallel_loop3A_244] : memref<16x1024xi32, #tpu.memory_space<vmem>>[vector<16xi32>, vector<16xi32>], vector<16xi32>,
      %parallel_loop3A_248 = arith.constant 1023 : i32
      %parallel_loop3A_249 = vector.broadcast %parallel_loop3A_248 : i32 to vector<16xi32>
      %parallel_loop3A_250 = arith.andi %parallel_loop3A_247, %parallel_loop3A_249 : vector<16xi32>
      %parallel_loop3A_251 = arith.constant 10 : i32
      %parallel_loop3A_252 = vector.broadcast %parallel_loop3A_251 : i32 to vector<16xi32>
      %parallel_loop3A_253 = arith.shrsi %parallel_loop3A_247, %parallel_loop3A_252 : vector<16xi32>
      %parallel_loop3A_254 = arith.sitofp %parallel_loop3A_253 : vector<16xi32> to vector<16xf32>
      %parallel_loop3A_255 = tpu.vector_load_idx %arg6[%parallel_loop3A_57, %parallel_loop3A_250] : memref<32x1024xf32, #tpu.memory_space<vmem>>[vector<16xi32>, vector<16xi32>], vector<16xf32>,
      %parallel_loop3A_256 = arith.addf %parallel_loop3A_254, %parallel_loop3A_255 : vector<16xf32>
      %parallel_loop3A_257 = arith.constant 2.000000e+00 : f32
      %parallel_loop3A_258 = vector.broadcast %parallel_loop3A_257 : f32 to vector<16xf32>
      %parallel_loop3A_259 = arith.mulf %parallel_loop3A_258, %parallel_loop3A_254 : vector<16xf32>
      %parallel_loop3A_260 = arith.mulf %parallel_loop3A_259, %parallel_loop3A_255 : vector<16xf32>
      %parallel_loop3A_261 = arith.subf %parallel_loop3A_256, %parallel_loop3A_260 : vector<16xf32>
      %parallel_loop3A_262 = arith.constant 1 : i32
      %parallel_loop3A_263 = vector.broadcast %parallel_loop3A_262 : i32 to vector<16xi32>
      %parallel_loop3A_264 = tpu.vector_load_idx %arg7[%parallel_loop3A_263, %parallel_loop3A_244] : memref<16x1024xi32, #tpu.memory_space<vmem>>[vector<16xi32>, vector<16xi32>], vector<16xi32>,
      %parallel_loop3A_265 = arith.constant 1023 : i32
      %parallel_loop3A_266 = vector.broadcast %parallel_loop3A_265 : i32 to vector<16xi32>
      %parallel_loop3A_267 = arith.andi %parallel_loop3A_264, %parallel_loop3A_266 : vector<16xi32>
      %parallel_loop3A_268 = arith.constant 10 : i32
      %parallel_loop3A_269 = vector.broadcast %parallel_loop3A_268 : i32 to vector<16xi32>
      %parallel_loop3A_270 = arith.shrsi %parallel_loop3A_264, %parallel_loop3A_269 : vector<16xi32>
      %parallel_loop3A_271 = arith.sitofp %parallel_loop3A_270 : vector<16xi32> to vector<16xf32>
      %parallel_loop3A_272 = tpu.vector_load_idx %arg6[%parallel_loop3A_57, %parallel_loop3A_267] : memref<32x1024xf32, #tpu.memory_space<vmem>>[vector<16xi32>, vector<16xi32>], vector<16xf32>,
      %parallel_loop3A_273 = arith.addf %parallel_loop3A_271, %parallel_loop3A_272 : vector<16xf32>
      %parallel_loop3A_274 = arith.constant 2.000000e+00 : f32
      %parallel_loop3A_275 = vector.broadcast %parallel_loop3A_274 : f32 to vector<16xf32>
      %parallel_loop3A_276 = arith.mulf %parallel_loop3A_275, %parallel_loop3A_271 : vector<16xf32>
      %parallel_loop3A_277 = arith.mulf %parallel_loop3A_276, %parallel_loop3A_272 : vector<16xf32>
      %parallel_loop3A_278 = arith.subf %parallel_loop3A_273, %parallel_loop3A_277 : vector<16xf32>
      %parallel_loop3A_279 = arith.mulf %parallel_loop3A_261, %parallel_loop3A_278 : vector<16xf32>
      %parallel_loop3A_280 = arith.constant 2 : i32
      %parallel_loop3A_281 = vector.broadcast %parallel_loop3A_280 : i32 to vector<16xi32>
      %parallel_loop3A_282 = tpu.vector_load_idx %arg7[%parallel_loop3A_281, %parallel_loop3A_244] : memref<16x1024xi32, #tpu.memory_space<vmem>>[vector<16xi32>, vector<16xi32>], vector<16xi32>,
      %parallel_loop3A_283 = arith.constant 1023 : i32
      %parallel_loop3A_284 = vector.broadcast %parallel_loop3A_283 : i32 to vector<16xi32>
      %parallel_loop3A_285 = arith.andi %parallel_loop3A_282, %parallel_loop3A_284 : vector<16xi32>
      %parallel_loop3A_286 = arith.constant 10 : i32
      %parallel_loop3A_287 = vector.broadcast %parallel_loop3A_286 : i32 to vector<16xi32>
      %parallel_loop3A_288 = arith.shrsi %parallel_loop3A_282, %parallel_loop3A_287 : vector<16xi32>
      %parallel_loop3A_289 = arith.sitofp %parallel_loop3A_288 : vector<16xi32> to vector<16xf32>
      %parallel_loop3A_290 = tpu.vector_load_idx %arg6[%parallel_loop3A_57, %parallel_loop3A_285] : memref<32x1024xf32, #tpu.memory_space<vmem>>[vector<16xi32>, vector<16xi32>], vector<16xf32>,
      %parallel_loop3A_291 = arith.addf %parallel_loop3A_289, %parallel_loop3A_290 : vector<16xf32>
      %parallel_loop3A_292 = arith.constant 2.000000e+00 : f32
      %parallel_loop3A_293 = vector.broadcast %parallel_loop3A_292 : f32 to vector<16xf32>
      %parallel_loop3A_294 = arith.mulf %parallel_loop3A_293, %parallel_loop3A_289 : vector<16xf32>
      %parallel_loop3A_295 = arith.mulf %parallel_loop3A_294, %parallel_loop3A_290 : vector<16xf32>
      %parallel_loop3A_296 = arith.subf %parallel_loop3A_291, %parallel_loop3A_295 : vector<16xf32>
      %parallel_loop3A_297 = arith.mulf %parallel_loop3A_279, %parallel_loop3A_296 : vector<16xf32>
      %parallel_loop3A_298 = arith.constant 3 : i32
      %parallel_loop3A_299 = vector.broadcast %parallel_loop3A_298 : i32 to vector<16xi32>
      %parallel_loop3A_300 = tpu.vector_load_idx %arg7[%parallel_loop3A_299, %parallel_loop3A_244] : memref<16x1024xi32, #tpu.memory_space<vmem>>[vector<16xi32>, vector<16xi32>], vector<16xi32>,
      %parallel_loop3A_301 = arith.constant 1023 : i32
      %parallel_loop3A_302 = vector.broadcast %parallel_loop3A_301 : i32 to vector<16xi32>
      %parallel_loop3A_303 = arith.andi %parallel_loop3A_300, %parallel_loop3A_302 : vector<16xi32>
      %parallel_loop3A_304 = arith.constant 10 : i32
      %parallel_loop3A_305 = vector.broadcast %parallel_loop3A_304 : i32 to vector<16xi32>
      %parallel_loop3A_306 = arith.shrsi %parallel_loop3A_300, %parallel_loop3A_305 : vector<16xi32>
      %parallel_loop3A_307 = arith.sitofp %parallel_loop3A_306 : vector<16xi32> to vector<16xf32>
      %parallel_loop3A_308 = tpu.vector_load_idx %arg6[%parallel_loop3A_57, %parallel_loop3A_303] : memref<32x1024xf32, #tpu.memory_space<vmem>>[vector<16xi32>, vector<16xi32>], vector<16xf32>,
      %parallel_loop3A_309 = arith.addf %parallel_loop3A_307, %parallel_loop3A_308 : vector<16xf32>
      %parallel_loop3A_310 = arith.constant 2.000000e+00 : f32
      %parallel_loop3A_311 = vector.broadcast %parallel_loop3A_310 : f32 to vector<16xf32>
      %parallel_loop3A_312 = arith.mulf %parallel_loop3A_311, %parallel_loop3A_307 : vector<16xf32>
      %parallel_loop3A_313 = arith.mulf %parallel_loop3A_312, %parallel_loop3A_308 : vector<16xf32>
      %parallel_loop3A_314 = arith.subf %parallel_loop3A_309, %parallel_loop3A_313 : vector<16xf32>
      %parallel_loop3A_315 = arith.mulf %parallel_loop3A_297, %parallel_loop3A_314 : vector<16xf32>
      %parallel_loop3A_316 = arith.constant 4 : i32
      %parallel_loop3A_317 = vector.broadcast %parallel_loop3A_316 : i32 to vector<16xi32>
      %parallel_loop3A_318 = tpu.vector_load_idx %arg7[%parallel_loop3A_317, %parallel_loop3A_244] : memref<16x1024xi32, #tpu.memory_space<vmem>>[vector<16xi32>, vector<16xi32>], vector<16xi32>,
      %parallel_loop3A_319 = arith.constant 1023 : i32
      %parallel_loop3A_320 = vector.broadcast %parallel_loop3A_319 : i32 to vector<16xi32>
      %parallel_loop3A_321 = arith.andi %parallel_loop3A_318, %parallel_loop3A_320 : vector<16xi32>
      %parallel_loop3A_322 = arith.constant 10 : i32
      %parallel_loop3A_323 = vector.broadcast %parallel_loop3A_322 : i32 to vector<16xi32>
      %parallel_loop3A_324 = arith.shrsi %parallel_loop3A_318, %parallel_loop3A_323 : vector<16xi32>
      %parallel_loop3A_325 = arith.sitofp %parallel_loop3A_324 : vector<16xi32> to vector<16xf32>
      %parallel_loop3A_326 = tpu.vector_load_idx %arg6[%parallel_loop3A_57, %parallel_loop3A_321] : memref<32x1024xf32, #tpu.memory_space<vmem>>[vector<16xi32>, vector<16xi32>], vector<16xf32>,
      %parallel_loop3A_327 = arith.addf %parallel_loop3A_325, %parallel_loop3A_326 : vector<16xf32>
      %parallel_loop3A_328 = arith.constant 2.000000e+00 : f32
      %parallel_loop3A_329 = vector.broadcast %parallel_loop3A_328 : f32 to vector<16xf32>
      %parallel_loop3A_330 = arith.mulf %parallel_loop3A_329, %parallel_loop3A_325 : vector<16xf32>
      %parallel_loop3A_331 = arith.mulf %parallel_loop3A_330, %parallel_loop3A_326 : vector<16xf32>
      %parallel_loop3A_332 = arith.subf %parallel_loop3A_327, %parallel_loop3A_331 : vector<16xf32>
      %parallel_loop3A_333 = arith.mulf %parallel_loop3A_315, %parallel_loop3A_332 : vector<16xf32>
      %parallel_loop3A_334 = arith.constant 5 : i32
      %parallel_loop3A_335 = vector.broadcast %parallel_loop3A_334 : i32 to vector<16xi32>
      %parallel_loop3A_336 = tpu.vector_load_idx %arg7[%parallel_loop3A_335, %parallel_loop3A_244] : memref<16x1024xi32, #tpu.memory_space<vmem>>[vector<16xi32>, vector<16xi32>], vector<16xi32>,
      %parallel_loop3A_337 = arith.constant 1023 : i32
      %parallel_loop3A_338 = vector.broadcast %parallel_loop3A_337 : i32 to vector<16xi32>
      %parallel_loop3A_339 = arith.andi %parallel_loop3A_336, %parallel_loop3A_338 : vector<16xi32>
      %parallel_loop3A_340 = arith.constant 10 : i32
      %parallel_loop3A_341 = vector.broadcast %parallel_loop3A_340 : i32 to vector<16xi32>
      %parallel_loop3A_342 = arith.shrsi %parallel_loop3A_336, %parallel_loop3A_341 : vector<16xi32>
      %parallel_loop3A_343 = arith.sitofp %parallel_loop3A_342 : vector<16xi32> to vector<16xf32>
      %parallel_loop3A_344 = tpu.vector_load_idx %arg6[%parallel_loop3A_57, %parallel_loop3A_339] : memref<32x1024xf32, #tpu.memory_space<vmem>>[vector<16xi32>, vector<16xi32>], vector<16xf32>,
      %parallel_loop3A_345 = arith.addf %parallel_loop3A_343, %parallel_loop3A_344 : vector<16xf32>
      %parallel_loop3A_346 = arith.constant 2.000000e+00 : f32
      %parallel_loop3A_347 = vector.broadcast %parallel_loop3A_346 : f32 to vector<16xf32>
      %parallel_loop3A_348 = arith.mulf %parallel_loop3A_347, %parallel_loop3A_343 : vector<16xf32>
      %parallel_loop3A_349 = arith.mulf %parallel_loop3A_348, %parallel_loop3A_344 : vector<16xf32>
      %parallel_loop3A_350 = arith.subf %parallel_loop3A_345, %parallel_loop3A_349 : vector<16xf32>
      %parallel_loop3A_351 = arith.mulf %parallel_loop3A_333, %parallel_loop3A_350 : vector<16xf32>
      %parallel_loop3A_352 = arith.constant 6 : i32
      %parallel_loop3A_353 = vector.broadcast %parallel_loop3A_352 : i32 to vector<16xi32>
      %parallel_loop3A_354 = tpu.vector_load_idx %arg7[%parallel_loop3A_353, %parallel_loop3A_244] : memref<16x1024xi32, #tpu.memory_space<vmem>>[vector<16xi32>, vector<16xi32>], vector<16xi32>,
      %parallel_loop3A_355 = arith.constant 1023 : i32
      %parallel_loop3A_356 = vector.broadcast %parallel_loop3A_355 : i32 to vector<16xi32>
      %parallel_loop3A_357 = arith.andi %parallel_loop3A_354, %parallel_loop3A_356 : vector<16xi32>
      %parallel_loop3A_358 = arith.constant 10 : i32
      %parallel_loop3A_359 = vector.broadcast %parallel_loop3A_358 : i32 to vector<16xi32>
      %parallel_loop3A_360 = arith.shrsi %parallel_loop3A_354, %parallel_loop3A_359 : vector<16xi32>
      %parallel_loop3A_361 = arith.sitofp %parallel_loop3A_360 : vector<16xi32> to vector<16xf32>
      %parallel_loop3A_362 = tpu.vector_load_idx %arg6[%parallel_loop3A_57, %parallel_loop3A_357] : memref<32x1024xf32, #tpu.memory_space<vmem>>[vector<16xi32>, vector<16xi32>], vector<16xf32>,
      %parallel_loop3A_363 = arith.addf %parallel_loop3A_361, %parallel_loop3A_362 : vector<16xf32>
      %parallel_loop3A_364 = arith.constant 2.000000e+00 : f32
      %parallel_loop3A_365 = vector.broadcast %parallel_loop3A_364 : f32 to vector<16xf32>
      %parallel_loop3A_366 = arith.mulf %parallel_loop3A_365, %parallel_loop3A_361 : vector<16xf32>
      %parallel_loop3A_367 = arith.mulf %parallel_loop3A_366, %parallel_loop3A_362 : vector<16xf32>
      %parallel_loop3A_368 = arith.subf %parallel_loop3A_363, %parallel_loop3A_367 : vector<16xf32>
      %parallel_loop3A_369 = arith.mulf %parallel_loop3A_351, %parallel_loop3A_368 : vector<16xf32>
      %parallel_loop3A_370 = arith.constant 7 : i32
      %parallel_loop3A_371 = vector.broadcast %parallel_loop3A_370 : i32 to vector<16xi32>
      %parallel_loop3A_372 = tpu.vector_load_idx %arg7[%parallel_loop3A_371, %parallel_loop3A_244] : memref<16x1024xi32, #tpu.memory_space<vmem>>[vector<16xi32>, vector<16xi32>], vector<16xi32>,
      %parallel_loop3A_373 = arith.constant 1023 : i32
      %parallel_loop3A_374 = vector.broadcast %parallel_loop3A_373 : i32 to vector<16xi32>
      %parallel_loop3A_375 = arith.andi %parallel_loop3A_372, %parallel_loop3A_374 : vector<16xi32>
      %parallel_loop3A_376 = arith.constant 10 : i32
      %parallel_loop3A_377 = vector.broadcast %parallel_loop3A_376 : i32 to vector<16xi32>
      %parallel_loop3A_378 = arith.shrsi %parallel_loop3A_372, %parallel_loop3A_377 : vector<16xi32>
      %parallel_loop3A_379 = arith.sitofp %parallel_loop3A_378 : vector<16xi32> to vector<16xf32>
      %parallel_loop3A_380 = tpu.vector_load_idx %arg6[%parallel_loop3A_57, %parallel_loop3A_375] : memref<32x1024xf32, #tpu.memory_space<vmem>>[vector<16xi32>, vector<16xi32>], vector<16xf32>,
      %parallel_loop3A_381 = arith.addf %parallel_loop3A_379, %parallel_loop3A_380 : vector<16xf32>
      %parallel_loop3A_382 = arith.constant 2.000000e+00 : f32
      %parallel_loop3A_383 = vector.broadcast %parallel_loop3A_382 : f32 to vector<16xf32>
      %parallel_loop3A_384 = arith.mulf %parallel_loop3A_383, %parallel_loop3A_379 : vector<16xf32>
      %parallel_loop3A_385 = arith.mulf %parallel_loop3A_384, %parallel_loop3A_380 : vector<16xf32>
      %parallel_loop3A_386 = arith.subf %parallel_loop3A_381, %parallel_loop3A_385 : vector<16xf32>
      %parallel_loop3A_387 = arith.mulf %parallel_loop3A_369, %parallel_loop3A_386 : vector<16xf32>
      %parallel_loop3A_388 = arith.constant 8 : i32
      %parallel_loop3A_389 = vector.broadcast %parallel_loop3A_388 : i32 to vector<16xi32>
      %parallel_loop3A_390 = tpu.vector_load_idx %arg7[%parallel_loop3A_389, %parallel_loop3A_244] : memref<16x1024xi32, #tpu.memory_space<vmem>>[vector<16xi32>, vector<16xi32>], vector<16xi32>,
      %parallel_loop3A_391 = arith.constant 1023 : i32
      %parallel_loop3A_392 = vector.broadcast %parallel_loop3A_391 : i32 to vector<16xi32>
      %parallel_loop3A_393 = arith.andi %parallel_loop3A_390, %parallel_loop3A_392 : vector<16xi32>
      %parallel_loop3A_394 = arith.constant 10 : i32
      %parallel_loop3A_395 = vector.broadcast %parallel_loop3A_394 : i32 to vector<16xi32>
      %parallel_loop3A_396 = arith.shrsi %parallel_loop3A_390, %parallel_loop3A_395 : vector<16xi32>
      %parallel_loop3A_397 = arith.sitofp %parallel_loop3A_396 : vector<16xi32> to vector<16xf32>
      %parallel_loop3A_398 = tpu.vector_load_idx %arg6[%parallel_loop3A_57, %parallel_loop3A_393] : memref<32x1024xf32, #tpu.memory_space<vmem>>[vector<16xi32>, vector<16xi32>], vector<16xf32>,
      %parallel_loop3A_399 = arith.addf %parallel_loop3A_397, %parallel_loop3A_398 : vector<16xf32>
      %parallel_loop3A_400 = arith.constant 2.000000e+00 : f32
      %parallel_loop3A_401 = vector.broadcast %parallel_loop3A_400 : f32 to vector<16xf32>
      %parallel_loop3A_402 = arith.mulf %parallel_loop3A_401, %parallel_loop3A_397 : vector<16xf32>
      %parallel_loop3A_403 = arith.mulf %parallel_loop3A_402, %parallel_loop3A_398 : vector<16xf32>
      %parallel_loop3A_404 = arith.subf %parallel_loop3A_399, %parallel_loop3A_403 : vector<16xf32>
      %parallel_loop3A_405 = arith.mulf %parallel_loop3A_387, %parallel_loop3A_404 : vector<16xf32>
      %parallel_loop3A_406 = arith.constant 9 : i32
      %parallel_loop3A_407 = vector.broadcast %parallel_loop3A_406 : i32 to vector<16xi32>
      %parallel_loop3A_408 = tpu.vector_load_idx %arg7[%parallel_loop3A_407, %parallel_loop3A_244] : memref<16x1024xi32, #tpu.memory_space<vmem>>[vector<16xi32>, vector<16xi32>], vector<16xi32>,
      %parallel_loop3A_409 = arith.constant 1023 : i32
      %parallel_loop3A_410 = vector.broadcast %parallel_loop3A_409 : i32 to vector<16xi32>
      %parallel_loop3A_411 = arith.andi %parallel_loop3A_408, %parallel_loop3A_410 : vector<16xi32>
      %parallel_loop3A_412 = arith.constant 10 : i32
      %parallel_loop3A_413 = vector.broadcast %parallel_loop3A_412 : i32 to vector<16xi32>
      %parallel_loop3A_414 = arith.shrsi %parallel_loop3A_408, %parallel_loop3A_413 : vector<16xi32>
      %parallel_loop3A_415 = arith.sitofp %parallel_loop3A_414 : vector<16xi32> to vector<16xf32>
      %parallel_loop3A_416 = tpu.vector_load_idx %arg6[%parallel_loop3A_57, %parallel_loop3A_411] : memref<32x1024xf32, #tpu.memory_space<vmem>>[vector<16xi32>, vector<16xi32>], vector<16xf32>,
      %parallel_loop3A_417 = arith.addf %parallel_loop3A_415, %parallel_loop3A_416 : vector<16xf32>
      %parallel_loop3A_418 = arith.constant 2.000000e+00 : f32
      %parallel_loop3A_419 = vector.broadcast %parallel_loop3A_418 : f32 to vector<16xf32>
      %parallel_loop3A_420 = arith.mulf %parallel_loop3A_419, %parallel_loop3A_415 : vector<16xf32>
      %parallel_loop3A_421 = arith.mulf %parallel_loop3A_420, %parallel_loop3A_416 : vector<16xf32>
      %parallel_loop3A_422 = arith.subf %parallel_loop3A_417, %parallel_loop3A_421 : vector<16xf32>
      %parallel_loop3A_423 = arith.mulf %parallel_loop3A_405, %parallel_loop3A_422 : vector<16xf32>
      tpu.vector_store_idx %arg9[%parallel_loop3A_57, %parallel_loop3A_243], %parallel_loop3A_423 : memref<32x50xf32, #tpu.memory_space<vmem>>[vector<16xi32>, vector<16xi32>], vector<16xf32>,
      %parallel_loop3A_424 = arith.constant 32 : i32
      %parallel_loop3A_425 = vector.broadcast %parallel_loop3A_424 : i32 to vector<16xi32>
      %parallel_loop3A_426 = arith.addi %iota3A, %parallel_loop3A_425 : vector<16xi32>
      %parallel_loop3A_427 = tpu.vector_load_idx %arg8[%parallel_loop3A_57, %parallel_loop3A_426] : memref<32x50xi32, #tpu.memory_space<vmem>>[vector<16xi32>, vector<16xi32>], vector<16xi32>,
      %parallel_loop3A_428 = arith.constant 0 : i32
      %parallel_loop3A_429 = vector.broadcast %parallel_loop3A_428 : i32 to vector<16xi32>
      %parallel_loop3A_430 = tpu.vector_load_idx %arg7[%parallel_loop3A_429, %parallel_loop3A_427] : memref<16x1024xi32, #tpu.memory_space<vmem>>[vector<16xi32>, vector<16xi32>], vector<16xi32>,
      %parallel_loop3A_431 = arith.constant 1023 : i32
      %parallel_loop3A_432 = vector.broadcast %parallel_loop3A_431 : i32 to vector<16xi32>
      %parallel_loop3A_433 = arith.andi %parallel_loop3A_430, %parallel_loop3A_432 : vector<16xi32>
      %parallel_loop3A_434 = arith.constant 10 : i32
      %parallel_loop3A_435 = vector.broadcast %parallel_loop3A_434 : i32 to vector<16xi32>
      %parallel_loop3A_436 = arith.shrsi %parallel_loop3A_430, %parallel_loop3A_435 : vector<16xi32>
      %parallel_loop3A_437 = arith.sitofp %parallel_loop3A_436 : vector<16xi32> to vector<16xf32>
      %parallel_loop3A_438 = tpu.vector_load_idx %arg6[%parallel_loop3A_57, %parallel_loop3A_433] : memref<32x1024xf32, #tpu.memory_space<vmem>>[vector<16xi32>, vector<16xi32>], vector<16xf32>,
      %parallel_loop3A_439 = arith.addf %parallel_loop3A_437, %parallel_loop3A_438 : vector<16xf32>
      %parallel_loop3A_440 = arith.constant 2.000000e+00 : f32
      %parallel_loop3A_441 = vector.broadcast %parallel_loop3A_440 : f32 to vector<16xf32>
      %parallel_loop3A_442 = arith.mulf %parallel_loop3A_441, %parallel_loop3A_437 : vector<16xf32>
      %parallel_loop3A_443 = arith.mulf %parallel_loop3A_442, %parallel_loop3A_438 : vector<16xf32>
      %parallel_loop3A_444 = arith.subf %parallel_loop3A_439, %parallel_loop3A_443 : vector<16xf32>
      %parallel_loop3A_445 = arith.constant 1 : i32
      %parallel_loop3A_446 = vector.broadcast %parallel_loop3A_445 : i32 to vector<16xi32>
      %parallel_loop3A_447 = tpu.vector_load_idx %arg7[%parallel_loop3A_446, %parallel_loop3A_427] : memref<16x1024xi32, #tpu.memory_space<vmem>>[vector<16xi32>, vector<16xi32>], vector<16xi32>,
      %parallel_loop3A_448 = arith.constant 1023 : i32
      %parallel_loop3A_449 = vector.broadcast %parallel_loop3A_448 : i32 to vector<16xi32>
      %parallel_loop3A_450 = arith.andi %parallel_loop3A_447, %parallel_loop3A_449 : vector<16xi32>
      %parallel_loop3A_451 = arith.constant 10 : i32
      %parallel_loop3A_452 = vector.broadcast %parallel_loop3A_451 : i32 to vector<16xi32>
      %parallel_loop3A_453 = arith.shrsi %parallel_loop3A_447, %parallel_loop3A_452 : vector<16xi32>
      %parallel_loop3A_454 = arith.sitofp %parallel_loop3A_453 : vector<16xi32> to vector<16xf32>
      %parallel_loop3A_455 = tpu.vector_load_idx %arg6[%parallel_loop3A_57, %parallel_loop3A_450] : memref<32x1024xf32, #tpu.memory_space<vmem>>[vector<16xi32>, vector<16xi32>], vector<16xf32>,
      %parallel_loop3A_456 = arith.addf %parallel_loop3A_454, %parallel_loop3A_455 : vector<16xf32>
      %parallel_loop3A_457 = arith.constant 2.000000e+00 : f32
      %parallel_loop3A_458 = vector.broadcast %parallel_loop3A_457 : f32 to vector<16xf32>
      %parallel_loop3A_459 = arith.mulf %parallel_loop3A_458, %parallel_loop3A_454 : vector<16xf32>
      %parallel_loop3A_460 = arith.mulf %parallel_loop3A_459, %parallel_loop3A_455 : vector<16xf32>
      %parallel_loop3A_461 = arith.subf %parallel_loop3A_456, %parallel_loop3A_460 : vector<16xf32>
      %parallel_loop3A_462 = arith.mulf %parallel_loop3A_444, %parallel_loop3A_461 : vector<16xf32>
      %parallel_loop3A_463 = arith.constant 2 : i32
      %parallel_loop3A_464 = vector.broadcast %parallel_loop3A_463 : i32 to vector<16xi32>
      %parallel_loop3A_465 = tpu.vector_load_idx %arg7[%parallel_loop3A_464, %parallel_loop3A_427] : memref<16x1024xi32, #tpu.memory_space<vmem>>[vector<16xi32>, vector<16xi32>], vector<16xi32>,
      %parallel_loop3A_466 = arith.constant 1023 : i32
      %parallel_loop3A_467 = vector.broadcast %parallel_loop3A_466 : i32 to vector<16xi32>
      %parallel_loop3A_468 = arith.andi %parallel_loop3A_465, %parallel_loop3A_467 : vector<16xi32>
      %parallel_loop3A_469 = arith.constant 10 : i32
      %parallel_loop3A_470 = vector.broadcast %parallel_loop3A_469 : i32 to vector<16xi32>
      %parallel_loop3A_471 = arith.shrsi %parallel_loop3A_465, %parallel_loop3A_470 : vector<16xi32>
      %parallel_loop3A_472 = arith.sitofp %parallel_loop3A_471 : vector<16xi32> to vector<16xf32>
      %parallel_loop3A_473 = tpu.vector_load_idx %arg6[%parallel_loop3A_57, %parallel_loop3A_468] : memref<32x1024xf32, #tpu.memory_space<vmem>>[vector<16xi32>, vector<16xi32>], vector<16xf32>,
      %parallel_loop3A_474 = arith.addf %parallel_loop3A_472, %parallel_loop3A_473 : vector<16xf32>
      %parallel_loop3A_475 = arith.constant 2.000000e+00 : f32
      %parallel_loop3A_476 = vector.broadcast %parallel_loop3A_475 : f32 to vector<16xf32>
      %parallel_loop3A_477 = arith.mulf %parallel_loop3A_476, %parallel_loop3A_472 : vector<16xf32>
      %parallel_loop3A_478 = arith.mulf %parallel_loop3A_477, %parallel_loop3A_473 : vector<16xf32>
      %parallel_loop3A_479 = arith.subf %parallel_loop3A_474, %parallel_loop3A_478 : vector<16xf32>
      %parallel_loop3A_480 = arith.mulf %parallel_loop3A_462, %parallel_loop3A_479 : vector<16xf32>
      %parallel_loop3A_481 = arith.constant 3 : i32
      %parallel_loop3A_482 = vector.broadcast %parallel_loop3A_481 : i32 to vector<16xi32>
      %parallel_loop3A_483 = tpu.vector_load_idx %arg7[%parallel_loop3A_482, %parallel_loop3A_427] : memref<16x1024xi32, #tpu.memory_space<vmem>>[vector<16xi32>, vector<16xi32>], vector<16xi32>,
      %parallel_loop3A_484 = arith.constant 1023 : i32
      %parallel_loop3A_485 = vector.broadcast %parallel_loop3A_484 : i32 to vector<16xi32>
      %parallel_loop3A_486 = arith.andi %parallel_loop3A_483, %parallel_loop3A_485 : vector<16xi32>
      %parallel_loop3A_487 = arith.constant 10 : i32
      %parallel_loop3A_488 = vector.broadcast %parallel_loop3A_487 : i32 to vector<16xi32>
      %parallel_loop3A_489 = arith.shrsi %parallel_loop3A_483, %parallel_loop3A_488 : vector<16xi32>
      %parallel_loop3A_490 = arith.sitofp %parallel_loop3A_489 : vector<16xi32> to vector<16xf32>
      %parallel_loop3A_491 = tpu.vector_load_idx %arg6[%parallel_loop3A_57, %parallel_loop3A_486] : memref<32x1024xf32, #tpu.memory_space<vmem>>[vector<16xi32>, vector<16xi32>], vector<16xf32>,
      %parallel_loop3A_492 = arith.addf %parallel_loop3A_490, %parallel_loop3A_491 : vector<16xf32>
      %parallel_loop3A_493 = arith.constant 2.000000e+00 : f32
      %parallel_loop3A_494 = vector.broadcast %parallel_loop3A_493 : f32 to vector<16xf32>
      %parallel_loop3A_495 = arith.mulf %parallel_loop3A_494, %parallel_loop3A_490 : vector<16xf32>
      %parallel_loop3A_496 = arith.mulf %parallel_loop3A_495, %parallel_loop3A_491 : vector<16xf32>
      %parallel_loop3A_497 = arith.subf %parallel_loop3A_492, %parallel_loop3A_496 : vector<16xf32>
      %parallel_loop3A_498 = arith.mulf %parallel_loop3A_480, %parallel_loop3A_497 : vector<16xf32>
      %parallel_loop3A_499 = arith.constant 4 : i32
      %parallel_loop3A_500 = vector.broadcast %parallel_loop3A_499 : i32 to vector<16xi32>
      %parallel_loop3A_501 = tpu.vector_load_idx %arg7[%parallel_loop3A_500, %parallel_loop3A_427] : memref<16x1024xi32, #tpu.memory_space<vmem>>[vector<16xi32>, vector<16xi32>], vector<16xi32>,
      %parallel_loop3A_502 = arith.constant 1023 : i32
      %parallel_loop3A_503 = vector.broadcast %parallel_loop3A_502 : i32 to vector<16xi32>
      %parallel_loop3A_504 = arith.andi %parallel_loop3A_501, %parallel_loop3A_503 : vector<16xi32>
      %parallel_loop3A_505 = arith.constant 10 : i32
      %parallel_loop3A_506 = vector.broadcast %parallel_loop3A_505 : i32 to vector<16xi32>
      %parallel_loop3A_507 = arith.shrsi %parallel_loop3A_501, %parallel_loop3A_506 : vector<16xi32>
      %parallel_loop3A_508 = arith.sitofp %parallel_loop3A_507 : vector<16xi32> to vector<16xf32>
      %parallel_loop3A_509 = tpu.vector_load_idx %arg6[%parallel_loop3A_57, %parallel_loop3A_504] : memref<32x1024xf32, #tpu.memory_space<vmem>>[vector<16xi32>, vector<16xi32>], vector<16xf32>,
      %parallel_loop3A_510 = arith.addf %parallel_loop3A_508, %parallel_loop3A_509 : vector<16xf32>
      %parallel_loop3A_511 = arith.constant 2.000000e+00 : f32
      %parallel_loop3A_512 = vector.broadcast %parallel_loop3A_511 : f32 to vector<16xf32>
      %parallel_loop3A_513 = arith.mulf %parallel_loop3A_512, %parallel_loop3A_508 : vector<16xf32>
      %parallel_loop3A_514 = arith.mulf %parallel_loop3A_513, %parallel_loop3A_509 : vector<16xf32>
      %parallel_loop3A_515 = arith.subf %parallel_loop3A_510, %parallel_loop3A_514 : vector<16xf32>
      %parallel_loop3A_516 = arith.mulf %parallel_loop3A_498, %parallel_loop3A_515 : vector<16xf32>
      %parallel_loop3A_517 = arith.constant 5 : i32
      %parallel_loop3A_518 = vector.broadcast %parallel_loop3A_517 : i32 to vector<16xi32>
      %parallel_loop3A_519 = tpu.vector_load_idx %arg7[%parallel_loop3A_518, %parallel_loop3A_427] : memref<16x1024xi32, #tpu.memory_space<vmem>>[vector<16xi32>, vector<16xi32>], vector<16xi32>,
      %parallel_loop3A_520 = arith.constant 1023 : i32
      %parallel_loop3A_521 = vector.broadcast %parallel_loop3A_520 : i32 to vector<16xi32>
      %parallel_loop3A_522 = arith.andi %parallel_loop3A_519, %parallel_loop3A_521 : vector<16xi32>
      %parallel_loop3A_523 = arith.constant 10 : i32
      %parallel_loop3A_524 = vector.broadcast %parallel_loop3A_523 : i32 to vector<16xi32>
      %parallel_loop3A_525 = arith.shrsi %parallel_loop3A_519, %parallel_loop3A_524 : vector<16xi32>
      %parallel_loop3A_526 = arith.sitofp %parallel_loop3A_525 : vector<16xi32> to vector<16xf32>
      %parallel_loop3A_527 = tpu.vector_load_idx %arg6[%parallel_loop3A_57, %parallel_loop3A_522] : memref<32x1024xf32, #tpu.memory_space<vmem>>[vector<16xi32>, vector<16xi32>], vector<16xf32>,
      %parallel_loop3A_528 = arith.addf %parallel_loop3A_526, %parallel_loop3A_527 : vector<16xf32>
      %parallel_loop3A_529 = arith.constant 2.000000e+00 : f32
      %parallel_loop3A_530 = vector.broadcast %parallel_loop3A_529 : f32 to vector<16xf32>
      %parallel_loop3A_531 = arith.mulf %parallel_loop3A_530, %parallel_loop3A_526 : vector<16xf32>
      %parallel_loop3A_532 = arith.mulf %parallel_loop3A_531, %parallel_loop3A_527 : vector<16xf32>
      %parallel_loop3A_533 = arith.subf %parallel_loop3A_528, %parallel_loop3A_532 : vector<16xf32>
      %parallel_loop3A_534 = arith.mulf %parallel_loop3A_516, %parallel_loop3A_533 : vector<16xf32>
      %parallel_loop3A_535 = arith.constant 6 : i32
      %parallel_loop3A_536 = vector.broadcast %parallel_loop3A_535 : i32 to vector<16xi32>
      %parallel_loop3A_537 = tpu.vector_load_idx %arg7[%parallel_loop3A_536, %parallel_loop3A_427] : memref<16x1024xi32, #tpu.memory_space<vmem>>[vector<16xi32>, vector<16xi32>], vector<16xi32>,
      %parallel_loop3A_538 = arith.constant 1023 : i32
      %parallel_loop3A_539 = vector.broadcast %parallel_loop3A_538 : i32 to vector<16xi32>
      %parallel_loop3A_540 = arith.andi %parallel_loop3A_537, %parallel_loop3A_539 : vector<16xi32>
      %parallel_loop3A_541 = arith.constant 10 : i32
      %parallel_loop3A_542 = vector.broadcast %parallel_loop3A_541 : i32 to vector<16xi32>
      %parallel_loop3A_543 = arith.shrsi %parallel_loop3A_537, %parallel_loop3A_542 : vector<16xi32>
      %parallel_loop3A_544 = arith.sitofp %parallel_loop3A_543 : vector<16xi32> to vector<16xf32>
      %parallel_loop3A_545 = tpu.vector_load_idx %arg6[%parallel_loop3A_57, %parallel_loop3A_540] : memref<32x1024xf32, #tpu.memory_space<vmem>>[vector<16xi32>, vector<16xi32>], vector<16xf32>,
      %parallel_loop3A_546 = arith.addf %parallel_loop3A_544, %parallel_loop3A_545 : vector<16xf32>
      %parallel_loop3A_547 = arith.constant 2.000000e+00 : f32
      %parallel_loop3A_548 = vector.broadcast %parallel_loop3A_547 : f32 to vector<16xf32>
      %parallel_loop3A_549 = arith.mulf %parallel_loop3A_548, %parallel_loop3A_544 : vector<16xf32>
      %parallel_loop3A_550 = arith.mulf %parallel_loop3A_549, %parallel_loop3A_545 : vector<16xf32>
      %parallel_loop3A_551 = arith.subf %parallel_loop3A_546, %parallel_loop3A_550 : vector<16xf32>
      %parallel_loop3A_552 = arith.mulf %parallel_loop3A_534, %parallel_loop3A_551 : vector<16xf32>
      %parallel_loop3A_553 = arith.constant 7 : i32
      %parallel_loop3A_554 = vector.broadcast %parallel_loop3A_553 : i32 to vector<16xi32>
      %parallel_loop3A_555 = tpu.vector_load_idx %arg7[%parallel_loop3A_554, %parallel_loop3A_427] : memref<16x1024xi32, #tpu.memory_space<vmem>>[vector<16xi32>, vector<16xi32>], vector<16xi32>,
      %parallel_loop3A_556 = arith.constant 1023 : i32
      %parallel_loop3A_557 = vector.broadcast %parallel_loop3A_556 : i32 to vector<16xi32>
      %parallel_loop3A_558 = arith.andi %parallel_loop3A_555, %parallel_loop3A_557 : vector<16xi32>
      %parallel_loop3A_559 = arith.constant 10 : i32
      %parallel_loop3A_560 = vector.broadcast %parallel_loop3A_559 : i32 to vector<16xi32>
      %parallel_loop3A_561 = arith.shrsi %parallel_loop3A_555, %parallel_loop3A_560 : vector<16xi32>
      %parallel_loop3A_562 = arith.sitofp %parallel_loop3A_561 : vector<16xi32> to vector<16xf32>
      %parallel_loop3A_563 = tpu.vector_load_idx %arg6[%parallel_loop3A_57, %parallel_loop3A_558] : memref<32x1024xf32, #tpu.memory_space<vmem>>[vector<16xi32>, vector<16xi32>], vector<16xf32>,
      %parallel_loop3A_564 = arith.addf %parallel_loop3A_562, %parallel_loop3A_563 : vector<16xf32>
      %parallel_loop3A_565 = arith.constant 2.000000e+00 : f32
      %parallel_loop3A_566 = vector.broadcast %parallel_loop3A_565 : f32 to vector<16xf32>
      %parallel_loop3A_567 = arith.mulf %parallel_loop3A_566, %parallel_loop3A_562 : vector<16xf32>
      %parallel_loop3A_568 = arith.mulf %parallel_loop3A_567, %parallel_loop3A_563 : vector<16xf32>
      %parallel_loop3A_569 = arith.subf %parallel_loop3A_564, %parallel_loop3A_568 : vector<16xf32>
      %parallel_loop3A_570 = arith.mulf %parallel_loop3A_552, %parallel_loop3A_569 : vector<16xf32>
      %parallel_loop3A_571 = arith.constant 8 : i32
      %parallel_loop3A_572 = vector.broadcast %parallel_loop3A_571 : i32 to vector<16xi32>
      %parallel_loop3A_573 = tpu.vector_load_idx %arg7[%parallel_loop3A_572, %parallel_loop3A_427] : memref<16x1024xi32, #tpu.memory_space<vmem>>[vector<16xi32>, vector<16xi32>], vector<16xi32>,
      %parallel_loop3A_574 = arith.constant 1023 : i32
      %parallel_loop3A_575 = vector.broadcast %parallel_loop3A_574 : i32 to vector<16xi32>
      %parallel_loop3A_576 = arith.andi %parallel_loop3A_573, %parallel_loop3A_575 : vector<16xi32>
      %parallel_loop3A_577 = arith.constant 10 : i32
      %parallel_loop3A_578 = vector.broadcast %parallel_loop3A_577 : i32 to vector<16xi32>
      %parallel_loop3A_579 = arith.shrsi %parallel_loop3A_573, %parallel_loop3A_578 : vector<16xi32>
      %parallel_loop3A_580 = arith.sitofp %parallel_loop3A_579 : vector<16xi32> to vector<16xf32>
      %parallel_loop3A_581 = tpu.vector_load_idx %arg6[%parallel_loop3A_57, %parallel_loop3A_576] : memref<32x1024xf32, #tpu.memory_space<vmem>>[vector<16xi32>, vector<16xi32>], vector<16xf32>,
      %parallel_loop3A_582 = arith.addf %parallel_loop3A_580, %parallel_loop3A_581 : vector<16xf32>
      %parallel_loop3A_583 = arith.constant 2.000000e+00 : f32
      %parallel_loop3A_584 = vector.broadcast %parallel_loop3A_583 : f32 to vector<16xf32>
      %parallel_loop3A_585 = arith.mulf %parallel_loop3A_584, %parallel_loop3A_580 : vector<16xf32>
      %parallel_loop3A_586 = arith.mulf %parallel_loop3A_585, %parallel_loop3A_581 : vector<16xf32>
      %parallel_loop3A_587 = arith.subf %parallel_loop3A_582, %parallel_loop3A_586 : vector<16xf32>
      %parallel_loop3A_588 = arith.mulf %parallel_loop3A_570, %parallel_loop3A_587 : vector<16xf32>
      %parallel_loop3A_589 = arith.constant 9 : i32
      %parallel_loop3A_590 = vector.broadcast %parallel_loop3A_589 : i32 to vector<16xi32>
      %parallel_loop3A_591 = tpu.vector_load_idx %arg7[%parallel_loop3A_590, %parallel_loop3A_427] : memref<16x1024xi32, #tpu.memory_space<vmem>>[vector<16xi32>, vector<16xi32>], vector<16xi32>,
      %parallel_loop3A_592 = arith.constant 1023 : i32
      %parallel_loop3A_593 = vector.broadcast %parallel_loop3A_592 : i32 to vector<16xi32>
      %parallel_loop3A_594 = arith.andi %parallel_loop3A_591, %parallel_loop3A_593 : vector<16xi32>
      %parallel_loop3A_595 = arith.constant 10 : i32
      %parallel_loop3A_596 = vector.broadcast %parallel_loop3A_595 : i32 to vector<16xi32>
      %parallel_loop3A_597 = arith.shrsi %parallel_loop3A_591, %parallel_loop3A_596 : vector<16xi32>
      %parallel_loop3A_598 = arith.sitofp %parallel_loop3A_597 : vector<16xi32> to vector<16xf32>
      %parallel_loop3A_599 = tpu.vector_load_idx %arg6[%parallel_loop3A_57, %parallel_loop3A_594] : memref<32x1024xf32, #tpu.memory_space<vmem>>[vector<16xi32>, vector<16xi32>], vector<16xf32>,
      %parallel_loop3A_600 = arith.addf %parallel_loop3A_598, %parallel_loop3A_599 : vector<16xf32>
      %parallel_loop3A_601 = arith.constant 2.000000e+00 : f32
      %parallel_loop3A_602 = vector.broadcast %parallel_loop3A_601 : f32 to vector<16xf32>
      %parallel_loop3A_603 = arith.mulf %parallel_loop3A_602, %parallel_loop3A_598 : vector<16xf32>
      %parallel_loop3A_604 = arith.mulf %parallel_loop3A_603, %parallel_loop3A_599 : vector<16xf32>
      %parallel_loop3A_605 = arith.subf %parallel_loop3A_600, %parallel_loop3A_604 : vector<16xf32>
      %parallel_loop3A_606 = arith.mulf %parallel_loop3A_588, %parallel_loop3A_605 : vector<16xf32>
      tpu.vector_store_idx %arg9[%parallel_loop3A_57, %parallel_loop3A_426], %parallel_loop3A_606 : memref<32x50xf32, #tpu.memory_space<vmem>>[vector<16xi32>, vector<16xi32>], vector<16xf32>,
      %parallel_loop3A_607 = arith.constant 34 : i32
      %parallel_loop3A_608 = vector.broadcast %parallel_loop3A_607 : i32 to vector<16xi32>
      %parallel_loop3A_609 = arith.addi %iota3A, %parallel_loop3A_608 : vector<16xi32>
      %parallel_loop3A_610 = tpu.vector_load_idx %arg8[%parallel_loop3A_57, %parallel_loop3A_609] : memref<32x50xi32, #tpu.memory_space<vmem>>[vector<16xi32>, vector<16xi32>], vector<16xi32>,
      %parallel_loop3A_611 = arith.constant 0 : i32
      %parallel_loop3A_612 = vector.broadcast %parallel_loop3A_611 : i32 to vector<16xi32>
      %parallel_loop3A_613 = tpu.vector_load_idx %arg7[%parallel_loop3A_612, %parallel_loop3A_610] : memref<16x1024xi32, #tpu.memory_space<vmem>>[vector<16xi32>, vector<16xi32>], vector<16xi32>,
      %parallel_loop3A_614 = arith.constant 1023 : i32
      %parallel_loop3A_615 = vector.broadcast %parallel_loop3A_614 : i32 to vector<16xi32>
      %parallel_loop3A_616 = arith.andi %parallel_loop3A_613, %parallel_loop3A_615 : vector<16xi32>
      %parallel_loop3A_617 = arith.constant 10 : i32
      %parallel_loop3A_618 = vector.broadcast %parallel_loop3A_617 : i32 to vector<16xi32>
      %parallel_loop3A_619 = arith.shrsi %parallel_loop3A_613, %parallel_loop3A_618 : vector<16xi32>
      %parallel_loop3A_620 = arith.sitofp %parallel_loop3A_619 : vector<16xi32> to vector<16xf32>
      %parallel_loop3A_621 = tpu.vector_load_idx %arg6[%parallel_loop3A_57, %parallel_loop3A_616] : memref<32x1024xf32, #tpu.memory_space<vmem>>[vector<16xi32>, vector<16xi32>], vector<16xf32>,
      %parallel_loop3A_622 = arith.addf %parallel_loop3A_620, %parallel_loop3A_621 : vector<16xf32>
      %parallel_loop3A_623 = arith.constant 2.000000e+00 : f32
      %parallel_loop3A_624 = vector.broadcast %parallel_loop3A_623 : f32 to vector<16xf32>
      %parallel_loop3A_625 = arith.mulf %parallel_loop3A_624, %parallel_loop3A_620 : vector<16xf32>
      %parallel_loop3A_626 = arith.mulf %parallel_loop3A_625, %parallel_loop3A_621 : vector<16xf32>
      %parallel_loop3A_627 = arith.subf %parallel_loop3A_622, %parallel_loop3A_626 : vector<16xf32>
      %parallel_loop3A_628 = arith.constant 1 : i32
      %parallel_loop3A_629 = vector.broadcast %parallel_loop3A_628 : i32 to vector<16xi32>
      %parallel_loop3A_630 = tpu.vector_load_idx %arg7[%parallel_loop3A_629, %parallel_loop3A_610] : memref<16x1024xi32, #tpu.memory_space<vmem>>[vector<16xi32>, vector<16xi32>], vector<16xi32>,
      %parallel_loop3A_631 = arith.constant 1023 : i32
      %parallel_loop3A_632 = vector.broadcast %parallel_loop3A_631 : i32 to vector<16xi32>
      %parallel_loop3A_633 = arith.andi %parallel_loop3A_630, %parallel_loop3A_632 : vector<16xi32>
      %parallel_loop3A_634 = arith.constant 10 : i32
      %parallel_loop3A_635 = vector.broadcast %parallel_loop3A_634 : i32 to vector<16xi32>
      %parallel_loop3A_636 = arith.shrsi %parallel_loop3A_630, %parallel_loop3A_635 : vector<16xi32>
      %parallel_loop3A_637 = arith.sitofp %parallel_loop3A_636 : vector<16xi32> to vector<16xf32>
      %parallel_loop3A_638 = tpu.vector_load_idx %arg6[%parallel_loop3A_57, %parallel_loop3A_633] : memref<32x1024xf32, #tpu.memory_space<vmem>>[vector<16xi32>, vector<16xi32>], vector<16xf32>,
      %parallel_loop3A_639 = arith.addf %parallel_loop3A_637, %parallel_loop3A_638 : vector<16xf32>
      %parallel_loop3A_640 = arith.constant 2.000000e+00 : f32
      %parallel_loop3A_641 = vector.broadcast %parallel_loop3A_640 : f32 to vector<16xf32>
      %parallel_loop3A_642 = arith.mulf %parallel_loop3A_641, %parallel_loop3A_637 : vector<16xf32>
      %parallel_loop3A_643 = arith.mulf %parallel_loop3A_642, %parallel_loop3A_638 : vector<16xf32>
      %parallel_loop3A_644 = arith.subf %parallel_loop3A_639, %parallel_loop3A_643 : vector<16xf32>
      %parallel_loop3A_645 = arith.mulf %parallel_loop3A_627, %parallel_loop3A_644 : vector<16xf32>
      %parallel_loop3A_646 = arith.constant 2 : i32
      %parallel_loop3A_647 = vector.broadcast %parallel_loop3A_646 : i32 to vector<16xi32>
      %parallel_loop3A_648 = tpu.vector_load_idx %arg7[%parallel_loop3A_647, %parallel_loop3A_610] : memref<16x1024xi32, #tpu.memory_space<vmem>>[vector<16xi32>, vector<16xi32>], vector<16xi32>,
      %parallel_loop3A_649 = arith.constant 1023 : i32
      %parallel_loop3A_650 = vector.broadcast %parallel_loop3A_649 : i32 to vector<16xi32>
      %parallel_loop3A_651 = arith.andi %parallel_loop3A_648, %parallel_loop3A_650 : vector<16xi32>
      %parallel_loop3A_652 = arith.constant 10 : i32
      %parallel_loop3A_653 = vector.broadcast %parallel_loop3A_652 : i32 to vector<16xi32>
      %parallel_loop3A_654 = arith.shrsi %parallel_loop3A_648, %parallel_loop3A_653 : vector<16xi32>
      %parallel_loop3A_655 = arith.sitofp %parallel_loop3A_654 : vector<16xi32> to vector<16xf32>
      %parallel_loop3A_656 = tpu.vector_load_idx %arg6[%parallel_loop3A_57, %parallel_loop3A_651] : memref<32x1024xf32, #tpu.memory_space<vmem>>[vector<16xi32>, vector<16xi32>], vector<16xf32>,
      %parallel_loop3A_657 = arith.addf %parallel_loop3A_655, %parallel_loop3A_656 : vector<16xf32>
      %parallel_loop3A_658 = arith.constant 2.000000e+00 : f32
      %parallel_loop3A_659 = vector.broadcast %parallel_loop3A_658 : f32 to vector<16xf32>
      %parallel_loop3A_660 = arith.mulf %parallel_loop3A_659, %parallel_loop3A_655 : vector<16xf32>
      %parallel_loop3A_661 = arith.mulf %parallel_loop3A_660, %parallel_loop3A_656 : vector<16xf32>
      %parallel_loop3A_662 = arith.subf %parallel_loop3A_657, %parallel_loop3A_661 : vector<16xf32>
      %parallel_loop3A_663 = arith.mulf %parallel_loop3A_645, %parallel_loop3A_662 : vector<16xf32>
      %parallel_loop3A_664 = arith.constant 3 : i32
      %parallel_loop3A_665 = vector.broadcast %parallel_loop3A_664 : i32 to vector<16xi32>
      %parallel_loop3A_666 = tpu.vector_load_idx %arg7[%parallel_loop3A_665, %parallel_loop3A_610] : memref<16x1024xi32, #tpu.memory_space<vmem>>[vector<16xi32>, vector<16xi32>], vector<16xi32>,
      %parallel_loop3A_667 = arith.constant 1023 : i32
      %parallel_loop3A_668 = vector.broadcast %parallel_loop3A_667 : i32 to vector<16xi32>
      %parallel_loop3A_669 = arith.andi %parallel_loop3A_666, %parallel_loop3A_668 : vector<16xi32>
      %parallel_loop3A_670 = arith.constant 10 : i32
      %parallel_loop3A_671 = vector.broadcast %parallel_loop3A_670 : i32 to vector<16xi32>
      %parallel_loop3A_672 = arith.shrsi %parallel_loop3A_666, %parallel_loop3A_671 : vector<16xi32>
      %parallel_loop3A_673 = arith.sitofp %parallel_loop3A_672 : vector<16xi32> to vector<16xf32>
      %parallel_loop3A_674 = tpu.vector_load_idx %arg6[%parallel_loop3A_57, %parallel_loop3A_669] : memref<32x1024xf32, #tpu.memory_space<vmem>>[vector<16xi32>, vector<16xi32>], vector<16xf32>,
      %parallel_loop3A_675 = arith.addf %parallel_loop3A_673, %parallel_loop3A_674 : vector<16xf32>
      %parallel_loop3A_676 = arith.constant 2.000000e+00 : f32
      %parallel_loop3A_677 = vector.broadcast %parallel_loop3A_676 : f32 to vector<16xf32>
      %parallel_loop3A_678 = arith.mulf %parallel_loop3A_677, %parallel_loop3A_673 : vector<16xf32>
      %parallel_loop3A_679 = arith.mulf %parallel_loop3A_678, %parallel_loop3A_674 : vector<16xf32>
      %parallel_loop3A_680 = arith.subf %parallel_loop3A_675, %parallel_loop3A_679 : vector<16xf32>
      %parallel_loop3A_681 = arith.mulf %parallel_loop3A_663, %parallel_loop3A_680 : vector<16xf32>
      %parallel_loop3A_682 = arith.constant 4 : i32
      %parallel_loop3A_683 = vector.broadcast %parallel_loop3A_682 : i32 to vector<16xi32>
      %parallel_loop3A_684 = tpu.vector_load_idx %arg7[%parallel_loop3A_683, %parallel_loop3A_610] : memref<16x1024xi32, #tpu.memory_space<vmem>>[vector<16xi32>, vector<16xi32>], vector<16xi32>,
      %parallel_loop3A_685 = arith.constant 1023 : i32
      %parallel_loop3A_686 = vector.broadcast %parallel_loop3A_685 : i32 to vector<16xi32>
      %parallel_loop3A_687 = arith.andi %parallel_loop3A_684, %parallel_loop3A_686 : vector<16xi32>
      %parallel_loop3A_688 = arith.constant 10 : i32
      %parallel_loop3A_689 = vector.broadcast %parallel_loop3A_688 : i32 to vector<16xi32>
      %parallel_loop3A_690 = arith.shrsi %parallel_loop3A_684, %parallel_loop3A_689 : vector<16xi32>
      %parallel_loop3A_691 = arith.sitofp %parallel_loop3A_690 : vector<16xi32> to vector<16xf32>
      %parallel_loop3A_692 = tpu.vector_load_idx %arg6[%parallel_loop3A_57, %parallel_loop3A_687] : memref<32x1024xf32, #tpu.memory_space<vmem>>[vector<16xi32>, vector<16xi32>], vector<16xf32>,
      %parallel_loop3A_693 = arith.addf %parallel_loop3A_691, %parallel_loop3A_692 : vector<16xf32>
      %parallel_loop3A_694 = arith.constant 2.000000e+00 : f32
      %parallel_loop3A_695 = vector.broadcast %parallel_loop3A_694 : f32 to vector<16xf32>
      %parallel_loop3A_696 = arith.mulf %parallel_loop3A_695, %parallel_loop3A_691 : vector<16xf32>
      %parallel_loop3A_697 = arith.mulf %parallel_loop3A_696, %parallel_loop3A_692 : vector<16xf32>
      %parallel_loop3A_698 = arith.subf %parallel_loop3A_693, %parallel_loop3A_697 : vector<16xf32>
      %parallel_loop3A_699 = arith.mulf %parallel_loop3A_681, %parallel_loop3A_698 : vector<16xf32>
      %parallel_loop3A_700 = arith.constant 5 : i32
      %parallel_loop3A_701 = vector.broadcast %parallel_loop3A_700 : i32 to vector<16xi32>
      %parallel_loop3A_702 = tpu.vector_load_idx %arg7[%parallel_loop3A_701, %parallel_loop3A_610] : memref<16x1024xi32, #tpu.memory_space<vmem>>[vector<16xi32>, vector<16xi32>], vector<16xi32>,
      %parallel_loop3A_703 = arith.constant 1023 : i32
      %parallel_loop3A_704 = vector.broadcast %parallel_loop3A_703 : i32 to vector<16xi32>
      %parallel_loop3A_705 = arith.andi %parallel_loop3A_702, %parallel_loop3A_704 : vector<16xi32>
      %parallel_loop3A_706 = arith.constant 10 : i32
      %parallel_loop3A_707 = vector.broadcast %parallel_loop3A_706 : i32 to vector<16xi32>
      %parallel_loop3A_708 = arith.shrsi %parallel_loop3A_702, %parallel_loop3A_707 : vector<16xi32>
      %parallel_loop3A_709 = arith.sitofp %parallel_loop3A_708 : vector<16xi32> to vector<16xf32>
      %parallel_loop3A_710 = tpu.vector_load_idx %arg6[%parallel_loop3A_57, %parallel_loop3A_705] : memref<32x1024xf32, #tpu.memory_space<vmem>>[vector<16xi32>, vector<16xi32>], vector<16xf32>,
      %parallel_loop3A_711 = arith.addf %parallel_loop3A_709, %parallel_loop3A_710 : vector<16xf32>
      %parallel_loop3A_712 = arith.constant 2.000000e+00 : f32
      %parallel_loop3A_713 = vector.broadcast %parallel_loop3A_712 : f32 to vector<16xf32>
      %parallel_loop3A_714 = arith.mulf %parallel_loop3A_713, %parallel_loop3A_709 : vector<16xf32>
      %parallel_loop3A_715 = arith.mulf %parallel_loop3A_714, %parallel_loop3A_710 : vector<16xf32>
      %parallel_loop3A_716 = arith.subf %parallel_loop3A_711, %parallel_loop3A_715 : vector<16xf32>
      %parallel_loop3A_717 = arith.mulf %parallel_loop3A_699, %parallel_loop3A_716 : vector<16xf32>
      %parallel_loop3A_718 = arith.constant 6 : i32
      %parallel_loop3A_719 = vector.broadcast %parallel_loop3A_718 : i32 to vector<16xi32>
      %parallel_loop3A_720 = tpu.vector_load_idx %arg7[%parallel_loop3A_719, %parallel_loop3A_610] : memref<16x1024xi32, #tpu.memory_space<vmem>>[vector<16xi32>, vector<16xi32>], vector<16xi32>,
      %parallel_loop3A_721 = arith.constant 1023 : i32
      %parallel_loop3A_722 = vector.broadcast %parallel_loop3A_721 : i32 to vector<16xi32>
      %parallel_loop3A_723 = arith.andi %parallel_loop3A_720, %parallel_loop3A_722 : vector<16xi32>
      %parallel_loop3A_724 = arith.constant 10 : i32
      %parallel_loop3A_725 = vector.broadcast %parallel_loop3A_724 : i32 to vector<16xi32>
      %parallel_loop3A_726 = arith.shrsi %parallel_loop3A_720, %parallel_loop3A_725 : vector<16xi32>
      %parallel_loop3A_727 = arith.sitofp %parallel_loop3A_726 : vector<16xi32> to vector<16xf32>
      %parallel_loop3A_728 = tpu.vector_load_idx %arg6[%parallel_loop3A_57, %parallel_loop3A_723] : memref<32x1024xf32, #tpu.memory_space<vmem>>[vector<16xi32>, vector<16xi32>], vector<16xf32>,
      %parallel_loop3A_729 = arith.addf %parallel_loop3A_727, %parallel_loop3A_728 : vector<16xf32>
      %parallel_loop3A_730 = arith.constant 2.000000e+00 : f32
      %parallel_loop3A_731 = vector.broadcast %parallel_loop3A_730 : f32 to vector<16xf32>
      %parallel_loop3A_732 = arith.mulf %parallel_loop3A_731, %parallel_loop3A_727 : vector<16xf32>
      %parallel_loop3A_733 = arith.mulf %parallel_loop3A_732, %parallel_loop3A_728 : vector<16xf32>
      %parallel_loop3A_734 = arith.subf %parallel_loop3A_729, %parallel_loop3A_733 : vector<16xf32>
      %parallel_loop3A_735 = arith.mulf %parallel_loop3A_717, %parallel_loop3A_734 : vector<16xf32>
      %parallel_loop3A_736 = arith.constant 7 : i32
      %parallel_loop3A_737 = vector.broadcast %parallel_loop3A_736 : i32 to vector<16xi32>
      %parallel_loop3A_738 = tpu.vector_load_idx %arg7[%parallel_loop3A_737, %parallel_loop3A_610] : memref<16x1024xi32, #tpu.memory_space<vmem>>[vector<16xi32>, vector<16xi32>], vector<16xi32>,
      %parallel_loop3A_739 = arith.constant 1023 : i32
      %parallel_loop3A_740 = vector.broadcast %parallel_loop3A_739 : i32 to vector<16xi32>
      %parallel_loop3A_741 = arith.andi %parallel_loop3A_738, %parallel_loop3A_740 : vector<16xi32>
      %parallel_loop3A_742 = arith.constant 10 : i32
      %parallel_loop3A_743 = vector.broadcast %parallel_loop3A_742 : i32 to vector<16xi32>
      %parallel_loop3A_744 = arith.shrsi %parallel_loop3A_738, %parallel_loop3A_743 : vector<16xi32>
      %parallel_loop3A_745 = arith.sitofp %parallel_loop3A_744 : vector<16xi32> to vector<16xf32>
      %parallel_loop3A_746 = tpu.vector_load_idx %arg6[%parallel_loop3A_57, %parallel_loop3A_741] : memref<32x1024xf32, #tpu.memory_space<vmem>>[vector<16xi32>, vector<16xi32>], vector<16xf32>,
      %parallel_loop3A_747 = arith.addf %parallel_loop3A_745, %parallel_loop3A_746 : vector<16xf32>
      %parallel_loop3A_748 = arith.constant 2.000000e+00 : f32
      %parallel_loop3A_749 = vector.broadcast %parallel_loop3A_748 : f32 to vector<16xf32>
      %parallel_loop3A_750 = arith.mulf %parallel_loop3A_749, %parallel_loop3A_745 : vector<16xf32>
      %parallel_loop3A_751 = arith.mulf %parallel_loop3A_750, %parallel_loop3A_746 : vector<16xf32>
      %parallel_loop3A_752 = arith.subf %parallel_loop3A_747, %parallel_loop3A_751 : vector<16xf32>
      %parallel_loop3A_753 = arith.mulf %parallel_loop3A_735, %parallel_loop3A_752 : vector<16xf32>
      %parallel_loop3A_754 = arith.constant 8 : i32
      %parallel_loop3A_755 = vector.broadcast %parallel_loop3A_754 : i32 to vector<16xi32>
      %parallel_loop3A_756 = tpu.vector_load_idx %arg7[%parallel_loop3A_755, %parallel_loop3A_610] : memref<16x1024xi32, #tpu.memory_space<vmem>>[vector<16xi32>, vector<16xi32>], vector<16xi32>,
      %parallel_loop3A_757 = arith.constant 1023 : i32
      %parallel_loop3A_758 = vector.broadcast %parallel_loop3A_757 : i32 to vector<16xi32>
      %parallel_loop3A_759 = arith.andi %parallel_loop3A_756, %parallel_loop3A_758 : vector<16xi32>
      %parallel_loop3A_760 = arith.constant 10 : i32
      %parallel_loop3A_761 = vector.broadcast %parallel_loop3A_760 : i32 to vector<16xi32>
      %parallel_loop3A_762 = arith.shrsi %parallel_loop3A_756, %parallel_loop3A_761 : vector<16xi32>
      %parallel_loop3A_763 = arith.sitofp %parallel_loop3A_762 : vector<16xi32> to vector<16xf32>
      %parallel_loop3A_764 = tpu.vector_load_idx %arg6[%parallel_loop3A_57, %parallel_loop3A_759] : memref<32x1024xf32, #tpu.memory_space<vmem>>[vector<16xi32>, vector<16xi32>], vector<16xf32>,
      %parallel_loop3A_765 = arith.addf %parallel_loop3A_763, %parallel_loop3A_764 : vector<16xf32>
      %parallel_loop3A_766 = arith.constant 2.000000e+00 : f32
      %parallel_loop3A_767 = vector.broadcast %parallel_loop3A_766 : f32 to vector<16xf32>
      %parallel_loop3A_768 = arith.mulf %parallel_loop3A_767, %parallel_loop3A_763 : vector<16xf32>
      %parallel_loop3A_769 = arith.mulf %parallel_loop3A_768, %parallel_loop3A_764 : vector<16xf32>
      %parallel_loop3A_770 = arith.subf %parallel_loop3A_765, %parallel_loop3A_769 : vector<16xf32>
      %parallel_loop3A_771 = arith.mulf %parallel_loop3A_753, %parallel_loop3A_770 : vector<16xf32>
      %parallel_loop3A_772 = arith.constant 9 : i32
      %parallel_loop3A_773 = vector.broadcast %parallel_loop3A_772 : i32 to vector<16xi32>
      %parallel_loop3A_774 = tpu.vector_load_idx %arg7[%parallel_loop3A_773, %parallel_loop3A_610] : memref<16x1024xi32, #tpu.memory_space<vmem>>[vector<16xi32>, vector<16xi32>], vector<16xi32>,
      %parallel_loop3A_775 = arith.constant 1023 : i32
      %parallel_loop3A_776 = vector.broadcast %parallel_loop3A_775 : i32 to vector<16xi32>
      %parallel_loop3A_777 = arith.andi %parallel_loop3A_774, %parallel_loop3A_776 : vector<16xi32>
      %parallel_loop3A_778 = arith.constant 10 : i32
      %parallel_loop3A_779 = vector.broadcast %parallel_loop3A_778 : i32 to vector<16xi32>
      %parallel_loop3A_780 = arith.shrsi %parallel_loop3A_774, %parallel_loop3A_779 : vector<16xi32>
      %parallel_loop3A_781 = arith.sitofp %parallel_loop3A_780 : vector<16xi32> to vector<16xf32>
      %parallel_loop3A_782 = tpu.vector_load_idx %arg6[%parallel_loop3A_57, %parallel_loop3A_777] : memref<32x1024xf32, #tpu.memory_space<vmem>>[vector<16xi32>, vector<16xi32>], vector<16xf32>,
      %parallel_loop3A_783 = arith.addf %parallel_loop3A_781, %parallel_loop3A_782 : vector<16xf32>
      %parallel_loop3A_784 = arith.constant 2.000000e+00 : f32
      %parallel_loop3A_785 = vector.broadcast %parallel_loop3A_784 : f32 to vector<16xf32>
      %parallel_loop3A_786 = arith.mulf %parallel_loop3A_785, %parallel_loop3A_781 : vector<16xf32>
      %parallel_loop3A_787 = arith.mulf %parallel_loop3A_786, %parallel_loop3A_782 : vector<16xf32>
      %parallel_loop3A_788 = arith.subf %parallel_loop3A_783, %parallel_loop3A_787 : vector<16xf32>
      %parallel_loop3A_789 = arith.mulf %parallel_loop3A_771, %parallel_loop3A_788 : vector<16xf32>
      tpu.vector_store_idx %arg9[%parallel_loop3A_57, %parallel_loop3A_609], %parallel_loop3A_789 : memref<32x50xf32, #tpu.memory_space<vmem>>[vector<16xi32>, vector<16xi32>], vector<16xf32>,
    } {sc.loop_unroll_factor = 4 : i64, sc.parallel_access}
    "tpu.region"() ({
      %run_scoped3A = tpu.sem_alloc : memref<!tpu.dma_semaphore, #tpu.memory_space<semaphore_mem>>
      %dma_start3A_56 = arith.constant 0 : i32
      %dma_start3A_57 = tpu.memref_slice %arg5[%mul3A_2, %dma_start3A_56] : memref<1024x50xf32, #tpu.memory_space<hbm>> -> memref<32x50xf32, #tpu.memory_space<hbm>>
      %dma_start3A_58 = arith.constant 0 : i32
      %dma_start3A_59 = tpu.memref_slice %arg5[%mul3A_2, %dma_start3A_58] : memref<1024x50xf32, #tpu.memory_space<hbm>> -> memref<32x50xf32, #tpu.memory_space<hbm>>
      tpu.enqueue_dma source(%arg9 : memref<32x50xf32, #tpu.memory_space<vmem>>) target(%dma_start3A_59 : memref<32x50xf32, #tpu.memory_space<hbm>>) target_semaphore(%run_scoped3A : memref<!tpu.dma_semaphore, #tpu.memory_space<semaphore_mem>>)
      %dma_wait3A_60 = arith.constant 0 : i32
      %dma_wait3A_61 = tpu.memref_slice %arg5[%mul3A_2, %dma_wait3A_60] : memref<1024x50xf32, #tpu.memory_space<hbm>> -> memref<32x50xf32, #tpu.memory_space<hbm>>
      %dma_wait3A_62 = arith.constant 0 : i32
      %dma_wait3A_63 = tpu.memref_slice %arg5[%mul3A_2, %dma_wait3A_62] : memref<1024x50xf32, #tpu.memory_space<hbm>> -> memref<32x50xf32, #tpu.memory_space<hbm>>
      tpu.wait_dma2 semaphore(%run_scoped3A : memref<!tpu.dma_semaphore, #tpu.memory_space<semaphore_mem>>) src(%arg9 : memref<32x50xf32, #tpu.memory_space<vmem>>) dst(%dma_wait3A_63 : memref<32x50xf32, #tpu.memory_space<hbm>>)
      tpu.yield
    }) : () -> ()
    return
  }
}

module attributes {stable_mosaic.version = 14 : i64} {
  func.func @_tc_body(%arg0: memref<1024x128xf32, #tpu.memory_space<vmem>>, %arg1: memref<999x128xf32, #tpu.memory_space<vmem>>, %arg2: memref<1x999xf32, #tpu.memory_space<vmem>>, %arg3: memref<10x1000xi32, #tpu.memory_space<vmem>>, %arg4: memref<10x1000xi32, #tpu.memory_space<vmem>>, %arg5: memref<50x1024xi32, #tpu.memory_space<vmem>>, %arg6: memref<1024x1024xf32, #tpu.memory_space<vmem>>, %arg7: memref<16x1024xi32, #tpu.memory_space<vmem>>, %arg8: memref<1024x50xi32, #tpu.memory_space<vmem>>) attributes {dimension_semantics = [], scalar_prefetch = 0 : i64, scratch_operands = 0 : i64, tpu.core_type = #tpu.core_type<tc>} {
    %get3A = arith.constant 0 : index
    %get3A_0 = arith.constant 0 : index
    %get3A_1 = vector.load %arg0[%get3A, %get3A_0] : memref<1024x128xf32, #tpu.memory_space<vmem>>, vector<1024x128xf32>
    %get3A_2 = arith.constant 0 : index
    %get3A_3 = arith.constant 0 : index
    %get3A_4 = vector.load %arg1[%get3A_2, %get3A_3] : memref<999x128xf32, #tpu.memory_space<vmem>>, vector<999x128xf32>
    %dot_general3A = arith.constant dense<0.000000e+00> : vector<1024x999xf32>
    %dot_general3A_5 = tpu.matmul %get3A_1, %get3A_4, %dot_general3A {dimension_numbers = #tpu.dot_dimension_numbers<[1], [1], [0], [0], [0, 0, 1, 0], [], []>, transpose_lhs_hint = false} : vector<1024x128xf32>, vector<999x128xf32>, vector<1024x999xf32> -> vector<1024x999xf32>
    %get3A_6 = arith.constant 0 : index
    %get3A_7 = arith.constant 0 : index
    %get3A_8 = vector.load %arg2[%get3A_6, %get3A_7] : memref<1x999xf32, #tpu.memory_space<vmem>>, vector<1x999xf32>
    %add3A = vector.broadcast %get3A_8 : vector<1x999xf32> to vector<1024x999xf32>
    %add3A_9 = arith.addf %dot_general3A_5, %add3A : vector<1024x999xf32>
    %mul3A = arith.constant 5.000000e-01 : f32
    %mul3A_10 = vector.broadcast %mul3A : f32 to vector<1024x999xf32>
    %mul3A_11 = arith.mulf %mul3A_10, %add3A_9 : vector<1024x999xf32>
    %tanh3A = math.tanh %mul3A_11 : vector<1024x999xf32>
    %mul3A_12 = arith.constant 5.000000e-01 : f32
    %mul3A_13 = vector.broadcast %mul3A_12 : f32 to vector<1024x999xf32>
    %mul3A_14 = arith.mulf %mul3A_13, %tanh3A : vector<1024x999xf32>
    %add3A_15 = arith.constant 5.000000e-01 : f32
    %add3A_16 = vector.broadcast %add3A_15 : f32 to vector<1024x999xf32>
    %add3A_17 = arith.addf %mul3A_14, %add3A_16 : vector<1024x999xf32>
    %swap3A = arith.constant 0 : index
    %swap3A_18 = arith.constant 0 : index
    %swap3A_19 = vector.load %arg6[%swap3A, %swap3A_18] : memref<1024x1024xf32, #tpu.memory_space<vmem>>, vector<1024x999xf32>
    tpu.vector_store %arg6[%swap3A, %swap3A_18], %add3A_17 {strides = array<i32>} : memref<1024x1024xf32, #tpu.memory_space<vmem>>, vector<1024x999xf32>,
    %get3A_20 = arith.constant 0 : index
    %get3A_21 = arith.constant 0 : index
    %get3A_22 = vector.load %arg3[%get3A_20, %get3A_21] : memref<10x1000xi32, #tpu.memory_space<vmem>>, vector<10x1000xi32>
    %get3A_23 = arith.constant 0 : index
    %get3A_24 = arith.constant 0 : index
    %get3A_25 = vector.load %arg4[%get3A_23, %get3A_24] : memref<10x1000xi32, #tpu.memory_space<vmem>>, vector<10x1000xi32>
    %mul3A_26 = arith.constant 1024 : i32
    %mul3A_27 = vector.broadcast %mul3A_26 : i32 to vector<10x1000xi32>
    %mul3A_28 = arith.muli %mul3A_27, %get3A_25 : vector<10x1000xi32>
    %add3A_29 = arith.addi %get3A_22, %mul3A_28 : vector<10x1000xi32>
    %swap3A_30 = arith.constant 0 : index
    %swap3A_31 = arith.constant 0 : index
    %swap3A_32 = vector.load %arg7[%swap3A_30, %swap3A_31] : memref<16x1024xi32, #tpu.memory_space<vmem>>, vector<10x1000xi32>
    tpu.vector_store %arg7[%swap3A_30, %swap3A_31], %add3A_29 {strides = array<i32>} : memref<16x1024xi32, #tpu.memory_space<vmem>>, vector<10x1000xi32>,
    %get3A_33 = arith.constant 0 : index
    %get3A_34 = arith.constant 0 : index
    %get3A_35 = vector.load %arg5[%get3A_33, %get3A_34] : memref<50x1024xi32, #tpu.memory_space<vmem>>, vector<50x1024xi32>
    %transpose3A = tpu.transpose %get3A_35, [1, 0] : vector<50x1024xi32> -> vector<1024x50xi32>
    %swap3A_36 = arith.constant 0 : index
    %swap3A_37 = arith.constant 0 : index
    %swap3A_38 = vector.load %arg8[%swap3A_36, %swap3A_37] : memref<1024x50xi32, #tpu.memory_space<vmem>>, vector<1024x50xi32>
    tpu.vector_store %arg8[%swap3A_36, %swap3A_37], %transpose3A {strides = array<i32>} : memref<1024x50xi32, #tpu.memory_space<vmem>>, vector<1024x50xi32>,
    return
  }
}

</mosaic_0001>

<sc_bundles>
// kernel: kernel.4.cloned.1.call-start
scs
__scs_entry_jumppad:
0x0: {  	(pc) =	sbr.rel $0x88, $3  }
0x1: {  	(tag) =	ssettag $0x0;
	lr =	simm.s32 $0x1  }
0x2: {  	[smem:$0x3F9B] =	sst lr;
	_ =	strace $0xD0000000  }
0x3: {  	_ = 	snop  }
0x4: {  	_ = 	snop  }
0x5: {  	_ = 	snop  }
0x6: {  	_ = 	snop  }
0x7: {  	_ = 	snop  }
__scs_overlays_trampoline_lowered:
0x8: {  	[smem:$0x3FAA] =	sst s0  }
0x9: {  	[smem:$0x3FAB] =	sst s1  }
0xa: {  	[smem:$0x3FAC] =	sst s2  }
0xb: {  	[smem:$0x3FAD] =	sst s3  }
0xc: {  	[smem:$0x3FAE] =	sst s4  }
0xd: {  	[smem:$0x3FAF] =	sst s5  }
0xe: {  	[smem:$0x3FB0] =	sst s6  }
0xf: {  	[smem:$0x3FB1] =	sst s7  }
0x10: {  	[smem:$0x3FB2] =	sst s8  }
0x11: {  	[smem:$0x3FB3] =	sst s9;
	s0 =	simm.s32 @!p0 $0x0  }
0x12: {  	s1 =	sld [smem:$0x3F99];
	s0 =	simm.s32 @p0 $0x1  }
0x13: {  	[smem:$0x3FB4] =	sst s0;
	s0 =	simm.s32 @!p1 $0x0  }
0x14: {  	s2 =	sld [smem:$0x3F98];
	s0 =	simm.s32 @p1 $0x1  }
0x15: {  	[smem:$0x3FB5] =	sst s0;
	s0 =	simm.s32 @!p2 $0x0  }
0x16: {  	s3 =	sld [smem:$0x3FDB];
	s0 =	simm.s32 @p2 $0x1  }
0x17: {  	s4 =	simm.s32 $0x1BF5;
	[smem:$0x3FB7] =	sst s0  }
0x18: {  	s0 =	sld [smem:$0x3F9A];
	_ =	swait.ge [sflag:s4], $0x0  }
0x19: {  	s7 =	sld [smem:$0x3F9B]  }
0x1a: {  	s8 =	sadd.s32 $0xFFFFE003, lr  }
0x1b: {  	s9 =	sadd.s32 $0xFFFFFEF7, lr;
	s5 =	simm.s32 $0xFFFFFFFF;
	p2 =	slt.u32 s8, $0xFFFFF086  }
0x1c: {  	p1 =	slt.u32 s9, $0xF7A;
	s5 =	simm.s32 @!p2 $0x0  }
0x1d: {  	s5 =	simm.s32 @p1 $0x1;
	p0 =	seq.s32 s7, s2  }
0x1e: {  	s7 =	smul.u32 @!p0 $0xF7A, s2;
	p2 =	seq.s32 @!p0 s5, $0x0  }
0x1f: {  	s9 =	smul.u32 $0xF7A, s1;
	s8 =	simm.s32 @!p0 $0x1BF5;
	p2 =	por !p2, p0  }
0x20: {  	[sflag:s8] =	ssyncset.s32 @!p0 $0xFFFFF086;
	s6 =	sadd.s32 @!p0 s3, s7;
	s7 =	simm.s32 @!p0 $0x108  }
0x21: {  	s3 =	sadd.s32 s3, s9;
	s6 =	sadd.s32 @!p0 $0x88, s6;
	s7 =	simm.s32 @p2 $0x1082  }
0x22: {  	[simem:s7], [sflag:s8] =	dma.local @!p0 [hbm:s6], $0xF7A  }
0x23: {  	s9 =	sor.u32 $0xD0000000, s2;
	s6 =	simm.s32 $0x108;
	_ =	swait.ge @!p0 [sflag:s8], $0x0  }
0x24: {  	s3 =	sadd.s32 $0x88, s3;
	s6 =	simm.s32 @!p1 $0x1082;
	[sflag:s4] =	ssyncset.s32 $0xFFFFF086  }
0x25: {  	[simem:s6], [sflag:s4] =	dma.local [hbm:s3], $0xF7A  }
0x26: {  	[smem:$0x3F9B] =	sst s1;
	(tag) =	ssettag s2;
	_ =	strace s9  }
0x27: {  	s1 =	sld [smem:$0x3FAB]  }
0x28: {  	s2 =	sld [smem:$0x3FAC]  }
0x29: {  	s4 =	sld [smem:$0x3FAE]  }
0x2a: {  	p0 =	seq.s32 s5, $0x0;
	s5 =	sld [smem:$0x3FAF]  }
0x2b: {  	s6 =	sld [smem:$0x3FB0]  }
0x2c: {  	s7 =	sld [smem:$0x3FB1]  }
0x2d: {  	s3 =	simm.s32 $0x108;
	s8 =	sld [smem:$0x3FB2]  }
0x2e: {  	s3 =	simm.s32 @!p0 $0x1082;
	s9 =	sld [smem:$0x3FB3]  }
0x2f: {  	lr =	sadd.s32 s0, s3;
	s0 =	sld [smem:$0x3FAA]  }
0x30: {  	s3 =	sld [smem:$0x3FAD]  }
0x31: {  	[smem:$0x3FB6] =	sst s10  }
0x32: {  	s10 =	sld [smem:$0x3FB4];
	_ =	sdelay $0x3  }
0x33: {  	p0 =	seq.s32 s10, $0x1;
	s10 =	sld [smem:$0x3FB6];
	_ =	sdelay $0x3  }
0x34: {  	[smem:$0x3FB6] =	sst s10  }
0x35: {  	s10 =	sld [smem:$0x3FB5];
	_ =	sdelay $0x3  }
0x36: {  	p1 =	seq.s32 s10, $0x1;
	s10 =	sld [smem:$0x3FB6];
	_ =	sdelay $0x3  }
0x37: {  	[smem:$0x3FB6] =	sst s10  }
0x38: {  	s10 =	sld [smem:$0x3FB7]  }
0x39: {  	_ = 	snop;
	(pc) =	sbr.ind lr, $3  }
0x3a: {  	_ = 	snop  }
0x3b: {  	_ = 	snop  }
0x3c: {  	p2 =	seq.s32 s10, $0x1;
	s10 =	sld [smem:$0x3FB6]  }
0x3d: {  	_ =	shalt  }
0x3e: {  	_ =	shalt  }
0x3f: {  	_ =	shalt  }
0x40: {  	_ =	shalt  }
0x41: {  	_ =	shalt  }
0x42: {  	_ =	shalt  }
0x43: {  	_ =	shalt  }
0x44: {  	_ =	shalt  }
0x45: {  	_ =	shalt  }
0x46: {  	_ =	shalt  }
0x47: {  	_ =	shalt  }
0x48: {  	_ =	shalt  }
0x49: {  	_ =	shalt  }
0x4a: {  	_ =	shalt  }
0x4b: {  	_ =	shalt  }
0x4c: {  	_ =	shalt  }
0x4d: {  	_ =	shalt  }
0x4e: {  	_ =	shalt  }
0x4f: {  	_ =	shalt  }
0x50: {  	_ =	shalt  }
0x51: {  	_ =	shalt  }
0x52: {  	_ =	shalt  }
0x53: {  	_ =	shalt  }
0x54: {  	_ =	shalt  }
0x55: {  	_ =	shalt  }
0x56: {  	_ =	shalt  }
0x57: {  	_ =	shalt  }
0x58: {  	_ =	shalt  }
0x59: {  	_ =	shalt  }
0x5a: {  	_ =	shalt  }
0x5b: {  	_ =	shalt  }
0x5c: {  	_ =	shalt  }
0x5d: {  	_ =	shalt  }
0x5e: {  	_ =	shalt  }
0x5f: {  	_ =	shalt  }
0x60: {  	_ =	shalt  }
0x61: {  	_ =	shalt  }
0x62: {  	_ =	shalt  }
0x63: {  	_ =	shalt  }
0x64: {  	_ =	shalt  }
0x65: {  	_ =	shalt  }
0x66: {  	_ =	shalt  }
0x67: {  	_ =	shalt  }
0x68: {  	_ =	shalt  }
0x69: {  	_ =	shalt  }
0x6a: {  	_ =	shalt  }
0x6b: {  	_ =	shalt  }
0x6c: {  	_ =	shalt  }
0x6d: {  	_ =	shalt  }
0x6e: {  	_ =	shalt  }
0x6f: {  	_ =	shalt  }
0x70: {  	_ =	shalt  }
0x71: {  	_ =	shalt  }
0x72: {  	_ =	shalt  }
0x73: {  	_ =	shalt  }
0x74: {  	_ =	shalt  }
0x75: {  	_ =	shalt  }
0x76: {  	_ =	shalt  }
0x77: {  	_ =	shalt  }
0x78: {  	_ =	shalt  }
0x79: {  	_ =	shalt  }
0x7a: {  	_ =	shalt  }
0x7b: {  	_ =	shalt  }
0x7c: {  	_ =	shalt  }
0x7d: {  	_ =	shalt  }
0x7e: {  	_ =	shalt  }
0x7f: {  	_ =	shalt  }
0x80: {  	_ =	shalt  }
0x81: {  	_ =	shalt  }
0x82: {  	_ =	shalt  }
0x83: {  	_ =	shalt  }
0x84: {  	_ =	shalt  }
0x85: {  	_ =	shalt  }
0x86: {  	_ =	shalt  }
0x87: {  	_ =	shalt  }
.Lfunc_end0:
.L_simem_size_0:
called_computation_lowered:
.L_overlay_start_0:
0x88: {  	s2 =	sld [smem:$0x3FD9]  }
0x89: {  	s3 =	sld [smem:$0x3FFE];
	_ =	sdelay $0x1  }
0x8a: {  	s1 =	srdreg.scid  }
0x8b: {  	s0 =	sand.u32 $0x1, s1  }
0x8c: {  	s17 =	sshll.u32 s0, $0xA;
	s2 =	sadd.s32 s3, s2  }
0x8d: {  	s2 =	sadd.s32 s2, s17  }
0x8e: {  	[smem:$0x3FC2] =	sst s2  }
0x8f: {  	_ = 	snop  }
0x90: {  	s2 =	sld [smem:$0x3FD0];
	(tm) =	ssettm $0x1  }
0x91: {  	s18 =	sld [smem:$0x3FFB];
	_ =	sdelay $0x3  }
0x92: {  	_ =	strace s18  }
0x93: {  	s3 =	sld [smem:$0x3FFC];
	_ =	sdelay $0x3  }
0x94: {  	_ =	strace s3  }
0x95: {  	s3 =	sld [smem:$0x3FFD];
	_ =	sdelay $0x3  }
0x96: {  	_ =	strace s3  }
0x97: {  	_ =	strace $0x8FFFFFFF  }
0x98: {  	s19 =	sld [smem:$0x3FDB];
	_ =	sdelay $0x1  }
0x99: {  	s4 =	simm.s32 $_scs_section_size  }
0x9a: {  	s5 =	simm.s32 $_size__tile_overlayer_lowered;
	s6 =	simm.s32 $_tile_overlayer_lowered  }
0x9b: {  	s22 =	simm.s32 $0x1BFF;
	s21 =	sshll.u32 s6, $0x1;
	s3 =	sadd.s32 s4, s19  }
0x9c: {  	s7 =	simm.s32 $0x0;
	s20 =	sshll.u32 s5, $0x1;
	s5 =	sadd.s32 s21, s3  }
0x9d: {  	[timem:s7], [sflag:s22] =	dma.local [hbm:s5], s20  }
0x9e: {  	_ =	swait.ge [sflag:s22], s20  }
0x9f: {  	s4 =	ssub.s32 $0x0, s20;
	[sflag:s22] =	ssyncset.done $0x0  }
0xa0: {  	[sflag:s22] =	ssyncadd.s32 s4;
	_ =	sdelay $0x1  }
0xa1: {  	s23 =	simm.s32 $0x1B8B  }
0xa2: {  	_ =	swait.ge [sflag:s23], $0x1  }
0xa3: {  	[sflag:s23] =	ssyncset.done $0x0  }
0xa4: {  	s25 =	simm.s32 $0x1B8E;
	s24 =	sld [smem:$0x3FFE];
	[sflag:s23] =	ssyncadd.s32 $0xFFFFFFFF  }
0xa5: {  	s26 =	simm.s32 $execute0_lowered;
	[smem:$0x3FD2] =	sst s25  }
0xa6: {  	s5 =	sshll.u32 s26, $0x1;
	_ =	strace $0x80000046;
	[dreg:$0x1] =	wrdreg $0xFFFFFFFF  }
0xa7: {  	s28 =	simm.s32 $_size_execute0_lowered;
	s3 =	sadd.s32 s3, s5;
	[dreg:$0x0] =	wrdreg $0x0  }
0xa8: {  	s5 =	sshll.u32 s28, $0x1;
	[dreg:$0x2] =	wrdreg s3  }
0xa9: {  	[dreg:$0x3] =	wrdreg s5  }
0xaa: {  	[dreg:$0x4] =	wrdreg $0xC0  }
0xab: {  	_ =	task [dreg:s7], $0x5FFFF  }
0xac: {  	[dreg:$0x1] =	wrdreg $0xFFFFFFFF  }
0xad: {  	[dreg:$0x0] =	wrdreg $0x60  }
0xae: {  	[dreg:$0x2] =	wrdreg s24  }
0xaf: {  	[dreg:$0x3] =	wrdreg s2  }
0xb0: {  	[dreg:$0x4] =	wrdreg $0x9  }
0xb1: {  	_ =	task.clear_ibuf [dreg:s7], $0x5FFFF;
	_ =	strace $0x90000046  }
0xb2: {  	s29 =	simm.s32 $0x9;
	_ =	strace $0x80000048  }
0xb3: {  	_ =	swait.ge [sflag:s29], $0x1  }
0xb4: {  	[sflag:s29] =	ssyncadd.s32 $0xFFFFFFFF  }
0xb5: {  	_ =	strace $0x90000048  }
0xb6: {  	_ =	sfence  }
0xb7: {  	s30 =	sld [smem:$0x0];
	_ =	sdelay $0x2  }
0xb8: {  	s31 =	sshll.u32 s1, $0xD;
	s1 =	sshrl.u32 s1, $0x2  }
0xb9: {  	s3 =	sand.u32 $0x4000, s31;
	s1 =	sadd.s32 s1, s30  }
0xba: {  	s0 =	sor.u32 s3, s0;
	s1 =	sshll.u32 s1, $0x11  }
0xbb: {  	s0 =	sor.u32 s1, s0  }
0xbc: {  	s0 =	sadd.s32 $0x8F2B, s0  }
0xbd: {  	[sflag:s0] =	ssyncadd.remote.s32 $0x1  }
0xbe: {  	_ =	sfence.sel $0xFFFF  }
0xbf: {  	[dreg:$0x0] =	wrdreg $0xFFFFFFFF;
	(pc) =	sbr.abs _section_cstart, $3  }
0xc0: {  	[dreg:$0x1] =	wrdreg $0xFFFFFFFF  }
0xc1: {  	_ =	task.clear_ibuf [dreg:s7], $0x2FFFF;
	_ =	strace $0x9FFFFFFF  }
0xc2: {  	(tm) =	ssettm $0x7FFFFFFF  }
0xc3: {  	_ =	shalt  }
tec
execute0_lowered:
.L_overlay_start_1:
0x0: {  	(tag) =	ssettag $0x1  }
0x1: {  	s4 =	rddreg [dreg:$0x0]  }
0x2: {  	s2 =	rddreg [dreg:$0x1]  }
0x3: {  	s0 =	rddreg [dreg:$0x2]  }
0x4: {  	s5 =	srdreg.scid;
	s3 =	simm.s32 $0x0;
	s1 =	stileid.u32  }
0x5: {  	s10 =	simm.s32 $0x8000;
	s11 =	simm.s32 $0xC000;
	s12 =	simm.s32 $0x1  }
0x6: {  	s13 =	simm.s32 $0x2;
	s14 =	simm.s32 $0xD000;
	s15 =	simm.s32 $0x3  }
0x7: {  	s16 =	simm.s32 $0x4;
	s17 =	simm.s32 $0x0;
	s5 =	sand.u32 $0x1, s5  }
0x8: {  	[smem:$0x7FF] =	sst s3;
	s6 =	sshll.u32 s1, $0x6;
	s7 =	sshll.u32 s5, $0x5  }
0x9: {  	_ =	strace $0x80000047;
	s5 =	ssub.s32 $0x2, s5;
	s6 =	sor.u32 s7, s6  }
0xa: {  	s31 =	sshrl.u32 s5, $0x1;
	s7 =	sshll.u32 s6, $0x7;
	s6 =	sshll.u32 s6, $0x4  }
0xb: {  	s9 =	ssub.s32 s5, s31;
	s7 =	sadd.s32 s7, s4;
	s8 =	sadd.s32 s6, s4  }
0xc: {  	v0 =	vlaneseq.u32;
	s4 =	sadd.s32 $0x1600, s7;
	s5 =	sadd.s32 $0x1E00, s7;
	s6 =	sadd.s32 $0x21600, s8  }
0xd: {  	v1 =	vor.u32 $0x10, v0;
	v2 =	vor.u32 $0x20, v0;
	v3 =	vadd.s32 $0x22, v0;
	s7 =	sadd.s32 $0x25600, s8;
	s8 =	smax.u32 s9, $0x1;
	s9 =	simm.s32 $0x4000  }
.LBB2_1:
0xe: {  	[tilespmem:s3], [sflag:$0x2] =	stream.linear.gather [hbm4b:s4+s3], $0x4000, $0x38;
	[tilespmem:$0xE000] =	vst v63  }
0xf: {  	_ = 	snop  }
0x10: {  	[tilespmem:s9], [sflag:$0x3] =	stream.linear.gather [hbm4b:s5+s3], $0x4000, $0x38;
	[tilespmem:$0xE000] =	vst v63  }
0x11: {  	_ = 	snop  }
0x12: {  	[tilespmem:s10], [sflag:$0x1] =	stream.linear.gather [hbm4b:s2+s3], $0x4000, $0x38;
	[tilespmem:$0xE000] =	vst v63  }
0x13: {  	_ = 	snop  }
0x14: {  	[tilespmem:s11], [sflag:$0x1] =	stream.linear.gather [hbm4b:s6+s3], $0x1000, $0x38;
	[tilespmem:$0xE000] =	vst v63  }
0x15: {  	_ =	swait.ge [sflag:s12], $0x4000  }
0x16: {  	[sflag:s12] =	ssyncset.done $0x0  }
0x17: {  	[sflag:s12] =	ssyncadd.s32 $0xFFFFC000  }
0x18: {  	_ =	swait.ge [sflag:s12], $0x1000  }
0x19: {  	[sflag:s12] =	ssyncset.done $0x0  }
0x1a: {  	[sflag:s12] =	ssyncadd.s32 $0xFFFFF000  }
0x1b: {  	_ =	swait.ge [sflag:s13], $0x4000  }
0x1c: {  	[sflag:s13] =	ssyncset.done $0x0  }
0x1d: {  	s18 =	simm.s32 $0x0;
	[sflag:s13] =	ssyncadd.s32 $0xFFFFC000  }
.LBB2_2:
0x1e: {  	v6 =	vmov s18  }
0x1f: {  	v4 =	vshll.u32 v6, $0x7  }
0x20: {  	v5 =	vor.u32 v0, v4;
	_ =	sdelay $0x4  }
0x21: {  	v7 =	vld.idx.msk [tilespmem:v5+s11+$0x0], $0xffff;
	_ =	sdelay $0x4  }
0x22: {  	v8 =	vshll.u32 v7, $0x3  }
0x23: {  	v7 =	vand.u32 $0x7F, v7;
	v8 =	vand.u32 $0xFFFFFC00, v8  }
0x24: {  	v8 =	vor.u32 v7, v8  }
0x25: {  	v7 =	vor.u32 $0x80, v8  }
0x26: {  	v11 =	vor.u32 $0x100, v8;
	_ =	sdelay $0x2  }
0x27: {  	v10 =	vld.idx.msk [tilespmem:v8+s10+$0x0], $0xffff  }
0x28: {  	v12 =	vld.idx.msk [tilespmem:v7+s10+$0x0], $0xffff  }
0x29: {  	v6 =	vshll.u32 v6, $0xA;
	v41 =	vor.u32 $0x180, v8;
	v16 =	vor.u32 $0x200, v8;
	v11 =	vld.idx.msk [tilespmem:v11+s10+$0x0], $0xffff  }
0x2a: {  	v46 =	vor.u32 $0x280, v8;
	v50 =	vor.u32 $0x300, v8;
	v55 =	vor.u32 $0x380, v8  }
0x2b: {  	v57 =	vadd.s32 $0x2000, v8;
	v8 =	vadd.s32 $0x2080, v8;
	v7 =	vand.u32 $0x200, v4  }
0x2c: {  	v9 =	vshll.u32 v10, $0x3;
	v39 =	vand.u32 $0x7F, v10;
	v10 =	vshra.s32 v10, $0xA  }
0x2d: {  	v13 =	vand.u32 $0x1C00, v9;
	v9 =	vand.u32 $0x2000, v6;
	v14 =	vshll.u32 v12, $0x3  }
0x2e: {  	v15 =	vand.u32 $0x7F, v12;
	v42 =	vshll.u32 v11, $0x3;
	v40 =	vor.u32 v13, v39;
	v13 =	vld.idx.msk [tilespmem:v41+s10+$0x0], $0xffff  }
0x2f: {  	v16 =	vld.idx.msk [tilespmem:v16+s10+$0x0], $0xffff;
	v17 =	vand.u32 $0x7F, v11;
	v10 =	vcvt.s32.f32 v10;
	v14 =	vand.u32 $0x1C00, v14  }
0x30: {  	v6 =	vor.u32 v9, v40;
	v14 =	vor.u32 v14, v15;
	v15 =	vand.u32 $0x1C00, v42  }
0x31: {  	v54 =	vld.idx.msk [tilespmem:v46+s10+$0x0], $0xffff;
	v6 =	vor.u32 v7, v6;
	v14 =	vor.u32 v9, v14;
	v15 =	vor.u32 v15, v17  }
0x32: {  	v12 =	vshra.s32 v12, $0xA;
	v14 =	vor.u32 v7, v14;
	v15 =	vor.u32 v9, v15  }
0x33: {  	v11 =	vshra.s32 v11, $0xA;
	v15 =	vor.u32 v7, v15;
	v18 =	vshll.u32 v13, $0x3  }
0x34: {  	v45 =	vshll.u32 v16, $0x3;
	v19 =	vand.u32 $0x7F, v13;
	v18 =	vand.u32 $0x1C00, v18  }
0x35: {  	v20 =	vand.u32 $0x7F, v16;
	v16 =	vshra.s32 v16, $0xA;
	v18 =	vor.u32 v18, v19  }
0x36: {  	v59 =	vshll.u32 v54, $0x3;
	v60 =	vand.u32 $0x7F, v54;
	v6 =	vld.idx.msk [tilespmem:v6+s3+$0x0], $0xffff;
	v18 =	vor.u32 v9, v18  }
0x37: {  	v12 =	vcvt.s32.f32 v12;
	v19 =	vand.u32 $0x1C00, v45;
	v14 =	vld.idx.msk [tilespmem:v14+s3+$0x0], $0xffff;
	v18 =	vor.u32 v7, v18  }
0x38: {  	v11 =	vcvt.s32.f32 v11;
	v58 =	vcvt.s32.f32 v16;
	v19 =	vor.u32 v19, v20;
	v15 =	vld.idx.msk [tilespmem:v15+s3+$0x0], $0xffff  }
0x39: {  	v16 =	vand.u32 $0x1C00, v59;
	v43 =	vadd.f32 v10, v10;
	v47 =	vor.u32 v9, v19  }
0x3a: {  	v8 =	vld.idx.msk [tilespmem:v8+s10+$0x0], $0xffff;
	v16 =	vor.u32 v16, v60;
	v44 =	vadd.f32 v12, v12;
	v17 =	vor.u32 v7, v47  }
0x3b: {  	v48 =	vadd.f32 v11, v11;
	v10 =	vadd.f32 v10, v6;
	v6 =	vmul.f32 v43, v6  }
0x3c: {  	v16 =	vor.u32 v9, v16;
	v12 =	vadd.f32 v12, v14;
	v14 =	vmul.f32 v44, v14;
	v52 =	vld.idx.msk [tilespmem:v18+s3+$0x0], $0xffff  }
0x3d: {  	v53 =	vshra.s32 v13, $0xA;
	v6 =	vsub.f32 v10, v6;
	v11 =	vadd.f32 v11, v15;
	v18 =	vld.idx.msk [tilespmem:v57+s10+$0x0], $0xffff  }
0x3e: {  	v51 =	vmul.f32 v48, v15;
	v10 =	vcvt.s32.f32 v53;
	v49 =	vsub.f32 v12, v14;
	v12 =	vld.idx.msk [tilespmem:v50+s10+$0x0], $0xffff  }
0x3f: {  	v16 =	vor.u32 v7, v16;
	v33 =	vshll.u32 v8, $0x3;
	v17 =	vld.idx.msk [tilespmem:v17+s3+$0x0], $0xffff  }
0x40: {  	v14 =	vld.idx.msk [tilespmem:v55+s10+$0x0], $0xffff;
	v11 =	vsub.f32 v11, v51;
	v56 =	vadd.f32 v10, v10;
	v6 =	vmul.f32 v49, v6  }
0x41: {  	v21 =	vand.u32 $0x7F, v8;
	v13 =	vshra.s32 v54, $0xA;
	v15 =	vadd.f32 v58, v58  }
0x42: {  	v6 =	vmul.f32 v11, v6;
	v10 =	vadd.f32 v10, v52;
	v11 =	vmul.f32 v56, v52  }
0x43: {  	v31 =	vshll.u32 v18, $0x3;
	v32 =	vand.u32 $0x7F, v18;
	v62 =	vshll.u32 v12, $0x3  }
0x44: {  	v61 =	vadd.f32 v58, v17;
	v63 =	vand.u32 $0x7F, v12;
	v19 =	vand.u32 $0x1C00, v62  }
0x45: {  	v15 =	vmul.f32 v15, v17;
	v25 =	vshll.u32 v14, $0x3;
	v24 =	vor.u32 v19, v63  }
0x46: {  	v26 =	vand.u32 $0x7F, v14;
	v19 =	vand.u32 $0x1C00, v25;
	v17 =	vor.u32 v9, v24  }
0x47: {  	v28 =	vor.u32 v19, v26;
	v19 =	vand.u32 $0x1C00, v31;
	v17 =	vor.u32 v7, v17  }
0x48: {  	v29 =	vld.idx.msk [tilespmem:v16+s3+$0x0], $0xffff;
	v10 =	vsub.f32 v10, v11;
	v11 =	vor.u32 v9, v28;
	v19 =	vor.u32 v19, v32  }
0x49: {  	v20 =	vand.u32 $0x1C00, v33;
	v11 =	vor.u32 v7, v11;
	v19 =	vor.u32 v9, v19  }
0x4a: {  	v13 =	vcvt.s32.f32 v13;
	v20 =	vor.u32 v20, v21;
	v19 =	vor.u32 v7, v19  }
0x4b: {  	v8 =	vshra.s32 v8, $0xA;
	v34 =	vor.u32 v9, v20  }
0x4c: {  	v30 =	vadd.f32 v13, v13;
	v16 =	vor.u32 v7, v34;
	v12 =	vshra.s32 v12, $0xA;
	v17 =	vld.idx.msk [tilespmem:v17+s3+$0x0], $0xffff  }
0x4d: {  	v13 =	vadd.f32 v13, v29;
	v14 =	vshra.s32 v14, $0xA;
	v12 =	vcvt.s32.f32 v12  }
0x4e: {  	v27 =	vsub.f32 v61, v15;
	v15 =	vmul.f32 v30, v29;
	v6 =	vmul.f32 v10, v6;
	v11 =	vld.idx.msk [tilespmem:v11+s3+$0x0], $0xffff  }
0x4f: {  	v39 =	vshra.s32 v18, $0xA;
	v36 =	vcvt.s32.f32 v14;
	v35 =	vadd.f32 v12, v12;
	v40 =	vld.idx.msk [tilespmem:v19+s3+$0x0], $0xffff  }
0x50: {  	v41 =	vcvt.s32.f32 v39;
	v13 =	vsub.f32 v13, v15;
	v6 =	vmul.f32 v27, v6  }
0x51: {  	v42 =	vld.idx.msk [tilespmem:v16+s3+$0x0], $0xffff;
	v38 =	vadd.f32 v36, v36;
	v12 =	vadd.f32 v12, v17;
	v37 =	vmul.f32 v35, v17  }
0x52: {  	v8 =	vcvt.s32.f32 v8;
	v43 =	vadd.f32 v41, v41;
	v6 =	vmul.f32 v13, v6  }
0x53: {  	v10 =	vadd.f32 v36, v11;
	v11 =	vmul.f32 v38, v11;
	v12 =	vsub.f32 v12, v37  }
0x54: {  	v46 =	vadd.f32 v8, v8;
	v44 =	vadd.f32 v41, v40  }
0x55: {  	v45 =	vmul.f32 v43, v40;
	v10 =	vsub.f32 v10, v11;
	v6 =	vmul.f32 v12, v6  }
0x56: {  	v8 =	vadd.f32 v8, v42  }
0x57: {  	v48 =	vmul.f32 v46, v42;
	v47 =	vsub.f32 v44, v45;
	v6 =	vmul.f32 v10, v6;
	_ =	sdelay $0x1  }
0x58: {  	v8 =	vsub.f32 v8, v48;
	v10 =	vmul.f32 v47, v6;
	v6 =	vor.u32 v1, v4;
	_ =	sdelay $0x1  }
0x59: {  	v8 =	vmul.f32 v8, v10;
	_ =	sdelay $0x1  }
0x5a: {  	[tilespmem:v5+s14+$0x0] =	vst.idx.msk $0xffff, v8  }
0x5b: {  	v5 =	vld.idx.msk [tilespmem:v6+s11+$0x0], $0xffff;
	_ =	sdelay $0x4  }
0x5c: {  	v49 =	vshll.u32 v5, $0x3  }
0x5d: {  	v5 =	vand.u32 $0x7F, v5;
	v8 =	vand.u32 $0xFFFFFC00, v49  }
0x5e: {  	v5 =	vor.u32 v5, v8  }
0x5f: {  	v50 =	vor.u32 $0x80, v5  }
0x60: {  	v51 =	vor.u32 $0x100, v5  }
0x61: {  	v54 =	vor.u32 $0x180, v5  }
0x62: {  	v57 =	vor.u32 $0x200, v5  }
0x63: {  	v8 =	vld.idx.msk [tilespmem:v5+s10+$0x0], $0xffff  }
0x64: {  	v10 =	vld.idx.msk [tilespmem:v50+s10+$0x0], $0xffff  }
0x65: {  	v11 =	vld.idx.msk [tilespmem:v51+s10+$0x0], $0xffff  }
0x66: {  	v26 =	vor.u32 $0x280, v5;
	v13 =	vld.idx.msk [tilespmem:v54+s10+$0x0], $0xffff  }
0x67: {  	v29 =	vor.u32 $0x300, v5;
	v34 =	vor.u32 $0x380, v5;
	v36 =	vadd.s32 $0x2000, v5;
	v16 =	vld.idx.msk [tilespmem:v57+s10+$0x0], $0xffff  }
0x68: {  	v5 =	vadd.s32 $0x2080, v5;
	v52 =	vshll.u32 v8, $0x3;
	v53 =	vand.u32 $0x7F, v8  }
0x69: {  	v8 =	vshra.s32 v8, $0xA;
	v12 =	vand.u32 $0x1C00, v52;
	v55 =	vshll.u32 v10, $0x3  }
0x6a: {  	v56 =	vand.u32 $0x7F, v10;
	v58 =	vshll.u32 v11, $0x3;
	v59 =	vand.u32 $0x7F, v11  }
0x6b: {  	v8 =	vcvt.s32.f32 v8;
	v61 =	vshll.u32 v13, $0x3;
	v62 =	vand.u32 $0x7F, v13  }
0x6c: {  	v24 =	vshll.u32 v16, $0x3;
	v12 =	vor.u32 v12, v53;
	v14 =	vand.u32 $0x1C00, v55  }
0x6d: {  	v25 =	vand.u32 $0x7F, v16;
	v12 =	vor.u32 v9, v12;
	v14 =	vor.u32 v14, v56  }
0x6e: {  	v15 =	vand.u32 $0x1C00, v58;
	v12 =	vor.u32 v7, v12;
	v14 =	vor.u32 v9, v14  }
0x6f: {  	v33 =	vld.idx.msk [tilespmem:v26+s10+$0x0], $0xffff;
	v19 =	vand.u32 $0x1C00, v24;
	v15 =	vor.u32 v15, v59;
	v14 =	vor.u32 v7, v14  }
0x70: {  	v18 =	vand.u32 $0x1C00, v61;
	v19 =	vor.u32 v19, v25;
	v15 =	vor.u32 v9, v15  }
0x71: {  	v18 =	vor.u32 v18, v62;
	v27 =	vor.u32 v9, v19;
	v15 =	vor.u32 v7, v15  }
0x72: {  	v10 =	vshra.s32 v10, $0xA;
	v18 =	vor.u32 v9, v18;
	v17 =	vor.u32 v7, v27  }
0x73: {  	v11 =	vshra.s32 v11, $0xA;
	v32 =	vshra.s32 v13, $0xA;
	v18 =	vor.u32 v7, v18;
	v12 =	vld.idx.msk [tilespmem:v12+s3+$0x0], $0xffff  }
0x74: {  	v16 =	vshra.s32 v16, $0xA;
	v38 =	vshll.u32 v33, $0x3;
	v39 =	vand.u32 $0x7F, v33;
	v14 =	vld.idx.msk [tilespmem:v14+s3+$0x0], $0xffff  }
0x75: {  	v5 =	vld.idx.msk [tilespmem:v5+s10+$0x0], $0xffff;
	v13 =	vshra.s32 v33, $0xA;
	v10 =	vcvt.s32.f32 v10;
	v11 =	vcvt.s32.f32 v11  }
0x76: {  	v37 =	vcvt.s32.f32 v16;
	v16 =	vand.u32 $0x1C00, v38;
	v60 =	vadd.f32 v8, v8;
	v15 =	vld.idx.msk [tilespmem:v15+s3+$0x0], $0xffff  }
0x77: {  	v13 =	vcvt.s32.f32 v13;
	v16 =	vor.u32 v16, v39;
	v63 =	vadd.f32 v10, v10;
	v17 =	vld.idx.msk [tilespmem:v17+s3+$0x0], $0xffff  }
0x78: {  	v28 =	vadd.f32 v11, v11;
	v31 =	vld.idx.msk [tilespmem:v18+s3+$0x0], $0xffff;
	v8 =	vadd.f32 v8, v12;
	v12 =	vmul.f32 v60, v12  }
0x79: {  	v16 =	vor.u32 v9, v16;
	v18 =	vld.idx.msk [tilespmem:v36+s10+$0x0], $0xffff;
	v10 =	vadd.f32 v10, v14;
	v14 =	vmul.f32 v63, v14  }
0x7a: {  	v16 =	vor.u32 v7, v16;
	v52 =	vshll.u32 v5, $0x3;
	v8 =	vsub.f32 v8, v12;
	v12 =	vld.idx.msk [tilespmem:v29+s10+$0x0], $0xffff  }
0x7b: {  	v11 =	vadd.f32 v11, v15;
	v30 =	vmul.f32 v28, v15;
	v10 =	vsub.f32 v10, v14  }
0x7c: {  	v53 =	vand.u32 $0x7F, v5;
	v40 =	vadd.f32 v37, v17;
	v15 =	vadd.f32 v37, v37;
	v14 =	vld.idx.msk [tilespmem:v34+s10+$0x0], $0xffff  }
0x7d: {  	v11 =	vsub.f32 v11, v30;
	v8 =	vmul.f32 v10, v8;
	v10 =	vcvt.s32.f32 v32  }
0x7e: {  	v50 =	vshll.u32 v18, $0x3;
	v51 =	vand.u32 $0x7F, v18;
	v15 =	vmul.f32 v15, v17  }
0x7f: {  	v8 =	vmul.f32 v11, v8;
	v35 =	vadd.f32 v10, v10;
	v41 =	vshll.u32 v12, $0x3  }
0x80: {  	v10 =	vadd.f32 v10, v31;
	v42 =	vand.u32 $0x7F, v12;
	v19 =	vand.u32 $0x1C00, v41  }
0x81: {  	v44 =	vshll.u32 v14, $0x3;
	v45 =	vand.u32 $0x7F, v14;
	v43 =	vor.u32 v19, v42  }
0x82: {  	v11 =	vmul.f32 v35, v31;
	v19 =	vand.u32 $0x1C00, v44;
	v17 =	vor.u32 v9, v43  }
0x83: {  	v47 =	vor.u32 v19, v45;
	v19 =	vand.u32 $0x1C00, v50;
	v17 =	vor.u32 v7, v17  }
0x84: {  	v48 =	vld.idx.msk [tilespmem:v16+s3+$0x0], $0xffff;
	v10 =	vsub.f32 v10, v11;
	v11 =	vor.u32 v9, v47;
	v19 =	vor.u32 v19, v51  }
0x85: {  	v20 =	vand.u32 $0x1C00, v52;
	v11 =	vor.u32 v7, v11;
	v19 =	vor.u32 v9, v19  }
0x86: {  	v20 =	vor.u32 v20, v53;
	v19 =	vor.u32 v7, v19  }
0x87: {  	v49 =	vadd.f32 v13, v13;
	v54 =	vor.u32 v9, v20  }
0x88: {  	v5 =	vshra.s32 v5, $0xA;
	v16 =	vor.u32 v7, v54;
	v12 =	vshra.s32 v12, $0xA;
	v17 =	vld.idx.msk [tilespmem:v17+s3+$0x0], $0xffff  }
0x89: {  	v13 =	vadd.f32 v13, v48;
	v46 =	vsub.f32 v40, v15;
	v12 =	vcvt.s32.f32 v12  }
0x8a: {  	v15 =	vmul.f32 v49, v48;
	v14 =	vshra.s32 v14, $0xA;
	v8 =	vmul.f32 v10, v8;
	v11 =	vld.idx.msk [tilespmem:v11+s3+$0x0], $0xffff  }
0x8b: {  	v59 =	vshra.s32 v18, $0xA;
	v56 =	vcvt.s32.f32 v14;
	v55 =	vadd.f32 v12, v12;
	v60 =	vld.idx.msk [tilespmem:v19+s3+$0x0], $0xffff  }
0x8c: {  	v61 =	vcvt.s32.f32 v59;
	v13 =	vsub.f32 v13, v15;
	v8 =	vmul.f32 v46, v8  }
0x8d: {  	v62 =	vld.idx.msk [tilespmem:v16+s3+$0x0], $0xffff;
	v58 =	vadd.f32 v56, v56;
	v12 =	vadd.f32 v12, v17;
	v57 =	vmul.f32 v55, v17  }
0x8e: {  	v5 =	vcvt.s32.f32 v5;
	v63 =	vadd.f32 v61, v61;
	v8 =	vmul.f32 v13, v8  }
0x8f: {  	v10 =	vadd.f32 v56, v11;
	v11 =	vmul.f32 v58, v11;
	v12 =	vsub.f32 v12, v57  }
0x90: {  	v21 =	vadd.f32 v5, v5;
	v19 =	vadd.f32 v61, v60  }
0x91: {  	v20 =	vmul.f32 v63, v60;
	v10 =	vsub.f32 v10, v11;
	v8 =	vmul.f32 v12, v8  }
0x92: {  	v5 =	vadd.f32 v5, v62  }
0x93: {  	v23 =	vmul.f32 v21, v62;
	v22 =	vsub.f32 v19, v20;
	v8 =	vmul.f32 v10, v8;
	_ =	sdelay $0x1  }
0x94: {  	v5 =	vsub.f32 v5, v23;
	v10 =	vmul.f32 v22, v8;
	v8 =	vor.u32 v2, v4;
	_ =	sdelay $0x1  }
0x95: {  	v5 =	vmul.f32 v5, v10;
	_ =	sdelay $0x1  }
0x96: {  	[tilespmem:v6+s14+$0x0] =	vst.idx.msk $0xffff, v5  }
0x97: {  	v5 =	vld.idx.msk [tilespmem:v8+s11+$0x0], $0xffff;
	_ =	sdelay $0x4  }
0x98: {  	v24 =	vshll.u32 v5, $0x3  }
0x99: {  	v5 =	vand.u32 $0x7F, v5;
	v6 =	vand.u32 $0xFFFFFC00, v24  }
0x9a: {  	v5 =	vor.u32 v5, v6  }
0x9b: {  	v6 =	vor.u32 $0x80, v5  }
0x9c: {  	v25 =	vor.u32 $0x100, v5  }
0x9d: {  	v27 =	vor.u32 $0x180, v5;
	_ =	sdelay $0x1  }
0x9e: {  	v36 =	vor.u32 $0x200, v5;
	v26 =	vld.idx.msk [tilespmem:v5+s10+$0x0], $0xffff  }
0x9f: {  	v6 =	vld.idx.msk [tilespmem:v6+s10+$0x0], $0xffff  }
0xa0: {  	v10 =	vld.idx.msk [tilespmem:v25+s10+$0x0], $0xffff  }
0xa1: {  	s19 =	sadd.s32 $0x1, s18;
	v12 =	vld.idx.msk [tilespmem:v27+s10+$0x0], $0xffff  }
0xa2: {  	v48 =	vmov s19;
	v38 =	vor.u32 $0x280, v5;
	v40 =	vor.u32 $0x300, v5  }
0xa3: {  	v43 =	vor.u32 $0x380, v5;
	v18 =	vld.idx.msk [tilespmem:v36+s10+$0x0], $0xffff;
	v28 =	vshll.u32 v26, $0x3;
	v29 =	vand.u32 $0x7F, v26  }
0xa4: {  	v11 =	vshra.s32 v26, $0xA;
	v13 =	vand.u32 $0x1C00, v28;
	v30 =	vshll.u32 v6, $0x3  }
0xa5: {  	v31 =	vand.u32 $0x7F, v6;
	v32 =	vshll.u32 v10, $0x3;
	v33 =	vand.u32 $0x7F, v10  }
0xa6: {  	v34 =	vshll.u32 v12, $0x3;
	v35 =	vand.u32 $0x7F, v12;
	v11 =	vcvt.s32.f32 v11  }
0xa7: {  	v42 =	vld.idx.msk [tilespmem:v38+s10+$0x0], $0xffff;
	v6 =	vshra.s32 v6, $0xA;
	v10 =	vshra.s32 v10, $0xA;
	v12 =	vshra.s32 v12, $0xA  }
0xa8: {  	v17 =	vld.idx.msk [tilespmem:v40+s10+$0x0], $0xffff;
	v44 =	vshll.u32 v18, $0x3;
	v13 =	vor.u32 v13, v29;
	v14 =	vand.u32 $0x1C00, v30  }
0xa9: {  	v19 =	vld.idx.msk [tilespmem:v43+s10+$0x0], $0xffff;
	v15 =	vand.u32 $0x1C00, v32;
	v13 =	vor.u32 v9, v13;
	v14 =	vor.u32 v14, v31  }
0xaa: {  	v15 =	vor.u32 v15, v33;
	v13 =	vor.u32 v7, v13;
	v14 =	vor.u32 v9, v14  }
0xab: {  	v45 =	vand.u32 $0x7F, v18;
	v15 =	vor.u32 v9, v15;
	v14 =	vor.u32 v7, v14  }
0xac: {  	v50 =	vshll.u32 v42, $0x3;
	v22 =	vand.u32 $0x7F, v42;
	v15 =	vor.u32 v7, v15  }
0xad: {  	v51 =	vshll.u32 v17, $0x3;
	v24 =	vand.u32 $0x7F, v17;
	v18 =	vshra.s32 v18, $0xA  }
0xae: {  	v54 =	vshll.u32 v19, $0x3;
	v55 =	vand.u32 $0x7F, v19;
	v17 =	vshra.s32 v17, $0xA  }
0xaf: {  	v28 =	vshra.s32 v19, $0xA;
	v16 =	vand.u32 $0x1C00, v34;
	v6 =	vcvt.s32.f32 v6;
	v13 =	vld.idx.msk [tilespmem:v13+s3+$0x0], $0xffff  }
0xb0: {  	v10 =	vcvt.s32.f32 v10;
	v12 =	vcvt.s32.f32 v12;
	v16 =	vor.u32 v16, v35;
	v14 =	vld.idx.msk [tilespmem:v14+s3+$0x0], $0xffff  }
0xb1: {  	v23 =	vand.u32 $0x1C00, v50;
	v37 =	vadd.f32 v11, v11;
	v16 =	vor.u32 v9, v16;
	v15 =	vld.idx.msk [tilespmem:v15+s3+$0x0], $0xffff  }
0xb2: {  	v22 =	vor.u32 v23, v22;
	v23 =	vand.u32 $0x1C00, v51;
	v16 =	vor.u32 v7, v16  }
0xb3: {  	v39 =	vadd.f32 v6, v6;
	v22 =	vor.u32 v9, v22;
	v53 =	vor.u32 v23, v24  }
0xb4: {  	v41 =	vadd.f32 v10, v10;
	v52 =	vor.u32 v7, v22;
	v22 =	vor.u32 v9, v53  }
0xb5: {  	v22 =	vor.u32 v7, v22;
	v11 =	vadd.f32 v11, v13;
	v13 =	vmul.f32 v37, v13  }
0xb6: {  	v6 =	vadd.f32 v6, v14;
	v14 =	vmul.f32 v39, v14;
	v10 =	vadd.f32 v10, v15  }
0xb7: {  	v16 =	vld.idx.msk [tilespmem:v16+s3+$0x0], $0xffff;
	v11 =	vsub.f32 v11, v13;
	v13 =	vmul.f32 v41, v15;
	v15 =	vand.u32 $0x1C00, v44  }
0xb8: {  	v33 =	vadd.s32 $0x2000, v5;
	v6 =	vsub.f32 v6, v14;
	v46 =	vor.u32 v15, v45  }
0xb9: {  	v23 =	vand.u32 $0x1C00, v54;
	v13 =	vsub.f32 v10, v13;
	v10 =	vor.u32 v9, v46  }
0xba: {  	v6 =	vmul.f32 v6, v11;
	v49 =	vor.u32 v7, v10;
	v11 =	vshll.u32 v48, $0x7  }
0xbb: {  	v27 =	vcvt.s32.f32 v17;
	v57 =	vor.u32 v23, v55;
	v63 =	vld.idx.msk [tilespmem:v22+s3+$0x0], $0xffff;
	v10 =	vor.u32 v0, v11  }
0xbc: {  	v58 =	vor.u32 v9, v57;
	v47 =	vadd.f32 v12, v16;
	v12 =	vadd.f32 v12, v12  }
0xbd: {  	v56 =	vcvt.s32.f32 v18;
	v18 =	vcvt.s32.f32 v28;
	v40 =	vld.idx.msk [tilespmem:v33+s10+$0x0], $0xffff;
	v15 =	vor.u32 v7, v58  }
0xbe: {  	v29 =	vadd.f32 v27, v27;
	v12 =	vmul.f32 v12, v16;
	v14 =	vshra.s32 v42, $0xA;
	v16 =	vld.idx.msk [tilespmem:v52+s3+$0x0], $0xffff  }
0xbf: {  	v4 =	vor.u32 v3, v4;
	v59 =	vadd.f32 v56, v56;
	v14 =	vcvt.s32.f32 v14;
	v21 =	vld.idx.msk [tilespmem:v49+s3+$0x0], $0xffff  }
0xc0: {  	v32 =	vadd.f32 v18, v18;
	v31 =	vmul.f32 v29, v63;
	v46 =	vadd.s32 $0x2080, v5;
	v25 =	vld.idx.msk [tilespmem:v10+s11+$0x0], $0xffff  }
0xc1: {  	v44 =	vshll.u32 v48, $0xA;
	v12 =	vsub.f32 v47, v12;
	v62 =	vadd.f32 v14, v14  }
0xc2: {  	v48 =	vshra.s32 v40, $0xA;
	v6 =	vmul.f32 v13, v6;
	v13 =	vadd.f32 v27, v63;
	v15 =	vld.idx.msk [tilespmem:v15+s3+$0x0], $0xffff  }
0xc3: {  	v5 =	vand.u32 $0x280, v11;
	v14 =	vadd.f32 v14, v16;
	v16 =	vmul.f32 v62, v16  }
0xc4: {  	v19 =	vcvt.s32.f32 v48;
	v6 =	vmul.f32 v12, v6;
	v35 =	vsub.f32 v13, v31  }
0xc5: {  	v20 =	vld.idx.msk [tilespmem:v46+s10+$0x0], $0xffff;
	v30 =	vsub.f32 v14, v16;
	v60 =	vadd.f32 v56, v21;
	v24 =	vshll.u32 v25, $0x3  }
0xc6: {  	v61 =	vmul.f32 v59, v21;
	v26 =	vand.u32 $0x7F, v25;
	v22 =	vand.u32 $0xFFFFFC00, v24  }
0xc7: {  	v36 =	vadd.f32 v18, v15;
	v37 =	vmul.f32 v32, v15;
	v17 =	vor.u32 v26, v22  }
0xc8: {  	v49 =	vshll.u32 v40, $0x3;
	v12 =	vsub.f32 v60, v61;
	v22 =	vor.u32 $0x80, v17  }
0xc9: {  	v14 =	vand.u32 $0x7F, v40;
	v38 =	vsub.f32 v36, v37;
	v39 =	vor.u32 $0x100, v17  }
0xca: {  	v56 =	vadd.f32 v19, v19;
	v61 =	vshll.u32 v20, $0x3;
	v6 =	vmul.f32 v12, v6  }
0xcb: {  	v26 =	vand.u32 $0x7F, v20;
	v63 =	vand.u32 $0x1C00, v61;
	v20 =	vshra.s32 v20, $0xA  }
0xcc: {  	v47 =	vor.u32 $0x180, v17;
	v52 =	vor.u32 $0x200, v17;
	v6 =	vmul.f32 v30, v6;
	v34 =	vld.idx.msk [tilespmem:v17+s10+$0x0], $0xffff  }
0xcd: {  	v59 =	vor.u32 $0x280, v17;
	v62 =	vor.u32 $0x300, v17;
	v33 =	vor.u32 $0x380, v17;
	v42 =	vld.idx.msk [tilespmem:v22+s10+$0x0], $0xffff  }
0xce: {  	v36 =	vadd.s32 $0x2000, v17;
	v6 =	vmul.f32 v35, v6;
	v13 =	vld.idx.msk [tilespmem:v39+s10+$0x0], $0xffff;
	v22 =	vand.u32 $0x1C00, v49  }
0xcf: {  	v20 =	vcvt.s32.f32 v20;
	v17 =	vadd.s32 $0x2080, v17;
	v14 =	vor.u32 v22, v14  }
0xd0: {  	v12 =	vmul.f32 v38, v6;
	v6 =	vand.u32 $0x2000, v44;
	v14 =	vor.u32 v9, v14  }
0xd1: {  	v14 =	vor.u32 v7, v14;
	v41 =	vshll.u32 v34, $0x3;
	v43 =	vand.u32 $0x7F, v34  }
0xd2: {  	v18 =	vld.idx.msk [tilespmem:v47+s10+$0x0], $0xffff;
	v21 =	vshra.s32 v34, $0xA;
	v45 =	vand.u32 $0x1C00, v41;
	v50 =	vshll.u32 v42, $0x3  }
0xd3: {  	v51 =	vand.u32 $0x7F, v42;
	v54 =	vshll.u32 v13, $0x3;
	v55 =	vand.u32 $0x7F, v13  }
0xd4: {  	v25 =	vld.idx.msk [tilespmem:v52+s10+$0x0], $0xffff;
	v21 =	vcvt.s32.f32 v21;
	v16 =	vor.u32 v45, v43;
	v23 =	vand.u32 $0x1C00, v50  }
0xd5: {  	v32 =	vld.idx.msk [tilespmem:v59+s10+$0x0], $0xffff;
	v15 =	vshra.s32 v42, $0xA;
	v16 =	vor.u32 v6, v16;
	v53 =	vor.u32 v23, v51  }
0xd6: {  	v23 =	vand.u32 $0x1C00, v54;
	v16 =	vor.u32 v5, v16;
	v22 =	vor.u32 v6, v53  }
0xd7: {  	v28 =	vshll.u32 v18, $0x3;
	v23 =	vor.u32 v23, v55;
	v22 =	vor.u32 v5, v22  }
0xd8: {  	v29 =	vand.u32 $0x7F, v18;
	v13 =	vshra.s32 v13, $0xA;
	v23 =	vor.u32 v6, v23  }
0xd9: {  	v58 =	vshll.u32 v25, $0x3;
	v30 =	vand.u32 $0x7F, v25;
	v23 =	vor.u32 v5, v23  }
0xda: {  	v17 =	vld.idx.msk [tilespmem:v17+s10+$0x0], $0xffff;
	v25 =	vshra.s32 v25, $0xA;
	v37 =	vshll.u32 v32, $0x3;
	v28 =	vand.u32 $0x1C00, v28  }
0xdb: {  	v38 =	vand.u32 $0x7F, v32;
	v15 =	vcvt.s32.f32 v15;
	v28 =	vor.u32 v28, v29;
	v16 =	vld.idx.msk [tilespmem:v16+s3+$0x0], $0xffff  }
0xdc: {  	v13 =	vcvt.s32.f32 v13;
	v25 =	vcvt.s32.f32 v25;
	v28 =	vor.u32 v6, v28;
	v22 =	vld.idx.msk [tilespmem:v22+s3+$0x0], $0xffff  }
0xdd: {  	v27 =	vadd.f32 v21, v21;
	v29 =	vand.u32 $0x1C00, v58;
	v28 =	vor.u32 v5, v28  }
0xde: {  	v57 =	vadd.f32 v15, v15;
	v29 =	vor.u32 v29, v30;
	v31 =	vadd.f32 v13, v13;
	v23 =	vld.idx.msk [tilespmem:v23+s3+$0x0], $0xffff  }
0xdf: {  	v14 =	vld.idx.msk [tilespmem:v14+s3+$0x0], $0xffff;
	v60 =	vor.u32 v6, v29;
	v51 =	vshll.u32 v17, $0x3;
	v52 =	vand.u32 $0x7F, v17  }
0xe0: {  	v29 =	vand.u32 $0x1C00, v51;
	v21 =	vadd.f32 v21, v16;
	v16 =	vmul.f32 v27, v16  }
0xe1: {  	v27 =	vor.u32 v5, v60;
	v15 =	vadd.f32 v15, v22;
	v22 =	vmul.f32 v57, v22  }
0xe2: {  	v17 =	vshra.s32 v17, $0xA;
	v29 =	vor.u32 v29, v52;
	v28 =	vld.idx.msk [tilespmem:v28+s3+$0x0], $0xffff;
	v16 =	vsub.f32 v21, v16  }
0xe3: {  	v13 =	vadd.f32 v13, v23;
	v23 =	vmul.f32 v31, v23;
	v21 =	vld.idx.msk [tilespmem:v62+s10+$0x0], $0xffff;
	v15 =	vsub.f32 v15, v22  }
0xe4: {  	v19 =	vadd.f32 v19, v14;
	v14 =	vmul.f32 v56, v14;
	v22 =	vor.u32 v63, v26;
	v26 =	vld.idx.msk [tilespmem:v36+s10+$0x0], $0xffff  }
0xe5: {  	v31 =	vshra.s32 v18, $0xA;
	v13 =	vsub.f32 v13, v23;
	v23 =	vld.idx.msk [tilespmem:v33+s10+$0x0], $0xffff;
	v15 =	vmul.f32 v15, v16  }
0xe6: {  	v22 =	vor.u32 v9, v22;
	v16 =	vcvt.s32.f32 v31;
	v34 =	vld.idx.msk [tilespmem:v27+s3+$0x0], $0xffff;
	v27 =	vand.u32 $0x1C00, v37  }
0xe7: {  	v22 =	vor.u32 v7, v22;
	v27 =	vor.u32 v27, v38;
	v13 =	vmul.f32 v13, v15  }
0xe8: {  	v35 =	vadd.f32 v16, v16;
	v16 =	vadd.f32 v16, v28;
	v27 =	vor.u32 v6, v27  }
0xe9: {  	v40 =	vshll.u32 v21, $0x3;
	v41 =	vand.u32 $0x7F, v21;
	v27 =	vor.u32 v5, v27  }
0xea: {  	v49 =	vshll.u32 v26, $0x3;
	v15 =	vmul.f32 v35, v28;
	v28 =	vand.u32 $0x1C00, v40  }
0xeb: {  	v43 =	vshll.u32 v23, $0x3;
	v44 =	vand.u32 $0x7F, v23;
	v39 =	vadd.f32 v25, v34  }
0xec: {  	v25 =	vadd.f32 v25, v25;
	v42 =	vor.u32 v28, v41;
	v28 =	vand.u32 $0x1C00, v43  }
0xed: {  	v50 =	vand.u32 $0x7F, v26;
	v15 =	vsub.f32 v16, v15;
	v46 =	vor.u32 v28, v44  }
0xee: {  	v28 =	vand.u32 $0x1C00, v49;
	v24 =	vmul.f32 v25, v34;
	v25 =	vor.u32 v6, v42  }
0xef: {  	v16 =	vor.u32 v6, v46;
	v28 =	vor.u32 v28, v50;
	v25 =	vor.u32 v5, v25  }
0xf0: {  	v18 =	vshra.s32 v32, $0xA;
	v16 =	vor.u32 v5, v16;
	v28 =	vor.u32 v6, v28  }
0xf1: {  	v14 =	vsub.f32 v19, v14;
	v18 =	vcvt.s32.f32 v18;
	v47 =	vld.idx.msk [tilespmem:v27+s3+$0x0], $0xffff;
	v28 =	vor.u32 v5, v28  }
0xf2: {  	v17 =	vcvt.s32.f32 v17;
	v53 =	vor.u32 v6, v29;
	v21 =	vshra.s32 v21, $0xA  }
0xf3: {  	v14 =	vmul.f32 v14, v12;
	v48 =	vadd.f32 v18, v18;
	v21 =	vcvt.s32.f32 v21;
	v22 =	vld.idx.msk [tilespmem:v22+s3+$0x0], $0xffff  }
0xf4: {  	v58 =	vshra.s32 v26, $0xA;
	v23 =	vshra.s32 v23, $0xA;
	v27 =	vor.u32 v5, v53;
	v25 =	vld.idx.msk [tilespmem:v25+s3+$0x0], $0xffff  }
0xf5: {  	v61 =	vcvt.s32.f32 v58;
	v13 =	vmul.f32 v15, v13;
	v45 =	vsub.f32 v39, v24;
	v16 =	vld.idx.msk [tilespmem:v16+s3+$0x0], $0xffff  }
0xf6: {  	v18 =	vadd.f32 v18, v47;
	v24 =	vmul.f32 v48, v47;
	v59 =	vld.idx.msk [tilespmem:v28+s3+$0x0], $0xffff;
	v28 =	vadd.f32 v20, v20  }
0xf7: {  	v54 =	vadd.f32 v21, v21;
	v55 =	vcvt.s32.f32 v23;
	v13 =	vmul.f32 v45, v13  }
0xf8: {  	v20 =	vadd.f32 v20, v22;
	v18 =	vsub.f32 v18, v24;
	v32 =	vmul.f32 v28, v22  }
0xf9: {  	v57 =	vadd.f32 v55, v55;
	v62 =	vld.idx.msk [tilespmem:v27+s3+$0x0], $0xffff;
	v21 =	vadd.f32 v21, v25;
	v56 =	vmul.f32 v54, v25  }
0xfa: {  	v63 =	vadd.f32 v61, v61;
	v13 =	vmul.f32 v18, v13;
	v36 =	vsub.f32 v20, v32  }
0xfb: {  	v15 =	vadd.f32 v55, v16;
	v16 =	vmul.f32 v57, v16;
	v60 =	vsub.f32 v21, v56  }
0xfc: {  	v31 =	vadd.f32 v17, v17;
	v29 =	vadd.f32 v61, v59;
	v14 =	vmul.f32 v36, v14  }
0xfd: {  	v30 =	vmul.f32 v63, v59;
	v15 =	vsub.f32 v15, v16;
	v13 =	vmul.f32 v60, v13  }
0xfe: {  	v34 =	vadd.f32 v17, v62;
	[tilespmem:v8+s14+$0x0] =	vst.idx.msk $0xffff, v14  }
0xff: {  	v35 =	vmul.f32 v31, v62;
	v33 =	vsub.f32 v29, v30;
	v8 =	vld.idx.msk [tilespmem:v4+s11+$0x0], $0xffff;
	v13 =	vmul.f32 v15, v13;
	_ =	sdelay $0x1  }
0x100: {  	v12 =	vor.u32 v1, v11;
	v37 =	vsub.f32 v34, v35;
	v13 =	vmul.f32 v33, v13;
	_ =	sdelay $0x1  }
0x101: {  	v13 =	vmul.f32 v37, v13  }
0x102: {  	v38 =	vshll.u32 v8, $0x3  }
0x103: {  	v8 =	vand.u32 $0x7F, v8;
	[tilespmem:v10+s14+$0x0] =	vst.idx.msk $0xffff, v13;
	v13 =	vand.u32 $0xFFFFFC00, v38  }
0x104: {  	v10 =	vld.idx.msk [tilespmem:v12+s11+$0x0], $0xffff;
	v13 =	vor.u32 v8, v13  }
0x105: {  	v43 =	vor.u32 $0x80, v13  }
0x106: {  	v51 =	vor.u32 $0x100, v13;
	_ =	sdelay $0x2  }
0x107: {  	v39 =	vshll.u32 v10, $0x3;
	v42 =	vld.idx.msk [tilespmem:v13+s10+$0x0], $0xffff  }
0x108: {  	v40 =	vand.u32 $0x7F, v10;
	v41 =	vand.u32 $0xFFFFFC00, v39;
	v18 =	vld.idx.msk [tilespmem:v43+s10+$0x0], $0xffff  }
0x109: {  	v10 =	vld.idx.msk [tilespmem:v51+s10+$0x0], $0xffff;
	v15 =	vor.u32 v40, v41  }
0x10a: {  	v36 =	vor.u32 $0x180, v13;
	v45 =	vor.u32 $0x80, v15;
	v46 =	vor.u32 $0x100, v15  }
0x10b: {  	v53 =	vor.u32 $0x180, v15;
	v59 =	vor.u32 $0x200, v15;
	v51 =	vor.u32 $0x380, v15  }
0x10c: {  	v47 =	vshra.s32 v42, $0xA;
	v48 =	vshll.u32 v42, $0x3;
	v8 =	vand.u32 $0x7F, v42  }
0x10d: {  	v19 =	vand.u32 $0x1C00, v48;
	v56 =	vshll.u32 v18, $0x3;
	v60 =	vand.u32 $0x7F, v18  }
0x10e: {  	v63 =	vand.u32 $0x7F, v10;
	v48 =	vor.u32 $0x300, v15;
	v18 =	vshra.s32 v18, $0xA;
	v44 =	vld.idx.msk [tilespmem:v15+s10+$0x0], $0xffff  }
0x10f: {  	v19 =	vor.u32 v19, v8;
	v8 =	vcvt.s32.f32 v47;
	v23 =	vand.u32 $0x1C00, v56;
	v50 =	vld.idx.msk [tilespmem:v45+s10+$0x0], $0xffff  }
0x110: {  	v47 =	vshll.u32 v10, $0x3;
	v10 =	vshra.s32 v10, $0xA;
	v17 =	vld.idx.msk [tilespmem:v46+s10+$0x0], $0xffff;
	v23 =	vor.u32 v23, v60  }
0x111: {  	v18 =	vcvt.s32.f32 v18;
	v10 =	vcvt.s32.f32 v10;
	v23 =	vor.u32 v9, v23  }
0x112: {  	v54 =	vor.u32 v9, v19;
	v25 =	vld.idx.msk [tilespmem:v59+s10+$0x0], $0xffff;
	v45 =	vor.u32 $0x280, v15;
	v23 =	vor.u32 v7, v23  }
0x113: {  	v34 =	vadd.f32 v10, v10;
	v49 =	vshll.u32 v44, $0x3;
	v52 =	vand.u32 $0x7F, v44  }
0x114: {  	v16 =	vshra.s32 v44, $0xA;
	v20 =	vand.u32 $0x1C00, v49;
	v57 =	vshll.u32 v50, $0x3  }
0x115: {  	v58 =	vand.u32 $0x7F, v50;
	v61 =	vshll.u32 v17, $0x3;
	v62 =	vand.u32 $0x7F, v17  }
0x116: {  	v16 =	vcvt.s32.f32 v16;
	v21 =	vshra.s32 v50, $0xA;
	v17 =	vshra.s32 v17, $0xA  }
0x117: {  	v43 =	vshll.u32 v25, $0x3;
	v44 =	vand.u32 $0x7F, v25;
	v49 =	vand.u32 $0x1C00, v47  }
0x118: {  	v25 =	vshra.s32 v25, $0xA;
	v14 =	vor.u32 v20, v52;
	v24 =	vand.u32 $0x1C00, v57  }
0x119: {  	v27 =	vld.idx.msk [tilespmem:v48+s10+$0x0], $0xffff;
	v21 =	vcvt.s32.f32 v21;
	v17 =	vcvt.s32.f32 v17;
	v26 =	vor.u32 v49, v63  }
0x11a: {  	v14 =	vor.u32 v6, v14;
	v22 =	vor.u32 v24, v58;
	v24 =	vand.u32 $0x1C00, v61  }
0x11b: {  	v37 =	vadd.f32 v16, v16;
	v26 =	vor.u32 v9, v26;
	v55 =	vor.u32 v5, v14  }
0x11c: {  	v20 =	vld.idx.msk [tilespmem:v53+s10+$0x0], $0xffff;
	v14 =	vor.u32 v7, v54;
	v22 =	vor.u32 v6, v22;
	v24 =	vor.u32 v24, v62  }
0x11d: {  	v50 =	vld.idx.msk [tilespmem:v45+s10+$0x0], $0xffff;
	v42 =	vadd.f32 v21, v21;
	v32 =	vadd.f32 v17, v17;
	v54 =	vadd.s32 $0x2000, v15  }
0x11e: {  	v15 =	vadd.s32 $0x2080, v15;
	v58 =	vshll.u32 v27, $0x3;
	v59 =	vand.u32 $0x7F, v27  }
0x11f: {  	v27 =	vshra.s32 v27, $0xA;
	v22 =	vor.u32 v5, v22;
	v24 =	vor.u32 v6, v24  }
0x120: {  	v26 =	vor.u32 v7, v26;
	v27 =	vcvt.s32.f32 v27;
	v24 =	vor.u32 v5, v24  }
0x121: {  	v38 =	vshll.u32 v20, $0x3;
	v41 =	vand.u32 $0x7F, v20;
	v20 =	vshra.s32 v20, $0xA;
	v19 =	vld.idx.msk [tilespmem:v55+s3+$0x0], $0xffff  }
0x122: {  	v56 =	vshll.u32 v50, $0x3;
	v31 =	vand.u32 $0x7F, v50;
	v20 =	vcvt.s32.f32 v20;
	v30 =	vld.idx.msk [tilespmem:v54+s10+$0x0], $0xffff  }
0x123: {  	v29 =	vand.u32 $0x1C00, v38;
	v55 =	vcvt.s32.f32 v25;
	v25 =	vand.u32 $0x1C00, v56;
	v15 =	vld.idx.msk [tilespmem:v15+s10+$0x0], $0xffff  }
0x124: {  	v40 =	vld.idx.msk [tilespmem:v22+s3+$0x0], $0xffff;
	v22 =	vor.u32 v29, v41;
	v29 =	vand.u32 $0x1C00, v43;
	v53 =	vadd.f32 v20, v20  }
0x125: {  	v25 =	vor.u32 v25, v31;
	v31 =	vand.u32 $0x1C00, v58;
	v43 =	vadd.f32 v27, v27  }
0x126: {  	v22 =	vor.u32 v6, v22;
	v24 =	vld.idx.msk [tilespmem:v24+s3+$0x0], $0xffff;
	v29 =	vor.u32 v29, v44;
	v25 =	vor.u32 v6, v25  }
0x127: {  	v60 =	vor.u32 v31, v59;
	v22 =	vor.u32 v5, v22;
	v46 =	vor.u32 v6, v29  }
0x128: {  	v25 =	vor.u32 v5, v25;
	v33 =	vor.u32 v5, v46;
	v39 =	vadd.f32 v16, v19  }
0x129: {  	v19 =	vmul.f32 v37, v19;
	v38 =	vshll.u32 v30, $0x3;
	v41 =	vand.u32 $0x7F, v15  }
0x12a: {  	v21 =	vadd.f32 v21, v40;
	v28 =	vmul.f32 v42, v40;
	v40 =	vshll.u32 v15, $0x3  }
0x12b: {  	v16 =	vld.idx.msk [tilespmem:v36+s10+$0x0], $0xffff;
	v15 =	vshra.s32 v15, $0xA;
	v19 =	vsub.f32 v39, v19;
	v17 =	vadd.f32 v17, v24  }
0x12c: {  	v24 =	vmul.f32 v32, v24;
	v39 =	vand.u32 $0x7F, v30;
	v32 =	vand.u32 $0x1C00, v40  }
0x12d: {  	v30 =	vshra.s32 v30, $0xA;
	v15 =	vcvt.s32.f32 v15;
	v21 =	vsub.f32 v21, v28;
	v22 =	vld.idx.msk [tilespmem:v22+s3+$0x0], $0xffff  }
0x12e: {  	v28 =	vor.u32 v6, v60;
	v32 =	vor.u32 v32, v41;
	v17 =	vsub.f32 v17, v24;
	v24 =	vld.idx.msk [tilespmem:v51+s10+$0x0], $0xffff  }
0x12f: {  	v28 =	vor.u32 v5, v28;
	v42 =	vor.u32 v6, v32;
	v51 =	vcvt.s32.f32 v30  }
0x130: {  	v58 =	vadd.f32 v15, v15;
	v19 =	vmul.f32 v21, v19;
	v29 =	vand.u32 $0x7F, v16  }
0x131: {  	v36 =	vld.idx.msk [tilespmem:v25+s3+$0x0], $0xffff;
	v21 =	vshra.s32 v50, $0xA;
	v25 =	vor.u32 v5, v42;
	v44 =	vshll.u32 v16, $0x3  }
0x132: {  	v16 =	vshra.s32 v16, $0xA;
	v21 =	vcvt.s32.f32 v21;
	v48 =	vand.u32 $0x1C00, v44  }
0x133: {  	v17 =	vmul.f32 v17, v19;
	v20 =	vadd.f32 v20, v22;
	v61 =	vshll.u32 v24, $0x3  }
0x134: {  	v19 =	vmul.f32 v53, v22;
	v62 =	vand.u32 $0x7F, v24;
	v31 =	vand.u32 $0x1C00, v61  }
0x135: {  	v52 =	vld.idx.msk [tilespmem:v33+s3+$0x0], $0xffff;
	v54 =	vadd.f32 v51, v51;
	v35 =	vor.u32 v31, v62;
	v31 =	vand.u32 $0x1C00, v38  }
0x136: {  	v30 =	vld.idx.msk [tilespmem:v26+s3+$0x0], $0xffff;
	v19 =	vsub.f32 v20, v19;
	v20 =	vor.u32 v6, v35;
	v31 =	vor.u32 v31, v39  }
0x137: {  	v16 =	vcvt.s32.f32 v16;
	v20 =	vor.u32 v5, v20;
	v31 =	vor.u32 v6, v31  }
0x138: {  	v14 =	vld.idx.msk [tilespmem:v14+s3+$0x0], $0xffff;
	v22 =	vadd.f32 v55, v55;
	v37 =	vadd.f32 v21, v21;
	v31 =	vor.u32 v5, v31  }
0x139: {  	v21 =	vadd.f32 v21, v36;
	v53 =	vor.u32 v48, v29;
	v40 =	vadd.f32 v16, v16  }
0x13a: {  	v57 =	vadd.f32 v55, v52;
	v28 =	vld.idx.msk [tilespmem:v28+s3+$0x0], $0xffff;
	v24 =	vshra.s32 v24, $0xA;
	v22 =	vmul.f32 v22, v52  }
0x13b: {  	v55 =	vor.u32 $0x200, v13;
	v10 =	vadd.f32 v10, v30;
	v45 =	vcvt.s32.f32 v24;
	v52 =	vld.idx.msk [tilespmem:v25+s3+$0x0], $0xffff  }
0x13c: {  	v17 =	vmul.f32 v19, v17;
	v63 =	vsub.f32 v57, v22;
	v22 =	vmul.f32 v37, v36;
	v20 =	vld.idx.msk [tilespmem:v20+s3+$0x0], $0xffff  }
0x13d: {  	v25 =	vor.u32 v9, v53;
	v61 =	vadd.f32 v8, v8;
	v8 =	vadd.f32 v8, v14;
	v31 =	vld.idx.msk [tilespmem:v31+s3+$0x0], $0xffff  }
0x13e: {  	v62 =	vor.u32 v7, v25;
	v17 =	vmul.f32 v63, v17;
	v21 =	vsub.f32 v21, v22  }
0x13f: {  	v23 =	vld.idx.msk [tilespmem:v23+s3+$0x0], $0xffff;
	v49 =	vadd.f32 v45, v45;
	v46 =	vadd.f32 v27, v28;
	v47 =	vmul.f32 v43, v28  }
0x140: {  	v38 =	vor.u32 $0x300, v13;
	v14 =	vmul.f32 v61, v14;
	v17 =	vmul.f32 v21, v17  }
0x141: {  	v50 =	vsub.f32 v46, v47;
	v19 =	vadd.f32 v45, v20;
	v20 =	vmul.f32 v49, v20  }
0x142: {  	v63 =	vld.idx.msk [tilespmem:v55+s10+$0x0], $0xffff;
	v56 =	vadd.f32 v51, v31;
	v57 =	vmul.f32 v54, v31;
	v31 =	vor.u32 $0x280, v13  }
0x143: {  	v28 =	vadd.f32 v18, v18;
	v17 =	vmul.f32 v50, v17;
	v19 =	vsub.f32 v19, v20  }
0x144: {  	v18 =	vadd.f32 v18, v23;
	v15 =	vadd.f32 v15, v52;
	v60 =	vmul.f32 v58, v52  }
0x145: {  	s30 =	sadd.s32 $0x2, s18;
	v8 =	vsub.f32 v8, v14;
	v32 =	vld.idx.msk [tilespmem:v62+s3+$0x0], $0xffff;
	v59 =	vsub.f32 v56, v57;
	v17 =	vmul.f32 v19, v17  }
0x146: {  	v29 =	vmul.f32 v28, v23;
	v44 =	vld.idx.msk [tilespmem:v38+s10+$0x0], $0xffff;
	v23 =	vmov s30;
	v27 =	vsub.f32 v15, v60  }
0x147: {  	v15 =	vor.u32 v2, v11;
	v35 =	vshll.u32 v63, $0x3;
	v17 =	vmul.f32 v59, v17;
	v39 =	vld.idx.msk [tilespmem:v31+s10+$0x0], $0xffff  }
0x148: {  	v33 =	vsub.f32 v18, v29;
	v37 =	vand.u32 $0x7F, v63;
	v18 =	vand.u32 $0x1C00, v35  }
0x149: {  	v47 =	vshra.s32 v63, $0xA;
	v18 =	vor.u32 v18, v37;
	v17 =	vmul.f32 v27, v17  }
0x14a: {  	v8 =	vmul.f32 v33, v8;
	v41 =	vadd.f32 v16, v32;
	v18 =	vor.u32 v9, v18  }
0x14b: {  	v53 =	vshll.u32 v44, $0x3;
	v18 =	vor.u32 v7, v18;
	[tilespmem:v12+s14+$0x0] =	vst.idx.msk $0xffff, v17;
	v12 =	vmul.f32 v40, v32  }
0x14c: {  	v55 =	vand.u32 $0x7F, v44;
	v17 =	vmul.f32 v34, v30;
	v36 =	vld.idx.msk [tilespmem:v15+s11+$0x0], $0xffff;
	v46 =	vshll.u32 v39, $0x3  }
0x14d: {  	v49 =	vand.u32 $0x7F, v39;
	v45 =	vsub.f32 v41, v12;
	v12 =	vand.u32 $0x1C00, v46  }
0x14e: {  	v21 =	vand.u32 $0x1C00, v53;
	v10 =	vsub.f32 v10, v17;
	v12 =	vor.u32 v12, v49  }
0x14f: {  	v14 =	vcvt.s32.f32 v47;
	v57 =	vor.u32 v21, v55;
	v51 =	vor.u32 v9, v12  }
0x150: {  	v48 =	vld.idx.msk [tilespmem:v18+s3+$0x0], $0xffff;
	v8 =	vmul.f32 v10, v8;
	v12 =	vor.u32 v9, v57;
	v10 =	vor.u32 v7, v51  }
0x151: {  	v59 =	vor.u32 v7, v12;
	v12 =	vshll.u32 v23, $0x7;
	v42 =	vshll.u32 v36, $0x3  }
0x152: {  	v43 =	vand.u32 $0x7F, v36;
	v18 =	vor.u32 v0, v12;
	v16 =	vand.u32 $0xFFFFFC00, v42  }
0x153: {  	v16 =	vor.u32 v43, v16  }
0x154: {  	v52 =	vadd.f32 v14, v14;
	v19 =	vshra.s32 v44, $0xA  }
0x155: {  	v14 =	vadd.f32 v14, v48;
	v20 =	vshra.s32 v39, $0xA;
	v50 =	vor.u32 $0x80, v16;
	v10 =	vld.idx.msk [tilespmem:v10+s3+$0x0], $0xffff  }
0x156: {  	v17 =	vmul.f32 v52, v48;
	v20 =	vcvt.s32.f32 v20;
	v56 =	vor.u32 $0x100, v16;
	v25 =	vld.idx.msk [tilespmem:v59+s3+$0x0], $0xffff  }
0x157: {  	v19 =	vcvt.s32.f32 v19;
	v63 =	vor.u32 $0x180, v16;
	v36 =	vld.idx.msk [tilespmem:v18+s11+$0x0], $0xffff  }
0x158: {  	v14 =	vsub.f32 v14, v17;
	v61 =	vadd.f32 v20, v20;
	v8 =	vmul.f32 v45, v8;
	v54 =	vld.idx.msk [tilespmem:v16+s10+$0x0], $0xffff  }
0x159: {  	v11 =	vor.u32 v3, v11;
	v37 =	vadd.f32 v19, v19  }
0x15a: {  	v8 =	vmul.f32 v14, v8;
	v58 =	vld.idx.msk [tilespmem:v50+s10+$0x0], $0xffff;
	v20 =	vadd.f32 v20, v10;
	v10 =	vmul.f32 v61, v10  }
0x15b: {  	v24 =	vld.idx.msk [tilespmem:v56+s10+$0x0], $0xffff;
	v19 =	vadd.f32 v19, v25;
	v41 =	vmul.f32 v37, v25;
	v61 =	vshll.u32 v23, $0xA  }
0x15c: {  	v27 =	vld.idx.msk [tilespmem:v63+s10+$0x0], $0xffff;
	v42 =	vshll.u32 v36, $0x3;
	v44 =	vand.u32 $0x7F, v36;
	v10 =	vsub.f32 v20, v10  }
0x15d: {  	v25 =	vand.u32 $0xFFFFFC00, v42;
	v51 =	vsub.f32 v19, v41;
	v60 =	vshll.u32 v54, $0x3  }
0x15e: {  	v62 =	vand.u32 $0x7F, v54;
	v22 =	vshra.s32 v54, $0xA;
	v54 =	vor.u32 $0x200, v16  }
0x15f: {  	v17 =	vand.u32 $0x1C00, v60;
	v33 =	vshll.u32 v58, $0x3;
	v34 =	vand.u32 $0x7F, v58  }
0x160: {  	v38 =	vshll.u32 v24, $0x3;
	v39 =	vand.u32 $0x7F, v24;
	v43 =	vcvt.s32.f32 v22  }
0x161: {  	v21 =	vshra.s32 v58, $0xA;
	v45 =	vshll.u32 v27, $0x3;
	v22 =	vor.u32 v44, v25  }
0x162: {  	v46 =	vand.u32 $0x7F, v27;
	v24 =	vshra.s32 v24, $0xA;
	v8 =	vmul.f32 v10, v8  }
0x163: {  	v56 =	vshra.s32 v27, $0xA;
	v10 =	vand.u32 $0x2000, v61;
	v17 =	vor.u32 v17, v62  }
0x164: {  	v28 =	vand.u32 $0x1C00, v33;
	v30 =	vand.u32 $0x1C00, v38;
	v50 =	vor.u32 $0x80, v22  }
0x165: {  	v21 =	vcvt.s32.f32 v21;
	v24 =	vcvt.s32.f32 v24;
	v17 =	vor.u32 v6, v17  }
0x166: {  	v55 =	vor.u32 $0x100, v22;
	v35 =	vor.u32 v28, v34;
	v17 =	vor.u32 v5, v17  }
0x167: {  	v57 =	vcvt.s32.f32 v56;
	v40 =	vor.u32 v30, v39;
	v26 =	vor.u32 v6, v35;
	v63 =	vld.idx.msk [tilespmem:v54+s10+$0x0], $0xffff  }
0x168: {  	v28 =	vand.u32 $0x1C00, v45;
	v14 =	vor.u32 v6, v40;
	v26 =	vor.u32 v5, v26;
	v49 =	vld.idx.msk [tilespmem:v22+s10+$0x0], $0xffff  }
0x169: {  	v29 =	vadd.f32 v43, v43;
	v34 =	vor.u32 $0x180, v22;
	v14 =	vor.u32 v5, v14;
	v59 =	vld.idx.msk [tilespmem:v50+s10+$0x0], $0xffff  }
0x16a: {  	v45 =	vor.u32 $0x280, v16;
	v25 =	vor.u32 v28, v46;
	v48 =	vadd.f32 v21, v21  }
0x16b: {  	v52 =	vadd.f32 v24, v24;
	v62 =	vadd.f32 v57, v57;
	v25 =	vor.u32 v6, v25;
	v17 =	vld.idx.msk [tilespmem:v17+s3+$0x0], $0xffff  }
0x16c: {  	v40 =	vor.u32 $0x200, v22;
	v25 =	vor.u32 v5, v25;
	v50 =	vor.u32 $0x300, v22  }
0x16d: {  	v26 =	vld.idx.msk [tilespmem:v26+s3+$0x0], $0xffff;
	v41 =	vshra.s32 v63, $0xA;
	v44 =	vand.u32 $0x7F, v63;
	v58 =	vshll.u32 v49, $0x3  }
0x16e: {  	v14 =	vld.idx.msk [tilespmem:v14+s3+$0x0], $0xffff;
	v60 =	vand.u32 $0x7F, v49;
	v28 =	vshra.s32 v49, $0xA;
	v38 =	vshll.u32 v59, $0x3  }
0x16f: {  	v39 =	vand.u32 $0x7F, v59;
	v28 =	vcvt.s32.f32 v28;
	v27 =	vshra.s32 v59, $0xA  }
0x170: {  	v30 =	vld.idx.msk [tilespmem:v34+s10+$0x0], $0xffff;
	v23 =	vand.u32 $0x1C00, v38;
	v27 =	vcvt.s32.f32 v27;
	v47 =	vadd.f32 v43, v17  }
0x171: {  	v25 =	vld.idx.msk [tilespmem:v25+s3+$0x0], $0xffff;
	v17 =	vmul.f32 v29, v17;
	v23 =	vor.u32 v23, v39;
	v29 =	vshll.u32 v63, $0x3  }
0x172: {  	v34 =	vadd.f32 v28, v28;
	v21 =	vadd.f32 v21, v26;
	v26 =	vmul.f32 v48, v26  }
0x173: {  	v24 =	vadd.f32 v24, v14;
	v19 =	vmul.f32 v52, v14;
	v14 =	vmul.f32 v51, v8  }
0x174: {  	v8 =	vand.u32 $0x1C00, v58;
	v23 =	vor.u32 v10, v23;
	v46 =	vadd.f32 v27, v27  }
0x175: {  	v48 =	vor.u32 $0x280, v22;
	v29 =	vand.u32 $0x1C00, v29;
	v52 =	vshra.s32 v30, $0xA  }
0x176: {  	v17 =	vsub.f32 v47, v17;
	v36 =	vadd.f32 v57, v25;
	v37 =	vmul.f32 v62, v25  }
0x177: {  	v29 =	vor.u32 v29, v44;
	v54 =	vcvt.s32.f32 v52;
	v53 =	vsub.f32 v21, v26  }
0x178: {  	v25 =	vld.idx.msk [tilespmem:v40+s10+$0x0], $0xffff;
	v19 =	vsub.f32 v24, v19;
	v21 =	vcvt.s32.f32 v41;
	v29 =	vor.u32 v6, v29  }
0x179: {  	v26 =	vld.idx.msk [tilespmem:v55+s10+$0x0], $0xffff;
	v55 =	vor.u32 $0x380, v22;
	v29 =	vor.u32 v5, v29;
	v59 =	vadd.f32 v54, v54  }
0x17a: {  	v20 =	vmul.f32 v53, v17;
	v17 =	vor.u32 v8, v60;
	v8 =	vand.u32 $0x300, v12  }
0x17b: {  	v60 =	vadd.s32 $0x2000, v22;
	v22 =	vadd.s32 $0x2080, v22;
	v33 =	vor.u32 v10, v17  }
0x17c: {  	v17 =	vor.u32 $0x380, v13;
	v23 =	vor.u32 v8, v23;
	v19 =	vmul.f32 v19, v20  }
0x17d: {  	v53 =	vld.idx.msk [tilespmem:v48+s10+$0x0], $0xffff;
	v35 =	vor.u32 v8, v33;
	v20 =	vsub.f32 v36, v37;
	v36 =	vand.u32 $0x7F, v30  }
0x17e: {  	v47 =	vshll.u32 v25, $0x3;
	v37 =	vand.u32 $0x7F, v25;
	v42 =	vshll.u32 v26, $0x3  }
0x17f: {  	v25 =	vshra.s32 v25, $0xA;
	v43 =	vand.u32 $0x7F, v26;
	v24 =	vand.u32 $0x1C00, v42  }
0x180: {  	v26 =	vshra.s32 v26, $0xA;
	v25 =	vcvt.s32.f32 v25;
	v24 =	vor.u32 v24, v43;
	v22 =	vld.idx.msk [tilespmem:v22+s10+$0x0], $0xffff  }
0x181: {  	v26 =	vcvt.s32.f32 v26;
	v19 =	vmul.f32 v20, v19;
	v24 =	vor.u32 v10, v24;
	v23 =	vld.idx.msk [tilespmem:v23+s3+$0x0], $0xffff  }
0x182: {  	v61 =	vshll.u32 v53, $0x3;
	v31 =	vld.idx.msk [tilespmem:v35+s3+$0x0], $0xffff;
	v24 =	vor.u32 v8, v24;
	v35 =	vshll.u32 v30, $0x3  }
0x183: {  	v49 =	vadd.f32 v26, v26;
	v32 =	vand.u32 $0x1C00, v61;
	v35 =	vand.u32 $0x1C00, v35  }
0x184: {  	v30 =	vshra.s32 v53, $0xA;
	v35 =	vor.u32 v35, v36;
	v36 =	vand.u32 $0x1C00, v47  }
0x185: {  	v30 =	vcvt.s32.f32 v30;
	v35 =	vor.u32 v10, v35;
	v36 =	vor.u32 v36, v37  }
0x186: {  	v37 =	vand.u32 $0x7F, v53;
	v48 =	vshll.u32 v22, $0x3;
	v39 =	vand.u32 $0x7F, v22  }
0x187: {  	v22 =	vshra.s32 v22, $0xA;
	v35 =	vor.u32 v8, v35;
	v27 =	vadd.f32 v27, v23;
	v24 =	vld.idx.msk [tilespmem:v24+s3+$0x0], $0xffff  }
0x188: {  	v28 =	vadd.f32 v28, v31;
	v31 =	vmul.f32 v34, v31;
	v34 =	vmul.f32 v46, v23;
	v23 =	vld.idx.msk [tilespmem:v45+s10+$0x0], $0xffff  }
0x189: {  	v36 =	vor.u32 v10, v36;
	v32 =	vor.u32 v32, v37;
	v22 =	vcvt.s32.f32 v22  }
0x18a: {  	v32 =	vor.u32 v10, v32;
	v28 =	vsub.f32 v28, v31;
	v27 =	vsub.f32 v27, v34;
	v31 =	vld.idx.msk [tilespmem:v50+s10+$0x0], $0xffff  }
0x18b: {  	v36 =	vor.u32 v8, v36;
	v45 =	vadd.f32 v30, v30;
	v32 =	vor.u32 v8, v32  }
0x18c: {  	v27 =	vmul.f32 v27, v28;
	v26 =	vadd.f32 v26, v24;
	v24 =	vmul.f32 v49, v24  }
0x18d: {  	v51 =	vld.idx.msk [tilespmem:v35+s3+$0x0], $0xffff;
	v56 =	vand.u32 $0x7F, v23;
	v57 =	vshll.u32 v23, $0x3;
	v23 =	vshra.s32 v23, $0xA  }
0x18e: {  	v28 =	vld.idx.msk [tilespmem:v55+s10+$0x0], $0xffff;
	v34 =	vand.u32 $0x1C00, v57;
	v23 =	vcvt.s32.f32 v23;
	v24 =	vsub.f32 v26, v24  }
0x18f: {  	v63 =	vshll.u32 v31, $0x3;
	v38 =	vand.u32 $0x7F, v31;
	v31 =	vshra.s32 v31, $0xA  }
0x190: {  	v58 =	vld.idx.msk [tilespmem:v36+s3+$0x0], $0xffff;
	v33 =	vor.u32 v34, v56;
	v37 =	vand.u32 $0x1C00, v63;
	v31 =	vcvt.s32.f32 v31  }
0x191: {  	v36 =	vld.idx.msk [tilespmem:v60+s10+$0x0], $0xffff;
	v61 =	vor.u32 v6, v33;
	v63 =	vor.u32 $0x380, v16;
	v24 =	vmul.f32 v24, v27  }
0x192: {  	v26 =	vadd.f32 v54, v51;
	v27 =	vmul.f32 v59, v51;
	v40 =	vor.u32 v37, v38  }
0x193: {  	v41 =	vshll.u32 v28, $0x3;
	v42 =	vand.u32 $0x7F, v28;
	v38 =	vand.u32 $0x1C00, v48  }
0x194: {  	v28 =	vshra.s32 v28, $0xA;
	v54 =	vor.u32 $0x300, v16;
	v48 =	vadd.s32 $0x2080, v16  }
0x195: {  	v62 =	vadd.f32 v25, v58;
	v35 =	vor.u32 v10, v40;
	v37 =	vand.u32 $0x1C00, v41  }
0x196: {  	v46 =	vshll.u32 v36, $0x3;
	v47 =	vand.u32 $0x7F, v36;
	v26 =	vsub.f32 v26, v27  }
0x197: {  	v35 =	vor.u32 v8, v35;
	v43 =	vor.u32 v37, v42;
	v37 =	vand.u32 $0x1C00, v46  }
0x198: {  	v44 =	vld.idx.msk [tilespmem:v32+s3+$0x0], $0xffff;
	v37 =	vor.u32 v37, v47;
	v24 =	vmul.f32 v26, v24;
	v26 =	vor.u32 v10, v43  }
0x199: {  	v29 =	vld.idx.msk [tilespmem:v29+s3+$0x0], $0xffff;
	v25 =	vadd.f32 v25, v25;
	v37 =	vor.u32 v10, v37;
	v26 =	vor.u32 v8, v26  }
0x19a: {  	v38 =	vor.u32 v38, v39;
	v50 =	vadd.f32 v31, v31;
	v37 =	vor.u32 v8, v37  }
0x19b: {  	v51 =	vcvt.s32.f32 v28;
	v56 =	vshra.s32 v36, $0xA;
	v49 =	vor.u32 v10, v38  }
0x19c: {  	v39 =	vadd.f32 v22, v22;
	v25 =	vmul.f32 v25, v58;
	v32 =	vor.u32 v8, v49;
	v35 =	vld.idx.msk [tilespmem:v35+s3+$0x0], $0xffff  }
0x19d: {  	v40 =	vadd.f32 v21, v21;
	v30 =	vadd.f32 v30, v44;
	v27 =	vmul.f32 v45, v44;
	v44 =	vld.idx.msk [tilespmem:v63+s10+$0x0], $0xffff  }
0x19e: {  	v21 =	vadd.f32 v21, v29;
	v59 =	vcvt.s32.f32 v56;
	v25 =	vsub.f32 v62, v25;
	v26 =	vld.idx.msk [tilespmem:v26+s3+$0x0], $0xffff  }
0x19f: {  	v56 =	vadd.f32 v23, v23;
	v55 =	vadd.f32 v51, v51;
	v42 =	vmul.f32 v40, v29;
	v57 =	vld.idx.msk [tilespmem:v37+s3+$0x0], $0xffff  }
0x1a0: {  	v27 =	vsub.f32 v30, v27;
	v43 =	vadd.s32 $0x2000, v16;
	v24 =	vmul.f32 v25, v24  }
0x1a1: {  	v60 =	vld.idx.msk [tilespmem:v32+s3+$0x0], $0xffff;
	v32 =	vor.u32 v5, v61;
	v52 =	vadd.f32 v31, v35;
	v53 =	vmul.f32 v50, v35  }
0x1a2: {  	v62 =	vadd.f32 v59, v59;
	v46 =	vsub.f32 v21, v42;
	v24 =	vmul.f32 v27, v24  }
0x1a3: {  	v27 =	vld.idx.msk [tilespmem:v48+s10+$0x0], $0xffff;
	v58 =	vsub.f32 v52, v53;
	v25 =	vadd.f32 v51, v26;
	v26 =	vmul.f32 v55, v26  }
0x1a4: {  	v20 =	vmul.f32 v46, v19;
	v29 =	vshra.s32 v44, $0xA;
	v37 =	vadd.f32 v59, v57  }
0x1a5: {  	v31 =	vld.idx.msk [tilespmem:v54+s10+$0x0], $0xffff;
	v38 =	vmul.f32 v62, v57;
	v24 =	vmul.f32 v58, v24;
	v25 =	vsub.f32 v25, v26  }
0x1a6: {  	v40 =	vcvt.s32.f32 v29;
	v22 =	vadd.f32 v22, v60;
	v41 =	vmul.f32 v39, v60;
	v49 =	vld.idx.msk [tilespmem:v32+s3+$0x0], $0xffff  }
0x1a7: {  	v53 =	vshll.u32 v44, $0x3;
	v26 =	vld.idx.msk [tilespmem:v17+s10+$0x0], $0xffff;
	v17 =	vsub.f32 v37, v38;
	v24 =	vmul.f32 v25, v24  }
0x1a8: {  	v36 =	vshll.u32 v27, $0x3;
	v22 =	vsub.f32 v22, v41;
	v51 =	vld.idx.msk [tilespmem:v43+s10+$0x0], $0xffff;
	v55 =	vand.u32 $0x7F, v44  }
0x1a9: {  	v39 =	vand.u32 $0x1C00, v36;
	v24 =	vmul.f32 v17, v24;
	v17 =	vor.u32 v1, v12  }
0x1aa: {  	v44 =	vadd.f32 v40, v40;
	v47 =	vshll.u32 v31, $0x3;
	v50 =	vand.u32 $0x7F, v31  }
0x1ab: {  	v52 =	vshra.s32 v31, $0xA;
	v21 =	vand.u32 $0x1C00, v47;
	v22 =	vmul.f32 v22, v24  }
0x1ac: {  	v38 =	vand.u32 $0x7F, v27;
	v23 =	vadd.f32 v23, v49;
	v21 =	vor.u32 v21, v50  }
0x1ad: {  	v21 =	vor.u32 v6, v21;
	v61 =	vand.u32 $0x7F, v51;
	v62 =	vshll.u32 v51, $0x3;
	[tilespmem:v18+s14+$0x0] =	vst.idx.msk $0xffff, v22  }
0x1ae: {  	v21 =	vor.u32 v5, v21;
	v31 =	vand.u32 $0x1C00, v62;
	v22 =	vand.u32 $0x1C00, v53;
	v54 =	vld.idx.msk [tilespmem:v17+s11+$0x0], $0xffff  }
0x1af: {  	v58 =	vmul.f32 v56, v49;
	v31 =	vor.u32 v31, v61;
	v22 =	vor.u32 v22, v55  }
0x1b0: {  	v37 =	vor.u32 v6, v31;
	v31 =	vor.u32 v39, v38;
	v57 =	vor.u32 v6, v22  }
0x1b1: {  	v45 =	vshra.s32 v26, $0xA;
	v41 =	vor.u32 v6, v31;
	v60 =	vor.u32 v5, v57  }
0x1b2: {  	v43 =	vand.u32 $0x7F, v26;
	v26 =	vshll.u32 v26, $0x3;
	v42 =	vor.u32 v5, v41  }
0x1b3: {  	v49 =	vshra.s32 v51, $0xA;
	v26 =	vand.u32 $0x1C00, v26;
	v21 =	vld.idx.msk [tilespmem:v21+s3+$0x0], $0xffff;
	v63 =	vshll.u32 v54, $0x3  }
0x1b4: {  	v18 =	vcvt.s32.f32 v52;
	v28 =	vand.u32 $0x7F, v54;
	v32 =	vand.u32 $0xFFFFFC00, v63  }
0x1b5: {  	v16 =	vcvt.s32.f32 v45;
	v26 =	vor.u32 v26, v43;
	v19 =	vor.u32 v28, v32  }
0x1b6: {  	v55 =	vshra.s32 v27, $0xA;
	v59 =	vadd.f32 v18, v18;
	v30 =	vld.idx.msk [tilespmem:v60+s3+$0x0], $0xffff;
	v28 =	vor.u32 v5, v37  }
0x1b7: {  	v22 =	vsub.f32 v23, v58;
	v24 =	vcvt.s32.f32 v55;
	v53 =	vld.idx.msk [tilespmem:v42+s3+$0x0], $0xffff;
	v46 =	vor.u32 $0x80, v19  }
0x1b8: {  	v18 =	vadd.f32 v18, v21;
	v21 =	vmul.f32 v59, v21;
	v51 =	vor.u32 $0x100, v19  }
0x1b9: {  	v26 =	vor.u32 v9, v26;
	v20 =	vmul.f32 v22, v20;
	v61 =	vor.u32 $0x180, v19  }
0x1ba: {  	v18 =	vsub.f32 v18, v21;
	v60 =	vadd.f32 v24, v24;
	v35 =	vor.u32 $0x200, v19;
	v45 =	vld.idx.msk [tilespmem:v19+s10+$0x0], $0xffff  }
0x1bb: {  	v55 =	vor.u32 $0x280, v19;
	v47 =	vadd.f32 v40, v30;
	v48 =	vmul.f32 v44, v30;
	v50 =	vld.idx.msk [tilespmem:v28+s3+$0x0], $0xffff  }
0x1bc: {  	v23 =	vcvt.s32.f32 v49;
	v31 =	vadd.f32 v24, v53;
	v21 =	vmul.f32 v60, v53;
	v57 =	vld.idx.msk [tilespmem:v46+s10+$0x0], $0xffff  }
0x1bd: {  	v26 =	vor.u32 v7, v26;
	v18 =	vmul.f32 v18, v20;
	v28 =	vld.idx.msk [tilespmem:v51+s10+$0x0], $0xffff;
	v52 =	vsub.f32 v47, v48  }
0x1be: {  	v54 =	vadd.f32 v23, v23;
	v21 =	vsub.f32 v31, v21;
	v40 =	vadd.s32 $0x2000, v13;
	v38 =	vld.idx.msk [tilespmem:v61+s10+$0x0], $0xffff  }
0x1bf: {  	v13 =	vadd.s32 $0x2080, v13;
	v43 =	vld.idx.msk [tilespmem:v35+s10+$0x0], $0xffff;
	v18 =	vmul.f32 v52, v18;
	v56 =	vshll.u32 v45, $0x3  }
0x1c0: {  	v61 =	vld.idx.msk [tilespmem:v55+s10+$0x0], $0xffff;
	v58 =	vand.u32 $0x7F, v45;
	v23 =	vadd.f32 v23, v50;
	v22 =	vmul.f32 v54, v50  }
0x1c1: {  	v41 =	vshra.s32 v45, $0xA;
	v27 =	vand.u32 $0x1C00, v56;
	v33 =	vshll.u32 v57, $0x3  }
0x1c2: {  	v34 =	vand.u32 $0x7F, v57;
	v37 =	vshll.u32 v28, $0x3;
	v39 =	vand.u32 $0x7F, v28  }
0x1c3: {  	v42 =	vcvt.s32.f32 v41;
	v44 =	vshra.s32 v57, $0xA;
	v46 =	vshll.u32 v38, $0x3  }
0x1c4: {  	v48 =	vand.u32 $0x7F, v38;
	v28 =	vshra.s32 v28, $0xA;
	v51 =	vshll.u32 v43, $0x3  }
0x1c5: {  	v52 =	vand.u32 $0x7F, v43;
	v60 =	vshra.s32 v38, $0xA;
	v41 =	vand.u32 $0x7F, v61  }
0x1c6: {  	v59 =	vor.u32 v27, v58;
	v62 =	vsub.f32 v23, v22;
	v24 =	vand.u32 $0x1C00, v33  }
0x1c7: {  	v23 =	vand.u32 $0x1C00, v37;
	v27 =	vcvt.s32.f32 v44;
	v31 =	vand.u32 $0x1C00, v46  }
0x1c8: {  	v25 =	vor.u32 v10, v59;
	v23 =	vor.u32 v23, v39;
	v39 =	vadd.s32 $0x2000, v19  }
0x1c9: {  	v53 =	vcvt.s32.f32 v28;
	v58 =	vor.u32 $0x300, v19;
	v63 =	vor.u32 v8, v25  }
0x1ca: {  	v36 =	vor.u32 v24, v34;
	v45 =	vadd.f32 v42, v42;
	v18 =	vmul.f32 v62, v18  }
0x1cb: {  	v20 =	vor.u32 v10, v36;
	v62 =	vor.u32 $0x380, v19;
	v19 =	vadd.s32 $0x2080, v19  }
0x1cc: {  	v23 =	vor.u32 v10, v23;
	v20 =	vor.u32 v8, v20;
	v21 =	vmul.f32 v21, v18;
	v18 =	vld.idx.msk [tilespmem:v40+s10+$0x0], $0xffff  }
0x1cd: {  	v31 =	vor.u32 v31, v48;
	v24 =	vshra.s32 v61, $0xA;
	v23 =	vor.u32 v8, v23;
	v33 =	vld.idx.msk [tilespmem:v39+s10+$0x0], $0xffff  }
0x1ce: {  	v49 =	vadd.f32 v27, v27;
	v50 =	vor.u32 v10, v31;
	[tilespmem:v15+s14+$0x0] =	vst.idx.msk $0xffff, v21;
	v22 =	vld.idx.msk [tilespmem:v63+s3+$0x0], $0xffff  }
0x1cf: {  	v31 =	vand.u32 $0x1C00, v51;
	v57 =	vadd.f32 v53, v53;
	v25 =	vshra.s32 v43, $0xA;
	v56 =	vld.idx.msk [tilespmem:v11+s11+$0x0], $0xffff  }
0x1d0: {  	s31 =	sadd.s32 $0x3, s18;
	v24 =	vcvt.s32.f32 v24;
	v30 =	vor.u32 v8, v50;
	v54 =	vor.u32 v31, v52;
	v19 =	vld.idx.msk [tilespmem:v19+s10+$0x0], $0xffff  }
0x1d1: {  	v25 =	vcvt.s32.f32 v25;
	v31 =	vmov s31;
	v21 =	vor.u32 v10, v54;
	v20 =	vld.idx.msk [tilespmem:v20+s3+$0x0], $0xffff  }
0x1d2: {  	v40 =	vshll.u32 v61, $0x3;
	v21 =	vor.u32 v8, v21;
	v23 =	vld.idx.msk [tilespmem:v23+s3+$0x0], $0xffff;
	v59 =	vshll.u32 v18, $0x3  }
0x1d3: {  	v50 =	vadd.f32 v24, v24;
	v32 =	vand.u32 $0x7F, v18;
	v28 =	vand.u32 $0x1C00, v59  }
0x1d4: {  	v51 =	vshll.u32 v33, $0x3;
	v52 =	vand.u32 $0x7F, v33;
	v28 =	vor.u32 v28, v32  }
0x1d5: {  	v47 =	vadd.f32 v42, v22;
	v22 =	vmul.f32 v45, v22;
	v63 =	vand.u32 $0x7F, v56  }
0x1d6: {  	v29 =	vshll.u32 v56, $0x3;
	v54 =	vand.u32 $0x7F, v19;
	v28 =	vor.u32 v9, v28  }
0x1d7: {  	v21 =	vld.idx.msk [tilespmem:v21+s3+$0x0], $0xffff;
	v27 =	vadd.f32 v27, v20;
	v20 =	vmul.f32 v49, v20;
	v15 =	vadd.f32 v53, v23  }
0x1d8: {  	v30 =	vld.idx.msk [tilespmem:v30+s3+$0x0], $0xffff;
	v23 =	vmul.f32 v57, v23;
	v29 =	vand.u32 $0xFFFFFC00, v29;
	v53 =	vshll.u32 v19, $0x3  }
0x1d9: {  	v19 =	vshra.s32 v19, $0xA;
	v22 =	vsub.f32 v47, v22;
	v20 =	vsub.f32 v27, v20;
	v27 =	vld.idx.msk [tilespmem:v58+s10+$0x0], $0xffff  }
0x1da: {  	v35 =	vand.u32 $0x1C00, v53;
	v19 =	vcvt.s32.f32 v19;
	v15 =	vsub.f32 v15, v23;
	v23 =	vld.idx.msk [tilespmem:v62+s10+$0x0], $0xffff  }
0x1db: {  	v35 =	vor.u32 v35, v54;
	v20 =	vmul.f32 v20, v22;
	v22 =	vcvt.s32.f32 v60  }
0x1dc: {  	v55 =	vor.u32 v10, v35;
	v42 =	vadd.f32 v25, v21;
	v25 =	vadd.f32 v25, v25  }
0x1dd: {  	v15 =	vmul.f32 v15, v20;
	v38 =	vadd.f32 v22, v22;
	v22 =	vadd.f32 v22, v30  }
0x1de: {  	v21 =	vmul.f32 v25, v21;
	v43 =	vshll.u32 v27, $0x3;
	v44 =	vand.u32 $0x7F, v27  }
0x1df: {  	v46 =	vshll.u32 v23, $0x3;
	v20 =	vmul.f32 v38, v30;
	v30 =	vand.u32 $0x1C00, v40  }
0x1e0: {  	v47 =	vand.u32 $0x7F, v23;
	v34 =	vand.u32 $0x1C00, v43;
	v30 =	vor.u32 v30, v41  }
0x1e1: {  	v45 =	vor.u32 v34, v44;
	v34 =	vand.u32 $0x1C00, v46;
	v30 =	vor.u32 v10, v30  }
0x1e2: {  	v20 =	vsub.f32 v22, v20;
	v25 =	vor.u32 v10, v45;
	v30 =	vor.u32 v8, v30  }
0x1e3: {  	v26 =	vld.idx.msk [tilespmem:v26+s3+$0x0], $0xffff;
	v48 =	vor.u32 v34, v47;
	v34 =	vand.u32 $0x1C00, v51;
	v25 =	vor.u32 v8, v25  }
0x1e4: {  	v34 =	vor.u32 v34, v52;
	v20 =	vmul.f32 v20, v15;
	v15 =	vor.u32 v10, v48  }
0x1e5: {  	v27 =	vshra.s32 v27, $0xA;
	v34 =	vor.u32 v10, v34;
	v15 =	vor.u32 v8, v15  }
0x1e6: {  	v23 =	vshra.s32 v23, $0xA;
	v21 =	vsub.f32 v42, v21;
	v34 =	vor.u32 v8, v34  }
0x1e7: {  	v27 =	vcvt.s32.f32 v27;
	v42 =	vadd.f32 v19, v19;
	v49 =	vld.idx.msk [tilespmem:v30+s3+$0x0], $0xffff;
	v30 =	vor.u32 v8, v55  }
0x1e8: {  	v58 =	vcvt.s32.f32 v23;
	v43 =	vadd.f32 v16, v16;
	v46 =	vadd.f32 v16, v26;
	v25 =	vld.idx.msk [tilespmem:v25+s3+$0x0], $0xffff  }
0x1e9: {  	v16 =	vor.u32 v2, v12;
	v12 =	vor.u32 v3, v12;
	v56 =	vadd.f32 v27, v27  }
0x1ea: {  	v62 =	vadd.f32 v58, v58;
	v57 =	vld.idx.msk [tilespmem:v15+s3+$0x0], $0xffff;
	v15 =	vor.u32 v63, v29;
	v63 =	vshra.s32 v33, $0xA  }
0x1eb: {  	v26 =	vmul.f32 v43, v26;
	v33 =	vld.idx.msk [tilespmem:v34+s3+$0x0], $0xffff;
	v61 =	vor.u32 $0x80, v15;
	v35 =	vcvt.s32.f32 v63  }
0x1ec: {  	v39 =	vor.u32 $0x100, v15;
	v24 =	vadd.f32 v24, v49;
	v22 =	vmul.f32 v50, v49;
	v38 =	vld.idx.msk [tilespmem:v30+s3+$0x0], $0xffff  }
0x1ed: {  	v47 =	vor.u32 v7, v28;
	v59 =	vadd.f32 v27, v25;
	v60 =	vmul.f32 v56, v25  }
0x1ee: {  	v20 =	vmul.f32 v21, v20;
	v29 =	vadd.f32 v35, v35;
	v22 =	vsub.f32 v24, v22  }
0x1ef: {  	v36 =	vor.u32 $0x180, v15;
	v34 =	vsub.f32 v59, v60;
	v21 =	vadd.f32 v58, v57;
	v40 =	vld.idx.msk [tilespmem:v15+s10+$0x0], $0xffff  }
0x1f0: {  	v37 =	vmul.f32 v62, v57;
	v23 =	vadd.f32 v35, v33;
	v44 =	vld.idx.msk [tilespmem:v61+s10+$0x0], $0xffff;
	v20 =	vmul.f32 v22, v20  }
0x1f1: {  	v41 =	vmul.f32 v29, v33;
	v48 =	vld.idx.msk [tilespmem:v39+s10+$0x0], $0xffff;
	v19 =	vadd.f32 v19, v38;
	v45 =	vmul.f32 v42, v38  }
0x1f2: {  	v49 =	vsub.f32 v46, v26;
	v21 =	vsub.f32 v21, v37;
	v20 =	vmul.f32 v34, v20  }
0x1f3: {  	v52 =	vshra.s32 v18, $0xA;
	v23 =	vsub.f32 v23, v41;
	v19 =	vsub.f32 v19, v45  }
0x1f4: {  	v50 =	vshll.u32 v40, $0x3;
	v51 =	vand.u32 $0x7F, v40;
	v20 =	vmul.f32 v21, v20  }
0x1f5: {  	v22 =	vshra.s32 v40, $0xA;
	v24 =	vand.u32 $0x1C00, v50;
	v54 =	vshll.u32 v44, $0x3  }
0x1f6: {  	v27 =	vld.idx.msk [tilespmem:v36+s10+$0x0], $0xffff;
	v56 =	vand.u32 $0x7F, v44;
	v59 =	vshll.u32 v48, $0x3;
	v20 =	vmul.f32 v23, v20  }
0x1f7: {  	v62 =	vand.u32 $0x7F, v48;
	v53 =	vor.u32 v24, v51;
	v24 =	vand.u32 $0x1C00, v54  }
0x1f8: {  	v18 =	vor.u32 v6, v53;
	v58 =	vor.u32 v24, v56;
	v19 =	vmul.f32 v19, v20  }
0x1f9: {  	v55 =	vld.idx.msk [tilespmem:v47+s3+$0x0], $0xffff;
	v21 =	vshra.s32 v44, $0xA;
	v57 =	vor.u32 v5, v18;
	v61 =	vor.u32 v6, v58  }
0x1fa: {  	v22 =	vcvt.s32.f32 v22;
	v24 =	vand.u32 $0x1C00, v59;
	v18 =	vld.idx.msk [tilespmem:v13+s10+$0x0], $0xffff;
	v13 =	vor.u32 v5, v61;
	[tilespmem:v17+s14+$0x0] =	vst.idx.msk $0xffff, v19  }
0x1fb: {  	v28 =	vshra.s32 v48, $0xA;
	v48 =	vshll.u32 v27, $0x3;
	v19 =	vor.u32 v24, v62;
	v60 =	vld.idx.msk [tilespmem:v16+s11+$0x0], $0xffff  }
0x1fc: {  	v21 =	vcvt.s32.f32 v21;
	v28 =	vcvt.s32.f32 v28;
	v19 =	vor.u32 v6, v19  }
0x1fd: {  	v50 =	vand.u32 $0x1C00, v48;
	v23 =	vmul.f32 v49, v14;
	v19 =	vor.u32 v5, v19  }
0x1fe: {  	v40 =	vadd.f32 v22, v22;
	v49 =	vand.u32 $0x7F, v27;
	v20 =	vcvt.s32.f32 v52;
	v17 =	vld.idx.msk [tilespmem:v57+s3+$0x0], $0xffff  }
0x1ff: {  	v14 =	vshll.u32 v31, $0x7;
	v41 =	vadd.f32 v21, v21;
	v45 =	vadd.f32 v28, v28;
	v13 =	vld.idx.msk [tilespmem:v13+s3+$0x0], $0xffff  }
0x200: {  	v63 =	vadd.f32 v20, v55;
	v35 =	vadd.f32 v20, v20;
	v37 =	vshll.u32 v60, $0x3  }
0x201: {  	v38 =	vshll.u32 v18, $0x3;
	v26 =	vand.u32 $0x7F, v60;
	v20 =	vand.u32 $0xFFFFFC00, v37  }
0x202: {  	v24 =	vmul.f32 v35, v55;
	v39 =	vand.u32 $0x7F, v18;
	v19 =	vld.idx.msk [tilespmem:v19+s3+$0x0], $0xffff;
	v20 =	vor.u32 v26, v20  }
0x203: {  	v22 =	vadd.f32 v22, v17;
	v17 =	vmul.f32 v40, v17;
	v26 =	vor.u32 $0x80, v20  }
0x204: {  	v21 =	vadd.f32 v21, v13;
	v13 =	vmul.f32 v41, v13;
	v42 =	vor.u32 $0x100, v20  }
0x205: {  	v18 =	vshra.s32 v18, $0xA;
	v46 =	vsub.f32 v22, v17;
	v22 =	vor.u32 v0, v14  }
0x206: {  	v29 =	vand.u32 $0x1C00, v38;
	v38 =	vshra.s32 v27, $0xA;
	v13 =	vsub.f32 v21, v13  }
0x207: {  	v21 =	vor.u32 v50, v49;
	v47 =	vadd.f32 v28, v19;
	v19 =	vmul.f32 v45, v19;
	v43 =	vld.idx.msk [tilespmem:v20+s10+$0x0], $0xffff  }
0x208: {  	v24 =	vsub.f32 v63, v24;
	v44 =	vor.u32 v29, v39;
	v61 =	vor.u32 v6, v21;
	v26 =	vld.idx.msk [tilespmem:v26+s10+$0x0], $0xffff  }
0x209: {  	v13 =	vmul.f32 v13, v46;
	v36 =	vor.u32 v5, v61;
	v51 =	vld.idx.msk [tilespmem:v42+s10+$0x0], $0xffff;
	v19 =	vsub.f32 v47, v19  }
0x20a: {  	v39 =	vor.u32 $0x200, v15;
	v29 =	vor.u32 v9, v44;
	v9 =	vmul.f32 v24, v23;
	v63 =	vld.idx.msk [tilespmem:v22+s11+$0x0], $0xffff  }
0x20b: {  	v17 =	vor.u32 v7, v29;
	v13 =	vmul.f32 v19, v13;
	v19 =	vcvt.s32.f32 v38  }
0x20c: {  	v52 =	vand.u32 $0x7F, v43;
	v53 =	vshll.u32 v43, $0x3;
	v41 =	vshra.s32 v43, $0xA  }
0x20d: {  	v50 =	vadd.f32 v19, v19;
	v54 =	vand.u32 $0x1C00, v53;
	v55 =	vshll.u32 v26, $0x3  }
0x20e: {  	v45 =	vld.idx.msk [tilespmem:v36+s3+$0x0], $0xffff;
	v56 =	vand.u32 $0x7F, v26;
	v59 =	vshll.u32 v51, $0x3;
	v60 =	vand.u32 $0x7F, v51  }
0x20f: {  	v44 =	vshll.u32 v63, $0x3;
	v47 =	vand.u32 $0x7F, v63;
	v32 =	vor.u32 v54, v52  }
0x210: {  	v34 =	vand.u32 $0x1C00, v55;
	v33 =	vand.u32 $0x1C00, v59;
	v27 =	vand.u32 $0xFFFFFC00, v44  }
0x211: {  	v57 =	vor.u32 v10, v32;
	v58 =	vor.u32 v34, v56;
	v28 =	vor.u32 v47, v27  }
0x212: {  	v62 =	vor.u32 v33, v60;
	v25 =	vor.u32 v8, v57;
	v32 =	vor.u32 v10, v58  }
0x213: {  	v21 =	vor.u32 v10, v62;
	v53 =	vor.u32 $0x80, v28;
	v19 =	vadd.f32 v19, v45  }
0x214: {  	v27 =	vmul.f32 v50, v45;
	v32 =	vor.u32 v8, v32;
	v37 =	vor.u32 v8, v21;
	v21 =	vld.idx.msk [tilespmem:v39+s10+$0x0], $0xffff  }
0x215: {  	v46 =	vor.u32 $0x180, v20;
	v24 =	vcvt.s32.f32 v41;
	v49 =	vshra.s32 v51, $0xA  }
0x216: {  	v34 =	vcvt.s32.f32 v49;
	v58 =	vor.u32 $0x100, v28;
	v19 =	vsub.f32 v19, v27;
	v55 =	vld.idx.msk [tilespmem:v28+s10+$0x0], $0xffff  }
0x217: {  	v42 =	vshra.s32 v26, $0xA;
	v48 =	vadd.f32 v24, v24;
	v57 =	vor.u32 $0x200, v20;
	v40 =	vld.idx.msk [tilespmem:v25+s3+$0x0], $0xffff  }
0x218: {  	v44 =	vor.u32 $0x180, v28;
	v52 =	vadd.f32 v34, v34;
	v19 =	vmul.f32 v19, v13;
	v61 =	vld.idx.msk [tilespmem:v53+s10+$0x0], $0xffff  }
0x219: {  	v25 =	vcvt.s32.f32 v42;
	v42 =	vshll.u32 v31, $0xA;
	v43 =	vld.idx.msk [tilespmem:v32+s3+$0x0], $0xffff;
	v56 =	vshll.u32 v21, $0x3  }
0x21a: {  	v7 =	vld.idx.msk [tilespmem:v37+s3+$0x0], $0xffff;
	v59 =	vand.u32 $0x7F, v21;
	v13 =	vand.u32 $0x2000, v42;
	v42 =	vor.u32 $0x280, v28  }
0x21b: {  	v32 =	vld.idx.msk [tilespmem:v58+s10+$0x0], $0xffff;
	v21 =	vshra.s32 v21, $0xA;
	v51 =	vadd.f32 v25, v25;
	v60 =	vand.u32 $0x1C00, v56  }
0x21c: {  	v41 =	vand.u32 $0x7F, v55;
	v29 =	vshra.s32 v55, $0xA;
	v24 =	vadd.f32 v24, v40  }
0x21d: {  	v23 =	vmul.f32 v48, v40;
	v45 =	vshll.u32 v61, $0x3;
	v47 =	vand.u32 $0x7F, v61  }
0x21e: {  	v29 =	vcvt.s32.f32 v29;
	v27 =	vshra.s32 v61, $0xA;
	v25 =	vadd.f32 v25, v43  }
0x21f: {  	v26 =	vmul.f32 v51, v43;
	v54 =	vadd.f32 v34, v7;
	v7 =	vmul.f32 v52, v7  }
0x220: {  	v43 =	vshll.u32 v55, $0x3;
	v35 =	vand.u32 $0x1C00, v45;
	v51 =	vshll.u32 v32, $0x3  }
0x221: {  	v31 =	vld.idx.msk [tilespmem:v44+s10+$0x0], $0xffff;
	v52 =	vand.u32 $0x7F, v32;
	v32 =	vshra.s32 v32, $0xA;
	v23 =	vsub.f32 v24, v23  }
0x222: {  	v24 =	vld.idx.msk [tilespmem:v46+s10+$0x0], $0xffff;
	v30 =	vand.u32 $0x1C00, v43;
	v46 =	vor.u32 $0x200, v28;
	v48 =	vor.u32 v35, v47  }
0x223: {  	v38 =	vand.u32 $0x1C00, v51;
	v53 =	vadd.f32 v29, v29;
	v43 =	vcvt.s32.f32 v27  }
0x224: {  	v32 =	vcvt.s32.f32 v32;
	v25 =	vsub.f32 v25, v26;
	v7 =	vsub.f32 v54, v7  }
0x225: {  	v42 =	vld.idx.msk [tilespmem:v42+s10+$0x0], $0xffff;
	v26 =	vor.u32 v60, v59;
	v30 =	vor.u32 v30, v41;
	v34 =	vor.u32 v13, v48  }
0x226: {  	v38 =	vor.u32 v38, v52;
	v54 =	vshll.u32 v31, $0x3;
	v41 =	vand.u32 $0x7F, v31  }
0x227: {  	v59 =	vor.u32 $0x300, v28;
	v31 =	vshra.s32 v31, $0xA;
	v52 =	vadd.s32 $0x2000, v28  }
0x228: {  	v30 =	vor.u32 v13, v30;
	v38 =	vor.u32 v13, v38;
	v39 =	vand.u32 $0x1C00, v54  }
0x229: {  	v31 =	vcvt.s32.f32 v31;
	v23 =	vmul.f32 v25, v23;
	v25 =	vld.idx.msk [tilespmem:v57+s10+$0x0], $0xffff;
	v39 =	vor.u32 v39, v41  }
0x22a: {  	v57 =	vadd.f32 v43, v43;
	v39 =	vor.u32 v13, v39;
	v48 =	vshll.u32 v42, $0x3  }
0x22b: {  	v23 =	vmul.f32 v7, v23;
	v62 =	vshll.u32 v24, $0x3;
	v7 =	vand.u32 $0x380, v14  }
0x22c: {  	v63 =	vand.u32 $0x7F, v24;
	v24 =	vshra.s32 v24, $0xA;
	v30 =	vor.u32 v7, v30  }
0x22d: {  	v40 =	vand.u32 $0x1C00, v62;
	v34 =	vor.u32 v7, v34;
	v38 =	vor.u32 v7, v38  }
0x22e: {  	v36 =	vld.idx.msk [tilespmem:v46+s10+$0x0], $0xffff;
	v39 =	vor.u32 v7, v39;
	v62 =	vadd.f32 v32, v32;
	v50 =	vshll.u32 v25, $0x3  }
0x22f: {  	v24 =	vcvt.s32.f32 v24;
	v49 =	vand.u32 $0x7F, v25;
	v37 =	vand.u32 $0x1C00, v50  }
0x230: {  	v33 =	vor.u32 v40, v63;
	v40 =	vor.u32 $0x280, v20;
	v35 =	vor.u32 v37, v49;
	v37 =	vld.idx.msk [tilespmem:v59+s10+$0x0], $0xffff  }
0x231: {  	v63 =	vor.u32 $0x380, v28;
	v28 =	vadd.s32 $0x2080, v28;
	v33 =	vor.u32 v10, v33;
	v30 =	vld.idx.msk [tilespmem:v30+s3+$0x0], $0xffff  }
0x232: {  	v25 =	vshra.s32 v25, $0xA;
	v50 =	vadd.f32 v31, v31;
	v33 =	vor.u32 v8, v33;
	v34 =	vld.idx.msk [tilespmem:v34+s3+$0x0], $0xffff  }
0x233: {  	v25 =	vcvt.s32.f32 v25;
	v55 =	vshll.u32 v36, $0x3;
	v56 =	vand.u32 $0x7F, v36;
	v38 =	vld.idx.msk [tilespmem:v38+s3+$0x0], $0xffff  }
0x234: {  	v49 =	vand.u32 $0x7F, v42;
	v36 =	vshra.s32 v36, $0xA;
	v41 =	vand.u32 $0x1C00, v55;
	v39 =	vld.idx.msk [tilespmem:v39+s3+$0x0], $0xffff  }
0x235: {  	v42 =	vshra.s32 v42, $0xA;
	v36 =	vcvt.s32.f32 v36;
	v27 =	vld.idx.msk [tilespmem:v40+s10+$0x0], $0xffff;
	v40 =	vor.u32 v41, v56  }
0x236: {  	v42 =	vcvt.s32.f32 v42;
	v35 =	vor.u32 v10, v35;
	v51 =	vld.idx.msk [tilespmem:v63+s10+$0x0], $0xffff;
	v40 =	vor.u32 v13, v40  }
0x237: {  	v41 =	vand.u32 $0x1C00, v48;
	v28 =	vld.idx.msk [tilespmem:v28+s10+$0x0], $0xffff;
	v35 =	vor.u32 v8, v35;
	v40 =	vor.u32 v7, v40  }
0x238: {  	v54 =	vshll.u32 v37, $0x3;
	v55 =	vand.u32 $0x7F, v37;
	v29 =	vadd.f32 v29, v30  }
0x239: {  	v30 =	vmul.f32 v53, v30;
	v58 =	vadd.f32 v43, v34;
	v34 =	vmul.f32 v57, v34  }
0x23a: {  	v32 =	vadd.f32 v32, v38;
	v38 =	vmul.f32 v62, v38;
	v31 =	vadd.f32 v31, v39  }
0x23b: {  	v60 =	vand.u32 $0x7F, v27;
	v44 =	vshll.u32 v27, $0x3;
	v56 =	vshll.u32 v51, $0x3  }
0x23c: {  	v46 =	vshll.u32 v28, $0x3;
	v47 =	vand.u32 $0x7F, v28;
	v28 =	vshra.s32 v28, $0xA  }
0x23d: {  	v27 =	vshra.s32 v27, $0xA;
	v29 =	vsub.f32 v29, v30;
	v61 =	vand.u32 $0x1C00, v44  }
0x23e: {  	v34 =	vsub.f32 v58, v34;
	v32 =	vsub.f32 v32, v38;
	v38 =	vmul.f32 v50, v39  }
0x23f: {  	v44 =	vand.u32 $0x7F, v51;
	v43 =	vand.u32 $0x1C00, v56;
	v58 =	vadd.f32 v42, v42  }
0x240: {  	v39 =	vshra.s32 v51, $0xA;
	v50 =	vor.u32 $0x300, v20;
	v51 =	vcvt.s32.f32 v21  }
0x241: {  	v56 =	vor.u32 $0x280, v15;
	v28 =	vcvt.s32.f32 v28;
	v27 =	vcvt.s32.f32 v27  }
0x242: {  	v40 =	vld.idx.msk [tilespmem:v40+s3+$0x0], $0xffff;
	v30 =	vor.u32 v61, v60;
	v57 =	vor.u32 v43, v44;
	v29 =	vmul.f32 v34, v29  }
0x243: {  	v61 =	vshra.s32 v37, $0xA;
	v39 =	vcvt.s32.f32 v39;
	v34 =	vor.u32 v41, v49  }
0x244: {  	v41 =	vand.u32 $0x1C00, v54;
	v34 =	vor.u32 v13, v34;
	v29 =	vmul.f32 v32, v29;
	v32 =	vld.idx.msk [tilespmem:v52+s10+$0x0], $0xffff  }
0x245: {  	v31 =	vsub.f32 v31, v38;
	v41 =	vor.u32 v41, v55;
	v34 =	vor.u32 v7, v34  }
0x246: {  	v33 =	vld.idx.msk [tilespmem:v33+s3+$0x0], $0xffff;
	v30 =	vor.u32 v10, v30;
	v48 =	vadd.f32 v39, v39;
	v41 =	vor.u32 v13, v41  }
0x247: {  	v52 =	vor.u32 v6, v26;
	v53 =	vadd.f32 v36, v40;
	v36 =	vadd.f32 v36, v36  }
0x248: {  	v30 =	vor.u32 v8, v30;
	v41 =	vor.u32 v7, v41;
	v21 =	vor.u32 v5, v52  }
0x249: {  	v36 =	vmul.f32 v36, v40;
	v40 =	vor.u32 v13, v57;
	v63 =	vshll.u32 v32, $0x3  }
0x24a: {  	v34 =	vld.idx.msk [tilespmem:v34+s3+$0x0], $0xffff;
	v59 =	vor.u32 v7, v40;
	v44 =	vand.u32 $0x7F, v32;
	v37 =	vand.u32 $0x1C00, v63  }
0x24b: {  	v29 =	vmul.f32 v31, v29;
	v57 =	vadd.f32 v24, v33;
	v37 =	vor.u32 v37, v44  }
0x24c: {  	v24 =	vadd.f32 v24, v24;
	v40 =	vand.u32 $0x1C00, v46;
	v37 =	vor.u32 v13, v37  }
0x24d: {  	v36 =	vsub.f32 v53, v36;
	v53 =	vshra.s32 v32, $0xA;
	v37 =	vor.u32 v7, v37  }
0x24e: {  	v62 =	vld.idx.msk [tilespmem:v41+s3+$0x0], $0xffff;
	v40 =	vor.u32 v40, v47;
	v24 =	vmul.f32 v24, v33;
	v26 =	vcvt.s32.f32 v53  }
0x24f: {  	v60 =	vadd.f32 v42, v34;
	v31 =	vmul.f32 v58, v34;
	v34 =	vcvt.s32.f32 v61;
	v38 =	vld.idx.msk [tilespmem:v59+s3+$0x0], $0xffff  }
0x250: {  	v40 =	vor.u32 v13, v40;
	v24 =	vsub.f32 v57, v24;
	v59 =	vor.u32 $0x380, v20;
	v61 =	vld.idx.msk [tilespmem:v21+s3+$0x0], $0xffff  }
0x251: {  	v49 =	vor.u32 v7, v40;
	v55 =	vadd.f32 v26, v26;
	v45 =	vadd.f32 v34, v34  }
0x252: {  	v29 =	vmul.f32 v36, v29;
	v58 =	vadd.f32 v28, v28;
	v31 =	vsub.f32 v60, v31;
	v54 =	vld.idx.msk [tilespmem:v37+s3+$0x0], $0xffff  }
0x253: {  	v21 =	vor.u32 v1, v14;
	v34 =	vadd.f32 v34, v62;
	v36 =	vmul.f32 v45, v62;
	v45 =	vld.idx.msk [tilespmem:v30+s3+$0x0], $0xffff  }
0x254: {  	v29 =	vmul.f32 v31, v29;
	v39 =	vadd.f32 v39, v38;
	v31 =	vmul.f32 v48, v38;
	v38 =	vld.idx.msk [tilespmem:v50+s10+$0x0], $0xffff  }
0x255: {  	v23 =	vmul.f32 v24, v23;
	v41 =	vld.idx.msk [tilespmem:v59+s10+$0x0], $0xffff;
	v47 =	vadd.f32 v51, v61;
	v34 =	vsub.f32 v34, v36  }
0x256: {  	v48 =	vadd.s32 $0x2000, v20;
	v50 =	vadd.f32 v51, v51;
	v51 =	vadd.f32 v27, v27;
	v36 =	vld.idx.msk [tilespmem:v49+s3+$0x0], $0xffff  }
0x257: {  	v20 =	vadd.s32 $0x2080, v20;
	v31 =	vsub.f32 v39, v31;
	v29 =	vmul.f32 v34, v29  }
0x258: {  	v35 =	vld.idx.msk [tilespmem:v35+s3+$0x0], $0xffff;
	v61 =	vmul.f32 v50, v61;
	v26 =	vadd.f32 v26, v54;
	v32 =	vmul.f32 v55, v54  }
0x259: {  	v27 =	vadd.f32 v27, v45;
	v29 =	vmul.f32 v31, v29;
	v60 =	vshll.u32 v38, $0x3  }
0x25a: {  	v62 =	vand.u32 $0x7F, v38;
	v52 =	vshll.u32 v41, $0x3;
	v53 =	vand.u32 $0x7F, v41  }
0x25b: {  	v54 =	vshra.s32 v38, $0xA;
	v26 =	vsub.f32 v26, v32;
	v28 =	vadd.f32 v28, v36  }
0x25c: {  	v31 =	vmul.f32 v58, v36;
	v63 =	vand.u32 $0x1C00, v60;
	v36 =	vadd.f32 v25, v25  }
0x25d: {  	v57 =	vld.idx.msk [tilespmem:v48+s10+$0x0], $0xffff;
	v25 =	vadd.f32 v25, v35;
	v30 =	vand.u32 $0x1C00, v52;
	v55 =	vcvt.s32.f32 v54  }
0x25e: {  	v26 =	vmul.f32 v26, v29;
	v28 =	vsub.f32 v28, v31;
	v29 =	vor.u32 v63, v62  }
0x25f: {  	v30 =	vor.u32 v30, v53;
	v46 =	vmul.f32 v36, v35;
	v29 =	vor.u32 v10, v29  }
0x260: {  	v62 =	vadd.f32 v55, v55;
	v26 =	vmul.f32 v28, v26;
	v29 =	vor.u32 v8, v29  }
0x261: {  	v63 =	vld.idx.msk [tilespmem:v20+s10+$0x0], $0xffff;
	v20 =	vsub.f32 v47, v61;
	v31 =	vshra.s32 v41, $0xA;
	v25 =	vsub.f32 v25, v46  }
0x262: {  	v31 =	vcvt.s32.f32 v31;
	v28 =	vmul.f32 v51, v45;
	v46 =	vshll.u32 v57, $0x3;
	[tilespmem:v22+s14+$0x0] =	vst.idx.msk $0xffff, v26;
	v22 =	vld.idx.msk [tilespmem:v56+s10+$0x0], $0xffff  }
0x263: {  	v48 =	vand.u32 $0x7F, v57;
	v19 =	vmul.f32 v20, v19;
	v56 =	vor.u32 v10, v30;
	v49 =	vld.idx.msk [tilespmem:v21+s11+$0x0], $0xffff  }
0x264: {  	v23 =	vmul.f32 v25, v23;
	v25 =	vand.u32 $0x1C00, v46;
	v59 =	vor.u32 v8, v56  }
0x265: {  	v42 =	vsub.f32 v27, v28;
	v30 =	vshra.s32 v57, $0xA;
	v25 =	vor.u32 v25, v48;
	v29 =	vld.idx.msk [tilespmem:v29+s3+$0x0], $0xffff  }
0x266: {  	v51 =	vand.u32 $0x7F, v63;
	v30 =	vcvt.s32.f32 v30;
	v25 =	vor.u32 v10, v25  }
0x267: {  	v37 =	vshra.s32 v63, $0xA;
	v23 =	vmul.f32 v42, v23;
	v25 =	vor.u32 v8, v25  }
0x268: {  	v52 =	vshll.u32 v22, $0x3;
	v58 =	vshll.u32 v49, $0x3;
	v60 =	vand.u32 $0x7F, v49  }
0x269: {  	v47 =	vld.idx.msk [tilespmem:v59+s3+$0x0], $0xffff;
	v49 =	vshll.u32 v63, $0x3;
	v63 =	vcvt.s32.f32 v37;
	v32 =	vand.u32 $0xFFFFFC00, v58  }
0x26a: {  	v34 =	vand.u32 $0x1C00, v52;
	v24 =	vor.u32 v60, v32;
	v44 =	vadd.f32 v55, v29  }
0x26b: {  	v45 =	vmul.f32 v62, v29;
	v29 =	vand.u32 $0x7F, v22;
	v32 =	vand.u32 $0x1C00, v49  }
0x26c: {  	v62 =	vadd.f32 v30, v30;
	v22 =	vshra.s32 v22, $0xA;
	v43 =	vor.u32 $0x80, v24  }
0x26d: {  	v25 =	vld.idx.msk [tilespmem:v25+s3+$0x0], $0xffff;
	v32 =	vor.u32 v32, v51;
	v56 =	vor.u32 $0x100, v24;
	v42 =	vor.u32 $0x180, v24  }
0x26e: {  	v29 =	vor.u32 v34, v29;
	v54 =	vadd.f32 v31, v47;
	v31 =	vadd.f32 v31, v31  }
0x26f: {  	v22 =	vcvt.s32.f32 v22;
	v26 =	vsub.f32 v44, v45;
	v53 =	vor.u32 v10, v32;
	v50 =	vld.idx.msk [tilespmem:v24+s10+$0x0], $0xffff  }
0x270: {  	v44 =	vadd.f32 v63, v63;
	v29 =	vor.u32 v6, v29;
	v28 =	vmul.f32 v31, v47  }
0x271: {  	v45 =	vor.u32 $0x200, v24;
	v29 =	vor.u32 v5, v29;
	v23 =	vmul.f32 v26, v23;
	v27 =	vld.idx.msk [tilespmem:v43+s10+$0x0], $0xffff  }
0x272: {  	v30 =	vadd.f32 v30, v25;
	v25 =	vmul.f32 v62, v25;
	v36 =	vld.idx.msk [tilespmem:v56+s10+$0x0], $0xffff;
	v28 =	vsub.f32 v54, v28  }
0x273: {  	v26 =	vor.u32 v8, v53;
	v43 =	vor.u32 $0x300, v15;
	v37 =	vld.idx.msk [tilespmem:v42+s10+$0x0], $0xffff;
	v42 =	vor.u32 $0x300, v24  }
0x274: {  	v25 =	vsub.f32 v30, v25;
	v23 =	vmul.f32 v28, v23;
	v55 =	vshll.u32 v50, $0x3  }
0x275: {  	v57 =	vand.u32 $0x7F, v50;
	v47 =	vshra.s32 v50, $0xA;
	v35 =	vand.u32 $0x1C00, v55  }
0x276: {  	v58 =	vshll.u32 v27, $0x3;
	v59 =	vand.u32 $0x7F, v27;
	v48 =	vcvt.s32.f32 v47  }
0x277: {  	v50 =	vshll.u32 v36, $0x3;
	v27 =	vshra.s32 v27, $0xA;
	v51 =	vand.u32 $0x7F, v36  }
0x278: {  	v25 =	vmul.f32 v25, v23;
	v36 =	vshra.s32 v36, $0xA;
	v35 =	vor.u32 v35, v57  }
0x279: {  	v26 =	vld.idx.msk [tilespmem:v26+s3+$0x0], $0xffff;
	v39 =	vand.u32 $0x1C00, v58;
	v33 =	vand.u32 $0x1C00, v50;
	v27 =	vcvt.s32.f32 v27  }
0x27a: {  	v54 =	vld.idx.msk [tilespmem:v45+s10+$0x0], $0xffff;
	v57 =	vor.u32 $0x280, v24;
	v35 =	vor.u32 v13, v35;
	v38 =	vor.u32 v39, v59  }
0x27b: {  	v58 =	vshll.u32 v37, $0x3;
	v60 =	vor.u32 v7, v35;
	v61 =	vor.u32 v13, v38  }
0x27c: {  	v36 =	vcvt.s32.f32 v36;
	v50 =	vor.u32 $0x380, v24;
	v35 =	vor.u32 v7, v61  }
0x27d: {  	v23 =	vld.idx.msk [tilespmem:v43+s10+$0x0], $0xffff;
	v33 =	vor.u32 v33, v51;
	v52 =	vadd.f32 v48, v48;
	v59 =	vand.u32 $0x7F, v37  }
0x27e: {  	v32 =	vand.u32 $0x1C00, v58;
	v46 =	vadd.f32 v63, v26;
	v26 =	vmul.f32 v44, v26  }
0x27f: {  	v53 =	vor.u32 v13, v33;
	v55 =	vadd.f32 v27, v27;
	v63 =	vand.u32 $0x7F, v54  }
0x280: {  	v45 =	vadd.f32 v36, v36;
	v33 =	vshra.s32 v54, $0xA;
	v56 =	vor.u32 v7, v53;
	v31 =	vld.idx.msk [tilespmem:v60+s3+$0x0], $0xffff  }
0x281: {  	v61 =	vshll.u32 v54, $0x3;
	v54 =	vadd.s32 $0x2000, v24;
	v24 =	vadd.s32 $0x2080, v24;
	v49 =	vld.idx.msk [tilespmem:v35+s3+$0x0], $0xffff  }
0x282: {  	v26 =	vsub.f32 v46, v26;
	v39 =	vand.u32 $0x7F, v23;
	v41 =	vshll.u32 v23, $0x3;
	v35 =	vld.idx.msk [tilespmem:v57+s10+$0x0], $0xffff  }
0x283: {  	v46 =	vshra.s32 v37, $0xA;
	v23 =	vshra.s32 v23, $0xA;
	v38 =	vand.u32 $0x1C00, v41  }
0x284: {  	v34 =	vor.u32 v38, v39;
	v25 =	vmul.f32 v26, v25;
	v39 =	vcvt.s32.f32 v18  }
0x285: {  	v60 =	vor.u32 v32, v59;
	v28 =	vadd.f32 v48, v31;
	v31 =	vmul.f32 v52, v31  }
0x286: {  	v38 =	vld.idx.msk [tilespmem:v42+s10+$0x0], $0xffff;
	v34 =	vor.u32 v6, v34;
	v27 =	vadd.f32 v27, v49;
	v30 =	vmul.f32 v55, v49  }
0x287: {  	v47 =	vshll.u32 v35, $0x3;
	v48 =	vand.u32 $0x7F, v35;
	v28 =	vsub.f32 v28, v31  }
0x288: {  	v62 =	vld.idx.msk [tilespmem:v56+s3+$0x0], $0xffff;
	v31 =	vand.u32 $0x1C00, v61;
	v27 =	vsub.f32 v27, v30;
	v30 =	vor.u32 v13, v60  }
0x289: {  	v57 =	vld.idx.msk [tilespmem:v50+s10+$0x0], $0xffff;
	v37 =	vand.u32 $0x1C00, v47;
	v31 =	vor.u32 v31, v63;
	v30 =	vor.u32 v7, v30  }
0x28a: {  	v34 =	vor.u32 v5, v34;
	v49 =	vor.u32 v37, v48;
	v31 =	vor.u32 v13, v31  }
0x28b: {  	v58 =	vshll.u32 v38, $0x3;
	v32 =	vor.u32 v13, v49;
	v31 =	vor.u32 v7, v31  }
0x28c: {  	v41 =	vshra.s32 v38, $0xA;
	v52 =	vcvt.s32.f32 v33;
	v61 =	vld.idx.msk [tilespmem:v54+s10+$0x0], $0xffff;
	v32 =	vor.u32 v7, v32  }
0x28d: {  	v24 =	vld.idx.msk [tilespmem:v24+s10+$0x0], $0xffff;
	v44 =	vadd.f32 v36, v62;
	v36 =	vcvt.s32.f32 v46;
	v59 =	vshra.s32 v35, $0xA  }
0x28e: {  	v40 =	vand.u32 $0x7F, v57;
	v43 =	vmul.f32 v27, v28;
	v28 =	vmul.f32 v45, v62;
	v30 =	vld.idx.msk [tilespmem:v30+s3+$0x0], $0xffff  }
0x28f: {  	v55 =	vadd.f32 v52, v52;
	v33 =	vcvt.s32.f32 v59;
	v51 =	vadd.f32 v36, v36  }
0x290: {  	v60 =	vand.u32 $0x7F, v38;
	v37 =	vshll.u32 v57, $0x3;
	v27 =	vsub.f32 v44, v28;
	v31 =	vld.idx.msk [tilespmem:v31+s3+$0x0], $0xffff  }
0x291: {  	v45 =	vor.u32 $0x380, v15;
	v42 =	vshll.u32 v61, $0x3;
	v48 =	vshra.s32 v61, $0xA;
	v32 =	vld.idx.msk [tilespmem:v32+s3+$0x0], $0xffff  }
0x292: {  	[tilespmem:v16+s14+$0x0] =	vst.idx.msk $0xffff, v25;
	v44 =	vand.u32 $0x7F, v24;
	v25 =	vcvt.s32.f32 v48;
	v26 =	vmul.f32 v27, v43  }
0x293: {  	v43 =	vshll.u32 v24, $0x3;
	v24 =	vshra.s32 v24, $0xA;
	v53 =	vadd.f32 v36, v30  }
0x294: {  	v30 =	vmul.f32 v51, v30;
	v36 =	vadd.f32 v33, v33;
	v51 =	vadd.s32 $0x2000, v15  }
0x295: {  	v28 =	vadd.f32 v52, v31;
	v27 =	vmul.f32 v55, v31;
	v31 =	vand.u32 $0x1C00, v58  }
0x296: {  	v33 =	vadd.f32 v33, v32;
	v56 =	vsub.f32 v53, v30;
	v31 =	vor.u32 v31, v60  }
0x297: {  	v62 =	vsub.f32 v28, v27;
	v63 =	vor.u32 v13, v31;
	v31 =	vand.u32 $0x1C00, v37  }
0x298: {  	v35 =	vld.idx.msk [tilespmem:v45+s10+$0x0], $0xffff;
	v28 =	vmul.f32 v36, v32;
	v36 =	vand.u32 $0x7F, v61;
	v32 =	vand.u32 $0x1C00, v42  }
0x299: {  	v18 =	vmul.f32 v56, v26;
	v27 =	vor.u32 v7, v63;
	v26 =	vor.u32 v31, v40  }
0x29a: {  	v24 =	vcvt.s32.f32 v24;
	v32 =	vor.u32 v32, v36;
	v26 =	vor.u32 v13, v26  }
0x29b: {  	v36 =	vand.u32 $0x1C00, v43;
	v32 =	vor.u32 v13, v32;
	v26 =	vor.u32 v7, v26  }
0x29c: {  	v15 =	vadd.s32 $0x2080, v15;
	v36 =	vor.u32 v36, v44;
	v61 =	vld.idx.msk [tilespmem:v51+s10+$0x0], $0xffff;
	v32 =	vor.u32 v7, v32  }
0x29d: {  	v55 =	vadd.f32 v24, v24;
	v59 =	vand.u32 $0x7F, v35;
	v36 =	vor.u32 v13, v36  }
0x29e: {  	v30 =	vshra.s32 v57, $0xA;
	v53 =	vadd.f32 v25, v25;
	v36 =	vor.u32 v7, v36;
	v27 =	vld.idx.msk [tilespmem:v27+s3+$0x0], $0xffff  }
0x29f: {  	v29 =	vld.idx.msk [tilespmem:v29+s3+$0x0], $0xffff;
	v60 =	vshll.u32 v35, $0x3;
	v30 =	vcvt.s32.f32 v30;
	v31 =	vcvt.s32.f32 v41  }
0x2a0: {  	v37 =	vand.u32 $0x1C00, v60;
	v56 =	vadd.f32 v22, v22;
	v28 =	vsub.f32 v33, v28;
	v26 =	vld.idx.msk [tilespmem:v26+s3+$0x0], $0xffff  }
0x2a1: {  	v47 =	vadd.f32 v30, v30;
	v46 =	vadd.f32 v31, v31;
	v43 =	vshll.u32 v61, $0x3;
	v32 =	vld.idx.msk [tilespmem:v32+s3+$0x0], $0xffff  }
0x2a2: {  	v52 =	vld.idx.msk [tilespmem:v12+s11+$0x0], $0xffff;
	v18 =	vmul.f32 v62, v18;
	v44 =	vand.u32 $0x7F, v61;
	v45 =	vand.u32 $0x1C00, v43  }
0x2a3: {  	v50 =	vld.idx.msk [tilespmem:v36+s3+$0x0], $0xffff;
	v20 =	vor.u32 v45, v44;
	v31 =	vadd.f32 v31, v27;
	v27 =	vmul.f32 v46, v27  }
0x2a4: {  	v22 =	vadd.f32 v22, v29;
	v18 =	vmul.f32 v28, v18;
	v20 =	vor.u32 v6, v20  }
0x2a5: {  	v27 =	vsub.f32 v31, v27;
	v49 =	vadd.f32 v30, v26;
	v16 =	vmul.f32 v47, v26  }
0x2a6: {  	v33 =	vadd.f32 v39, v39;
	v20 =	vor.u32 v5, v20;
	v25 =	vadd.f32 v25, v32  }
0x2a7: {  	v54 =	vmul.f32 v53, v32;
	v18 =	vmul.f32 v27, v18;
	v16 =	vsub.f32 v49, v16  }
0x2a8: {  	v51 =	vshra.s32 v35, $0xA;
	v62 =	vshll.u32 v52, $0x3;
	v24 =	vadd.f32 v24, v50  }
0x2a9: {  	v58 =	vmul.f32 v55, v50;
	v57 =	vsub.f32 v25, v54;
	v16 =	vmul.f32 v16, v18  }
0x2aa: {  	v17 =	vld.idx.msk [tilespmem:v17+s3+$0x0], $0xffff;
	v38 =	vand.u32 $0x7F, v52;
	v41 =	vmul.f32 v56, v29;
	v26 =	vor.u32 v37, v59  }
0x2ab: {  	v42 =	vld.idx.msk [tilespmem:v34+s3+$0x0], $0xffff;
	v24 =	vsub.f32 v24, v58;
	v18 =	vor.u32 v2, v14;
	v63 =	vmul.f32 v57, v16  }
0x2ac: {  	v40 =	vand.u32 $0xFFFFFC00, v62;
	v22 =	vsub.f32 v22, v41;
	v26 =	vor.u32 v6, v26;
	v56 =	vld.idx.msk [tilespmem:v20+s3+$0x0], $0xffff  }
0x2ad: {  	v60 =	vshra.s32 v61, $0xA;
	v26 =	vor.u32 v5, v26;
	v20 =	vld.idx.msk [tilespmem:v15+s10+$0x0], $0xffff;
	v24 =	vmul.f32 v24, v63  }
0x2ae: {  	v46 =	vcvt.s32.f32 v23;
	v30 =	vcvt.s32.f32 v51;
	v16 =	vor.u32 v38, v40  }
0x2af: {  	v61 =	vcvt.s32.f32 v60;
	v49 =	vadd.f32 v39, v17;
	v17 =	vmul.f32 v33, v17;
	[tilespmem:v21+s14+$0x0] =	vst.idx.msk $0xffff, v24  }
0x2b0: {  	v19 =	vmul.f32 v22, v19;
	v50 =	vadd.f32 v46, v42;
	v55 =	vadd.f32 v30, v30;
	v24 =	vld.idx.msk [tilespmem:v18+s11+$0x0], $0xffff  }
0x2b1: {  	v15 =	vsub.f32 v49, v17;
	v17 =	vadd.f32 v61, v61;
	v48 =	vor.u32 $0x80, v16  }
0x2b2: {  	v26 =	vld.idx.msk [tilespmem:v26+s3+$0x0], $0xffff;
	v37 =	vadd.f32 v61, v56;
	v39 =	vshll.u32 v20, $0x3;
	v41 =	vand.u32 $0x7F, v20  }
0x2b3: {  	v17 =	vmul.f32 v17, v56;
	v61 =	vor.u32 $0x180, v16;
	v20 =	vshra.s32 v20, $0xA;
	v47 =	vld.idx.msk [tilespmem:v16+s10+$0x0], $0xffff  }
0x2b4: {  	v29 =	vand.u32 $0x1C00, v39;
	v20 =	vcvt.s32.f32 v20;
	v21 =	vadd.f32 v46, v46  }
0x2b5: {  	v29 =	vor.u32 v29, v41;
	v17 =	vsub.f32 v37, v17;
	v52 =	vshll.u32 v24, $0x3  }
0x2b6: {  	v21 =	vmul.f32 v21, v42;
	v54 =	vld.idx.msk [tilespmem:v48+s10+$0x0], $0xffff;
	v24 =	vand.u32 $0x7F, v24;
	v31 =	vand.u32 $0xFFFFFC00, v52  }
0x2b7: {  	v29 =	vor.u32 v6, v29;
	v58 =	vadd.f32 v30, v26;
	v23 =	vor.u32 v24, v31  }
0x2b8: {  	v21 =	vsub.f32 v50, v21;
	v53 =	vshll.u32 v47, $0x3;
	v40 =	vor.u32 $0x80, v23  }
0x2b9: {  	v57 =	vand.u32 $0x7F, v47;
	v27 =	vand.u32 $0x1C00, v53;
	v43 =	vor.u32 $0x100, v23  }
0x2ba: {  	v19 =	vmul.f32 v21, v19;
	v59 =	vor.u32 v27, v57;
	v51 =	vor.u32 $0x180, v23  }
0x2bb: {  	v25 =	vshra.s32 v47, $0xA;
	v35 =	vshll.u32 v54, $0x3;
	v27 =	vor.u32 v10, v59  }
0x2bc: {  	v38 =	vand.u32 $0x7F, v54;
	v22 =	vand.u32 $0x1C00, v35;
	v62 =	vor.u32 v8, v27;
	v36 =	vld.idx.msk [tilespmem:v23+s10+$0x0], $0xffff  }
0x2bd: {  	v32 =	vshra.s32 v54, $0xA;
	v24 =	vmul.f32 v55, v26;
	v22 =	vor.u32 v22, v38;
	v28 =	vld.idx.msk [tilespmem:v40+s10+$0x0], $0xffff  }
0x2be: {  	v25 =	vcvt.s32.f32 v25;
	v49 =	vcvt.s32.f32 v32;
	v22 =	vor.u32 v10, v22;
	v50 =	vld.idx.msk [tilespmem:v43+s10+$0x0], $0xffff  }
0x2bf: {  	v47 =	vor.u32 $0x100, v16;
	v63 =	vsub.f32 v58, v24;
	v22 =	vor.u32 v8, v22;
	v58 =	vld.idx.msk [tilespmem:v51+s10+$0x0], $0xffff  }
0x2c0: {  	v46 =	vadd.f32 v25, v25;
	v55 =	vor.u32 $0x200, v23;
	v52 =	vadd.f32 v49, v49  }
0x2c1: {  	v40 =	vor.u32 $0x280, v23;
	v26 =	vld.idx.msk [tilespmem:v62+s3+$0x0], $0xffff;
	v42 =	vshll.u32 v36, $0x3;
	v44 =	vand.u32 $0x7F, v36  }
0x2c2: {  	v24 =	vshra.s32 v36, $0xA;
	v30 =	vand.u32 $0x1C00, v42;
	v53 =	vshll.u32 v28, $0x3  }
0x2c3: {  	v33 =	vld.idx.msk [tilespmem:v61+s10+$0x0], $0xffff;
	v54 =	vand.u32 $0x7F, v28;
	v57 =	vshll.u32 v50, $0x3;
	v59 =	vand.u32 $0x7F, v50  }
0x2c4: {  	v22 =	vld.idx.msk [tilespmem:v22+s3+$0x0], $0xffff;
	v24 =	vcvt.s32.f32 v24;
	v28 =	vshra.s32 v28, $0xA;
	v62 =	vshll.u32 v58, $0x3  }
0x2c5: {  	v32 =	vshra.s32 v50, $0xA;
	v31 =	vshra.s32 v58, $0xA;
	v45 =	vor.u32 v30, v44  }
0x2c6: {  	v25 =	vadd.f32 v25, v26;
	v26 =	vmul.f32 v46, v26;
	v27 =	vand.u32 $0x1C00, v57  }
0x2c7: {  	v28 =	vcvt.s32.f32 v28;
	v35 =	vand.u32 $0x1C00, v62;
	v32 =	vcvt.s32.f32 v32  }
0x2c8: {  	v51 =	vcvt.s32.f32 v31;
	v57 =	vand.u32 $0x7F, v33;
	v6 =	vor.u32 v13, v45  }
0x2c9: {  	v30 =	vadd.f32 v49, v22;
	v22 =	vmul.f32 v52, v22;
	v27 =	vor.u32 v27, v59  }
0x2ca: {  	v49 =	vor.u32 $0x300, v23;
	v48 =	vor.u32 v7, v6;
	v6 =	vmul.f32 v63, v19  }
0x2cb: {  	v19 =	vor.u32 v5, v29;
	v21 =	vsub.f32 v25, v26;
	v26 =	vand.u32 $0x1C00, v53  }
0x2cc: {  	v46 =	vld.idx.msk [tilespmem:v40+s10+$0x0], $0xffff;
	v27 =	vor.u32 v13, v27;
	v63 =	vand.u32 $0x7F, v58;
	v41 =	vadd.f32 v28, v28  }
0x2cd: {  	v5 =	vld.idx.msk [tilespmem:v47+s10+$0x0], $0xffff;
	v53 =	vor.u32 $0x380, v23;
	v58 =	vshll.u32 v33, $0x3;
	v33 =	vshra.s32 v33, $0xA  }
0x2ce: {  	v29 =	vld.idx.msk [tilespmem:v55+s10+$0x0], $0xffff;
	v26 =	vor.u32 v26, v54;
	v22 =	vsub.f32 v30, v22;
	v27 =	vor.u32 v7, v27  }
0x2cf: {  	v35 =	vor.u32 v35, v63;
	v54 =	vadd.f32 v51, v51;
	v26 =	vor.u32 v13, v26  }
0x2d0: {  	v35 =	vor.u32 v13, v35;
	v6 =	vmul.f32 v17, v6;
	v26 =	vor.u32 v7, v26  }
0x2d1: {  	v35 =	vor.u32 v7, v35;
	v52 =	vshll.u32 v46, $0x3;
	v55 =	vand.u32 $0x7F, v46  }
0x2d2: {  	v40 =	vshra.s32 v46, $0xA;
	v21 =	vmul.f32 v22, v21;
	v31 =	vand.u32 $0x1C00, v52  }
0x2d3: {  	v56 =	vld.idx.msk [tilespmem:v48+s3+$0x0], $0xffff;
	v60 =	vand.u32 $0x7F, v5;
	v42 =	vshll.u32 v29, $0x3;
	v43 =	vand.u32 $0x7F, v29  }
0x2d4: {  	v44 =	vshll.u32 v5, $0x3;
	v48 =	vadd.f32 v32, v32;
	v29 =	vshra.s32 v29, $0xA;
	v27 =	vld.idx.msk [tilespmem:v27+s3+$0x0], $0xffff  }
0x2d5: {  	v31 =	vor.u32 v31, v55;
	v5 =	vshra.s32 v5, $0xA;
	v36 =	vand.u32 $0x1C00, v42  }
0x2d6: {  	v47 =	vand.u32 $0x1C00, v44;
	v29 =	vcvt.s32.f32 v29;
	v31 =	vor.u32 v13, v31;
	v26 =	vld.idx.msk [tilespmem:v26+s3+$0x0], $0xffff  }
0x2d7: {  	v5 =	vcvt.s32.f32 v5;
	v36 =	vor.u32 v36, v43;
	v30 =	vor.u32 v47, v60  }
0x2d8: {  	v31 =	vor.u32 v7, v31;
	v34 =	vadd.f32 v24, v56;
	v24 =	vadd.f32 v24, v24  }
0x2d9: {  	v45 =	vor.u32 v13, v36;
	v50 =	vld.idx.msk [tilespmem:v35+s3+$0x0], $0xffff;
	v32 =	vadd.f32 v32, v27;
	v27 =	vmul.f32 v48, v27  }
0x2da: {  	v59 =	vadd.f32 v29, v29;
	v35 =	vand.u32 $0x1C00, v58;
	v24 =	vmul.f32 v24, v56  }
0x2db: {  	v28 =	vadd.f32 v28, v26;
	v25 =	vmul.f32 v41, v26;
	v27 =	vsub.f32 v32, v27;
	v32 =	vld.idx.msk [tilespmem:v53+s10+$0x0], $0xffff  }
0x2dc: {  	v58 =	vor.u32 $0x280, v16;
	v35 =	vor.u32 v35, v57;
	v56 =	vadd.s32 $0x2000, v23  }
0x2dd: {  	v26 =	vor.u32 v7, v45;
	v24 =	vsub.f32 v34, v24;
	v25 =	vsub.f32 v28, v25;
	v28 =	vld.idx.msk [tilespmem:v49+s10+$0x0], $0xffff  }
0x2de: {  	v23 =	vadd.s32 $0x2080, v23;
	v34 =	vmul.f32 v54, v50;
	v54 =	vor.u32 $0x200, v16  }
0x2df: {  	v24 =	vmul.f32 v25, v24;
	v25 =	vadd.f32 v51, v50;
	v51 =	vor.u32 v10, v30  }
0x2e0: {  	v41 =	vld.idx.msk [tilespmem:v31+s3+$0x0], $0xffff;
	v42 =	vshll.u32 v32, $0x3;
	v43 =	vand.u32 $0x7F, v32;
	v32 =	vshra.s32 v32, $0xA  }
0x2e1: {  	v61 =	vld.idx.msk [tilespmem:v56+s10+$0x0], $0xffff;
	v24 =	vmul.f32 v27, v24;
	v25 =	vsub.f32 v25, v34;
	v31 =	vand.u32 $0x1C00, v42  }
0x2e2: {  	v26 =	vld.idx.msk [tilespmem:v26+s3+$0x0], $0xffff;
	v32 =	vcvt.s32.f32 v32;
	v60 =	vshll.u32 v28, $0x3;
	v62 =	vand.u32 $0x7F, v28  }
0x2e3: {  	v23 =	vld.idx.msk [tilespmem:v23+s10+$0x0], $0xffff;
	v31 =	vor.u32 v31, v43;
	v28 =	vshra.s32 v28, $0xA;
	v43 =	vcvt.s32.f32 v33  }
0x2e4: {  	v27 =	vand.u32 $0x1C00, v60;
	v24 =	vmul.f32 v25, v24;
	v31 =	vor.u32 v13, v31  }
0x2e5: {  	v28 =	vcvt.s32.f32 v28;
	v55 =	vadd.f32 v32, v32;
	v39 =	vor.u32 v27, v62  }
0x2e6: {  	v27 =	vcvt.s32.f32 v40;
	v44 =	vshll.u32 v61, $0x3;
	v45 =	vand.u32 $0x7F, v61  }
0x2e7: {  	v46 =	vor.u32 v7, v31;
	v29 =	vadd.f32 v29, v26;
	v26 =	vmul.f32 v59, v26  }
0x2e8: {  	v49 =	vshll.u32 v23, $0x3;
	v50 =	vand.u32 $0x7F, v23;
	v34 =	vshra.s32 v61, $0xA  }
0x2e9: {  	v36 =	vand.u32 $0x1C00, v44;
	v63 =	vsub.f32 v29, v26;
	v26 =	vor.u32 v13, v39  }
0x2ea: {  	v37 =	vand.u32 $0x1C00, v49;
	v47 =	vor.u32 v36, v45;
	v26 =	vor.u32 v7, v26  }
0x2eb: {  	v52 =	vor.u32 v37, v50;
	v31 =	vor.u32 v13, v47;
	v29 =	vor.u32 v8, v51  }
0x2ec: {  	v23 =	vshra.s32 v23, $0xA;
	v61 =	vld.idx.msk [tilespmem:v54+s10+$0x0], $0xffff;
	v30 =	vor.u32 v13, v52;
	v31 =	vor.u32 v7, v31  }
0x2ed: {  	v62 =	vor.u32 v10, v35;
	v53 =	vadd.f32 v28, v28;
	v36 =	vld.idx.msk [tilespmem:v58+s10+$0x0], $0xffff;
	v30 =	vor.u32 v7, v30  }
0x2ee: {  	v56 =	vcvt.s32.f32 v34;
	v48 =	vadd.f32 v27, v41;
	v27 =	vadd.f32 v27, v27;
	v25 =	vld.idx.msk [tilespmem:v46+s3+$0x0], $0xffff  }
0x2ef: {  	v23 =	vcvt.s32.f32 v23;
	v49 =	vadd.f32 v43, v43;
	v37 =	vor.u32 $0x300, v16;
	v26 =	vld.idx.msk [tilespmem:v26+s3+$0x0], $0xffff  }
0x2f0: {  	v59 =	vadd.f32 v56, v56;
	v39 =	vadd.f32 v5, v5;
	v27 =	vmul.f32 v27, v41;
	v60 =	vld.idx.msk [tilespmem:v29+s3+$0x0], $0xffff  }
0x2f1: {  	v24 =	vmul.f32 v63, v24;
	v63 =	vadd.f32 v23, v23;
	v40 =	vand.u32 $0x7F, v61;
	v31 =	vld.idx.msk [tilespmem:v31+s3+$0x0], $0xffff  }
0x2f2: {  	v51 =	vshra.s32 v61, $0xA;
	v27 =	vsub.f32 v48, v27;
	v48 =	vor.u32 $0x380, v16;
	v30 =	vld.idx.msk [tilespmem:v30+s3+$0x0], $0xffff  }
0x2f3: {  	v44 =	vshll.u32 v36, $0x3;
	v57 =	vadd.f32 v32, v25;
	v25 =	vmul.f32 v55, v25  }
0x2f4: {  	v46 =	vand.u32 $0x7F, v36;
	v28 =	vadd.f32 v28, v26;
	v26 =	vmul.f32 v53, v26  }
0x2f5: {  	v58 =	vshra.s32 v36, $0xA;
	v24 =	vmul.f32 v27, v24;
	v25 =	vsub.f32 v57, v25  }
0x2f6: {  	v32 =	vld.idx.msk [tilespmem:v37+s10+$0x0], $0xffff;
	v38 =	vadd.f32 v5, v60;
	v5 =	vshll.u32 v61, $0x3;
	v26 =	vsub.f32 v28, v26  }
0x2f7: {  	v42 =	vmul.f32 v39, v60;
	v27 =	vadd.f32 v56, v31;
	v23 =	vadd.f32 v23, v30  }
0x2f8: {  	v19 =	vld.idx.msk [tilespmem:v19+s3+$0x0], $0xffff;
	v24 =	vmul.f32 v26, v24;
	v26 =	vmul.f32 v59, v31;
	v31 =	vor.u32 v8, v62  }
0x2f9: {  	v41 =	vand.u32 $0x1C00, v5;
	v5 =	vor.u32 v3, v14;
	v14 =	vsub.f32 v38, v42  }
0x2fa: {  	v24 =	vmul.f32 v25, v24;
	v26 =	vsub.f32 v27, v26;
	v25 =	vmul.f32 v63, v30  }
0x2fb: {  	v52 =	vshll.u32 v32, $0x3;
	v54 =	vand.u32 $0x7F, v32;
	v38 =	vadd.f32 v20, v20  }
0x2fc: {  	v57 =	vld.idx.msk [tilespmem:v48+s10+$0x0], $0xffff;
	v24 =	vmul.f32 v26, v24;
	v23 =	vsub.f32 v23, v25;
	v25 =	vor.u32 v41, v40  }
0x2fd: {  	v42 =	vadd.f32 v20, v19;
	v26 =	vand.u32 $0x1C00, v44;
	v31 =	vld.idx.msk [tilespmem:v31+s3+$0x0], $0xffff;
	v25 =	vor.u32 v10, v25  }
0x2fe: {  	v47 =	vor.u32 v26, v46;
	v23 =	vmul.f32 v23, v24;
	v45 =	vor.u32 v8, v25  }
0x2ff: {  	v29 =	vand.u32 $0x1C00, v52;
	v14 =	vmul.f32 v14, v21;
	v22 =	vor.u32 v10, v47  }
0x300: {  	v28 =	vcvt.s32.f32 v51;
	v56 =	vor.u32 v29, v54;
	v22 =	vor.u32 v8, v22;
	[tilespmem:v18+s14+$0x0] =	vst.idx.msk $0xffff, v23  }
0x301: {  	v34 =	vshll.u32 v57, $0x3;
	v36 =	vand.u32 $0x7F, v57;
	v19 =	vmul.f32 v38, v19;
	v23 =	vld.idx.msk [tilespmem:v5+s11+$0x0], $0xffff  }
0x302: {  	v55 =	vadd.f32 v28, v28;
	v50 =	vadd.f32 v43, v31;
	v18 =	vmul.f32 v49, v31  }
0x303: {  	v27 =	vand.u32 $0x1C00, v34;
	v41 =	vshra.s32 v32, $0xA;
	v53 =	vld.idx.msk [tilespmem:v45+s3+$0x0], $0xffff;
	v45 =	vadd.s32 $0x2000, v16  }
0x304: {  	v16 =	vadd.s32 $0x2080, v16;
	v26 =	vsub.f32 v50, v18;
	v18 =	vor.u32 v10, v56  }
0x305: {  	v25 =	vcvt.s32.f32 v58;
	v24 =	vshra.s32 v57, $0xA;
	v22 =	vld.idx.msk [tilespmem:v22+s3+$0x0], $0xffff;
	v60 =	vor.u32 v8, v18  }
0x306: {  	v24 =	vcvt.s32.f32 v24;
	v43 =	vcvt.s32.f32 v41;
	v59 =	vshll.u32 v23, $0x3  }
0x307: {  	v33 =	vadd.f32 v25, v25;
	v61 =	vand.u32 $0x7F, v23;
	v62 =	vand.u32 $0xFFFFFC00, v59  }
0x308: {  	v46 =	vadd.f32 v43, v43;
	v14 =	vmul.f32 v26, v14;
	v18 =	vor.u32 v61, v62;
	v31 =	vld.idx.msk [tilespmem:v45+s10+$0x0], $0xffff  }
0x309: {  	v63 =	vadd.f32 v28, v53;
	v21 =	vmul.f32 v55, v53;
	v17 =	vld.idx.msk [tilespmem:v16+s10+$0x0], $0xffff;
	v35 =	vor.u32 $0x80, v18  }
0x30a: {  	v23 =	vor.u32 v27, v36;
	v25 =	vadd.f32 v25, v22;
	v47 =	vor.u32 $0x100, v18;
	v37 =	vld.idx.msk [tilespmem:v60+s3+$0x0], $0xffff  }
0x30b: {  	v22 =	vmul.f32 v33, v22;
	v53 =	vor.u32 $0x180, v18;
	v21 =	vsub.f32 v63, v21  }
0x30c: {  	v50 =	vadd.f32 v24, v24;
	v39 =	vor.u32 v10, v23;
	v57 =	vor.u32 $0x200, v18  }
0x30d: {  	v22 =	vsub.f32 v25, v22;
	v14 =	vmul.f32 v21, v14;
	v21 =	vor.u32 v8, v39;
	v40 =	vld.idx.msk [tilespmem:v18+s10+$0x0], $0xffff  }
0x30e: {  	v58 =	vand.u32 $0x7F, v31;
	v59 =	vshll.u32 v31, $0x3;
	v45 =	vand.u32 $0x7F, v17;
	v44 =	vld.idx.msk [tilespmem:v35+s10+$0x0], $0xffff  }
0x30f: {  	v34 =	vshra.s32 v31, $0xA;
	v28 =	vld.idx.msk [tilespmem:v47+s10+$0x0], $0xffff;
	v20 =	vadd.f32 v43, v37;
	v26 =	vmul.f32 v46, v37  }
0x310: {  	v22 =	vmul.f32 v22, v14;
	v60 =	vld.idx.msk [tilespmem:v53+s10+$0x0], $0xffff;
	v61 =	vand.u32 $0x1C00, v59;
	v53 =	vor.u32 $0x300, v18  }
0x311: {  	v38 =	vor.u32 v61, v58;
	v61 =	vadd.s32 $0x2000, v18;
	v20 =	vsub.f32 v20, v26  }
0x312: {  	v48 =	vshll.u32 v40, $0x3;
	v49 =	vand.u32 $0x7F, v40;
	v62 =	vshra.s32 v40, $0xA  }
0x313: {  	v29 =	vand.u32 $0x1C00, v48;
	v51 =	vshll.u32 v44, $0x3;
	v52 =	vand.u32 $0x7F, v44  }
0x314: {  	v56 =	vmul.f32 v20, v22;
	v63 =	vshll.u32 v28, $0x3;
	v36 =	vcvt.s32.f32 v62  }
0x315: {  	v37 =	vand.u32 $0x7F, v28;
	v25 =	vshra.s32 v44, $0xA;
	v43 =	vand.u32 $0x7F, v60  }
0x316: {  	v20 =	vld.idx.msk [tilespmem:v57+s10+$0x0], $0xffff;
	v44 =	vor.u32 $0x280, v18;
	v28 =	vshra.s32 v28, $0xA;
	v57 =	vor.u32 $0x380, v18  }
0x317: {  	v21 =	vld.idx.msk [tilespmem:v21+s3+$0x0], $0xffff;
	v18 =	vadd.s32 $0x2080, v18;
	v27 =	vor.u32 v29, v49;
	v29 =	vand.u32 $0x1C00, v51  }
0x318: {  	v23 =	vand.u32 $0x1C00, v63;
	v25 =	vcvt.s32.f32 v25;
	v27 =	vor.u32 v13, v27  }
0x319: {  	v49 =	vshll.u32 v17, $0x3;
	v28 =	vcvt.s32.f32 v28;
	v54 =	vor.u32 v7, v27  }
0x31a: {  	v17 =	vshra.s32 v17, $0xA;
	v14 =	vor.u32 v29, v52;
	v40 =	vor.u32 v23, v37  }
0x31b: {  	v41 =	vadd.f32 v36, v36;
	v17 =	vcvt.s32.f32 v17;
	v14 =	vor.u32 v13, v14  }
0x31c: {  	v24 =	vadd.f32 v24, v21;
	v22 =	vor.u32 v13, v40;
	v55 =	vor.u32 v7, v14  }
0x31d: {  	v21 =	vmul.f32 v50, v21;
	v46 =	vadd.f32 v25, v25;
	v22 =	vor.u32 v7, v22  }
0x31e: {  	v52 =	vadd.f32 v28, v28;
	v14 =	vsub.f32 v42, v19;
	v42 =	vshll.u32 v60, $0x3;
	v26 =	vld.idx.msk [tilespmem:v54+s3+$0x0], $0xffff  }
0x31f: {  	v19 =	vor.u32 v10, v38;
	v21 =	vsub.f32 v24, v21;
	v27 =	vand.u32 $0x1C00, v42  }
0x320: {  	v47 =	vshll.u32 v20, $0x3;
	v48 =	vand.u32 $0x7F, v20;
	v32 =	vld.idx.msk [tilespmem:v44+s10+$0x0], $0xffff;
	v27 =	vor.u32 v27, v43  }
0x321: {  	v24 =	vshra.s32 v60, $0xA;
	v20 =	vshra.s32 v20, $0xA;
	v27 =	vor.u32 v13, v27;
	v39 =	vld.idx.msk [tilespmem:v55+s3+$0x0], $0xffff  }
0x322: {  	v29 =	vand.u32 $0x1C00, v47;
	v24 =	vcvt.s32.f32 v24;
	v27 =	vor.u32 v7, v27;
	v22 =	vld.idx.msk [tilespmem:v22+s3+$0x0], $0xffff  }
0x323: {  	v30 =	vadd.f32 v36, v26;
	v23 =	vmul.f32 v41, v26;
	v26 =	vor.u32 v29, v48  }
0x324: {  	v60 =	vld.idx.msk [tilespmem:v53+s10+$0x0], $0xffff;
	v19 =	vor.u32 v8, v19;
	v20 =	vcvt.s32.f32 v20;
	v26 =	vor.u32 v13, v26  }
0x325: {  	v16 =	vmul.f32 v21, v56;
	v59 =	vadd.f32 v24, v24;
	v50 =	vor.u32 v7, v26  }
0x326: {  	v33 =	vld.idx.msk [tilespmem:v57+s10+$0x0], $0xffff;
	v63 =	vadd.f32 v20, v20;
	v25 =	vadd.f32 v25, v39;
	v21 =	vmul.f32 v46, v39  }
0x327: {  	v55 =	vshll.u32 v32, $0x3;
	v56 =	vand.u32 $0x7F, v32;
	v27 =	vld.idx.msk [tilespmem:v27+s3+$0x0], $0xffff;
	v54 =	vadd.f32 v28, v22  }
0x328: {  	v18 =	vld.idx.msk [tilespmem:v18+s10+$0x0], $0xffff;
	v28 =	vand.u32 $0x1C00, v55;
	v23 =	vsub.f32 v30, v23;
	v21 =	vsub.f32 v25, v21  }
0x329: {  	v35 =	vshll.u32 v60, $0x3;
	v37 =	vand.u32 $0x7F, v60;
	v58 =	vor.u32 v28, v56  }
0x32a: {  	v38 =	vshra.s32 v32, $0xA;
	v21 =	vmul.f32 v21, v23;
	v23 =	vor.u32 v13, v58;
	v25 =	vld.idx.msk [tilespmem:v50+s3+$0x0], $0xffff  }
0x32b: {  	v40 =	vshll.u32 v33, $0x3;
	v47 =	vshra.s32 v60, $0xA;
	v23 =	vor.u32 v7, v23  }
0x32c: {  	v60 =	vadd.f32 v17, v17;
	v24 =	vadd.f32 v24, v27;
	v27 =	vmul.f32 v59, v27  }
0x32d: {  	v29 =	vand.u32 $0x1C00, v49;
	v41 =	vand.u32 $0x7F, v33;
	v49 =	vshll.u32 v18, $0x3  }
0x32e: {  	v51 =	vor.u32 v29, v45;
	v22 =	vmul.f32 v52, v22;
	v62 =	vsub.f32 v24, v27  }
0x32f: {  	v39 =	vld.idx.msk [tilespmem:v61+s10+$0x0], $0xffff;
	v20 =	vadd.f32 v20, v25;
	v24 =	vmul.f32 v63, v25;
	v25 =	vand.u32 $0x1C00, v35  }
0x330: {  	v29 =	vand.u32 $0x1C00, v49;
	v10 =	vor.u32 v10, v51;
	v36 =	vld.idx.msk [tilespmem:v23+s3+$0x0], $0xffff;
	v23 =	vor.u32 v25, v37  }
0x331: {  	v26 =	vand.u32 $0x1C00, v40;
	v28 =	vcvt.s32.f32 v34;
	v23 =	vor.u32 v13, v23  }
0x332: {  	v22 =	vsub.f32 v54, v22;
	v26 =	vor.u32 v26, v41;
	v23 =	vor.u32 v7, v23  }
0x333: {  	v44 =	vor.u32 v13, v26;
	v20 =	vsub.f32 v20, v24;
	v24 =	vcvt.s32.f32 v38  }
0x334: {  	v19 =	vld.idx.msk [tilespmem:v19+s3+$0x0], $0xffff;
	v45 =	vor.u32 v7, v44;
	v46 =	vshll.u32 v39, $0x3;
	v48 =	vand.u32 $0x7F, v39  }
0x335: {  	v42 =	vadd.f32 v24, v24;
	v43 =	vadd.f32 v24, v36;
	v24 =	vand.u32 $0x1C00, v46  }
0x336: {  	v8 =	vor.u32 v8, v10;
	v50 =	vand.u32 $0x7F, v18;
	v24 =	vor.u32 v24, v48  }
0x337: {  	v26 =	vcvt.s32.f32 v47;
	v29 =	vor.u32 v29, v50;
	v24 =	vor.u32 v13, v24;
	v23 =	vld.idx.msk [tilespmem:v23+s3+$0x0], $0xffff  }
0x338: {  	v21 =	vmul.f32 v22, v21;
	v13 =	vor.u32 v13, v29;
	v24 =	vor.u32 v7, v24  }
0x339: {  	v52 =	vadd.f32 v28, v28;
	v54 =	vadd.f32 v28, v19;
	v7 =	vor.u32 v7, v13  }
0x33a: {  	v51 =	vadd.f32 v26, v26;
	v27 =	vshra.s32 v33, $0xA;
	v21 =	vmul.f32 v62, v21;
	v22 =	vld.idx.msk [tilespmem:v45+s3+$0x0], $0xffff  }
0x33b: {  	v57 =	vshra.s32 v39, $0xA;
	v53 =	vcvt.s32.f32 v27;
	v10 =	vmul.f32 v42, v36  }
0x33c: {  	v8 =	vld.idx.msk [tilespmem:v8+s3+$0x0], $0xffff;
	v20 =	vmul.f32 v20, v21;
	v26 =	vadd.f32 v26, v23;
	v21 =	vmul.f32 v51, v23  }
0x33d: {  	v18 =	vshra.s32 v18, $0xA;
	v56 =	vadd.f32 v53, v53;
	v10 =	vsub.f32 v43, v10;
	v24 =	vld.idx.msk [tilespmem:v24+s3+$0x0], $0xffff  }
0x33e: {  	v18 =	vcvt.s32.f32 v18;
	v7 =	vld.idx.msk [tilespmem:v7+s3+$0x0], $0xffff;
	v55 =	vsub.f32 v26, v21;
	v21 =	vcvt.s32.f32 v57  }
0x33f: {  	v10 =	vmul.f32 v10, v20;
	v20 =	vmul.f32 v56, v22;
	v23 =	vadd.f32 v53, v22  }
0x340: {  	v61 =	vadd.f32 v18, v18;
	v58 =	vadd.f32 v21, v21  }
0x341: {  	v17 =	vadd.f32 v17, v8;
	v13 =	vmul.f32 v52, v19;
	v59 =	vsub.f32 v23, v20  }
0x342: {  	v10 =	vmul.f32 v55, v10;
	v21 =	vadd.f32 v21, v24;
	v22 =	vmul.f32 v58, v24  }
0x343: {  	v8 =	vmul.f32 v60, v8;
	v13 =	vsub.f32 v54, v13;
	v18 =	vadd.f32 v18, v7  }
0x344: {  	v7 =	vmul.f32 v61, v7;
	v10 =	vmul.f32 v59, v10;
	v62 =	vsub.f32 v21, v22  }
0x345: {  	p0 =	slt.u32 s18, $0xC;
	v9 =	vmul.f32 v15, v9;
	v8 =	vsub.f32 v17, v8;
	v13 =	vmul.f32 v13, v16  }
.Ltmp0:
0x346: {  	v6 =	vmul.f32 v14, v6;
	v7 =	vsub.f32 v18, v7;
	v10 =	vmul.f32 v62, v10;
	(pc) =	sbr.rel @p0 .LBB2_2-.Ltmp0, $4  }
0x347: {  	[tilespmem:v4+s14+$0x0] =	vst.idx.msk $0xffff, v9;
	v4 =	vmul.f32 v8, v13  }
0x348: {  	[tilespmem:v11+s14+$0x0] =	vst.idx.msk $0xffff, v6;
	v63 =	vmul.f32 v7, v10  }
0x349: {  	[tilespmem:v12+s14+$0x0] =	vst.idx.msk $0xffff, v4  }
0x34a: {  	s18 =	sadd.s32 $0x4, s18;
	[tilespmem:v5+s14+$0x0] =	vst.idx.msk $0xffff, v63  }
0x34b: {  	_ =	swait.ge [sflag:s15], $0x4000  }
0x34c: {  	[sflag:s15] =	ssyncset.done $0x0  }
0x34d: {  	s18 =	simm.s32 $0x10;
	[sflag:s15] =	ssyncadd.s32 $0xFFFFC000  }
.LBB2_4:
0x34e: {  	v6 =	vmov s18  }
0x34f: {  	v4 =	vshll.u32 v6, $0x7  }
0x350: {  	v5 =	vor.u32 v0, v4;
	_ =	sdelay $0x4  }
0x351: {  	v7 =	vld.idx.msk [tilespmem:v5+s11+$0x0], $0xffff;
	_ =	sdelay $0x4  }
0x352: {  	v8 =	vshll.u32 v7, $0x3  }
0x353: {  	v7 =	vand.u32 $0x7F, v7;
	v8 =	vand.u32 $0xFFFFFC00, v8  }
0x354: {  	v8 =	vor.u32 v7, v8  }
0x355: {  	v7 =	vor.u32 $0x80, v8  }
0x356: {  	v11 =	vor.u32 $0x100, v8;
	_ =	sdelay $0x2  }
0x357: {  	v10 =	vld.idx.msk [tilespmem:v8+s10+$0x0], $0xffff  }
0x358: {  	v12 =	vld.idx.msk [tilespmem:v7+s10+$0x0], $0xffff  }
0x359: {  	v6 =	vshll.u32 v6, $0xA;
	v41 =	vor.u32 $0x180, v8;
	v16 =	vor.u32 $0x200, v8;
	v11 =	vld.idx.msk [tilespmem:v11+s10+$0x0], $0xffff  }
0x35a: {  	v46 =	vor.u32 $0x280, v8;
	v50 =	vor.u32 $0x300, v8;
	v55 =	vor.u32 $0x380, v8  }
0x35b: {  	v57 =	vadd.s32 $0x2000, v8;
	v8 =	vadd.s32 $0x2080, v8;
	v7 =	vand.u32 $0x200, v4  }
0x35c: {  	v9 =	vshll.u32 v10, $0x3;
	v39 =	vand.u32 $0x7F, v10;
	v10 =	vshra.s32 v10, $0xA  }
0x35d: {  	v13 =	vand.u32 $0x1C00, v9;
	v9 =	vand.u32 $0x6000, v6;
	v14 =	vshll.u32 v12, $0x3  }
0x35e: {  	v15 =	vand.u32 $0x7F, v12;
	v42 =	vshll.u32 v11, $0x3;
	v40 =	vor.u32 v13, v39;
	v13 =	vld.idx.msk [tilespmem:v41+s10+$0x0], $0xffff  }
0x35f: {  	v16 =	vld.idx.msk [tilespmem:v16+s10+$0x0], $0xffff;
	v17 =	vand.u32 $0x7F, v11;
	v10 =	vcvt.s32.f32 v10;
	v14 =	vand.u32 $0x1C00, v14  }
0x360: {  	v6 =	vor.u32 v9, v40;
	v14 =	vor.u32 v14, v15;
	v15 =	vand.u32 $0x1C00, v42  }
0x361: {  	v54 =	vld.idx.msk [tilespmem:v46+s10+$0x0], $0xffff;
	v6 =	vor.u32 v7, v6;
	v14 =	vor.u32 v9, v14;
	v15 =	vor.u32 v15, v17  }
0x362: {  	v12 =	vshra.s32 v12, $0xA;
	v14 =	vor.u32 v7, v14;
	v15 =	vor.u32 v9, v15  }
0x363: {  	v11 =	vshra.s32 v11, $0xA;
	v15 =	vor.u32 v7, v15;
	v18 =	vshll.u32 v13, $0x3  }
0x364: {  	v45 =	vshll.u32 v16, $0x3;
	v19 =	vand.u32 $0x7F, v13;
	v18 =	vand.u32 $0x1C00, v18  }
0x365: {  	v20 =	vand.u32 $0x7F, v16;
	v16 =	vshra.s32 v16, $0xA;
	v18 =	vor.u32 v18, v19  }
0x366: {  	v59 =	vshll.u32 v54, $0x3;
	v60 =	vand.u32 $0x7F, v54;
	v6 =	vld.idx.msk [tilespmem:v6+s3+$0x0], $0xffff;
	v18 =	vor.u32 v9, v18  }
0x367: {  	v12 =	vcvt.s32.f32 v12;
	v19 =	vand.u32 $0x1C00, v45;
	v14 =	vld.idx.msk [tilespmem:v14+s3+$0x0], $0xffff;
	v18 =	vor.u32 v7, v18  }
0x368: {  	v11 =	vcvt.s32.f32 v11;
	v58 =	vcvt.s32.f32 v16;
	v19 =	vor.u32 v19, v20;
	v15 =	vld.idx.msk [tilespmem:v15+s3+$0x0], $0xffff  }
0x369: {  	v16 =	vand.u32 $0x1C00, v59;
	v43 =	vadd.f32 v10, v10;
	v47 =	vor.u32 v9, v19  }
0x36a: {  	v8 =	vld.idx.msk [tilespmem:v8+s10+$0x0], $0xffff;
	v16 =	vor.u32 v16, v60;
	v44 =	vadd.f32 v12, v12;
	v17 =	vor.u32 v7, v47  }
0x36b: {  	v48 =	vadd.f32 v11, v11;
	v10 =	vadd.f32 v10, v6;
	v6 =	vmul.f32 v43, v6  }
0x36c: {  	v16 =	vor.u32 v9, v16;
	v12 =	vadd.f32 v12, v14;
	v14 =	vmul.f32 v44, v14;
	v52 =	vld.idx.msk [tilespmem:v18+s3+$0x0], $0xffff  }
0x36d: {  	v53 =	vshra.s32 v13, $0xA;
	v6 =	vsub.f32 v10, v6;
	v11 =	vadd.f32 v11, v15;
	v18 =	vld.idx.msk [tilespmem:v57+s10+$0x0], $0xffff  }
0x36e: {  	v51 =	vmul.f32 v48, v15;
	v10 =	vcvt.s32.f32 v53;
	v49 =	vsub.f32 v12, v14;
	v12 =	vld.idx.msk [tilespmem:v50+s10+$0x0], $0xffff  }
0x36f: {  	v16 =	vor.u32 v7, v16;
	v33 =	vshll.u32 v8, $0x3;
	v17 =	vld.idx.msk [tilespmem:v17+s3+$0x0], $0xffff  }
0x370: {  	v14 =	vld.idx.msk [tilespmem:v55+s10+$0x0], $0xffff;
	v11 =	vsub.f32 v11, v51;
	v56 =	vadd.f32 v10, v10;
	v6 =	vmul.f32 v49, v6  }
0x371: {  	v21 =	vand.u32 $0x7F, v8;
	v13 =	vshra.s32 v54, $0xA;
	v15 =	vadd.f32 v58, v58  }
0x372: {  	v6 =	vmul.f32 v11, v6;
	v10 =	vadd.f32 v10, v52;
	v11 =	vmul.f32 v56, v52  }
0x373: {  	v31 =	vshll.u32 v18, $0x3;
	v32 =	vand.u32 $0x7F, v18;
	v62 =	vshll.u32 v12, $0x3  }
0x374: {  	v61 =	vadd.f32 v58, v17;
	v63 =	vand.u32 $0x7F, v12;
	v19 =	vand.u32 $0x1C00, v62  }
0x375: {  	v15 =	vmul.f32 v15, v17;
	v25 =	vshll.u32 v14, $0x3;
	v24 =	vor.u32 v19, v63  }
0x376: {  	v26 =	vand.u32 $0x7F, v14;
	v19 =	vand.u32 $0x1C00, v25;
	v17 =	vor.u32 v9, v24  }
0x377: {  	v28 =	vor.u32 v19, v26;
	v19 =	vand.u32 $0x1C00, v31;
	v17 =	vor.u32 v7, v17  }
0x378: {  	v29 =	vld.idx.msk [tilespmem:v16+s3+$0x0], $0xffff;
	v10 =	vsub.f32 v10, v11;
	v11 =	vor.u32 v9, v28;
	v19 =	vor.u32 v19, v32  }
0x379: {  	v20 =	vand.u32 $0x1C00, v33;
	v11 =	vor.u32 v7, v11;
	v19 =	vor.u32 v9, v19  }
0x37a: {  	v13 =	vcvt.s32.f32 v13;
	v20 =	vor.u32 v20, v21;
	v19 =	vor.u32 v7, v19  }
0x37b: {  	v8 =	vshra.s32 v8, $0xA;
	v34 =	vor.u32 v9, v20  }
0x37c: {  	v30 =	vadd.f32 v13, v13;
	v16 =	vor.u32 v7, v34;
	v12 =	vshra.s32 v12, $0xA;
	v17 =	vld.idx.msk [tilespmem:v17+s3+$0x0], $0xffff  }
0x37d: {  	v13 =	vadd.f32 v13, v29;
	v14 =	vshra.s32 v14, $0xA;
	v12 =	vcvt.s32.f32 v12  }
0x37e: {  	v27 =	vsub.f32 v61, v15;
	v15 =	vmul.f32 v30, v29;
	v6 =	vmul.f32 v10, v6;
	v11 =	vld.idx.msk [tilespmem:v11+s3+$0x0], $0xffff  }
0x37f: {  	v39 =	vshra.s32 v18, $0xA;
	v36 =	vcvt.s32.f32 v14;
	v35 =	vadd.f32 v12, v12;
	v40 =	vld.idx.msk [tilespmem:v19+s3+$0x0], $0xffff  }
0x380: {  	v41 =	vcvt.s32.f32 v39;
	v13 =	vsub.f32 v13, v15;
	v6 =	vmul.f32 v27, v6  }
0x381: {  	v42 =	vld.idx.msk [tilespmem:v16+s3+$0x0], $0xffff;
	v38 =	vadd.f32 v36, v36;
	v12 =	vadd.f32 v12, v17;
	v37 =	vmul.f32 v35, v17  }
0x382: {  	v8 =	vcvt.s32.f32 v8;
	v43 =	vadd.f32 v41, v41;
	v6 =	vmul.f32 v13, v6  }
0x383: {  	v10 =	vadd.f32 v36, v11;
	v11 =	vmul.f32 v38, v11;
	v12 =	vsub.f32 v12, v37  }
0x384: {  	v46 =	vadd.f32 v8, v8;
	v44 =	vadd.f32 v41, v40  }
0x385: {  	v45 =	vmul.f32 v43, v40;
	v10 =	vsub.f32 v10, v11;
	v6 =	vmul.f32 v12, v6  }
0x386: {  	v8 =	vadd.f32 v8, v42  }
0x387: {  	v48 =	vmul.f32 v46, v42;
	v47 =	vsub.f32 v44, v45;
	v6 =	vmul.f32 v10, v6;
	_ =	sdelay $0x1  }
0x388: {  	v8 =	vsub.f32 v8, v48;
	v10 =	vmul.f32 v47, v6;
	v6 =	vor.u32 v1, v4;
	_ =	sdelay $0x1  }
0x389: {  	v8 =	vmul.f32 v8, v10;
	_ =	sdelay $0x1  }
0x38a: {  	[tilespmem:v5+s14+$0x0] =	vst.idx.msk $0xffff, v8  }
0x38b: {  	v5 =	vld.idx.msk [tilespmem:v6+s11+$0x0], $0xffff;
	_ =	sdelay $0x4  }
0x38c: {  	v49 =	vshll.u32 v5, $0x3  }
0x38d: {  	v5 =	vand.u32 $0x7F, v5;
	v8 =	vand.u32 $0xFFFFFC00, v49  }
0x38e: {  	v5 =	vor.u32 v5, v8  }
0x38f: {  	v50 =	vor.u32 $0x80, v5  }
0x390: {  	v51 =	vor.u32 $0x100, v5  }
0x391: {  	v54 =	vor.u32 $0x180, v5  }
0x392: {  	v57 =	vor.u32 $0x200, v5  }
0x393: {  	v8 =	vld.idx.msk [tilespmem:v5+s10+$0x0], $0xffff  }
0x394: {  	v10 =	vld.idx.msk [tilespmem:v50+s10+$0x0], $0xffff  }
0x395: {  	v11 =	vld.idx.msk [tilespmem:v51+s10+$0x0], $0xffff  }
0x396: {  	v26 =	vor.u32 $0x280, v5;
	v13 =	vld.idx.msk [tilespmem:v54+s10+$0x0], $0xffff  }
0x397: {  	v29 =	vor.u32 $0x300, v5;
	v34 =	vor.u32 $0x380, v5;
	v36 =	vadd.s32 $0x2000, v5;
	v16 =	vld.idx.msk [tilespmem:v57+s10+$0x0], $0xffff  }
0x398: {  	v5 =	vadd.s32 $0x2080, v5;
	v52 =	vshll.u32 v8, $0x3;
	v53 =	vand.u32 $0x7F, v8  }
0x399: {  	v8 =	vshra.s32 v8, $0xA;
	v12 =	vand.u32 $0x1C00, v52;
	v55 =	vshll.u32 v10, $0x3  }
0x39a: {  	v56 =	vand.u32 $0x7F, v10;
	v58 =	vshll.u32 v11, $0x3;
	v59 =	vand.u32 $0x7F, v11  }
0x39b: {  	v8 =	vcvt.s32.f32 v8;
	v61 =	vshll.u32 v13, $0x3;
	v62 =	vand.u32 $0x7F, v13  }
0x39c: {  	v24 =	vshll.u32 v16, $0x3;
	v12 =	vor.u32 v12, v53;
	v14 =	vand.u32 $0x1C00, v55  }
0x39d: {  	v25 =	vand.u32 $0x7F, v16;
	v12 =	vor.u32 v9, v12;
	v14 =	vor.u32 v14, v56  }
0x39e: {  	v15 =	vand.u32 $0x1C00, v58;
	v12 =	vor.u32 v7, v12;
	v14 =	vor.u32 v9, v14  }
0x39f: {  	v33 =	vld.idx.msk [tilespmem:v26+s10+$0x0], $0xffff;
	v19 =	vand.u32 $0x1C00, v24;
	v15 =	vor.u32 v15, v59;
	v14 =	vor.u32 v7, v14  }
0x3a0: {  	v18 =	vand.u32 $0x1C00, v61;
	v19 =	vor.u32 v19, v25;
	v15 =	vor.u32 v9, v15  }
0x3a1: {  	v18 =	vor.u32 v18, v62;
	v27 =	vor.u32 v9, v19;
	v15 =	vor.u32 v7, v15  }
0x3a2: {  	v10 =	vshra.s32 v10, $0xA;
	v18 =	vor.u32 v9, v18;
	v17 =	vor.u32 v7, v27  }
0x3a3: {  	v11 =	vshra.s32 v11, $0xA;
	v32 =	vshra.s32 v13, $0xA;
	v18 =	vor.u32 v7, v18;
	v12 =	vld.idx.msk [tilespmem:v12+s3+$0x0], $0xffff  }
0x3a4: {  	v16 =	vshra.s32 v16, $0xA;
	v38 =	vshll.u32 v33, $0x3;
	v39 =	vand.u32 $0x7F, v33;
	v14 =	vld.idx.msk [tilespmem:v14+s3+$0x0], $0xffff  }
0x3a5: {  	v5 =	vld.idx.msk [tilespmem:v5+s10+$0x0], $0xffff;
	v13 =	vshra.s32 v33, $0xA;
	v10 =	vcvt.s32.f32 v10;
	v11 =	vcvt.s32.f32 v11  }
0x3a6: {  	v37 =	vcvt.s32.f32 v16;
	v16 =	vand.u32 $0x1C00, v38;
	v60 =	vadd.f32 v8, v8;
	v15 =	vld.idx.msk [tilespmem:v15+s3+$0x0], $0xffff  }
0x3a7: {  	v13 =	vcvt.s32.f32 v13;
	v16 =	vor.u32 v16, v39;
	v63 =	vadd.f32 v10, v10;
	v17 =	vld.idx.msk [tilespmem:v17+s3+$0x0], $0xffff  }
0x3a8: {  	v28 =	vadd.f32 v11, v11;
	v31 =	vld.idx.msk [tilespmem:v18+s3+$0x0], $0xffff;
	v8 =	vadd.f32 v8, v12;
	v12 =	vmul.f32 v60, v12  }
0x3a9: {  	v16 =	vor.u32 v9, v16;
	v18 =	vld.idx.msk [tilespmem:v36+s10+$0x0], $0xffff;
	v10 =	vadd.f32 v10, v14;
	v14 =	vmul.f32 v63, v14  }
0x3aa: {  	v16 =	vor.u32 v7, v16;
	v52 =	vshll.u32 v5, $0x3;
	v8 =	vsub.f32 v8, v12;
	v12 =	vld.idx.msk [tilespmem:v29+s10+$0x0], $0xffff  }
0x3ab: {  	v11 =	vadd.f32 v11, v15;
	v30 =	vmul.f32 v28, v15;
	v10 =	vsub.f32 v10, v14  }
0x3ac: {  	v53 =	vand.u32 $0x7F, v5;
	v40 =	vadd.f32 v37, v17;
	v15 =	vadd.f32 v37, v37;
	v14 =	vld.idx.msk [tilespmem:v34+s10+$0x0], $0xffff  }
0x3ad: {  	v11 =	vsub.f32 v11, v30;
	v8 =	vmul.f32 v10, v8;
	v10 =	vcvt.s32.f32 v32  }
0x3ae: {  	v50 =	vshll.u32 v18, $0x3;
	v51 =	vand.u32 $0x7F, v18;
	v15 =	vmul.f32 v15, v17  }
0x3af: {  	v8 =	vmul.f32 v11, v8;
	v35 =	vadd.f32 v10, v10;
	v41 =	vshll.u32 v12, $0x3  }
0x3b0: {  	v10 =	vadd.f32 v10, v31;
	v42 =	vand.u32 $0x7F, v12;
	v19 =	vand.u32 $0x1C00, v41  }
0x3b1: {  	v44 =	vshll.u32 v14, $0x3;
	v45 =	vand.u32 $0x7F, v14;
	v43 =	vor.u32 v19, v42  }
0x3b2: {  	v11 =	vmul.f32 v35, v31;
	v19 =	vand.u32 $0x1C00, v44;
	v17 =	vor.u32 v9, v43  }
0x3b3: {  	v47 =	vor.u32 v19, v45;
	v19 =	vand.u32 $0x1C00, v50;
	v17 =	vor.u32 v7, v17  }
0x3b4: {  	v48 =	vld.idx.msk [tilespmem:v16+s3+$0x0], $0xffff;
	v10 =	vsub.f32 v10, v11;
	v11 =	vor.u32 v9, v47;
	v19 =	vor.u32 v19, v51  }
0x3b5: {  	v20 =	vand.u32 $0x1C00, v52;
	v11 =	vor.u32 v7, v11;
	v19 =	vor.u32 v9, v19  }
0x3b6: {  	v20 =	vor.u32 v20, v53;
	v19 =	vor.u32 v7, v19  }
0x3b7: {  	v49 =	vadd.f32 v13, v13;
	v54 =	vor.u32 v9, v20  }
0x3b8: {  	v5 =	vshra.s32 v5, $0xA;
	v16 =	vor.u32 v7, v54;
	v12 =	vshra.s32 v12, $0xA;
	v17 =	vld.idx.msk [tilespmem:v17+s3+$0x0], $0xffff  }
0x3b9: {  	v13 =	vadd.f32 v13, v48;
	v46 =	vsub.f32 v40, v15;
	v12 =	vcvt.s32.f32 v12  }
0x3ba: {  	v15 =	vmul.f32 v49, v48;
	v14 =	vshra.s32 v14, $0xA;
	v8 =	vmul.f32 v10, v8;
	v11 =	vld.idx.msk [tilespmem:v11+s3+$0x0], $0xffff  }
0x3bb: {  	v59 =	vshra.s32 v18, $0xA;
	v56 =	vcvt.s32.f32 v14;
	v55 =	vadd.f32 v12, v12;
	v60 =	vld.idx.msk [tilespmem:v19+s3+$0x0], $0xffff  }
0x3bc: {  	v61 =	vcvt.s32.f32 v59;
	v13 =	vsub.f32 v13, v15;
	v8 =	vmul.f32 v46, v8  }
0x3bd: {  	v62 =	vld.idx.msk [tilespmem:v16+s3+$0x0], $0xffff;
	v58 =	vadd.f32 v56, v56;
	v12 =	vadd.f32 v12, v17;
	v57 =	vmul.f32 v55, v17  }
0x3be: {  	v5 =	vcvt.s32.f32 v5;
	v63 =	vadd.f32 v61, v61;
	v8 =	vmul.f32 v13, v8  }
0x3bf: {  	v10 =	vadd.f32 v56, v11;
	v11 =	vmul.f32 v58, v11;
	v12 =	vsub.f32 v12, v57  }
0x3c0: {  	v21 =	vadd.f32 v5, v5;
	v19 =	vadd.f32 v61, v60  }
0x3c1: {  	v20 =	vmul.f32 v63, v60;
	v10 =	vsub.f32 v10, v11;
	v8 =	vmul.f32 v12, v8  }
0x3c2: {  	v5 =	vadd.f32 v5, v62  }
0x3c3: {  	v23 =	vmul.f32 v21, v62;
	v22 =	vsub.f32 v19, v20;
	v8 =	vmul.f32 v10, v8;
	_ =	sdelay $0x1  }
0x3c4: {  	v5 =	vsub.f32 v5, v23;
	v10 =	vmul.f32 v22, v8;
	v8 =	vor.u32 v2, v4;
	_ =	sdelay $0x1  }
0x3c5: {  	v5 =	vmul.f32 v5, v10;
	_ =	sdelay $0x1  }
0x3c6: {  	[tilespmem:v6+s14+$0x0] =	vst.idx.msk $0xffff, v5  }
0x3c7: {  	v5 =	vld.idx.msk [tilespmem:v8+s11+$0x0], $0xffff;
	_ =	sdelay $0x4  }
0x3c8: {  	v24 =	vshll.u32 v5, $0x3  }
0x3c9: {  	v5 =	vand.u32 $0x7F, v5;
	v6 =	vand.u32 $0xFFFFFC00, v24  }
0x3ca: {  	v5 =	vor.u32 v5, v6  }
0x3cb: {  	v6 =	vor.u32 $0x80, v5  }
0x3cc: {  	v25 =	vor.u32 $0x100, v5  }
0x3cd: {  	v27 =	vor.u32 $0x180, v5;
	_ =	sdelay $0x1  }
0x3ce: {  	v36 =	vor.u32 $0x200, v5;
	v26 =	vld.idx.msk [tilespmem:v5+s10+$0x0], $0xffff  }
0x3cf: {  	v6 =	vld.idx.msk [tilespmem:v6+s10+$0x0], $0xffff  }
0x3d0: {  	v10 =	vld.idx.msk [tilespmem:v25+s10+$0x0], $0xffff  }
0x3d1: {  	s19 =	sadd.s32 $0x1, s18;
	v12 =	vld.idx.msk [tilespmem:v27+s10+$0x0], $0xffff  }
0x3d2: {  	v48 =	vmov s19;
	v38 =	vor.u32 $0x280, v5;
	v40 =	vor.u32 $0x300, v5  }
0x3d3: {  	v43 =	vor.u32 $0x380, v5;
	v18 =	vld.idx.msk [tilespmem:v36+s10+$0x0], $0xffff;
	v28 =	vshll.u32 v26, $0x3;
	v29 =	vand.u32 $0x7F, v26  }
0x3d4: {  	v11 =	vshra.s32 v26, $0xA;
	v13 =	vand.u32 $0x1C00, v28;
	v30 =	vshll.u32 v6, $0x3  }
0x3d5: {  	v31 =	vand.u32 $0x7F, v6;
	v32 =	vshll.u32 v10, $0x3;
	v33 =	vand.u32 $0x7F, v10  }
0x3d6: {  	v34 =	vshll.u32 v12, $0x3;
	v35 =	vand.u32 $0x7F, v12;
	v11 =	vcvt.s32.f32 v11  }
0x3d7: {  	v42 =	vld.idx.msk [tilespmem:v38+s10+$0x0], $0xffff;
	v6 =	vshra.s32 v6, $0xA;
	v10 =	vshra.s32 v10, $0xA;
	v12 =	vshra.s32 v12, $0xA  }
0x3d8: {  	v17 =	vld.idx.msk [tilespmem:v40+s10+$0x0], $0xffff;
	v44 =	vshll.u32 v18, $0x3;
	v13 =	vor.u32 v13, v29;
	v14 =	vand.u32 $0x1C00, v30  }
0x3d9: {  	v19 =	vld.idx.msk [tilespmem:v43+s10+$0x0], $0xffff;
	v15 =	vand.u32 $0x1C00, v32;
	v13 =	vor.u32 v9, v13;
	v14 =	vor.u32 v14, v31  }
0x3da: {  	v15 =	vor.u32 v15, v33;
	v13 =	vor.u32 v7, v13;
	v14 =	vor.u32 v9, v14  }
0x3db: {  	v45 =	vand.u32 $0x7F, v18;
	v15 =	vor.u32 v9, v15;
	v14 =	vor.u32 v7, v14  }
0x3dc: {  	v50 =	vshll.u32 v42, $0x3;
	v22 =	vand.u32 $0x7F, v42;
	v15 =	vor.u32 v7, v15  }
0x3dd: {  	v51 =	vshll.u32 v17, $0x3;
	v24 =	vand.u32 $0x7F, v17;
	v18 =	vshra.s32 v18, $0xA  }
0x3de: {  	v54 =	vshll.u32 v19, $0x3;
	v55 =	vand.u32 $0x7F, v19;
	v17 =	vshra.s32 v17, $0xA  }
0x3df: {  	v28 =	vshra.s32 v19, $0xA;
	v16 =	vand.u32 $0x1C00, v34;
	v6 =	vcvt.s32.f32 v6;
	v13 =	vld.idx.msk [tilespmem:v13+s3+$0x0], $0xffff  }
0x3e0: {  	v10 =	vcvt.s32.f32 v10;
	v12 =	vcvt.s32.f32 v12;
	v16 =	vor.u32 v16, v35;
	v14 =	vld.idx.msk [tilespmem:v14+s3+$0x0], $0xffff  }
0x3e1: {  	v23 =	vand.u32 $0x1C00, v50;
	v37 =	vadd.f32 v11, v11;
	v16 =	vor.u32 v9, v16;
	v15 =	vld.idx.msk [tilespmem:v15+s3+$0x0], $0xffff  }
0x3e2: {  	v22 =	vor.u32 v23, v22;
	v23 =	vand.u32 $0x1C00, v51;
	v16 =	vor.u32 v7, v16  }
0x3e3: {  	v39 =	vadd.f32 v6, v6;
	v22 =	vor.u32 v9, v22;
	v53 =	vor.u32 v23, v24  }
0x3e4: {  	v41 =	vadd.f32 v10, v10;
	v52 =	vor.u32 v7, v22;
	v22 =	vor.u32 v9, v53  }
0x3e5: {  	v22 =	vor.u32 v7, v22;
	v11 =	vadd.f32 v11, v13;
	v13 =	vmul.f32 v37, v13  }
0x3e6: {  	v6 =	vadd.f32 v6, v14;
	v14 =	vmul.f32 v39, v14;
	v10 =	vadd.f32 v10, v15  }
0x3e7: {  	v16 =	vld.idx.msk [tilespmem:v16+s3+$0x0], $0xffff;
	v11 =	vsub.f32 v11, v13;
	v13 =	vmul.f32 v41, v15;
	v15 =	vand.u32 $0x1C00, v44  }
0x3e8: {  	v33 =	vadd.s32 $0x2000, v5;
	v6 =	vsub.f32 v6, v14;
	v46 =	vor.u32 v15, v45  }
0x3e9: {  	v23 =	vand.u32 $0x1C00, v54;
	v13 =	vsub.f32 v10, v13;
	v10 =	vor.u32 v9, v46  }
0x3ea: {  	v6 =	vmul.f32 v6, v11;
	v49 =	vor.u32 v7, v10;
	v11 =	vshll.u32 v48, $0x7  }
0x3eb: {  	v27 =	vcvt.s32.f32 v17;
	v57 =	vor.u32 v23, v55;
	v63 =	vld.idx.msk [tilespmem:v22+s3+$0x0], $0xffff;
	v10 =	vor.u32 v0, v11  }
0x3ec: {  	v58 =	vor.u32 v9, v57;
	v47 =	vadd.f32 v12, v16;
	v12 =	vadd.f32 v12, v12  }
0x3ed: {  	v56 =	vcvt.s32.f32 v18;
	v18 =	vcvt.s32.f32 v28;
	v40 =	vld.idx.msk [tilespmem:v33+s10+$0x0], $0xffff;
	v15 =	vor.u32 v7, v58  }
0x3ee: {  	v29 =	vadd.f32 v27, v27;
	v12 =	vmul.f32 v12, v16;
	v14 =	vshra.s32 v42, $0xA;
	v16 =	vld.idx.msk [tilespmem:v52+s3+$0x0], $0xffff  }
0x3ef: {  	v4 =	vor.u32 v3, v4;
	v59 =	vadd.f32 v56, v56;
	v14 =	vcvt.s32.f32 v14;
	v21 =	vld.idx.msk [tilespmem:v49+s3+$0x0], $0xffff  }
0x3f0: {  	v32 =	vadd.f32 v18, v18;
	v31 =	vmul.f32 v29, v63;
	v46 =	vadd.s32 $0x2080, v5;
	v25 =	vld.idx.msk [tilespmem:v10+s11+$0x0], $0xffff  }
0x3f1: {  	v44 =	vshll.u32 v48, $0xA;
	v12 =	vsub.f32 v47, v12;
	v62 =	vadd.f32 v14, v14  }
0x3f2: {  	v48 =	vshra.s32 v40, $0xA;
	v6 =	vmul.f32 v13, v6;
	v13 =	vadd.f32 v27, v63;
	v15 =	vld.idx.msk [tilespmem:v15+s3+$0x0], $0xffff  }
0x3f3: {  	v5 =	vand.u32 $0x280, v11;
	v14 =	vadd.f32 v14, v16;
	v16 =	vmul.f32 v62, v16  }
0x3f4: {  	v19 =	vcvt.s32.f32 v48;
	v6 =	vmul.f32 v12, v6;
	v35 =	vsub.f32 v13, v31  }
0x3f5: {  	v20 =	vld.idx.msk [tilespmem:v46+s10+$0x0], $0xffff;
	v30 =	vsub.f32 v14, v16;
	v60 =	vadd.f32 v56, v21;
	v24 =	vshll.u32 v25, $0x3  }
0x3f6: {  	v61 =	vmul.f32 v59, v21;
	v26 =	vand.u32 $0x7F, v25;
	v22 =	vand.u32 $0xFFFFFC00, v24  }
0x3f7: {  	v36 =	vadd.f32 v18, v15;
	v37 =	vmul.f32 v32, v15;
	v17 =	vor.u32 v26, v22  }
0x3f8: {  	v49 =	vshll.u32 v40, $0x3;
	v12 =	vsub.f32 v60, v61;
	v22 =	vor.u32 $0x80, v17  }
0x3f9: {  	v14 =	vand.u32 $0x7F, v40;
	v38 =	vsub.f32 v36, v37;
	v39 =	vor.u32 $0x100, v17  }
0x3fa: {  	v56 =	vadd.f32 v19, v19;
	v61 =	vshll.u32 v20, $0x3;
	v6 =	vmul.f32 v12, v6  }
0x3fb: {  	v26 =	vand.u32 $0x7F, v20;
	v63 =	vand.u32 $0x1C00, v61;
	v20 =	vshra.s32 v20, $0xA  }
0x3fc: {  	v47 =	vor.u32 $0x180, v17;
	v52 =	vor.u32 $0x200, v17;
	v6 =	vmul.f32 v30, v6;
	v34 =	vld.idx.msk [tilespmem:v17+s10+$0x0], $0xffff  }
0x3fd: {  	v59 =	vor.u32 $0x280, v17;
	v62 =	vor.u32 $0x300, v17;
	v33 =	vor.u32 $0x380, v17;
	v42 =	vld.idx.msk [tilespmem:v22+s10+$0x0], $0xffff  }
0x3fe: {  	v36 =	vadd.s32 $0x2000, v17;
	v6 =	vmul.f32 v35, v6;
	v13 =	vld.idx.msk [tilespmem:v39+s10+$0x0], $0xffff;
	v22 =	vand.u32 $0x1C00, v49  }
0x3ff: {  	v20 =	vcvt.s32.f32 v20;
	v17 =	vadd.s32 $0x2080, v17;
	v14 =	vor.u32 v22, v14  }
0x400: {  	v12 =	vmul.f32 v38, v6;
	v6 =	vand.u32 $0x6000, v44;
	v14 =	vor.u32 v9, v14  }
0x401: {  	v14 =	vor.u32 v7, v14;
	v41 =	vshll.u32 v34, $0x3;
	v43 =	vand.u32 $0x7F, v34  }
0x402: {  	v18 =	vld.idx.msk [tilespmem:v47+s10+$0x0], $0xffff;
	v21 =	vshra.s32 v34, $0xA;
	v45 =	vand.u32 $0x1C00, v41;
	v50 =	vshll.u32 v42, $0x3  }
0x403: {  	v51 =	vand.u32 $0x7F, v42;
	v54 =	vshll.u32 v13, $0x3;
	v55 =	vand.u32 $0x7F, v13  }
0x404: {  	v25 =	vld.idx.msk [tilespmem:v52+s10+$0x0], $0xffff;
	v21 =	vcvt.s32.f32 v21;
	v16 =	vor.u32 v45, v43;
	v23 =	vand.u32 $0x1C00, v50  }
0x405: {  	v32 =	vld.idx.msk [tilespmem:v59+s10+$0x0], $0xffff;
	v15 =	vshra.s32 v42, $0xA;
	v16 =	vor.u32 v6, v16;
	v53 =	vor.u32 v23, v51  }
0x406: {  	v23 =	vand.u32 $0x1C00, v54;
	v16 =	vor.u32 v5, v16;
	v22 =	vor.u32 v6, v53  }
0x407: {  	v28 =	vshll.u32 v18, $0x3;
	v23 =	vor.u32 v23, v55;
	v22 =	vor.u32 v5, v22  }
0x408: {  	v29 =	vand.u32 $0x7F, v18;
	v13 =	vshra.s32 v13, $0xA;
	v23 =	vor.u32 v6, v23  }
0x409: {  	v58 =	vshll.u32 v25, $0x3;
	v30 =	vand.u32 $0x7F, v25;
	v23 =	vor.u32 v5, v23  }
0x40a: {  	v17 =	vld.idx.msk [tilespmem:v17+s10+$0x0], $0xffff;
	v25 =	vshra.s32 v25, $0xA;
	v37 =	vshll.u32 v32, $0x3;
	v28 =	vand.u32 $0x1C00, v28  }
0x40b: {  	v38 =	vand.u32 $0x7F, v32;
	v15 =	vcvt.s32.f32 v15;
	v28 =	vor.u32 v28, v29;
	v16 =	vld.idx.msk [tilespmem:v16+s3+$0x0], $0xffff  }
0x40c: {  	v13 =	vcvt.s32.f32 v13;
	v25 =	vcvt.s32.f32 v25;
	v28 =	vor.u32 v6, v28;
	v22 =	vld.idx.msk [tilespmem:v22+s3+$0x0], $0xffff  }
0x40d: {  	v27 =	vadd.f32 v21, v21;
	v29 =	vand.u32 $0x1C00, v58;
	v28 =	vor.u32 v5, v28  }
0x40e: {  	v57 =	vadd.f32 v15, v15;
	v29 =	vor.u32 v29, v30;
	v31 =	vadd.f32 v13, v13;
	v23 =	vld.idx.msk [tilespmem:v23+s3+$0x0], $0xffff  }
0x40f: {  	v14 =	vld.idx.msk [tilespmem:v14+s3+$0x0], $0xffff;
	v60 =	vor.u32 v6, v29;
	v51 =	vshll.u32 v17, $0x3;
	v52 =	vand.u32 $0x7F, v17  }
0x410: {  	v29 =	vand.u32 $0x1C00, v51;
	v21 =	vadd.f32 v21, v16;
	v16 =	vmul.f32 v27, v16  }
0x411: {  	v27 =	vor.u32 v5, v60;
	v15 =	vadd.f32 v15, v22;
	v22 =	vmul.f32 v57, v22  }
0x412: {  	v17 =	vshra.s32 v17, $0xA;
	v29 =	vor.u32 v29, v52;
	v28 =	vld.idx.msk [tilespmem:v28+s3+$0x0], $0xffff;
	v16 =	vsub.f32 v21, v16  }
0x413: {  	v13 =	vadd.f32 v13, v23;
	v23 =	vmul.f32 v31, v23;
	v21 =	vld.idx.msk [tilespmem:v62+s10+$0x0], $0xffff;
	v15 =	vsub.f32 v15, v22  }
0x414: {  	v19 =	vadd.f32 v19, v14;
	v14 =	vmul.f32 v56, v14;
	v22 =	vor.u32 v63, v26;
	v26 =	vld.idx.msk [tilespmem:v36+s10+$0x0], $0xffff  }
0x415: {  	v31 =	vshra.s32 v18, $0xA;
	v13 =	vsub.f32 v13, v23;
	v23 =	vld.idx.msk [tilespmem:v33+s10+$0x0], $0xffff;
	v15 =	vmul.f32 v15, v16  }
0x416: {  	v22 =	vor.u32 v9, v22;
	v16 =	vcvt.s32.f32 v31;
	v34 =	vld.idx.msk [tilespmem:v27+s3+$0x0], $0xffff;
	v27 =	vand.u32 $0x1C00, v37  }
0x417: {  	v22 =	vor.u32 v7, v22;
	v27 =	vor.u32 v27, v38;
	v13 =	vmul.f32 v13, v15  }
0x418: {  	v35 =	vadd.f32 v16, v16;
	v16 =	vadd.f32 v16, v28;
	v27 =	vor.u32 v6, v27  }
0x419: {  	v40 =	vshll.u32 v21, $0x3;
	v41 =	vand.u32 $0x7F, v21;
	v27 =	vor.u32 v5, v27  }
0x41a: {  	v49 =	vshll.u32 v26, $0x3;
	v15 =	vmul.f32 v35, v28;
	v28 =	vand.u32 $0x1C00, v40  }
0x41b: {  	v43 =	vshll.u32 v23, $0x3;
	v44 =	vand.u32 $0x7F, v23;
	v39 =	vadd.f32 v25, v34  }
0x41c: {  	v25 =	vadd.f32 v25, v25;
	v42 =	vor.u32 v28, v41;
	v28 =	vand.u32 $0x1C00, v43  }
0x41d: {  	v50 =	vand.u32 $0x7F, v26;
	v15 =	vsub.f32 v16, v15;
	v46 =	vor.u32 v28, v44  }
0x41e: {  	v28 =	vand.u32 $0x1C00, v49;
	v24 =	vmul.f32 v25, v34;
	v25 =	vor.u32 v6, v42  }
0x41f: {  	v16 =	vor.u32 v6, v46;
	v28 =	vor.u32 v28, v50;
	v25 =	vor.u32 v5, v25  }
0x420: {  	v18 =	vshra.s32 v32, $0xA;
	v16 =	vor.u32 v5, v16;
	v28 =	vor.u32 v6, v28  }
0x421: {  	v14 =	vsub.f32 v19, v14;
	v18 =	vcvt.s32.f32 v18;
	v47 =	vld.idx.msk [tilespmem:v27+s3+$0x0], $0xffff;
	v28 =	vor.u32 v5, v28  }
0x422: {  	v17 =	vcvt.s32.f32 v17;
	v53 =	vor.u32 v6, v29;
	v21 =	vshra.s32 v21, $0xA  }
0x423: {  	v14 =	vmul.f32 v14, v12;
	v48 =	vadd.f32 v18, v18;
	v21 =	vcvt.s32.f32 v21;
	v22 =	vld.idx.msk [tilespmem:v22+s3+$0x0], $0xffff  }
0x424: {  	v58 =	vshra.s32 v26, $0xA;
	v23 =	vshra.s32 v23, $0xA;
	v27 =	vor.u32 v5, v53;
	v25 =	vld.idx.msk [tilespmem:v25+s3+$0x0], $0xffff  }
0x425: {  	v61 =	vcvt.s32.f32 v58;
	v13 =	vmul.f32 v15, v13;
	v45 =	vsub.f32 v39, v24;
	v16 =	vld.idx.msk [tilespmem:v16+s3+$0x0], $0xffff  }
0x426: {  	v18 =	vadd.f32 v18, v47;
	v24 =	vmul.f32 v48, v47;
	v59 =	vld.idx.msk [tilespmem:v28+s3+$0x0], $0xffff;
	v28 =	vadd.f32 v20, v20  }
0x427: {  	v54 =	vadd.f32 v21, v21;
	v55 =	vcvt.s32.f32 v23;
	v13 =	vmul.f32 v45, v13  }
0x428: {  	v20 =	vadd.f32 v20, v22;
	v18 =	vsub.f32 v18, v24;
	v32 =	vmul.f32 v28, v22  }
0x429: {  	v57 =	vadd.f32 v55, v55;
	v62 =	vld.idx.msk [tilespmem:v27+s3+$0x0], $0xffff;
	v21 =	vadd.f32 v21, v25;
	v56 =	vmul.f32 v54, v25  }
0x42a: {  	v63 =	vadd.f32 v61, v61;
	v13 =	vmul.f32 v18, v13;
	v36 =	vsub.f32 v20, v32  }
0x42b: {  	v15 =	vadd.f32 v55, v16;
	v16 =	vmul.f32 v57, v16;
	v60 =	vsub.f32 v21, v56  }
0x42c: {  	v31 =	vadd.f32 v17, v17;
	v29 =	vadd.f32 v61, v59;
	v14 =	vmul.f32 v36, v14  }
0x42d: {  	v30 =	vmul.f32 v63, v59;
	v15 =	vsub.f32 v15, v16;
	v13 =	vmul.f32 v60, v13  }
0x42e: {  	v34 =	vadd.f32 v17, v62;
	[tilespmem:v8+s14+$0x0] =	vst.idx.msk $0xffff, v14  }
0x42f: {  	v35 =	vmul.f32 v31, v62;
	v33 =	vsub.f32 v29, v30;
	v8 =	vld.idx.msk [tilespmem:v4+s11+$0x0], $0xffff;
	v13 =	vmul.f32 v15, v13;
	_ =	sdelay $0x1  }
0x430: {  	v12 =	vor.u32 v1, v11;
	v37 =	vsub.f32 v34, v35;
	v13 =	vmul.f32 v33, v13;
	_ =	sdelay $0x1  }
0x431: {  	v13 =	vmul.f32 v37, v13  }
0x432: {  	v38 =	vshll.u32 v8, $0x3  }
0x433: {  	v8 =	vand.u32 $0x7F, v8;
	[tilespmem:v10+s14+$0x0] =	vst.idx.msk $0xffff, v13;
	v13 =	vand.u32 $0xFFFFFC00, v38  }
0x434: {  	v10 =	vld.idx.msk [tilespmem:v12+s11+$0x0], $0xffff;
	v13 =	vor.u32 v8, v13  }
0x435: {  	v43 =	vor.u32 $0x80, v13  }
0x436: {  	v51 =	vor.u32 $0x100, v13;
	_ =	sdelay $0x2  }
0x437: {  	v39 =	vshll.u32 v10, $0x3;
	v42 =	vld.idx.msk [tilespmem:v13+s10+$0x0], $0xffff  }
0x438: {  	v40 =	vand.u32 $0x7F, v10;
	v41 =	vand.u32 $0xFFFFFC00, v39;
	v18 =	vld.idx.msk [tilespmem:v43+s10+$0x0], $0xffff  }
0x439: {  	v10 =	vld.idx.msk [tilespmem:v51+s10+$0x0], $0xffff;
	v15 =	vor.u32 v40, v41  }
0x43a: {  	v36 =	vor.u32 $0x180, v13;
	v45 =	vor.u32 $0x80, v15;
	v46 =	vor.u32 $0x100, v15  }
0x43b: {  	v53 =	vor.u32 $0x180, v15;
	v59 =	vor.u32 $0x200, v15;
	v51 =	vor.u32 $0x380, v15  }
0x43c: {  	v47 =	vshra.s32 v42, $0xA;
	v48 =	vshll.u32 v42, $0x3;
	v8 =	vand.u32 $0x7F, v42  }
0x43d: {  	v19 =	vand.u32 $0x1C00, v48;
	v56 =	vshll.u32 v18, $0x3;
	v60 =	vand.u32 $0x7F, v18  }
0x43e: {  	v63 =	vand.u32 $0x7F, v10;
	v48 =	vor.u32 $0x300, v15;
	v18 =	vshra.s32 v18, $0xA;
	v44 =	vld.idx.msk [tilespmem:v15+s10+$0x0], $0xffff  }
0x43f: {  	v19 =	vor.u32 v19, v8;
	v8 =	vcvt.s32.f32 v47;
	v23 =	vand.u32 $0x1C00, v56;
	v50 =	vld.idx.msk [tilespmem:v45+s10+$0x0], $0xffff  }
0x440: {  	v47 =	vshll.u32 v10, $0x3;
	v10 =	vshra.s32 v10, $0xA;
	v17 =	vld.idx.msk [tilespmem:v46+s10+$0x0], $0xffff;
	v23 =	vor.u32 v23, v60  }
0x441: {  	v18 =	vcvt.s32.f32 v18;
	v10 =	vcvt.s32.f32 v10;
	v23 =	vor.u32 v9, v23  }
0x442: {  	v54 =	vor.u32 v9, v19;
	v25 =	vld.idx.msk [tilespmem:v59+s10+$0x0], $0xffff;
	v45 =	vor.u32 $0x280, v15;
	v23 =	vor.u32 v7, v23  }
0x443: {  	v34 =	vadd.f32 v10, v10;
	v49 =	vshll.u32 v44, $0x3;
	v52 =	vand.u32 $0x7F, v44  }
0x444: {  	v16 =	vshra.s32 v44, $0xA;
	v20 =	vand.u32 $0x1C00, v49;
	v57 =	vshll.u32 v50, $0x3  }
0x445: {  	v58 =	vand.u32 $0x7F, v50;
	v61 =	vshll.u32 v17, $0x3;
	v62 =	vand.u32 $0x7F, v17  }
0x446: {  	v16 =	vcvt.s32.f32 v16;
	v21 =	vshra.s32 v50, $0xA;
	v17 =	vshra.s32 v17, $0xA  }
0x447: {  	v43 =	vshll.u32 v25, $0x3;
	v44 =	vand.u32 $0x7F, v25;
	v49 =	vand.u32 $0x1C00, v47  }
0x448: {  	v25 =	vshra.s32 v25, $0xA;
	v14 =	vor.u32 v20, v52;
	v24 =	vand.u32 $0x1C00, v57  }
0x449: {  	v27 =	vld.idx.msk [tilespmem:v48+s10+$0x0], $0xffff;
	v21 =	vcvt.s32.f32 v21;
	v17 =	vcvt.s32.f32 v17;
	v26 =	vor.u32 v49, v63  }
0x44a: {  	v14 =	vor.u32 v6, v14;
	v22 =	vor.u32 v24, v58;
	v24 =	vand.u32 $0x1C00, v61  }
0x44b: {  	v37 =	vadd.f32 v16, v16;
	v26 =	vor.u32 v9, v26;
	v55 =	vor.u32 v5, v14  }
0x44c: {  	v20 =	vld.idx.msk [tilespmem:v53+s10+$0x0], $0xffff;
	v14 =	vor.u32 v7, v54;
	v22 =	vor.u32 v6, v22;
	v24 =	vor.u32 v24, v62  }
0x44d: {  	v50 =	vld.idx.msk [tilespmem:v45+s10+$0x0], $0xffff;
	v42 =	vadd.f32 v21, v21;
	v32 =	vadd.f32 v17, v17;
	v54 =	vadd.s32 $0x2000, v15  }
0x44e: {  	v15 =	vadd.s32 $0x2080, v15;
	v58 =	vshll.u32 v27, $0x3;
	v59 =	vand.u32 $0x7F, v27  }
0x44f: {  	v27 =	vshra.s32 v27, $0xA;
	v22 =	vor.u32 v5, v22;
	v24 =	vor.u32 v6, v24  }
0x450: {  	v26 =	vor.u32 v7, v26;
	v27 =	vcvt.s32.f32 v27;
	v24 =	vor.u32 v5, v24  }
0x451: {  	v38 =	vshll.u32 v20, $0x3;
	v41 =	vand.u32 $0x7F, v20;
	v20 =	vshra.s32 v20, $0xA;
	v19 =	vld.idx.msk [tilespmem:v55+s3+$0x0], $0xffff  }
0x452: {  	v56 =	vshll.u32 v50, $0x3;
	v31 =	vand.u32 $0x7F, v50;
	v20 =	vcvt.s32.f32 v20;
	v30 =	vld.idx.msk [tilespmem:v54+s10+$0x0], $0xffff  }
0x453: {  	v29 =	vand.u32 $0x1C00, v38;
	v55 =	vcvt.s32.f32 v25;
	v25 =	vand.u32 $0x1C00, v56;
	v15 =	vld.idx.msk [tilespmem:v15+s10+$0x0], $0xffff  }
0x454: {  	v40 =	vld.idx.msk [tilespmem:v22+s3+$0x0], $0xffff;
	v22 =	vor.u32 v29, v41;
	v29 =	vand.u32 $0x1C00, v43;
	v53 =	vadd.f32 v20, v20  }
0x455: {  	v25 =	vor.u32 v25, v31;
	v31 =	vand.u32 $0x1C00, v58;
	v43 =	vadd.f32 v27, v27  }
0x456: {  	v22 =	vor.u32 v6, v22;
	v24 =	vld.idx.msk [tilespmem:v24+s3+$0x0], $0xffff;
	v29 =	vor.u32 v29, v44;
	v25 =	vor.u32 v6, v25  }
0x457: {  	v60 =	vor.u32 v31, v59;
	v22 =	vor.u32 v5, v22;
	v46 =	vor.u32 v6, v29  }
0x458: {  	v25 =	vor.u32 v5, v25;
	v33 =	vor.u32 v5, v46;
	v39 =	vadd.f32 v16, v19  }
0x459: {  	v19 =	vmul.f32 v37, v19;
	v38 =	vshll.u32 v30, $0x3;
	v41 =	vand.u32 $0x7F, v15  }
0x45a: {  	v21 =	vadd.f32 v21, v40;
	v28 =	vmul.f32 v42, v40;
	v40 =	vshll.u32 v15, $0x3  }
0x45b: {  	v16 =	vld.idx.msk [tilespmem:v36+s10+$0x0], $0xffff;
	v15 =	vshra.s32 v15, $0xA;
	v19 =	vsub.f32 v39, v19;
	v17 =	vadd.f32 v17, v24  }
0x45c: {  	v24 =	vmul.f32 v32, v24;
	v39 =	vand.u32 $0x7F, v30;
	v32 =	vand.u32 $0x1C00, v40  }
0x45d: {  	v30 =	vshra.s32 v30, $0xA;
	v15 =	vcvt.s32.f32 v15;
	v21 =	vsub.f32 v21, v28;
	v22 =	vld.idx.msk [tilespmem:v22+s3+$0x0], $0xffff  }
0x45e: {  	v28 =	vor.u32 v6, v60;
	v32 =	vor.u32 v32, v41;
	v17 =	vsub.f32 v17, v24;
	v24 =	vld.idx.msk [tilespmem:v51+s10+$0x0], $0xffff  }
0x45f: {  	v28 =	vor.u32 v5, v28;
	v42 =	vor.u32 v6, v32;
	v51 =	vcvt.s32.f32 v30  }
0x460: {  	v58 =	vadd.f32 v15, v15;
	v19 =	vmul.f32 v21, v19;
	v29 =	vand.u32 $0x7F, v16  }
0x461: {  	v36 =	vld.idx.msk [tilespmem:v25+s3+$0x0], $0xffff;
	v21 =	vshra.s32 v50, $0xA;
	v25 =	vor.u32 v5, v42;
	v44 =	vshll.u32 v16, $0x3  }
0x462: {  	v16 =	vshra.s32 v16, $0xA;
	v21 =	vcvt.s32.f32 v21;
	v48 =	vand.u32 $0x1C00, v44  }
0x463: {  	v17 =	vmul.f32 v17, v19;
	v20 =	vadd.f32 v20, v22;
	v61 =	vshll.u32 v24, $0x3  }
0x464: {  	v19 =	vmul.f32 v53, v22;
	v62 =	vand.u32 $0x7F, v24;
	v31 =	vand.u32 $0x1C00, v61  }
0x465: {  	v52 =	vld.idx.msk [tilespmem:v33+s3+$0x0], $0xffff;
	v54 =	vadd.f32 v51, v51;
	v35 =	vor.u32 v31, v62;
	v31 =	vand.u32 $0x1C00, v38  }
0x466: {  	v30 =	vld.idx.msk [tilespmem:v26+s3+$0x0], $0xffff;
	v19 =	vsub.f32 v20, v19;
	v20 =	vor.u32 v6, v35;
	v31 =	vor.u32 v31, v39  }
0x467: {  	v16 =	vcvt.s32.f32 v16;
	v20 =	vor.u32 v5, v20;
	v31 =	vor.u32 v6, v31  }
0x468: {  	v14 =	vld.idx.msk [tilespmem:v14+s3+$0x0], $0xffff;
	v22 =	vadd.f32 v55, v55;
	v37 =	vadd.f32 v21, v21;
	v31 =	vor.u32 v5, v31  }
0x469: {  	v21 =	vadd.f32 v21, v36;
	v53 =	vor.u32 v48, v29;
	v40 =	vadd.f32 v16, v16  }
0x46a: {  	v57 =	vadd.f32 v55, v52;
	v28 =	vld.idx.msk [tilespmem:v28+s3+$0x0], $0xffff;
	v24 =	vshra.s32 v24, $0xA;
	v22 =	vmul.f32 v22, v52  }
0x46b: {  	v55 =	vor.u32 $0x200, v13;
	v10 =	vadd.f32 v10, v30;
	v45 =	vcvt.s32.f32 v24;
	v52 =	vld.idx.msk [tilespmem:v25+s3+$0x0], $0xffff  }
0x46c: {  	v17 =	vmul.f32 v19, v17;
	v63 =	vsub.f32 v57, v22;
	v22 =	vmul.f32 v37, v36;
	v20 =	vld.idx.msk [tilespmem:v20+s3+$0x0], $0xffff  }
0x46d: {  	v25 =	vor.u32 v9, v53;
	v61 =	vadd.f32 v8, v8;
	v8 =	vadd.f32 v8, v14;
	v31 =	vld.idx.msk [tilespmem:v31+s3+$0x0], $0xffff  }
0x46e: {  	v62 =	vor.u32 v7, v25;
	v17 =	vmul.f32 v63, v17;
	v21 =	vsub.f32 v21, v22  }
0x46f: {  	v23 =	vld.idx.msk [tilespmem:v23+s3+$0x0], $0xffff;
	v49 =	vadd.f32 v45, v45;
	v46 =	vadd.f32 v27, v28;
	v47 =	vmul.f32 v43, v28  }
0x470: {  	v38 =	vor.u32 $0x300, v13;
	v14 =	vmul.f32 v61, v14;
	v17 =	vmul.f32 v21, v17  }
0x471: {  	v50 =	vsub.f32 v46, v47;
	v19 =	vadd.f32 v45, v20;
	v20 =	vmul.f32 v49, v20  }
0x472: {  	v63 =	vld.idx.msk [tilespmem:v55+s10+$0x0], $0xffff;
	v56 =	vadd.f32 v51, v31;
	v57 =	vmul.f32 v54, v31;
	v31 =	vor.u32 $0x280, v13  }
0x473: {  	v28 =	vadd.f32 v18, v18;
	v17 =	vmul.f32 v50, v17;
	v19 =	vsub.f32 v19, v20  }
0x474: {  	v18 =	vadd.f32 v18, v23;
	v15 =	vadd.f32 v15, v52;
	v60 =	vmul.f32 v58, v52  }
0x475: {  	s30 =	sadd.s32 $0x2, s18;
	v8 =	vsub.f32 v8, v14;
	v32 =	vld.idx.msk [tilespmem:v62+s3+$0x0], $0xffff;
	v59 =	vsub.f32 v56, v57;
	v17 =	vmul.f32 v19, v17  }
0x476: {  	v29 =	vmul.f32 v28, v23;
	v44 =	vld.idx.msk [tilespmem:v38+s10+$0x0], $0xffff;
	v23 =	vmov s30;
	v27 =	vsub.f32 v15, v60  }
0x477: {  	v15 =	vor.u32 v2, v11;
	v35 =	vshll.u32 v63, $0x3;
	v17 =	vmul.f32 v59, v17;
	v39 =	vld.idx.msk [tilespmem:v31+s10+$0x0], $0xffff  }
0x478: {  	v33 =	vsub.f32 v18, v29;
	v37 =	vand.u32 $0x7F, v63;
	v18 =	vand.u32 $0x1C00, v35  }
0x479: {  	v47 =	vshra.s32 v63, $0xA;
	v18 =	vor.u32 v18, v37;
	v17 =	vmul.f32 v27, v17  }
0x47a: {  	v8 =	vmul.f32 v33, v8;
	v41 =	vadd.f32 v16, v32;
	v18 =	vor.u32 v9, v18  }
0x47b: {  	v53 =	vshll.u32 v44, $0x3;
	v18 =	vor.u32 v7, v18;
	[tilespmem:v12+s14+$0x0] =	vst.idx.msk $0xffff, v17;
	v12 =	vmul.f32 v40, v32  }
0x47c: {  	v55 =	vand.u32 $0x7F, v44;
	v17 =	vmul.f32 v34, v30;
	v36 =	vld.idx.msk [tilespmem:v15+s11+$0x0], $0xffff;
	v46 =	vshll.u32 v39, $0x3  }
0x47d: {  	v49 =	vand.u32 $0x7F, v39;
	v45 =	vsub.f32 v41, v12;
	v12 =	vand.u32 $0x1C00, v46  }
0x47e: {  	v21 =	vand.u32 $0x1C00, v53;
	v10 =	vsub.f32 v10, v17;
	v12 =	vor.u32 v12, v49  }
0x47f: {  	v14 =	vcvt.s32.f32 v47;
	v57 =	vor.u32 v21, v55;
	v51 =	vor.u32 v9, v12  }
0x480: {  	v48 =	vld.idx.msk [tilespmem:v18+s3+$0x0], $0xffff;
	v8 =	vmul.f32 v10, v8;
	v12 =	vor.u32 v9, v57;
	v10 =	vor.u32 v7, v51  }
0x481: {  	v59 =	vor.u32 v7, v12;
	v12 =	vshll.u32 v23, $0x7;
	v42 =	vshll.u32 v36, $0x3  }
0x482: {  	v43 =	vand.u32 $0x7F, v36;
	v18 =	vor.u32 v0, v12;
	v16 =	vand.u32 $0xFFFFFC00, v42  }
0x483: {  	v16 =	vor.u32 v43, v16  }
0x484: {  	v52 =	vadd.f32 v14, v14;
	v19 =	vshra.s32 v44, $0xA  }
0x485: {  	v14 =	vadd.f32 v14, v48;
	v20 =	vshra.s32 v39, $0xA;
	v50 =	vor.u32 $0x80, v16;
	v10 =	vld.idx.msk [tilespmem:v10+s3+$0x0], $0xffff  }
0x486: {  	v17 =	vmul.f32 v52, v48;
	v20 =	vcvt.s32.f32 v20;
	v56 =	vor.u32 $0x100, v16;
	v25 =	vld.idx.msk [tilespmem:v59+s3+$0x0], $0xffff  }
0x487: {  	v19 =	vcvt.s32.f32 v19;
	v63 =	vor.u32 $0x180, v16;
	v36 =	vld.idx.msk [tilespmem:v18+s11+$0x0], $0xffff  }
0x488: {  	v14 =	vsub.f32 v14, v17;
	v61 =	vadd.f32 v20, v20;
	v8 =	vmul.f32 v45, v8;
	v54 =	vld.idx.msk [tilespmem:v16+s10+$0x0], $0xffff  }
0x489: {  	v11 =	vor.u32 v3, v11;
	v37 =	vadd.f32 v19, v19  }
0x48a: {  	v8 =	vmul.f32 v14, v8;
	v58 =	vld.idx.msk [tilespmem:v50+s10+$0x0], $0xffff;
	v20 =	vadd.f32 v20, v10;
	v10 =	vmul.f32 v61, v10  }
0x48b: {  	v24 =	vld.idx.msk [tilespmem:v56+s10+$0x0], $0xffff;
	v19 =	vadd.f32 v19, v25;
	v41 =	vmul.f32 v37, v25;
	v61 =	vshll.u32 v23, $0xA  }
0x48c: {  	v27 =	vld.idx.msk [tilespmem:v63+s10+$0x0], $0xffff;
	v42 =	vshll.u32 v36, $0x3;
	v44 =	vand.u32 $0x7F, v36;
	v10 =	vsub.f32 v20, v10  }
0x48d: {  	v25 =	vand.u32 $0xFFFFFC00, v42;
	v51 =	vsub.f32 v19, v41;
	v60 =	vshll.u32 v54, $0x3  }
0x48e: {  	v62 =	vand.u32 $0x7F, v54;
	v22 =	vshra.s32 v54, $0xA;
	v54 =	vor.u32 $0x200, v16  }
0x48f: {  	v17 =	vand.u32 $0x1C00, v60;
	v33 =	vshll.u32 v58, $0x3;
	v34 =	vand.u32 $0x7F, v58  }
0x490: {  	v38 =	vshll.u32 v24, $0x3;
	v39 =	vand.u32 $0x7F, v24;
	v43 =	vcvt.s32.f32 v22  }
0x491: {  	v21 =	vshra.s32 v58, $0xA;
	v45 =	vshll.u32 v27, $0x3;
	v22 =	vor.u32 v44, v25  }
0x492: {  	v46 =	vand.u32 $0x7F, v27;
	v24 =	vshra.s32 v24, $0xA;
	v8 =	vmul.f32 v10, v8  }
0x493: {  	v56 =	vshra.s32 v27, $0xA;
	v10 =	vand.u32 $0x6000, v61;
	v17 =	vor.u32 v17, v62  }
0x494: {  	v28 =	vand.u32 $0x1C00, v33;
	v30 =	vand.u32 $0x1C00, v38;
	v50 =	vor.u32 $0x80, v22  }
0x495: {  	v21 =	vcvt.s32.f32 v21;
	v24 =	vcvt.s32.f32 v24;
	v17 =	vor.u32 v6, v17  }
0x496: {  	v55 =	vor.u32 $0x100, v22;
	v35 =	vor.u32 v28, v34;
	v17 =	vor.u32 v5, v17  }
0x497: {  	v57 =	vcvt.s32.f32 v56;
	v40 =	vor.u32 v30, v39;
	v26 =	vor.u32 v6, v35;
	v63 =	vld.idx.msk [tilespmem:v54+s10+$0x0], $0xffff  }
0x498: {  	v28 =	vand.u32 $0x1C00, v45;
	v14 =	vor.u32 v6, v40;
	v26 =	vor.u32 v5, v26;
	v49 =	vld.idx.msk [tilespmem:v22+s10+$0x0], $0xffff  }
0x499: {  	v29 =	vadd.f32 v43, v43;
	v34 =	vor.u32 $0x180, v22;
	v14 =	vor.u32 v5, v14;
	v59 =	vld.idx.msk [tilespmem:v50+s10+$0x0], $0xffff  }
0x49a: {  	v45 =	vor.u32 $0x280, v16;
	v25 =	vor.u32 v28, v46;
	v48 =	vadd.f32 v21, v21  }
0x49b: {  	v52 =	vadd.f32 v24, v24;
	v62 =	vadd.f32 v57, v57;
	v25 =	vor.u32 v6, v25;
	v17 =	vld.idx.msk [tilespmem:v17+s3+$0x0], $0xffff  }
0x49c: {  	v40 =	vor.u32 $0x200, v22;
	v25 =	vor.u32 v5, v25;
	v50 =	vor.u32 $0x300, v22  }
0x49d: {  	v26 =	vld.idx.msk [tilespmem:v26+s3+$0x0], $0xffff;
	v41 =	vshra.s32 v63, $0xA;
	v44 =	vand.u32 $0x7F, v63;
	v58 =	vshll.u32 v49, $0x3  }
0x49e: {  	v14 =	vld.idx.msk [tilespmem:v14+s3+$0x0], $0xffff;
	v60 =	vand.u32 $0x7F, v49;
	v28 =	vshra.s32 v49, $0xA;
	v38 =	vshll.u32 v59, $0x3  }
0x49f: {  	v39 =	vand.u32 $0x7F, v59;
	v28 =	vcvt.s32.f32 v28;
	v27 =	vshra.s32 v59, $0xA  }
0x4a0: {  	v30 =	vld.idx.msk [tilespmem:v34+s10+$0x0], $0xffff;
	v23 =	vand.u32 $0x1C00, v38;
	v27 =	vcvt.s32.f32 v27;
	v47 =	vadd.f32 v43, v17  }
0x4a1: {  	v25 =	vld.idx.msk [tilespmem:v25+s3+$0x0], $0xffff;
	v17 =	vmul.f32 v29, v17;
	v23 =	vor.u32 v23, v39;
	v29 =	vshll.u32 v63, $0x3  }
0x4a2: {  	v34 =	vadd.f32 v28, v28;
	v21 =	vadd.f32 v21, v26;
	v26 =	vmul.f32 v48, v26  }
0x4a3: {  	v24 =	vadd.f32 v24, v14;
	v19 =	vmul.f32 v52, v14;
	v14 =	vmul.f32 v51, v8  }
0x4a4: {  	v8 =	vand.u32 $0x1C00, v58;
	v23 =	vor.u32 v10, v23;
	v46 =	vadd.f32 v27, v27  }
0x4a5: {  	v48 =	vor.u32 $0x280, v22;
	v29 =	vand.u32 $0x1C00, v29;
	v52 =	vshra.s32 v30, $0xA  }
0x4a6: {  	v17 =	vsub.f32 v47, v17;
	v36 =	vadd.f32 v57, v25;
	v37 =	vmul.f32 v62, v25  }
0x4a7: {  	v29 =	vor.u32 v29, v44;
	v54 =	vcvt.s32.f32 v52;
	v53 =	vsub.f32 v21, v26  }
0x4a8: {  	v25 =	vld.idx.msk [tilespmem:v40+s10+$0x0], $0xffff;
	v19 =	vsub.f32 v24, v19;
	v21 =	vcvt.s32.f32 v41;
	v29 =	vor.u32 v6, v29  }
0x4a9: {  	v26 =	vld.idx.msk [tilespmem:v55+s10+$0x0], $0xffff;
	v55 =	vor.u32 $0x380, v22;
	v29 =	vor.u32 v5, v29;
	v59 =	vadd.f32 v54, v54  }
0x4aa: {  	v20 =	vmul.f32 v53, v17;
	v17 =	vor.u32 v8, v60;
	v8 =	vand.u32 $0x300, v12  }
0x4ab: {  	v60 =	vadd.s32 $0x2000, v22;
	v22 =	vadd.s32 $0x2080, v22;
	v33 =	vor.u32 v10, v17  }
0x4ac: {  	v17 =	vor.u32 $0x380, v13;
	v23 =	vor.u32 v8, v23;
	v19 =	vmul.f32 v19, v20  }
0x4ad: {  	v53 =	vld.idx.msk [tilespmem:v48+s10+$0x0], $0xffff;
	v35 =	vor.u32 v8, v33;
	v20 =	vsub.f32 v36, v37;
	v36 =	vand.u32 $0x7F, v30  }
0x4ae: {  	v47 =	vshll.u32 v25, $0x3;
	v37 =	vand.u32 $0x7F, v25;
	v42 =	vshll.u32 v26, $0x3  }
0x4af: {  	v25 =	vshra.s32 v25, $0xA;
	v43 =	vand.u32 $0x7F, v26;
	v24 =	vand.u32 $0x1C00, v42  }
0x4b0: {  	v26 =	vshra.s32 v26, $0xA;
	v25 =	vcvt.s32.f32 v25;
	v24 =	vor.u32 v24, v43;
	v22 =	vld.idx.msk [tilespmem:v22+s10+$0x0], $0xffff  }
0x4b1: {  	v26 =	vcvt.s32.f32 v26;
	v19 =	vmul.f32 v20, v19;
	v24 =	vor.u32 v10, v24;
	v23 =	vld.idx.msk [tilespmem:v23+s3+$0x0], $0xffff  }
0x4b2: {  	v61 =	vshll.u32 v53, $0x3;
	v31 =	vld.idx.msk [tilespmem:v35+s3+$0x0], $0xffff;
	v24 =	vor.u32 v8, v24;
	v35 =	vshll.u32 v30, $0x3  }
0x4b3: {  	v49 =	vadd.f32 v26, v26;
	v32 =	vand.u32 $0x1C00, v61;
	v35 =	vand.u32 $0x1C00, v35  }
0x4b4: {  	v30 =	vshra.s32 v53, $0xA;
	v35 =	vor.u32 v35, v36;
	v36 =	vand.u32 $0x1C00, v47  }
0x4b5: {  	v30 =	vcvt.s32.f32 v30;
	v35 =	vor.u32 v10, v35;
	v36 =	vor.u32 v36, v37  }
0x4b6: {  	v37 =	vand.u32 $0x7F, v53;
	v48 =	vshll.u32 v22, $0x3;
	v39 =	vand.u32 $0x7F, v22  }
0x4b7: {  	v22 =	vshra.s32 v22, $0xA;
	v35 =	vor.u32 v8, v35;
	v27 =	vadd.f32 v27, v23;
	v24 =	vld.idx.msk [tilespmem:v24+s3+$0x0], $0xffff  }
0x4b8: {  	v28 =	vadd.f32 v28, v31;
	v31 =	vmul.f32 v34, v31;
	v34 =	vmul.f32 v46, v23;
	v23 =	vld.idx.msk [tilespmem:v45+s10+$0x0], $0xffff  }
0x4b9: {  	v36 =	vor.u32 v10, v36;
	v32 =	vor.u32 v32, v37;
	v22 =	vcvt.s32.f32 v22  }
0x4ba: {  	v32 =	vor.u32 v10, v32;
	v28 =	vsub.f32 v28, v31;
	v27 =	vsub.f32 v27, v34;
	v31 =	vld.idx.msk [tilespmem:v50+s10+$0x0], $0xffff  }
0x4bb: {  	v36 =	vor.u32 v8, v36;
	v45 =	vadd.f32 v30, v30;
	v32 =	vor.u32 v8, v32  }
0x4bc: {  	v27 =	vmul.f32 v27, v28;
	v26 =	vadd.f32 v26, v24;
	v24 =	vmul.f32 v49, v24  }
0x4bd: {  	v51 =	vld.idx.msk [tilespmem:v35+s3+$0x0], $0xffff;
	v56 =	vand.u32 $0x7F, v23;
	v57 =	vshll.u32 v23, $0x3;
	v23 =	vshra.s32 v23, $0xA  }
0x4be: {  	v28 =	vld.idx.msk [tilespmem:v55+s10+$0x0], $0xffff;
	v34 =	vand.u32 $0x1C00, v57;
	v23 =	vcvt.s32.f32 v23;
	v24 =	vsub.f32 v26, v24  }
0x4bf: {  	v63 =	vshll.u32 v31, $0x3;
	v38 =	vand.u32 $0x7F, v31;
	v31 =	vshra.s32 v31, $0xA  }
0x4c0: {  	v58 =	vld.idx.msk [tilespmem:v36+s3+$0x0], $0xffff;
	v33 =	vor.u32 v34, v56;
	v37 =	vand.u32 $0x1C00, v63;
	v31 =	vcvt.s32.f32 v31  }
0x4c1: {  	v36 =	vld.idx.msk [tilespmem:v60+s10+$0x0], $0xffff;
	v61 =	vor.u32 v6, v33;
	v63 =	vor.u32 $0x380, v16;
	v24 =	vmul.f32 v24, v27  }
0x4c2: {  	v26 =	vadd.f32 v54, v51;
	v27 =	vmul.f32 v59, v51;
	v40 =	vor.u32 v37, v38  }
0x4c3: {  	v41 =	vshll.u32 v28, $0x3;
	v42 =	vand.u32 $0x7F, v28;
	v38 =	vand.u32 $0x1C00, v48  }
0x4c4: {  	v28 =	vshra.s32 v28, $0xA;
	v54 =	vor.u32 $0x300, v16;
	v48 =	vadd.s32 $0x2080, v16  }
0x4c5: {  	v62 =	vadd.f32 v25, v58;
	v35 =	vor.u32 v10, v40;
	v37 =	vand.u32 $0x1C00, v41  }
0x4c6: {  	v46 =	vshll.u32 v36, $0x3;
	v47 =	vand.u32 $0x7F, v36;
	v26 =	vsub.f32 v26, v27  }
0x4c7: {  	v35 =	vor.u32 v8, v35;
	v43 =	vor.u32 v37, v42;
	v37 =	vand.u32 $0x1C00, v46  }
0x4c8: {  	v44 =	vld.idx.msk [tilespmem:v32+s3+$0x0], $0xffff;
	v37 =	vor.u32 v37, v47;
	v24 =	vmul.f32 v26, v24;
	v26 =	vor.u32 v10, v43  }
0x4c9: {  	v29 =	vld.idx.msk [tilespmem:v29+s3+$0x0], $0xffff;
	v25 =	vadd.f32 v25, v25;
	v37 =	vor.u32 v10, v37;
	v26 =	vor.u32 v8, v26  }
0x4ca: {  	v38 =	vor.u32 v38, v39;
	v50 =	vadd.f32 v31, v31;
	v37 =	vor.u32 v8, v37  }
0x4cb: {  	v51 =	vcvt.s32.f32 v28;
	v56 =	vshra.s32 v36, $0xA;
	v49 =	vor.u32 v10, v38  }
0x4cc: {  	v39 =	vadd.f32 v22, v22;
	v25 =	vmul.f32 v25, v58;
	v32 =	vor.u32 v8, v49;
	v35 =	vld.idx.msk [tilespmem:v35+s3+$0x0], $0xffff  }
0x4cd: {  	v40 =	vadd.f32 v21, v21;
	v30 =	vadd.f32 v30, v44;
	v27 =	vmul.f32 v45, v44;
	v44 =	vld.idx.msk [tilespmem:v63+s10+$0x0], $0xffff  }
0x4ce: {  	v21 =	vadd.f32 v21, v29;
	v59 =	vcvt.s32.f32 v56;
	v25 =	vsub.f32 v62, v25;
	v26 =	vld.idx.msk [tilespmem:v26+s3+$0x0], $0xffff  }
0x4cf: {  	v56 =	vadd.f32 v23, v23;
	v55 =	vadd.f32 v51, v51;
	v42 =	vmul.f32 v40, v29;
	v57 =	vld.idx.msk [tilespmem:v37+s3+$0x0], $0xffff  }
0x4d0: {  	v27 =	vsub.f32 v30, v27;
	v43 =	vadd.s32 $0x2000, v16;
	v24 =	vmul.f32 v25, v24  }
0x4d1: {  	v60 =	vld.idx.msk [tilespmem:v32+s3+$0x0], $0xffff;
	v32 =	vor.u32 v5, v61;
	v52 =	vadd.f32 v31, v35;
	v53 =	vmul.f32 v50, v35  }
0x4d2: {  	v62 =	vadd.f32 v59, v59;
	v46 =	vsub.f32 v21, v42;
	v24 =	vmul.f32 v27, v24  }
0x4d3: {  	v27 =	vld.idx.msk [tilespmem:v48+s10+$0x0], $0xffff;
	v58 =	vsub.f32 v52, v53;
	v25 =	vadd.f32 v51, v26;
	v26 =	vmul.f32 v55, v26  }
0x4d4: {  	v20 =	vmul.f32 v46, v19;
	v29 =	vshra.s32 v44, $0xA;
	v37 =	vadd.f32 v59, v57  }
0x4d5: {  	v31 =	vld.idx.msk [tilespmem:v54+s10+$0x0], $0xffff;
	v38 =	vmul.f32 v62, v57;
	v24 =	vmul.f32 v58, v24;
	v25 =	vsub.f32 v25, v26  }
0x4d6: {  	v40 =	vcvt.s32.f32 v29;
	v22 =	vadd.f32 v22, v60;
	v41 =	vmul.f32 v39, v60;
	v49 =	vld.idx.msk [tilespmem:v32+s3+$0x0], $0xffff  }
0x4d7: {  	v53 =	vshll.u32 v44, $0x3;
	v26 =	vld.idx.msk [tilespmem:v17+s10+$0x0], $0xffff;
	v17 =	vsub.f32 v37, v38;
	v24 =	vmul.f32 v25, v24  }
0x4d8: {  	v36 =	vshll.u32 v27, $0x3;
	v22 =	vsub.f32 v22, v41;
	v51 =	vld.idx.msk [tilespmem:v43+s10+$0x0], $0xffff;
	v55 =	vand.u32 $0x7F, v44  }
0x4d9: {  	v39 =	vand.u32 $0x1C00, v36;
	v24 =	vmul.f32 v17, v24;
	v17 =	vor.u32 v1, v12  }
0x4da: {  	v44 =	vadd.f32 v40, v40;
	v47 =	vshll.u32 v31, $0x3;
	v50 =	vand.u32 $0x7F, v31  }
0x4db: {  	v52 =	vshra.s32 v31, $0xA;
	v21 =	vand.u32 $0x1C00, v47;
	v22 =	vmul.f32 v22, v24  }
0x4dc: {  	v38 =	vand.u32 $0x7F, v27;
	v23 =	vadd.f32 v23, v49;
	v21 =	vor.u32 v21, v50  }
0x4dd: {  	v21 =	vor.u32 v6, v21;
	v61 =	vand.u32 $0x7F, v51;
	v62 =	vshll.u32 v51, $0x3;
	[tilespmem:v18+s14+$0x0] =	vst.idx.msk $0xffff, v22  }
0x4de: {  	v21 =	vor.u32 v5, v21;
	v31 =	vand.u32 $0x1C00, v62;
	v22 =	vand.u32 $0x1C00, v53;
	v54 =	vld.idx.msk [tilespmem:v17+s11+$0x0], $0xffff  }
0x4df: {  	v58 =	vmul.f32 v56, v49;
	v31 =	vor.u32 v31, v61;
	v22 =	vor.u32 v22, v55  }
0x4e0: {  	v37 =	vor.u32 v6, v31;
	v31 =	vor.u32 v39, v38;
	v57 =	vor.u32 v6, v22  }
0x4e1: {  	v45 =	vshra.s32 v26, $0xA;
	v41 =	vor.u32 v6, v31;
	v60 =	vor.u32 v5, v57  }
0x4e2: {  	v43 =	vand.u32 $0x7F, v26;
	v26 =	vshll.u32 v26, $0x3;
	v42 =	vor.u32 v5, v41  }
0x4e3: {  	v49 =	vshra.s32 v51, $0xA;
	v26 =	vand.u32 $0x1C00, v26;
	v21 =	vld.idx.msk [tilespmem:v21+s3+$0x0], $0xffff;
	v63 =	vshll.u32 v54, $0x3  }
0x4e4: {  	v18 =	vcvt.s32.f32 v52;
	v28 =	vand.u32 $0x7F, v54;
	v32 =	vand.u32 $0xFFFFFC00, v63  }
0x4e5: {  	v16 =	vcvt.s32.f32 v45;
	v26 =	vor.u32 v26, v43;
	v19 =	vor.u32 v28, v32  }
0x4e6: {  	v55 =	vshra.s32 v27, $0xA;
	v59 =	vadd.f32 v18, v18;
	v30 =	vld.idx.msk [tilespmem:v60+s3+$0x0], $0xffff;
	v28 =	vor.u32 v5, v37  }
0x4e7: {  	v22 =	vsub.f32 v23, v58;
	v24 =	vcvt.s32.f32 v55;
	v53 =	vld.idx.msk [tilespmem:v42+s3+$0x0], $0xffff;
	v46 =	vor.u32 $0x80, v19  }
0x4e8: {  	v18 =	vadd.f32 v18, v21;
	v21 =	vmul.f32 v59, v21;
	v51 =	vor.u32 $0x100, v19  }
0x4e9: {  	v26 =	vor.u32 v9, v26;
	v20 =	vmul.f32 v22, v20;
	v61 =	vor.u32 $0x180, v19  }
0x4ea: {  	v18 =	vsub.f32 v18, v21;
	v60 =	vadd.f32 v24, v24;
	v35 =	vor.u32 $0x200, v19;
	v45 =	vld.idx.msk [tilespmem:v19+s10+$0x0], $0xffff  }
0x4eb: {  	v55 =	vor.u32 $0x280, v19;
	v47 =	vadd.f32 v40, v30;
	v48 =	vmul.f32 v44, v30;
	v50 =	vld.idx.msk [tilespmem:v28+s3+$0x0], $0xffff  }
0x4ec: {  	v23 =	vcvt.s32.f32 v49;
	v31 =	vadd.f32 v24, v53;
	v21 =	vmul.f32 v60, v53;
	v57 =	vld.idx.msk [tilespmem:v46+s10+$0x0], $0xffff  }
0x4ed: {  	v26 =	vor.u32 v7, v26;
	v18 =	vmul.f32 v18, v20;
	v28 =	vld.idx.msk [tilespmem:v51+s10+$0x0], $0xffff;
	v52 =	vsub.f32 v47, v48  }
0x4ee: {  	v54 =	vadd.f32 v23, v23;
	v21 =	vsub.f32 v31, v21;
	v40 =	vadd.s32 $0x2000, v13;
	v38 =	vld.idx.msk [tilespmem:v61+s10+$0x0], $0xffff  }
0x4ef: {  	v13 =	vadd.s32 $0x2080, v13;
	v43 =	vld.idx.msk [tilespmem:v35+s10+$0x0], $0xffff;
	v18 =	vmul.f32 v52, v18;
	v56 =	vshll.u32 v45, $0x3  }
0x4f0: {  	v61 =	vld.idx.msk [tilespmem:v55+s10+$0x0], $0xffff;
	v58 =	vand.u32 $0x7F, v45;
	v23 =	vadd.f32 v23, v50;
	v22 =	vmul.f32 v54, v50  }
0x4f1: {  	v41 =	vshra.s32 v45, $0xA;
	v27 =	vand.u32 $0x1C00, v56;
	v33 =	vshll.u32 v57, $0x3  }
0x4f2: {  	v34 =	vand.u32 $0x7F, v57;
	v37 =	vshll.u32 v28, $0x3;
	v39 =	vand.u32 $0x7F, v28  }
0x4f3: {  	v42 =	vcvt.s32.f32 v41;
	v44 =	vshra.s32 v57, $0xA;
	v46 =	vshll.u32 v38, $0x3  }
0x4f4: {  	v48 =	vand.u32 $0x7F, v38;
	v28 =	vshra.s32 v28, $0xA;
	v51 =	vshll.u32 v43, $0x3  }
0x4f5: {  	v52 =	vand.u32 $0x7F, v43;
	v60 =	vshra.s32 v38, $0xA;
	v41 =	vand.u32 $0x7F, v61  }
0x4f6: {  	v59 =	vor.u32 v27, v58;
	v62 =	vsub.f32 v23, v22;
	v24 =	vand.u32 $0x1C00, v33  }
0x4f7: {  	v23 =	vand.u32 $0x1C00, v37;
	v27 =	vcvt.s32.f32 v44;
	v31 =	vand.u32 $0x1C00, v46  }
0x4f8: {  	v25 =	vor.u32 v10, v59;
	v23 =	vor.u32 v23, v39;
	v39 =	vadd.s32 $0x2000, v19  }
0x4f9: {  	v53 =	vcvt.s32.f32 v28;
	v58 =	vor.u32 $0x300, v19;
	v63 =	vor.u32 v8, v25  }
0x4fa: {  	v36 =	vor.u32 v24, v34;
	v45 =	vadd.f32 v42, v42;
	v18 =	vmul.f32 v62, v18  }
0x4fb: {  	v20 =	vor.u32 v10, v36;
	v62 =	vor.u32 $0x380, v19;
	v19 =	vadd.s32 $0x2080, v19  }
0x4fc: {  	v23 =	vor.u32 v10, v23;
	v20 =	vor.u32 v8, v20;
	v21 =	vmul.f32 v21, v18;
	v18 =	vld.idx.msk [tilespmem:v40+s10+$0x0], $0xffff  }
0x4fd: {  	v31 =	vor.u32 v31, v48;
	v24 =	vshra.s32 v61, $0xA;
	v23 =	vor.u32 v8, v23;
	v33 =	vld.idx.msk [tilespmem:v39+s10+$0x0], $0xffff  }
0x4fe: {  	v49 =	vadd.f32 v27, v27;
	v50 =	vor.u32 v10, v31;
	[tilespmem:v15+s14+$0x0] =	vst.idx.msk $0xffff, v21;
	v22 =	vld.idx.msk [tilespmem:v63+s3+$0x0], $0xffff  }
0x4ff: {  	v31 =	vand.u32 $0x1C00, v51;
	v57 =	vadd.f32 v53, v53;
	v25 =	vshra.s32 v43, $0xA;
	v56 =	vld.idx.msk [tilespmem:v11+s11+$0x0], $0xffff  }
0x500: {  	s31 =	sadd.s32 $0x3, s18;
	v24 =	vcvt.s32.f32 v24;
	v30 =	vor.u32 v8, v50;
	v54 =	vor.u32 v31, v52;
	v19 =	vld.idx.msk [tilespmem:v19+s10+$0x0], $0xffff  }
0x501: {  	v25 =	vcvt.s32.f32 v25;
	v31 =	vmov s31;
	v21 =	vor.u32 v10, v54;
	v20 =	vld.idx.msk [tilespmem:v20+s3+$0x0], $0xffff  }
0x502: {  	v40 =	vshll.u32 v61, $0x3;
	v21 =	vor.u32 v8, v21;
	v23 =	vld.idx.msk [tilespmem:v23+s3+$0x0], $0xffff;
	v59 =	vshll.u32 v18, $0x3  }
0x503: {  	v50 =	vadd.f32 v24, v24;
	v32 =	vand.u32 $0x7F, v18;
	v28 =	vand.u32 $0x1C00, v59  }
0x504: {  	v51 =	vshll.u32 v33, $0x3;
	v52 =	vand.u32 $0x7F, v33;
	v28 =	vor.u32 v28, v32  }
0x505: {  	v47 =	vadd.f32 v42, v22;
	v22 =	vmul.f32 v45, v22;
	v63 =	vand.u32 $0x7F, v56  }
0x506: {  	v29 =	vshll.u32 v56, $0x3;
	v54 =	vand.u32 $0x7F, v19;
	v28 =	vor.u32 v9, v28  }
0x507: {  	v21 =	vld.idx.msk [tilespmem:v21+s3+$0x0], $0xffff;
	v27 =	vadd.f32 v27, v20;
	v20 =	vmul.f32 v49, v20;
	v15 =	vadd.f32 v53, v23  }
0x508: {  	v30 =	vld.idx.msk [tilespmem:v30+s3+$0x0], $0xffff;
	v23 =	vmul.f32 v57, v23;
	v29 =	vand.u32 $0xFFFFFC00, v29;
	v53 =	vshll.u32 v19, $0x3  }
0x509: {  	v19 =	vshra.s32 v19, $0xA;
	v22 =	vsub.f32 v47, v22;
	v20 =	vsub.f32 v27, v20;
	v27 =	vld.idx.msk [tilespmem:v58+s10+$0x0], $0xffff  }
0x50a: {  	v35 =	vand.u32 $0x1C00, v53;
	v19 =	vcvt.s32.f32 v19;
	v15 =	vsub.f32 v15, v23;
	v23 =	vld.idx.msk [tilespmem:v62+s10+$0x0], $0xffff  }
0x50b: {  	v35 =	vor.u32 v35, v54;
	v20 =	vmul.f32 v20, v22;
	v22 =	vcvt.s32.f32 v60  }
0x50c: {  	v55 =	vor.u32 v10, v35;
	v42 =	vadd.f32 v25, v21;
	v25 =	vadd.f32 v25, v25  }
0x50d: {  	v15 =	vmul.f32 v15, v20;
	v38 =	vadd.f32 v22, v22;
	v22 =	vadd.f32 v22, v30  }
0x50e: {  	v21 =	vmul.f32 v25, v21;
	v43 =	vshll.u32 v27, $0x3;
	v44 =	vand.u32 $0x7F, v27  }
0x50f: {  	v46 =	vshll.u32 v23, $0x3;
	v20 =	vmul.f32 v38, v30;
	v30 =	vand.u32 $0x1C00, v40  }
0x510: {  	v47 =	vand.u32 $0x7F, v23;
	v34 =	vand.u32 $0x1C00, v43;
	v30 =	vor.u32 v30, v41  }
0x511: {  	v45 =	vor.u32 v34, v44;
	v34 =	vand.u32 $0x1C00, v46;
	v30 =	vor.u32 v10, v30  }
0x512: {  	v20 =	vsub.f32 v22, v20;
	v25 =	vor.u32 v10, v45;
	v30 =	vor.u32 v8, v30  }
0x513: {  	v26 =	vld.idx.msk [tilespmem:v26+s3+$0x0], $0xffff;
	v48 =	vor.u32 v34, v47;
	v34 =	vand.u32 $0x1C00, v51;
	v25 =	vor.u32 v8, v25  }
0x514: {  	v34 =	vor.u32 v34, v52;
	v20 =	vmul.f32 v20, v15;
	v15 =	vor.u32 v10, v48  }
0x515: {  	v27 =	vshra.s32 v27, $0xA;
	v34 =	vor.u32 v10, v34;
	v15 =	vor.u32 v8, v15  }
0x516: {  	v23 =	vshra.s32 v23, $0xA;
	v21 =	vsub.f32 v42, v21;
	v34 =	vor.u32 v8, v34  }
0x517: {  	v27 =	vcvt.s32.f32 v27;
	v42 =	vadd.f32 v19, v19;
	v49 =	vld.idx.msk [tilespmem:v30+s3+$0x0], $0xffff;
	v30 =	vor.u32 v8, v55  }
0x518: {  	v58 =	vcvt.s32.f32 v23;
	v43 =	vadd.f32 v16, v16;
	v46 =	vadd.f32 v16, v26;
	v25 =	vld.idx.msk [tilespmem:v25+s3+$0x0], $0xffff  }
0x519: {  	v16 =	vor.u32 v2, v12;
	v12 =	vor.u32 v3, v12;
	v56 =	vadd.f32 v27, v27  }
0x51a: {  	v62 =	vadd.f32 v58, v58;
	v57 =	vld.idx.msk [tilespmem:v15+s3+$0x0], $0xffff;
	v15 =	vor.u32 v63, v29;
	v63 =	vshra.s32 v33, $0xA  }
0x51b: {  	v26 =	vmul.f32 v43, v26;
	v33 =	vld.idx.msk [tilespmem:v34+s3+$0x0], $0xffff;
	v61 =	vor.u32 $0x80, v15;
	v35 =	vcvt.s32.f32 v63  }
0x51c: {  	v39 =	vor.u32 $0x100, v15;
	v24 =	vadd.f32 v24, v49;
	v22 =	vmul.f32 v50, v49;
	v38 =	vld.idx.msk [tilespmem:v30+s3+$0x0], $0xffff  }
0x51d: {  	v47 =	vor.u32 v7, v28;
	v59 =	vadd.f32 v27, v25;
	v60 =	vmul.f32 v56, v25  }
0x51e: {  	v20 =	vmul.f32 v21, v20;
	v29 =	vadd.f32 v35, v35;
	v22 =	vsub.f32 v24, v22  }
0x51f: {  	v36 =	vor.u32 $0x180, v15;
	v34 =	vsub.f32 v59, v60;
	v21 =	vadd.f32 v58, v57;
	v40 =	vld.idx.msk [tilespmem:v15+s10+$0x0], $0xffff  }
0x520: {  	v37 =	vmul.f32 v62, v57;
	v23 =	vadd.f32 v35, v33;
	v44 =	vld.idx.msk [tilespmem:v61+s10+$0x0], $0xffff;
	v20 =	vmul.f32 v22, v20  }
0x521: {  	v41 =	vmul.f32 v29, v33;
	v48 =	vld.idx.msk [tilespmem:v39+s10+$0x0], $0xffff;
	v19 =	vadd.f32 v19, v38;
	v45 =	vmul.f32 v42, v38  }
0x522: {  	v49 =	vsub.f32 v46, v26;
	v21 =	vsub.f32 v21, v37;
	v20 =	vmul.f32 v34, v20  }
0x523: {  	v52 =	vshra.s32 v18, $0xA;
	v23 =	vsub.f32 v23, v41;
	v19 =	vsub.f32 v19, v45  }
0x524: {  	v50 =	vshll.u32 v40, $0x3;
	v51 =	vand.u32 $0x7F, v40;
	v20 =	vmul.f32 v21, v20  }
0x525: {  	v22 =	vshra.s32 v40, $0xA;
	v24 =	vand.u32 $0x1C00, v50;
	v54 =	vshll.u32 v44, $0x3  }
0x526: {  	v27 =	vld.idx.msk [tilespmem:v36+s10+$0x0], $0xffff;
	v56 =	vand.u32 $0x7F, v44;
	v59 =	vshll.u32 v48, $0x3;
	v20 =	vmul.f32 v23, v20  }
0x527: {  	v62 =	vand.u32 $0x7F, v48;
	v53 =	vor.u32 v24, v51;
	v24 =	vand.u32 $0x1C00, v54  }
0x528: {  	v18 =	vor.u32 v6, v53;
	v58 =	vor.u32 v24, v56;
	v19 =	vmul.f32 v19, v20  }
0x529: {  	v55 =	vld.idx.msk [tilespmem:v47+s3+$0x0], $0xffff;
	v21 =	vshra.s32 v44, $0xA;
	v57 =	vor.u32 v5, v18;
	v61 =	vor.u32 v6, v58  }
0x52a: {  	v22 =	vcvt.s32.f32 v22;
	v24 =	vand.u32 $0x1C00, v59;
	v18 =	vld.idx.msk [tilespmem:v13+s10+$0x0], $0xffff;
	v13 =	vor.u32 v5, v61;
	[tilespmem:v17+s14+$0x0] =	vst.idx.msk $0xffff, v19  }
0x52b: {  	v28 =	vshra.s32 v48, $0xA;
	v48 =	vshll.u32 v27, $0x3;
	v19 =	vor.u32 v24, v62;
	v60 =	vld.idx.msk [tilespmem:v16+s11+$0x0], $0xffff  }
0x52c: {  	v21 =	vcvt.s32.f32 v21;
	v28 =	vcvt.s32.f32 v28;
	v19 =	vor.u32 v6, v19  }
0x52d: {  	v50 =	vand.u32 $0x1C00, v48;
	v23 =	vmul.f32 v49, v14;
	v19 =	vor.u32 v5, v19  }
0x52e: {  	v40 =	vadd.f32 v22, v22;
	v49 =	vand.u32 $0x7F, v27;
	v20 =	vcvt.s32.f32 v52;
	v17 =	vld.idx.msk [tilespmem:v57+s3+$0x0], $0xffff  }
0x52f: {  	v14 =	vshll.u32 v31, $0x7;
	v41 =	vadd.f32 v21, v21;
	v45 =	vadd.f32 v28, v28;
	v13 =	vld.idx.msk [tilespmem:v13+s3+$0x0], $0xffff  }
0x530: {  	v63 =	vadd.f32 v20, v55;
	v35 =	vadd.f32 v20, v20;
	v37 =	vshll.u32 v60, $0x3  }
0x531: {  	v38 =	vshll.u32 v18, $0x3;
	v26 =	vand.u32 $0x7F, v60;
	v20 =	vand.u32 $0xFFFFFC00, v37  }
0x532: {  	v24 =	vmul.f32 v35, v55;
	v39 =	vand.u32 $0x7F, v18;
	v19 =	vld.idx.msk [tilespmem:v19+s3+$0x0], $0xffff;
	v20 =	vor.u32 v26, v20  }
0x533: {  	v22 =	vadd.f32 v22, v17;
	v17 =	vmul.f32 v40, v17;
	v26 =	vor.u32 $0x80, v20  }
0x534: {  	v21 =	vadd.f32 v21, v13;
	v13 =	vmul.f32 v41, v13;
	v42 =	vor.u32 $0x100, v20  }
0x535: {  	v18 =	vshra.s32 v18, $0xA;
	v46 =	vsub.f32 v22, v17;
	v22 =	vor.u32 v0, v14  }
0x536: {  	v29 =	vand.u32 $0x1C00, v38;
	v38 =	vshra.s32 v27, $0xA;
	v13 =	vsub.f32 v21, v13  }
0x537: {  	v21 =	vor.u32 v50, v49;
	v47 =	vadd.f32 v28, v19;
	v19 =	vmul.f32 v45, v19;
	v43 =	vld.idx.msk [tilespmem:v20+s10+$0x0], $0xffff  }
0x538: {  	v24 =	vsub.f32 v63, v24;
	v44 =	vor.u32 v29, v39;
	v61 =	vor.u32 v6, v21;
	v26 =	vld.idx.msk [tilespmem:v26+s10+$0x0], $0xffff  }
0x539: {  	v13 =	vmul.f32 v13, v46;
	v36 =	vor.u32 v5, v61;
	v51 =	vld.idx.msk [tilespmem:v42+s10+$0x0], $0xffff;
	v19 =	vsub.f32 v47, v19  }
0x53a: {  	v39 =	vor.u32 $0x200, v15;
	v29 =	vor.u32 v9, v44;
	v9 =	vmul.f32 v24, v23;
	v63 =	vld.idx.msk [tilespmem:v22+s11+$0x0], $0xffff  }
0x53b: {  	v17 =	vor.u32 v7, v29;
	v13 =	vmul.f32 v19, v13;
	v19 =	vcvt.s32.f32 v38  }
0x53c: {  	v52 =	vand.u32 $0x7F, v43;
	v53 =	vshll.u32 v43, $0x3;
	v41 =	vshra.s32 v43, $0xA  }
0x53d: {  	v50 =	vadd.f32 v19, v19;
	v54 =	vand.u32 $0x1C00, v53;
	v55 =	vshll.u32 v26, $0x3  }
0x53e: {  	v45 =	vld.idx.msk [tilespmem:v36+s3+$0x0], $0xffff;
	v56 =	vand.u32 $0x7F, v26;
	v59 =	vshll.u32 v51, $0x3;
	v60 =	vand.u32 $0x7F, v51  }
0x53f: {  	v44 =	vshll.u32 v63, $0x3;
	v47 =	vand.u32 $0x7F, v63;
	v32 =	vor.u32 v54, v52  }
0x540: {  	v34 =	vand.u32 $0x1C00, v55;
	v33 =	vand.u32 $0x1C00, v59;
	v27 =	vand.u32 $0xFFFFFC00, v44  }
0x541: {  	v57 =	vor.u32 v10, v32;
	v58 =	vor.u32 v34, v56;
	v28 =	vor.u32 v47, v27  }
0x542: {  	v62 =	vor.u32 v33, v60;
	v25 =	vor.u32 v8, v57;
	v32 =	vor.u32 v10, v58  }
0x543: {  	v21 =	vor.u32 v10, v62;
	v53 =	vor.u32 $0x80, v28;
	v19 =	vadd.f32 v19, v45  }
0x544: {  	v27 =	vmul.f32 v50, v45;
	v32 =	vor.u32 v8, v32;
	v37 =	vor.u32 v8, v21;
	v21 =	vld.idx.msk [tilespmem:v39+s10+$0x0], $0xffff  }
0x545: {  	v46 =	vor.u32 $0x180, v20;
	v24 =	vcvt.s32.f32 v41;
	v49 =	vshra.s32 v51, $0xA  }
0x546: {  	v34 =	vcvt.s32.f32 v49;
	v58 =	vor.u32 $0x100, v28;
	v19 =	vsub.f32 v19, v27;
	v55 =	vld.idx.msk [tilespmem:v28+s10+$0x0], $0xffff  }
0x547: {  	v42 =	vshra.s32 v26, $0xA;
	v48 =	vadd.f32 v24, v24;
	v57 =	vor.u32 $0x200, v20;
	v40 =	vld.idx.msk [tilespmem:v25+s3+$0x0], $0xffff  }
0x548: {  	v44 =	vor.u32 $0x180, v28;
	v52 =	vadd.f32 v34, v34;
	v19 =	vmul.f32 v19, v13;
	v61 =	vld.idx.msk [tilespmem:v53+s10+$0x0], $0xffff  }
0x549: {  	v25 =	vcvt.s32.f32 v42;
	v42 =	vshll.u32 v31, $0xA;
	v43 =	vld.idx.msk [tilespmem:v32+s3+$0x0], $0xffff;
	v56 =	vshll.u32 v21, $0x3  }
0x54a: {  	v7 =	vld.idx.msk [tilespmem:v37+s3+$0x0], $0xffff;
	v59 =	vand.u32 $0x7F, v21;
	v13 =	vand.u32 $0x6000, v42;
	v42 =	vor.u32 $0x280, v28  }
0x54b: {  	v32 =	vld.idx.msk [tilespmem:v58+s10+$0x0], $0xffff;
	v21 =	vshra.s32 v21, $0xA;
	v51 =	vadd.f32 v25, v25;
	v60 =	vand.u32 $0x1C00, v56  }
0x54c: {  	v41 =	vand.u32 $0x7F, v55;
	v29 =	vshra.s32 v55, $0xA;
	v24 =	vadd.f32 v24, v40  }
0x54d: {  	v23 =	vmul.f32 v48, v40;
	v45 =	vshll.u32 v61, $0x3;
	v47 =	vand.u32 $0x7F, v61  }
0x54e: {  	v29 =	vcvt.s32.f32 v29;
	v27 =	vshra.s32 v61, $0xA;
	v25 =	vadd.f32 v25, v43  }
0x54f: {  	v26 =	vmul.f32 v51, v43;
	v54 =	vadd.f32 v34, v7;
	v7 =	vmul.f32 v52, v7  }
0x550: {  	v43 =	vshll.u32 v55, $0x3;
	v35 =	vand.u32 $0x1C00, v45;
	v51 =	vshll.u32 v32, $0x3  }
0x551: {  	v31 =	vld.idx.msk [tilespmem:v44+s10+$0x0], $0xffff;
	v52 =	vand.u32 $0x7F, v32;
	v32 =	vshra.s32 v32, $0xA;
	v23 =	vsub.f32 v24, v23  }
0x552: {  	v24 =	vld.idx.msk [tilespmem:v46+s10+$0x0], $0xffff;
	v30 =	vand.u32 $0x1C00, v43;
	v46 =	vor.u32 $0x200, v28;
	v48 =	vor.u32 v35, v47  }
0x553: {  	v38 =	vand.u32 $0x1C00, v51;
	v53 =	vadd.f32 v29, v29;
	v43 =	vcvt.s32.f32 v27  }
0x554: {  	v32 =	vcvt.s32.f32 v32;
	v25 =	vsub.f32 v25, v26;
	v7 =	vsub.f32 v54, v7  }
0x555: {  	v42 =	vld.idx.msk [tilespmem:v42+s10+$0x0], $0xffff;
	v26 =	vor.u32 v60, v59;
	v30 =	vor.u32 v30, v41;
	v34 =	vor.u32 v13, v48  }
0x556: {  	v38 =	vor.u32 v38, v52;
	v54 =	vshll.u32 v31, $0x3;
	v41 =	vand.u32 $0x7F, v31  }
0x557: {  	v59 =	vor.u32 $0x300, v28;
	v31 =	vshra.s32 v31, $0xA;
	v52 =	vadd.s32 $0x2000, v28  }
0x558: {  	v30 =	vor.u32 v13, v30;
	v38 =	vor.u32 v13, v38;
	v39 =	vand.u32 $0x1C00, v54  }
0x559: {  	v31 =	vcvt.s32.f32 v31;
	v23 =	vmul.f32 v25, v23;
	v25 =	vld.idx.msk [tilespmem:v57+s10+$0x0], $0xffff;
	v39 =	vor.u32 v39, v41  }
0x55a: {  	v57 =	vadd.f32 v43, v43;
	v39 =	vor.u32 v13, v39;
	v48 =	vshll.u32 v42, $0x3  }
0x55b: {  	v23 =	vmul.f32 v7, v23;
	v62 =	vshll.u32 v24, $0x3;
	v7 =	vand.u32 $0x380, v14  }
0x55c: {  	v63 =	vand.u32 $0x7F, v24;
	v24 =	vshra.s32 v24, $0xA;
	v30 =	vor.u32 v7, v30  }
0x55d: {  	v40 =	vand.u32 $0x1C00, v62;
	v34 =	vor.u32 v7, v34;
	v38 =	vor.u32 v7, v38  }
0x55e: {  	v36 =	vld.idx.msk [tilespmem:v46+s10+$0x0], $0xffff;
	v39 =	vor.u32 v7, v39;
	v62 =	vadd.f32 v32, v32;
	v50 =	vshll.u32 v25, $0x3  }
0x55f: {  	v24 =	vcvt.s32.f32 v24;
	v49 =	vand.u32 $0x7F, v25;
	v37 =	vand.u32 $0x1C00, v50  }
0x560: {  	v33 =	vor.u32 v40, v63;
	v40 =	vor.u32 $0x280, v20;
	v35 =	vor.u32 v37, v49;
	v37 =	vld.idx.msk [tilespmem:v59+s10+$0x0], $0xffff  }
0x561: {  	v63 =	vor.u32 $0x380, v28;
	v28 =	vadd.s32 $0x2080, v28;
	v33 =	vor.u32 v10, v33;
	v30 =	vld.idx.msk [tilespmem:v30+s3+$0x0], $0xffff  }
0x562: {  	v25 =	vshra.s32 v25, $0xA;
	v50 =	vadd.f32 v31, v31;
	v33 =	vor.u32 v8, v33;
	v34 =	vld.idx.msk [tilespmem:v34+s3+$0x0], $0xffff  }
0x563: {  	v25 =	vcvt.s32.f32 v25;
	v55 =	vshll.u32 v36, $0x3;
	v56 =	vand.u32 $0x7F, v36;
	v38 =	vld.idx.msk [tilespmem:v38+s3+$0x0], $0xffff  }
0x564: {  	v49 =	vand.u32 $0x7F, v42;
	v36 =	vshra.s32 v36, $0xA;
	v41 =	vand.u32 $0x1C00, v55;
	v39 =	vld.idx.msk [tilespmem:v39+s3+$0x0], $0xffff  }
0x565: {  	v42 =	vshra.s32 v42, $0xA;
	v36 =	vcvt.s32.f32 v36;
	v27 =	vld.idx.msk [tilespmem:v40+s10+$0x0], $0xffff;
	v40 =	vor.u32 v41, v56  }
0x566: {  	v42 =	vcvt.s32.f32 v42;
	v35 =	vor.u32 v10, v35;
	v51 =	vld.idx.msk [tilespmem:v63+s10+$0x0], $0xffff;
	v40 =	vor.u32 v13, v40  }
0x567: {  	v41 =	vand.u32 $0x1C00, v48;
	v28 =	vld.idx.msk [tilespmem:v28+s10+$0x0], $0xffff;
	v35 =	vor.u32 v8, v35;
	v40 =	vor.u32 v7, v40  }
0x568: {  	v54 =	vshll.u32 v37, $0x3;
	v55 =	vand.u32 $0x7F, v37;
	v29 =	vadd.f32 v29, v30  }
0x569: {  	v30 =	vmul.f32 v53, v30;
	v58 =	vadd.f32 v43, v34;
	v34 =	vmul.f32 v57, v34  }
0x56a: {  	v32 =	vadd.f32 v32, v38;
	v38 =	vmul.f32 v62, v38;
	v31 =	vadd.f32 v31, v39  }
0x56b: {  	v60 =	vand.u32 $0x7F, v27;
	v44 =	vshll.u32 v27, $0x3;
	v56 =	vshll.u32 v51, $0x3  }
0x56c: {  	v46 =	vshll.u32 v28, $0x3;
	v47 =	vand.u32 $0x7F, v28;
	v28 =	vshra.s32 v28, $0xA  }
0x56d: {  	v27 =	vshra.s32 v27, $0xA;
	v29 =	vsub.f32 v29, v30;
	v61 =	vand.u32 $0x1C00, v44  }
0x56e: {  	v34 =	vsub.f32 v58, v34;
	v32 =	vsub.f32 v32, v38;
	v38 =	vmul.f32 v50, v39  }
0x56f: {  	v44 =	vand.u32 $0x7F, v51;
	v43 =	vand.u32 $0x1C00, v56;
	v58 =	vadd.f32 v42, v42  }
0x570: {  	v39 =	vshra.s32 v51, $0xA;
	v50 =	vor.u32 $0x300, v20;
	v51 =	vcvt.s32.f32 v21  }
0x571: {  	v56 =	vor.u32 $0x280, v15;
	v28 =	vcvt.s32.f32 v28;
	v27 =	vcvt.s32.f32 v27  }
0x572: {  	v40 =	vld.idx.msk [tilespmem:v40+s3+$0x0], $0xffff;
	v30 =	vor.u32 v61, v60;
	v57 =	vor.u32 v43, v44;
	v29 =	vmul.f32 v34, v29  }
0x573: {  	v61 =	vshra.s32 v37, $0xA;
	v39 =	vcvt.s32.f32 v39;
	v34 =	vor.u32 v41, v49  }
0x574: {  	v41 =	vand.u32 $0x1C00, v54;
	v34 =	vor.u32 v13, v34;
	v29 =	vmul.f32 v32, v29;
	v32 =	vld.idx.msk [tilespmem:v52+s10+$0x0], $0xffff  }
0x575: {  	v31 =	vsub.f32 v31, v38;
	v41 =	vor.u32 v41, v55;
	v34 =	vor.u32 v7, v34  }
0x576: {  	v33 =	vld.idx.msk [tilespmem:v33+s3+$0x0], $0xffff;
	v30 =	vor.u32 v10, v30;
	v48 =	vadd.f32 v39, v39;
	v41 =	vor.u32 v13, v41  }
0x577: {  	v52 =	vor.u32 v6, v26;
	v53 =	vadd.f32 v36, v40;
	v36 =	vadd.f32 v36, v36  }
0x578: {  	v30 =	vor.u32 v8, v30;
	v41 =	vor.u32 v7, v41;
	v21 =	vor.u32 v5, v52  }
0x579: {  	v36 =	vmul.f32 v36, v40;
	v40 =	vor.u32 v13, v57;
	v63 =	vshll.u32 v32, $0x3  }
0x57a: {  	v34 =	vld.idx.msk [tilespmem:v34+s3+$0x0], $0xffff;
	v59 =	vor.u32 v7, v40;
	v44 =	vand.u32 $0x7F, v32;
	v37 =	vand.u32 $0x1C00, v63  }
0x57b: {  	v29 =	vmul.f32 v31, v29;
	v57 =	vadd.f32 v24, v33;
	v37 =	vor.u32 v37, v44  }
0x57c: {  	v24 =	vadd.f32 v24, v24;
	v40 =	vand.u32 $0x1C00, v46;
	v37 =	vor.u32 v13, v37  }
0x57d: {  	v36 =	vsub.f32 v53, v36;
	v53 =	vshra.s32 v32, $0xA;
	v37 =	vor.u32 v7, v37  }
0x57e: {  	v62 =	vld.idx.msk [tilespmem:v41+s3+$0x0], $0xffff;
	v40 =	vor.u32 v40, v47;
	v24 =	vmul.f32 v24, v33;
	v26 =	vcvt.s32.f32 v53  }
0x57f: {  	v60 =	vadd.f32 v42, v34;
	v31 =	vmul.f32 v58, v34;
	v34 =	vcvt.s32.f32 v61;
	v38 =	vld.idx.msk [tilespmem:v59+s3+$0x0], $0xffff  }
0x580: {  	v40 =	vor.u32 v13, v40;
	v24 =	vsub.f32 v57, v24;
	v59 =	vor.u32 $0x380, v20;
	v61 =	vld.idx.msk [tilespmem:v21+s3+$0x0], $0xffff  }
0x581: {  	v49 =	vor.u32 v7, v40;
	v55 =	vadd.f32 v26, v26;
	v45 =	vadd.f32 v34, v34  }
0x582: {  	v29 =	vmul.f32 v36, v29;
	v58 =	vadd.f32 v28, v28;
	v31 =	vsub.f32 v60, v31;
	v54 =	vld.idx.msk [tilespmem:v37+s3+$0x0], $0xffff  }
0x583: {  	v21 =	vor.u32 v1, v14;
	v34 =	vadd.f32 v34, v62;
	v36 =	vmul.f32 v45, v62;
	v45 =	vld.idx.msk [tilespmem:v30+s3+$0x0], $0xffff  }
0x584: {  	v29 =	vmul.f32 v31, v29;
	v39 =	vadd.f32 v39, v38;
	v31 =	vmul.f32 v48, v38;
	v38 =	vld.idx.msk [tilespmem:v50+s10+$0x0], $0xffff  }
0x585: {  	v23 =	vmul.f32 v24, v23;
	v41 =	vld.idx.msk [tilespmem:v59+s10+$0x0], $0xffff;
	v47 =	vadd.f32 v51, v61;
	v34 =	vsub.f32 v34, v36  }
0x586: {  	v48 =	vadd.s32 $0x2000, v20;
	v50 =	vadd.f32 v51, v51;
	v51 =	vadd.f32 v27, v27;
	v36 =	vld.idx.msk [tilespmem:v49+s3+$0x0], $0xffff  }
0x587: {  	v20 =	vadd.s32 $0x2080, v20;
	v31 =	vsub.f32 v39, v31;
	v29 =	vmul.f32 v34, v29  }
0x588: {  	v35 =	vld.idx.msk [tilespmem:v35+s3+$0x0], $0xffff;
	v61 =	vmul.f32 v50, v61;
	v26 =	vadd.f32 v26, v54;
	v32 =	vmul.f32 v55, v54  }
0x589: {  	v27 =	vadd.f32 v27, v45;
	v29 =	vmul.f32 v31, v29;
	v60 =	vshll.u32 v38, $0x3  }
0x58a: {  	v62 =	vand.u32 $0x7F, v38;
	v52 =	vshll.u32 v41, $0x3;
	v53 =	vand.u32 $0x7F, v41  }
0x58b: {  	v54 =	vshra.s32 v38, $0xA;
	v26 =	vsub.f32 v26, v32;
	v28 =	vadd.f32 v28, v36  }
0x58c: {  	v31 =	vmul.f32 v58, v36;
	v63 =	vand.u32 $0x1C00, v60;
	v36 =	vadd.f32 v25, v25  }
0x58d: {  	v57 =	vld.idx.msk [tilespmem:v48+s10+$0x0], $0xffff;
	v25 =	vadd.f32 v25, v35;
	v30 =	vand.u32 $0x1C00, v52;
	v55 =	vcvt.s32.f32 v54  }
0x58e: {  	v26 =	vmul.f32 v26, v29;
	v28 =	vsub.f32 v28, v31;
	v29 =	vor.u32 v63, v62  }
0x58f: {  	v30 =	vor.u32 v30, v53;
	v46 =	vmul.f32 v36, v35;
	v29 =	vor.u32 v10, v29  }
0x590: {  	v62 =	vadd.f32 v55, v55;
	v26 =	vmul.f32 v28, v26;
	v29 =	vor.u32 v8, v29  }
0x591: {  	v63 =	vld.idx.msk [tilespmem:v20+s10+$0x0], $0xffff;
	v20 =	vsub.f32 v47, v61;
	v31 =	vshra.s32 v41, $0xA;
	v25 =	vsub.f32 v25, v46  }
0x592: {  	v31 =	vcvt.s32.f32 v31;
	v28 =	vmul.f32 v51, v45;
	v46 =	vshll.u32 v57, $0x3;
	[tilespmem:v22+s14+$0x0] =	vst.idx.msk $0xffff, v26;
	v22 =	vld.idx.msk [tilespmem:v56+s10+$0x0], $0xffff  }
0x593: {  	v48 =	vand.u32 $0x7F, v57;
	v19 =	vmul.f32 v20, v19;
	v56 =	vor.u32 v10, v30;
	v49 =	vld.idx.msk [tilespmem:v21+s11+$0x0], $0xffff  }
0x594: {  	v23 =	vmul.f32 v25, v23;
	v25 =	vand.u32 $0x1C00, v46;
	v59 =	vor.u32 v8, v56  }
0x595: {  	v42 =	vsub.f32 v27, v28;
	v30 =	vshra.s32 v57, $0xA;
	v25 =	vor.u32 v25, v48;
	v29 =	vld.idx.msk [tilespmem:v29+s3+$0x0], $0xffff  }
0x596: {  	v51 =	vand.u32 $0x7F, v63;
	v30 =	vcvt.s32.f32 v30;
	v25 =	vor.u32 v10, v25  }
0x597: {  	v37 =	vshra.s32 v63, $0xA;
	v23 =	vmul.f32 v42, v23;
	v25 =	vor.u32 v8, v25  }
0x598: {  	v52 =	vshll.u32 v22, $0x3;
	v58 =	vshll.u32 v49, $0x3;
	v60 =	vand.u32 $0x7F, v49  }
0x599: {  	v47 =	vld.idx.msk [tilespmem:v59+s3+$0x0], $0xffff;
	v49 =	vshll.u32 v63, $0x3;
	v63 =	vcvt.s32.f32 v37;
	v32 =	vand.u32 $0xFFFFFC00, v58  }
0x59a: {  	v34 =	vand.u32 $0x1C00, v52;
	v24 =	vor.u32 v60, v32;
	v44 =	vadd.f32 v55, v29  }
0x59b: {  	v45 =	vmul.f32 v62, v29;
	v29 =	vand.u32 $0x7F, v22;
	v32 =	vand.u32 $0x1C00, v49  }
0x59c: {  	v62 =	vadd.f32 v30, v30;
	v22 =	vshra.s32 v22, $0xA;
	v43 =	vor.u32 $0x80, v24  }
0x59d: {  	v25 =	vld.idx.msk [tilespmem:v25+s3+$0x0], $0xffff;
	v32 =	vor.u32 v32, v51;
	v56 =	vor.u32 $0x100, v24;
	v42 =	vor.u32 $0x180, v24  }
0x59e: {  	v29 =	vor.u32 v34, v29;
	v54 =	vadd.f32 v31, v47;
	v31 =	vadd.f32 v31, v31  }
0x59f: {  	v22 =	vcvt.s32.f32 v22;
	v26 =	vsub.f32 v44, v45;
	v53 =	vor.u32 v10, v32;
	v50 =	vld.idx.msk [tilespmem:v24+s10+$0x0], $0xffff  }
0x5a0: {  	v44 =	vadd.f32 v63, v63;
	v29 =	vor.u32 v6, v29;
	v28 =	vmul.f32 v31, v47  }
0x5a1: {  	v45 =	vor.u32 $0x200, v24;
	v29 =	vor.u32 v5, v29;
	v23 =	vmul.f32 v26, v23;
	v27 =	vld.idx.msk [tilespmem:v43+s10+$0x0], $0xffff  }
0x5a2: {  	v30 =	vadd.f32 v30, v25;
	v25 =	vmul.f32 v62, v25;
	v36 =	vld.idx.msk [tilespmem:v56+s10+$0x0], $0xffff;
	v28 =	vsub.f32 v54, v28  }
0x5a3: {  	v26 =	vor.u32 v8, v53;
	v43 =	vor.u32 $0x300, v15;
	v37 =	vld.idx.msk [tilespmem:v42+s10+$0x0], $0xffff;
	v42 =	vor.u32 $0x300, v24  }
0x5a4: {  	v25 =	vsub.f32 v30, v25;
	v23 =	vmul.f32 v28, v23;
	v55 =	vshll.u32 v50, $0x3  }
0x5a5: {  	v57 =	vand.u32 $0x7F, v50;
	v47 =	vshra.s32 v50, $0xA;
	v35 =	vand.u32 $0x1C00, v55  }
0x5a6: {  	v58 =	vshll.u32 v27, $0x3;
	v59 =	vand.u32 $0x7F, v27;
	v48 =	vcvt.s32.f32 v47  }
0x5a7: {  	v50 =	vshll.u32 v36, $0x3;
	v27 =	vshra.s32 v27, $0xA;
	v51 =	vand.u32 $0x7F, v36  }
0x5a8: {  	v25 =	vmul.f32 v25, v23;
	v36 =	vshra.s32 v36, $0xA;
	v35 =	vor.u32 v35, v57  }
0x5a9: {  	v26 =	vld.idx.msk [tilespmem:v26+s3+$0x0], $0xffff;
	v39 =	vand.u32 $0x1C00, v58;
	v33 =	vand.u32 $0x1C00, v50;
	v27 =	vcvt.s32.f32 v27  }
0x5aa: {  	v54 =	vld.idx.msk [tilespmem:v45+s10+$0x0], $0xffff;
	v57 =	vor.u32 $0x280, v24;
	v35 =	vor.u32 v13, v35;
	v38 =	vor.u32 v39, v59  }
0x5ab: {  	v58 =	vshll.u32 v37, $0x3;
	v60 =	vor.u32 v7, v35;
	v61 =	vor.u32 v13, v38  }
0x5ac: {  	v36 =	vcvt.s32.f32 v36;
	v50 =	vor.u32 $0x380, v24;
	v35 =	vor.u32 v7, v61  }
0x5ad: {  	v23 =	vld.idx.msk [tilespmem:v43+s10+$0x0], $0xffff;
	v33 =	vor.u32 v33, v51;
	v52 =	vadd.f32 v48, v48;
	v59 =	vand.u32 $0x7F, v37  }
0x5ae: {  	v32 =	vand.u32 $0x1C00, v58;
	v46 =	vadd.f32 v63, v26;
	v26 =	vmul.f32 v44, v26  }
0x5af: {  	v53 =	vor.u32 v13, v33;
	v55 =	vadd.f32 v27, v27;
	v63 =	vand.u32 $0x7F, v54  }
0x5b0: {  	v45 =	vadd.f32 v36, v36;
	v33 =	vshra.s32 v54, $0xA;
	v56 =	vor.u32 v7, v53;
	v31 =	vld.idx.msk [tilespmem:v60+s3+$0x0], $0xffff  }
0x5b1: {  	v61 =	vshll.u32 v54, $0x3;
	v54 =	vadd.s32 $0x2000, v24;
	v24 =	vadd.s32 $0x2080, v24;
	v49 =	vld.idx.msk [tilespmem:v35+s3+$0x0], $0xffff  }
0x5b2: {  	v26 =	vsub.f32 v46, v26;
	v39 =	vand.u32 $0x7F, v23;
	v41 =	vshll.u32 v23, $0x3;
	v35 =	vld.idx.msk [tilespmem:v57+s10+$0x0], $0xffff  }
0x5b3: {  	v46 =	vshra.s32 v37, $0xA;
	v23 =	vshra.s32 v23, $0xA;
	v38 =	vand.u32 $0x1C00, v41  }
0x5b4: {  	v34 =	vor.u32 v38, v39;
	v25 =	vmul.f32 v26, v25;
	v39 =	vcvt.s32.f32 v18  }
0x5b5: {  	v60 =	vor.u32 v32, v59;
	v28 =	vadd.f32 v48, v31;
	v31 =	vmul.f32 v52, v31  }
0x5b6: {  	v38 =	vld.idx.msk [tilespmem:v42+s10+$0x0], $0xffff;
	v34 =	vor.u32 v6, v34;
	v27 =	vadd.f32 v27, v49;
	v30 =	vmul.f32 v55, v49  }
0x5b7: {  	v47 =	vshll.u32 v35, $0x3;
	v48 =	vand.u32 $0x7F, v35;
	v28 =	vsub.f32 v28, v31  }
0x5b8: {  	v62 =	vld.idx.msk [tilespmem:v56+s3+$0x0], $0xffff;
	v31 =	vand.u32 $0x1C00, v61;
	v27 =	vsub.f32 v27, v30;
	v30 =	vor.u32 v13, v60  }
0x5b9: {  	v57 =	vld.idx.msk [tilespmem:v50+s10+$0x0], $0xffff;
	v37 =	vand.u32 $0x1C00, v47;
	v31 =	vor.u32 v31, v63;
	v30 =	vor.u32 v7, v30  }
0x5ba: {  	v34 =	vor.u32 v5, v34;
	v49 =	vor.u32 v37, v48;
	v31 =	vor.u32 v13, v31  }
0x5bb: {  	v58 =	vshll.u32 v38, $0x3;
	v32 =	vor.u32 v13, v49;
	v31 =	vor.u32 v7, v31  }
0x5bc: {  	v41 =	vshra.s32 v38, $0xA;
	v52 =	vcvt.s32.f32 v33;
	v61 =	vld.idx.msk [tilespmem:v54+s10+$0x0], $0xffff;
	v32 =	vor.u32 v7, v32  }
0x5bd: {  	v24 =	vld.idx.msk [tilespmem:v24+s10+$0x0], $0xffff;
	v44 =	vadd.f32 v36, v62;
	v36 =	vcvt.s32.f32 v46;
	v59 =	vshra.s32 v35, $0xA  }
0x5be: {  	v40 =	vand.u32 $0x7F, v57;
	v43 =	vmul.f32 v27, v28;
	v28 =	vmul.f32 v45, v62;
	v30 =	vld.idx.msk [tilespmem:v30+s3+$0x0], $0xffff  }
0x5bf: {  	v55 =	vadd.f32 v52, v52;
	v33 =	vcvt.s32.f32 v59;
	v51 =	vadd.f32 v36, v36  }
0x5c0: {  	v60 =	vand.u32 $0x7F, v38;
	v37 =	vshll.u32 v57, $0x3;
	v27 =	vsub.f32 v44, v28;
	v31 =	vld.idx.msk [tilespmem:v31+s3+$0x0], $0xffff  }
0x5c1: {  	v45 =	vor.u32 $0x380, v15;
	v42 =	vshll.u32 v61, $0x3;
	v48 =	vshra.s32 v61, $0xA;
	v32 =	vld.idx.msk [tilespmem:v32+s3+$0x0], $0xffff  }
0x5c2: {  	[tilespmem:v16+s14+$0x0] =	vst.idx.msk $0xffff, v25;
	v44 =	vand.u32 $0x7F, v24;
	v25 =	vcvt.s32.f32 v48;
	v26 =	vmul.f32 v27, v43  }
0x5c3: {  	v43 =	vshll.u32 v24, $0x3;
	v24 =	vshra.s32 v24, $0xA;
	v53 =	vadd.f32 v36, v30  }
0x5c4: {  	v30 =	vmul.f32 v51, v30;
	v36 =	vadd.f32 v33, v33;
	v51 =	vadd.s32 $0x2000, v15  }
0x5c5: {  	v28 =	vadd.f32 v52, v31;
	v27 =	vmul.f32 v55, v31;
	v31 =	vand.u32 $0x1C00, v58  }
0x5c6: {  	v33 =	vadd.f32 v33, v32;
	v56 =	vsub.f32 v53, v30;
	v31 =	vor.u32 v31, v60  }
0x5c7: {  	v62 =	vsub.f32 v28, v27;
	v63 =	vor.u32 v13, v31;
	v31 =	vand.u32 $0x1C00, v37  }
0x5c8: {  	v35 =	vld.idx.msk [tilespmem:v45+s10+$0x0], $0xffff;
	v28 =	vmul.f32 v36, v32;
	v36 =	vand.u32 $0x7F, v61;
	v32 =	vand.u32 $0x1C00, v42  }
0x5c9: {  	v18 =	vmul.f32 v56, v26;
	v27 =	vor.u32 v7, v63;
	v26 =	vor.u32 v31, v40  }
0x5ca: {  	v24 =	vcvt.s32.f32 v24;
	v32 =	vor.u32 v32, v36;
	v26 =	vor.u32 v13, v26  }
0x5cb: {  	v36 =	vand.u32 $0x1C00, v43;
	v32 =	vor.u32 v13, v32;
	v26 =	vor.u32 v7, v26  }
0x5cc: {  	v15 =	vadd.s32 $0x2080, v15;
	v36 =	vor.u32 v36, v44;
	v61 =	vld.idx.msk [tilespmem:v51+s10+$0x0], $0xffff;
	v32 =	vor.u32 v7, v32  }
0x5cd: {  	v55 =	vadd.f32 v24, v24;
	v59 =	vand.u32 $0x7F, v35;
	v36 =	vor.u32 v13, v36  }
0x5ce: {  	v30 =	vshra.s32 v57, $0xA;
	v53 =	vadd.f32 v25, v25;
	v36 =	vor.u32 v7, v36;
	v27 =	vld.idx.msk [tilespmem:v27+s3+$0x0], $0xffff  }
0x5cf: {  	v29 =	vld.idx.msk [tilespmem:v29+s3+$0x0], $0xffff;
	v60 =	vshll.u32 v35, $0x3;
	v30 =	vcvt.s32.f32 v30;
	v31 =	vcvt.s32.f32 v41  }
0x5d0: {  	v37 =	vand.u32 $0x1C00, v60;
	v56 =	vadd.f32 v22, v22;
	v28 =	vsub.f32 v33, v28;
	v26 =	vld.idx.msk [tilespmem:v26+s3+$0x0], $0xffff  }
0x5d1: {  	v47 =	vadd.f32 v30, v30;
	v46 =	vadd.f32 v31, v31;
	v43 =	vshll.u32 v61, $0x3;
	v32 =	vld.idx.msk [tilespmem:v32+s3+$0x0], $0xffff  }
0x5d2: {  	v52 =	vld.idx.msk [tilespmem:v12+s11+$0x0], $0xffff;
	v18 =	vmul.f32 v62, v18;
	v44 =	vand.u32 $0x7F, v61;
	v45 =	vand.u32 $0x1C00, v43  }
0x5d3: {  	v50 =	vld.idx.msk [tilespmem:v36+s3+$0x0], $0xffff;
	v20 =	vor.u32 v45, v44;
	v31 =	vadd.f32 v31, v27;
	v27 =	vmul.f32 v46, v27  }
0x5d4: {  	v22 =	vadd.f32 v22, v29;
	v18 =	vmul.f32 v28, v18;
	v20 =	vor.u32 v6, v20  }
0x5d5: {  	v27 =	vsub.f32 v31, v27;
	v49 =	vadd.f32 v30, v26;
	v16 =	vmul.f32 v47, v26  }
0x5d6: {  	v33 =	vadd.f32 v39, v39;
	v20 =	vor.u32 v5, v20;
	v25 =	vadd.f32 v25, v32  }
0x5d7: {  	v54 =	vmul.f32 v53, v32;
	v18 =	vmul.f32 v27, v18;
	v16 =	vsub.f32 v49, v16  }
0x5d8: {  	v51 =	vshra.s32 v35, $0xA;
	v62 =	vshll.u32 v52, $0x3;
	v24 =	vadd.f32 v24, v50  }
0x5d9: {  	v58 =	vmul.f32 v55, v50;
	v57 =	vsub.f32 v25, v54;
	v16 =	vmul.f32 v16, v18  }
0x5da: {  	v17 =	vld.idx.msk [tilespmem:v17+s3+$0x0], $0xffff;
	v38 =	vand.u32 $0x7F, v52;
	v41 =	vmul.f32 v56, v29;
	v26 =	vor.u32 v37, v59  }
0x5db: {  	v42 =	vld.idx.msk [tilespmem:v34+s3+$0x0], $0xffff;
	v24 =	vsub.f32 v24, v58;
	v18 =	vor.u32 v2, v14;
	v63 =	vmul.f32 v57, v16  }
0x5dc: {  	v40 =	vand.u32 $0xFFFFFC00, v62;
	v22 =	vsub.f32 v22, v41;
	v26 =	vor.u32 v6, v26;
	v56 =	vld.idx.msk [tilespmem:v20+s3+$0x0], $0xffff  }
0x5dd: {  	v60 =	vshra.s32 v61, $0xA;
	v26 =	vor.u32 v5, v26;
	v20 =	vld.idx.msk [tilespmem:v15+s10+$0x0], $0xffff;
	v24 =	vmul.f32 v24, v63  }
0x5de: {  	v46 =	vcvt.s32.f32 v23;
	v30 =	vcvt.s32.f32 v51;
	v16 =	vor.u32 v38, v40  }
0x5df: {  	v61 =	vcvt.s32.f32 v60;
	v49 =	vadd.f32 v39, v17;
	v17 =	vmul.f32 v33, v17;
	[tilespmem:v21+s14+$0x0] =	vst.idx.msk $0xffff, v24  }
0x5e0: {  	v19 =	vmul.f32 v22, v19;
	v50 =	vadd.f32 v46, v42;
	v55 =	vadd.f32 v30, v30;
	v24 =	vld.idx.msk [tilespmem:v18+s11+$0x0], $0xffff  }
0x5e1: {  	v15 =	vsub.f32 v49, v17;
	v17 =	vadd.f32 v61, v61;
	v48 =	vor.u32 $0x80, v16  }
0x5e2: {  	v26 =	vld.idx.msk [tilespmem:v26+s3+$0x0], $0xffff;
	v37 =	vadd.f32 v61, v56;
	v39 =	vshll.u32 v20, $0x3;
	v41 =	vand.u32 $0x7F, v20  }
0x5e3: {  	v17 =	vmul.f32 v17, v56;
	v61 =	vor.u32 $0x180, v16;
	v20 =	vshra.s32 v20, $0xA;
	v47 =	vld.idx.msk [tilespmem:v16+s10+$0x0], $0xffff  }
0x5e4: {  	v29 =	vand.u32 $0x1C00, v39;
	v20 =	vcvt.s32.f32 v20;
	v21 =	vadd.f32 v46, v46  }
0x5e5: {  	v29 =	vor.u32 v29, v41;
	v17 =	vsub.f32 v37, v17;
	v52 =	vshll.u32 v24, $0x3  }
0x5e6: {  	v21 =	vmul.f32 v21, v42;
	v54 =	vld.idx.msk [tilespmem:v48+s10+$0x0], $0xffff;
	v24 =	vand.u32 $0x7F, v24;
	v31 =	vand.u32 $0xFFFFFC00, v52  }
0x5e7: {  	v29 =	vor.u32 v6, v29;
	v58 =	vadd.f32 v30, v26;
	v23 =	vor.u32 v24, v31  }
0x5e8: {  	v21 =	vsub.f32 v50, v21;
	v53 =	vshll.u32 v47, $0x3;
	v40 =	vor.u32 $0x80, v23  }
0x5e9: {  	v57 =	vand.u32 $0x7F, v47;
	v27 =	vand.u32 $0x1C00, v53;
	v43 =	vor.u32 $0x100, v23  }
0x5ea: {  	v19 =	vmul.f32 v21, v19;
	v59 =	vor.u32 v27, v57;
	v51 =	vor.u32 $0x180, v23  }
0x5eb: {  	v25 =	vshra.s32 v47, $0xA;
	v35 =	vshll.u32 v54, $0x3;
	v27 =	vor.u32 v10, v59  }
0x5ec: {  	v38 =	vand.u32 $0x7F, v54;
	v22 =	vand.u32 $0x1C00, v35;
	v62 =	vor.u32 v8, v27;
	v36 =	vld.idx.msk [tilespmem:v23+s10+$0x0], $0xffff  }
0x5ed: {  	v32 =	vshra.s32 v54, $0xA;
	v24 =	vmul.f32 v55, v26;
	v22 =	vor.u32 v22, v38;
	v28 =	vld.idx.msk [tilespmem:v40+s10+$0x0], $0xffff  }
0x5ee: {  	v25 =	vcvt.s32.f32 v25;
	v49 =	vcvt.s32.f32 v32;
	v22 =	vor.u32 v10, v22;
	v50 =	vld.idx.msk [tilespmem:v43+s10+$0x0], $0xffff  }
0x5ef: {  	v47 =	vor.u32 $0x100, v16;
	v63 =	vsub.f32 v58, v24;
	v22 =	vor.u32 v8, v22;
	v58 =	vld.idx.msk [tilespmem:v51+s10+$0x0], $0xffff  }
0x5f0: {  	v46 =	vadd.f32 v25, v25;
	v55 =	vor.u32 $0x200, v23;
	v52 =	vadd.f32 v49, v49  }
0x5f1: {  	v40 =	vor.u32 $0x280, v23;
	v26 =	vld.idx.msk [tilespmem:v62+s3+$0x0], $0xffff;
	v42 =	vshll.u32 v36, $0x3;
	v44 =	vand.u32 $0x7F, v36  }
0x5f2: {  	v24 =	vshra.s32 v36, $0xA;
	v30 =	vand.u32 $0x1C00, v42;
	v53 =	vshll.u32 v28, $0x3  }
0x5f3: {  	v33 =	vld.idx.msk [tilespmem:v61+s10+$0x0], $0xffff;
	v54 =	vand.u32 $0x7F, v28;
	v57 =	vshll.u32 v50, $0x3;
	v59 =	vand.u32 $0x7F, v50  }
0x5f4: {  	v22 =	vld.idx.msk [tilespmem:v22+s3+$0x0], $0xffff;
	v24 =	vcvt.s32.f32 v24;
	v28 =	vshra.s32 v28, $0xA;
	v62 =	vshll.u32 v58, $0x3  }
0x5f5: {  	v32 =	vshra.s32 v50, $0xA;
	v31 =	vshra.s32 v58, $0xA;
	v45 =	vor.u32 v30, v44  }
0x5f6: {  	v25 =	vadd.f32 v25, v26;
	v26 =	vmul.f32 v46, v26;
	v27 =	vand.u32 $0x1C00, v57  }
0x5f7: {  	v28 =	vcvt.s32.f32 v28;
	v35 =	vand.u32 $0x1C00, v62;
	v32 =	vcvt.s32.f32 v32  }
0x5f8: {  	v51 =	vcvt.s32.f32 v31;
	v57 =	vand.u32 $0x7F, v33;
	v6 =	vor.u32 v13, v45  }
0x5f9: {  	v30 =	vadd.f32 v49, v22;
	v22 =	vmul.f32 v52, v22;
	v27 =	vor.u32 v27, v59  }
0x5fa: {  	v49 =	vor.u32 $0x300, v23;
	v48 =	vor.u32 v7, v6;
	v6 =	vmul.f32 v63, v19  }
0x5fb: {  	v19 =	vor.u32 v5, v29;
	v21 =	vsub.f32 v25, v26;
	v26 =	vand.u32 $0x1C00, v53  }
0x5fc: {  	v46 =	vld.idx.msk [tilespmem:v40+s10+$0x0], $0xffff;
	v27 =	vor.u32 v13, v27;
	v63 =	vand.u32 $0x7F, v58;
	v41 =	vadd.f32 v28, v28  }
0x5fd: {  	v5 =	vld.idx.msk [tilespmem:v47+s10+$0x0], $0xffff;
	v53 =	vor.u32 $0x380, v23;
	v58 =	vshll.u32 v33, $0x3;
	v33 =	vshra.s32 v33, $0xA  }
0x5fe: {  	v29 =	vld.idx.msk [tilespmem:v55+s10+$0x0], $0xffff;
	v26 =	vor.u32 v26, v54;
	v22 =	vsub.f32 v30, v22;
	v27 =	vor.u32 v7, v27  }
0x5ff: {  	v35 =	vor.u32 v35, v63;
	v54 =	vadd.f32 v51, v51;
	v26 =	vor.u32 v13, v26  }
0x600: {  	v35 =	vor.u32 v13, v35;
	v6 =	vmul.f32 v17, v6;
	v26 =	vor.u32 v7, v26  }
0x601: {  	v35 =	vor.u32 v7, v35;
	v52 =	vshll.u32 v46, $0x3;
	v55 =	vand.u32 $0x7F, v46  }
0x602: {  	v40 =	vshra.s32 v46, $0xA;
	v21 =	vmul.f32 v22, v21;
	v31 =	vand.u32 $0x1C00, v52  }
0x603: {  	v56 =	vld.idx.msk [tilespmem:v48+s3+$0x0], $0xffff;
	v60 =	vand.u32 $0x7F, v5;
	v42 =	vshll.u32 v29, $0x3;
	v43 =	vand.u32 $0x7F, v29  }
0x604: {  	v44 =	vshll.u32 v5, $0x3;
	v48 =	vadd.f32 v32, v32;
	v29 =	vshra.s32 v29, $0xA;
	v27 =	vld.idx.msk [tilespmem:v27+s3+$0x0], $0xffff  }
0x605: {  	v31 =	vor.u32 v31, v55;
	v5 =	vshra.s32 v5, $0xA;
	v36 =	vand.u32 $0x1C00, v42  }
0x606: {  	v47 =	vand.u32 $0x1C00, v44;
	v29 =	vcvt.s32.f32 v29;
	v31 =	vor.u32 v13, v31;
	v26 =	vld.idx.msk [tilespmem:v26+s3+$0x0], $0xffff  }
0x607: {  	v5 =	vcvt.s32.f32 v5;
	v36 =	vor.u32 v36, v43;
	v30 =	vor.u32 v47, v60  }
0x608: {  	v31 =	vor.u32 v7, v31;
	v34 =	vadd.f32 v24, v56;
	v24 =	vadd.f32 v24, v24  }
0x609: {  	v45 =	vor.u32 v13, v36;
	v50 =	vld.idx.msk [tilespmem:v35+s3+$0x0], $0xffff;
	v32 =	vadd.f32 v32, v27;
	v27 =	vmul.f32 v48, v27  }
0x60a: {  	v59 =	vadd.f32 v29, v29;
	v35 =	vand.u32 $0x1C00, v58;
	v24 =	vmul.f32 v24, v56  }
0x60b: {  	v28 =	vadd.f32 v28, v26;
	v25 =	vmul.f32 v41, v26;
	v27 =	vsub.f32 v32, v27;
	v32 =	vld.idx.msk [tilespmem:v53+s10+$0x0], $0xffff  }
0x60c: {  	v58 =	vor.u32 $0x280, v16;
	v35 =	vor.u32 v35, v57;
	v56 =	vadd.s32 $0x2000, v23  }
0x60d: {  	v26 =	vor.u32 v7, v45;
	v24 =	vsub.f32 v34, v24;
	v25 =	vsub.f32 v28, v25;
	v28 =	vld.idx.msk [tilespmem:v49+s10+$0x0], $0xffff  }
0x60e: {  	v23 =	vadd.s32 $0x2080, v23;
	v34 =	vmul.f32 v54, v50;
	v54 =	vor.u32 $0x200, v16  }
0x60f: {  	v24 =	vmul.f32 v25, v24;
	v25 =	vadd.f32 v51, v50;
	v51 =	vor.u32 v10, v30  }
0x610: {  	v41 =	vld.idx.msk [tilespmem:v31+s3+$0x0], $0xffff;
	v42 =	vshll.u32 v32, $0x3;
	v43 =	vand.u32 $0x7F, v32;
	v32 =	vshra.s32 v32, $0xA  }
0x611: {  	v61 =	vld.idx.msk [tilespmem:v56+s10+$0x0], $0xffff;
	v24 =	vmul.f32 v27, v24;
	v25 =	vsub.f32 v25, v34;
	v31 =	vand.u32 $0x1C00, v42  }
0x612: {  	v26 =	vld.idx.msk [tilespmem:v26+s3+$0x0], $0xffff;
	v32 =	vcvt.s32.f32 v32;
	v60 =	vshll.u32 v28, $0x3;
	v62 =	vand.u32 $0x7F, v28  }
0x613: {  	v23 =	vld.idx.msk [tilespmem:v23+s10+$0x0], $0xffff;
	v31 =	vor.u32 v31, v43;
	v28 =	vshra.s32 v28, $0xA;
	v43 =	vcvt.s32.f32 v33  }
0x614: {  	v27 =	vand.u32 $0x1C00, v60;
	v24 =	vmul.f32 v25, v24;
	v31 =	vor.u32 v13, v31  }
0x615: {  	v28 =	vcvt.s32.f32 v28;
	v55 =	vadd.f32 v32, v32;
	v39 =	vor.u32 v27, v62  }
0x616: {  	v27 =	vcvt.s32.f32 v40;
	v44 =	vshll.u32 v61, $0x3;
	v45 =	vand.u32 $0x7F, v61  }
0x617: {  	v46 =	vor.u32 v7, v31;
	v29 =	vadd.f32 v29, v26;
	v26 =	vmul.f32 v59, v26  }
0x618: {  	v49 =	vshll.u32 v23, $0x3;
	v50 =	vand.u32 $0x7F, v23;
	v34 =	vshra.s32 v61, $0xA  }
0x619: {  	v36 =	vand.u32 $0x1C00, v44;
	v63 =	vsub.f32 v29, v26;
	v26 =	vor.u32 v13, v39  }
0x61a: {  	v37 =	vand.u32 $0x1C00, v49;
	v47 =	vor.u32 v36, v45;
	v26 =	vor.u32 v7, v26  }
0x61b: {  	v52 =	vor.u32 v37, v50;
	v31 =	vor.u32 v13, v47;
	v29 =	vor.u32 v8, v51  }
0x61c: {  	v23 =	vshra.s32 v23, $0xA;
	v61 =	vld.idx.msk [tilespmem:v54+s10+$0x0], $0xffff;
	v30 =	vor.u32 v13, v52;
	v31 =	vor.u32 v7, v31  }
0x61d: {  	v62 =	vor.u32 v10, v35;
	v53 =	vadd.f32 v28, v28;
	v36 =	vld.idx.msk [tilespmem:v58+s10+$0x0], $0xffff;
	v30 =	vor.u32 v7, v30  }
0x61e: {  	v56 =	vcvt.s32.f32 v34;
	v48 =	vadd.f32 v27, v41;
	v27 =	vadd.f32 v27, v27;
	v25 =	vld.idx.msk [tilespmem:v46+s3+$0x0], $0xffff  }
0x61f: {  	v23 =	vcvt.s32.f32 v23;
	v49 =	vadd.f32 v43, v43;
	v37 =	vor.u32 $0x300, v16;
	v26 =	vld.idx.msk [tilespmem:v26+s3+$0x0], $0xffff  }
0x620: {  	v59 =	vadd.f32 v56, v56;
	v39 =	vadd.f32 v5, v5;
	v27 =	vmul.f32 v27, v41;
	v60 =	vld.idx.msk [tilespmem:v29+s3+$0x0], $0xffff  }
0x621: {  	v24 =	vmul.f32 v63, v24;
	v63 =	vadd.f32 v23, v23;
	v40 =	vand.u32 $0x7F, v61;
	v31 =	vld.idx.msk [tilespmem:v31+s3+$0x0], $0xffff  }
0x622: {  	v51 =	vshra.s32 v61, $0xA;
	v27 =	vsub.f32 v48, v27;
	v48 =	vor.u32 $0x380, v16;
	v30 =	vld.idx.msk [tilespmem:v30+s3+$0x0], $0xffff  }
0x623: {  	v44 =	vshll.u32 v36, $0x3;
	v57 =	vadd.f32 v32, v25;
	v25 =	vmul.f32 v55, v25  }
0x624: {  	v46 =	vand.u32 $0x7F, v36;
	v28 =	vadd.f32 v28, v26;
	v26 =	vmul.f32 v53, v26  }
0x625: {  	v58 =	vshra.s32 v36, $0xA;
	v24 =	vmul.f32 v27, v24;
	v25 =	vsub.f32 v57, v25  }
0x626: {  	v32 =	vld.idx.msk [tilespmem:v37+s10+$0x0], $0xffff;
	v38 =	vadd.f32 v5, v60;
	v5 =	vshll.u32 v61, $0x3;
	v26 =	vsub.f32 v28, v26  }
0x627: {  	v42 =	vmul.f32 v39, v60;
	v27 =	vadd.f32 v56, v31;
	v23 =	vadd.f32 v23, v30  }
0x628: {  	v19 =	vld.idx.msk [tilespmem:v19+s3+$0x0], $0xffff;
	v24 =	vmul.f32 v26, v24;
	v26 =	vmul.f32 v59, v31;
	v31 =	vor.u32 v8, v62  }
0x629: {  	v41 =	vand.u32 $0x1C00, v5;
	v5 =	vor.u32 v3, v14;
	v14 =	vsub.f32 v38, v42  }
0x62a: {  	v24 =	vmul.f32 v25, v24;
	v26 =	vsub.f32 v27, v26;
	v25 =	vmul.f32 v63, v30  }
0x62b: {  	v52 =	vshll.u32 v32, $0x3;
	v54 =	vand.u32 $0x7F, v32;
	v38 =	vadd.f32 v20, v20  }
0x62c: {  	v57 =	vld.idx.msk [tilespmem:v48+s10+$0x0], $0xffff;
	v24 =	vmul.f32 v26, v24;
	v23 =	vsub.f32 v23, v25;
	v25 =	vor.u32 v41, v40  }
0x62d: {  	v42 =	vadd.f32 v20, v19;
	v26 =	vand.u32 $0x1C00, v44;
	v31 =	vld.idx.msk [tilespmem:v31+s3+$0x0], $0xffff;
	v25 =	vor.u32 v10, v25  }
0x62e: {  	v47 =	vor.u32 v26, v46;
	v23 =	vmul.f32 v23, v24;
	v45 =	vor.u32 v8, v25  }
0x62f: {  	v29 =	vand.u32 $0x1C00, v52;
	v14 =	vmul.f32 v14, v21;
	v22 =	vor.u32 v10, v47  }
0x630: {  	v28 =	vcvt.s32.f32 v51;
	v56 =	vor.u32 v29, v54;
	v22 =	vor.u32 v8, v22;
	[tilespmem:v18+s14+$0x0] =	vst.idx.msk $0xffff, v23  }
0x631: {  	v34 =	vshll.u32 v57, $0x3;
	v36 =	vand.u32 $0x7F, v57;
	v19 =	vmul.f32 v38, v19;
	v23 =	vld.idx.msk [tilespmem:v5+s11+$0x0], $0xffff  }
0x632: {  	v55 =	vadd.f32 v28, v28;
	v50 =	vadd.f32 v43, v31;
	v18 =	vmul.f32 v49, v31  }
0x633: {  	v27 =	vand.u32 $0x1C00, v34;
	v41 =	vshra.s32 v32, $0xA;
	v53 =	vld.idx.msk [tilespmem:v45+s3+$0x0], $0xffff;
	v45 =	vadd.s32 $0x2000, v16  }
0x634: {  	v16 =	vadd.s32 $0x2080, v16;
	v26 =	vsub.f32 v50, v18;
	v18 =	vor.u32 v10, v56  }
0x635: {  	v25 =	vcvt.s32.f32 v58;
	v24 =	vshra.s32 v57, $0xA;
	v22 =	vld.idx.msk [tilespmem:v22+s3+$0x0], $0xffff;
	v60 =	vor.u32 v8, v18  }
0x636: {  	v24 =	vcvt.s32.f32 v24;
	v43 =	vcvt.s32.f32 v41;
	v59 =	vshll.u32 v23, $0x3  }
0x637: {  	v33 =	vadd.f32 v25, v25;
	v61 =	vand.u32 $0x7F, v23;
	v62 =	vand.u32 $0xFFFFFC00, v59  }
0x638: {  	v46 =	vadd.f32 v43, v43;
	v14 =	vmul.f32 v26, v14;
	v18 =	vor.u32 v61, v62;
	v31 =	vld.idx.msk [tilespmem:v45+s10+$0x0], $0xffff  }
0x639: {  	v63 =	vadd.f32 v28, v53;
	v21 =	vmul.f32 v55, v53;
	v17 =	vld.idx.msk [tilespmem:v16+s10+$0x0], $0xffff;
	v35 =	vor.u32 $0x80, v18  }
0x63a: {  	v23 =	vor.u32 v27, v36;
	v25 =	vadd.f32 v25, v22;
	v47 =	vor.u32 $0x100, v18;
	v37 =	vld.idx.msk [tilespmem:v60+s3+$0x0], $0xffff  }
0x63b: {  	v22 =	vmul.f32 v33, v22;
	v53 =	vor.u32 $0x180, v18;
	v21 =	vsub.f32 v63, v21  }
0x63c: {  	v50 =	vadd.f32 v24, v24;
	v39 =	vor.u32 v10, v23;
	v57 =	vor.u32 $0x200, v18  }
0x63d: {  	v22 =	vsub.f32 v25, v22;
	v14 =	vmul.f32 v21, v14;
	v21 =	vor.u32 v8, v39;
	v40 =	vld.idx.msk [tilespmem:v18+s10+$0x0], $0xffff  }
0x63e: {  	v58 =	vand.u32 $0x7F, v31;
	v59 =	vshll.u32 v31, $0x3;
	v45 =	vand.u32 $0x7F, v17;
	v44 =	vld.idx.msk [tilespmem:v35+s10+$0x0], $0xffff  }
0x63f: {  	v34 =	vshra.s32 v31, $0xA;
	v28 =	vld.idx.msk [tilespmem:v47+s10+$0x0], $0xffff;
	v20 =	vadd.f32 v43, v37;
	v26 =	vmul.f32 v46, v37  }
0x640: {  	v22 =	vmul.f32 v22, v14;
	v60 =	vld.idx.msk [tilespmem:v53+s10+$0x0], $0xffff;
	v61 =	vand.u32 $0x1C00, v59;
	v53 =	vor.u32 $0x300, v18  }
0x641: {  	v38 =	vor.u32 v61, v58;
	v61 =	vadd.s32 $0x2000, v18;
	v20 =	vsub.f32 v20, v26  }
0x642: {  	v48 =	vshll.u32 v40, $0x3;
	v49 =	vand.u32 $0x7F, v40;
	v62 =	vshra.s32 v40, $0xA  }
0x643: {  	v29 =	vand.u32 $0x1C00, v48;
	v51 =	vshll.u32 v44, $0x3;
	v52 =	vand.u32 $0x7F, v44  }
0x644: {  	v56 =	vmul.f32 v20, v22;
	v63 =	vshll.u32 v28, $0x3;
	v36 =	vcvt.s32.f32 v62  }
0x645: {  	v37 =	vand.u32 $0x7F, v28;
	v25 =	vshra.s32 v44, $0xA;
	v43 =	vand.u32 $0x7F, v60  }
0x646: {  	v20 =	vld.idx.msk [tilespmem:v57+s10+$0x0], $0xffff;
	v44 =	vor.u32 $0x280, v18;
	v28 =	vshra.s32 v28, $0xA;
	v57 =	vor.u32 $0x380, v18  }
0x647: {  	v21 =	vld.idx.msk [tilespmem:v21+s3+$0x0], $0xffff;
	v18 =	vadd.s32 $0x2080, v18;
	v27 =	vor.u32 v29, v49;
	v29 =	vand.u32 $0x1C00, v51  }
0x648: {  	v23 =	vand.u32 $0x1C00, v63;
	v25 =	vcvt.s32.f32 v25;
	v27 =	vor.u32 v13, v27  }
0x649: {  	v49 =	vshll.u32 v17, $0x3;
	v28 =	vcvt.s32.f32 v28;
	v54 =	vor.u32 v7, v27  }
0x64a: {  	v17 =	vshra.s32 v17, $0xA;
	v14 =	vor.u32 v29, v52;
	v40 =	vor.u32 v23, v37  }
0x64b: {  	v41 =	vadd.f32 v36, v36;
	v17 =	vcvt.s32.f32 v17;
	v14 =	vor.u32 v13, v14  }
0x64c: {  	v24 =	vadd.f32 v24, v21;
	v22 =	vor.u32 v13, v40;
	v55 =	vor.u32 v7, v14  }
0x64d: {  	v21 =	vmul.f32 v50, v21;
	v46 =	vadd.f32 v25, v25;
	v22 =	vor.u32 v7, v22  }
0x64e: {  	v52 =	vadd.f32 v28, v28;
	v14 =	vsub.f32 v42, v19;
	v42 =	vshll.u32 v60, $0x3;
	v26 =	vld.idx.msk [tilespmem:v54+s3+$0x0], $0xffff  }
0x64f: {  	v19 =	vor.u32 v10, v38;
	v21 =	vsub.f32 v24, v21;
	v27 =	vand.u32 $0x1C00, v42  }
0x650: {  	v47 =	vshll.u32 v20, $0x3;
	v48 =	vand.u32 $0x7F, v20;
	v32 =	vld.idx.msk [tilespmem:v44+s10+$0x0], $0xffff;
	v27 =	vor.u32 v27, v43  }
0x651: {  	v24 =	vshra.s32 v60, $0xA;
	v20 =	vshra.s32 v20, $0xA;
	v27 =	vor.u32 v13, v27;
	v39 =	vld.idx.msk [tilespmem:v55+s3+$0x0], $0xffff  }
0x652: {  	v29 =	vand.u32 $0x1C00, v47;
	v24 =	vcvt.s32.f32 v24;
	v27 =	vor.u32 v7, v27;
	v22 =	vld.idx.msk [tilespmem:v22+s3+$0x0], $0xffff  }
0x653: {  	v30 =	vadd.f32 v36, v26;
	v23 =	vmul.f32 v41, v26;
	v26 =	vor.u32 v29, v48  }
0x654: {  	v60 =	vld.idx.msk [tilespmem:v53+s10+$0x0], $0xffff;
	v19 =	vor.u32 v8, v19;
	v20 =	vcvt.s32.f32 v20;
	v26 =	vor.u32 v13, v26  }
0x655: {  	v16 =	vmul.f32 v21, v56;
	v59 =	vadd.f32 v24, v24;
	v50 =	vor.u32 v7, v26  }
0x656: {  	v33 =	vld.idx.msk [tilespmem:v57+s10+$0x0], $0xffff;
	v63 =	vadd.f32 v20, v20;
	v25 =	vadd.f32 v25, v39;
	v21 =	vmul.f32 v46, v39  }
0x657: {  	v55 =	vshll.u32 v32, $0x3;
	v56 =	vand.u32 $0x7F, v32;
	v27 =	vld.idx.msk [tilespmem:v27+s3+$0x0], $0xffff;
	v54 =	vadd.f32 v28, v22  }
0x658: {  	v18 =	vld.idx.msk [tilespmem:v18+s10+$0x0], $0xffff;
	v28 =	vand.u32 $0x1C00, v55;
	v23 =	vsub.f32 v30, v23;
	v21 =	vsub.f32 v25, v21  }
0x659: {  	v35 =	vshll.u32 v60, $0x3;
	v37 =	vand.u32 $0x7F, v60;
	v58 =	vor.u32 v28, v56  }
0x65a: {  	v38 =	vshra.s32 v32, $0xA;
	v21 =	vmul.f32 v21, v23;
	v23 =	vor.u32 v13, v58;
	v25 =	vld.idx.msk [tilespmem:v50+s3+$0x0], $0xffff  }
0x65b: {  	v40 =	vshll.u32 v33, $0x3;
	v47 =	vshra.s32 v60, $0xA;
	v23 =	vor.u32 v7, v23  }
0x65c: {  	v60 =	vadd.f32 v17, v17;
	v24 =	vadd.f32 v24, v27;
	v27 =	vmul.f32 v59, v27  }
0x65d: {  	v29 =	vand.u32 $0x1C00, v49;
	v41 =	vand.u32 $0x7F, v33;
	v49 =	vshll.u32 v18, $0x3  }
0x65e: {  	v51 =	vor.u32 v29, v45;
	v22 =	vmul.f32 v52, v22;
	v62 =	vsub.f32 v24, v27  }
0x65f: {  	v39 =	vld.idx.msk [tilespmem:v61+s10+$0x0], $0xffff;
	v20 =	vadd.f32 v20, v25;
	v24 =	vmul.f32 v63, v25;
	v25 =	vand.u32 $0x1C00, v35  }
0x660: {  	v29 =	vand.u32 $0x1C00, v49;
	v10 =	vor.u32 v10, v51;
	v36 =	vld.idx.msk [tilespmem:v23+s3+$0x0], $0xffff;
	v23 =	vor.u32 v25, v37  }
0x661: {  	v26 =	vand.u32 $0x1C00, v40;
	v28 =	vcvt.s32.f32 v34;
	v23 =	vor.u32 v13, v23  }
0x662: {  	v22 =	vsub.f32 v54, v22;
	v26 =	vor.u32 v26, v41;
	v23 =	vor.u32 v7, v23  }
0x663: {  	v44 =	vor.u32 v13, v26;
	v20 =	vsub.f32 v20, v24;
	v24 =	vcvt.s32.f32 v38  }
0x664: {  	v19 =	vld.idx.msk [tilespmem:v19+s3+$0x0], $0xffff;
	v45 =	vor.u32 v7, v44;
	v46 =	vshll.u32 v39, $0x3;
	v48 =	vand.u32 $0x7F, v39  }
0x665: {  	v42 =	vadd.f32 v24, v24;
	v43 =	vadd.f32 v24, v36;
	v24 =	vand.u32 $0x1C00, v46  }
0x666: {  	v8 =	vor.u32 v8, v10;
	v50 =	vand.u32 $0x7F, v18;
	v24 =	vor.u32 v24, v48  }
0x667: {  	v26 =	vcvt.s32.f32 v47;
	v29 =	vor.u32 v29, v50;
	v24 =	vor.u32 v13, v24;
	v23 =	vld.idx.msk [tilespmem:v23+s3+$0x0], $0xffff  }
0x668: {  	v21 =	vmul.f32 v22, v21;
	v13 =	vor.u32 v13, v29;
	v24 =	vor.u32 v7, v24  }
0x669: {  	v52 =	vadd.f32 v28, v28;
	v54 =	vadd.f32 v28, v19;
	v7 =	vor.u32 v7, v13  }
0x66a: {  	v51 =	vadd.f32 v26, v26;
	v27 =	vshra.s32 v33, $0xA;
	v21 =	vmul.f32 v62, v21;
	v22 =	vld.idx.msk [tilespmem:v45+s3+$0x0], $0xffff  }
0x66b: {  	v57 =	vshra.s32 v39, $0xA;
	v53 =	vcvt.s32.f32 v27;
	v10 =	vmul.f32 v42, v36  }
0x66c: {  	v8 =	vld.idx.msk [tilespmem:v8+s3+$0x0], $0xffff;
	v20 =	vmul.f32 v20, v21;
	v26 =	vadd.f32 v26, v23;
	v21 =	vmul.f32 v51, v23  }
0x66d: {  	v18 =	vshra.s32 v18, $0xA;
	v56 =	vadd.f32 v53, v53;
	v10 =	vsub.f32 v43, v10;
	v24 =	vld.idx.msk [tilespmem:v24+s3+$0x0], $0xffff  }
0x66e: {  	v18 =	vcvt.s32.f32 v18;
	v7 =	vld.idx.msk [tilespmem:v7+s3+$0x0], $0xffff;
	v55 =	vsub.f32 v26, v21;
	v21 =	vcvt.s32.f32 v57  }
0x66f: {  	v10 =	vmul.f32 v10, v20;
	v20 =	vmul.f32 v56, v22;
	v23 =	vadd.f32 v53, v22  }
0x670: {  	v61 =	vadd.f32 v18, v18;
	v58 =	vadd.f32 v21, v21  }
0x671: {  	v17 =	vadd.f32 v17, v8;
	v13 =	vmul.f32 v52, v19;
	v59 =	vsub.f32 v23, v20  }
0x672: {  	v10 =	vmul.f32 v55, v10;
	v21 =	vadd.f32 v21, v24;
	v22 =	vmul.f32 v58, v24  }
0x673: {  	v8 =	vmul.f32 v60, v8;
	v13 =	vsub.f32 v54, v13;
	v18 =	vadd.f32 v18, v7  }
0x674: {  	v7 =	vmul.f32 v61, v7;
	v10 =	vmul.f32 v59, v10;
	v62 =	vsub.f32 v21, v22  }
0x675: {  	p0 =	slt.u32 s18, $0x1C;
	v9 =	vmul.f32 v15, v9;
	v8 =	vsub.f32 v17, v8;
	v13 =	vmul.f32 v13, v16  }
.Ltmp1:
0x676: {  	v6 =	vmul.f32 v14, v6;
	v7 =	vsub.f32 v18, v7;
	v10 =	vmul.f32 v62, v10;
	(pc) =	sbr.rel @p0 .LBB2_4-.Ltmp1, $4  }
0x677: {  	[tilespmem:v4+s14+$0x0] =	vst.idx.msk $0xffff, v9;
	v4 =	vmul.f32 v8, v13  }
0x678: {  	[tilespmem:v11+s14+$0x0] =	vst.idx.msk $0xffff, v6;
	v63 =	vmul.f32 v7, v10  }
0x679: {  	[tilespmem:v12+s14+$0x0] =	vst.idx.msk $0xffff, v4  }
0x67a: {  	s18 =	sadd.s32 $0x4, s18;
	[tilespmem:v5+s14+$0x0] =	vst.idx.msk $0xffff, v63  }
0x67b: {  	s17 =	sadd.s32 $0x1, s17  }
0x67c: {  	p0 =	sne.s32 s17, s8  }
.Ltmp2:
0x67d: {  	_ = 	snop;
	(pc) =	sbr.rel @p0 .LBB2_1-.Ltmp2, $4  }
0x67e: {  	[hbm4b:s7+s3] =	stream.linear.scatter [tilespmem:s14], [sflag:$0x4], $0x1000, $0x38;
	[tilespmem:$0xE000] =	vst v63  }
0x67f: {  	_ =	swait.ge [sflag:s16], $0x1000  }
0x680: {  	[sflag:s16] =	ssyncset.done $0x0  }
0x681: {  	[sflag:s16] =	ssyncadd.s32 $0xFFFFF000  }
0x682: {  	_ =	sfence.sel $0x180000  }
0x683: {  	[bflag:$0x0] =	sbarrier.arrive $0xFFFF  }
0x684: {  	p0 =	sne.s32 s1, $0x0;
	_ =	strace $0x90000047  }
0x685: {  	s0 =	sadd.s32 @!p0 $0x100000, s0;
	[bflag:$0x2] =	sbarrier.arrive $0xFFFF  }
0x686: {  	[sflag:s0] =	ssyncadd.tile.s32 @!p0 $0x1;
	_ =	shalt  }
.Lfunc_end2:
_tile_overlayer_lowered:
.L_overlay_start_2:
0x687: {  	(tag) =	ssettag $0x2  }
0x688: {  	s0 =	rddreg [dreg:$0x0];
	s2 =	stileid.u32  }
0x689: {  	s1 =	rddreg [dreg:$0x1];
	p0 =	sne.s32 s2, $0x0  }
0x68a: {  	s3 =	rddreg [dreg:$0x2];
	[bflag:$0x3] =	sbarrier.arrive $0xFFFF;
	s2 =	simm.s32 @!p0 $0x1C04  }
0x68b: {  	[timem:s3], [sflag:s2] =	dma.local @!p0 [hbm:s0], s1  }
0x68c: {  	s0 =	simm.s32 @!p0 $0x4  }
0x68d: {  	_ =	swait.ge @!p0 [sflag:s0], s1  }
0x68e: {  	s1 =	ssub.s32 @!p0 $0x0, s1;
	[sflag:s0] =	ssyncset.done @!p0 $0x0  }
0x68f: {  	[sflag:s0] =	ssyncadd.s32 @!p0 s1  }
0x690: {  	[bflag:$0x3] =	sbarrier.arrive $0xFFFF  }
0x691: {  	_ =	shalt  }

</sc_bundles>
